<compile_context>
chip_gen: v7x
topology: tpu7x:2x2x1
jax: 0.10.2.dev20260603
libtpu: 0.0.44.dev20260713+nightly
codegen_flags: <defaults>
</compile_context>

<pallas_src>
import functools

import jax
import jax.numpy as jnp
from jax import lax
from jax.experimental import pallas as pl
from jax.experimental.pallas import tpu as pltpu
from jax.experimental.pallas import tpu_sc as plsc

B = 16
E = 768
T = 16
HW = 196
DS = 7
TOPK = 8
EC = 128
NE = E // EC
SCALE = 1.0 / (16.0 * E * T)
CC = 128
NSUB = (E // 2) // CC


def _make_pool_matrix():
    q = jnp.arange(HW)
    h, w = q // 14, q % 14
    p = (h // 2) * DS + (w // 2)
    return (p[:, None] == jnp.arange(DS * DS)[None, :]).astype(jnp.bfloat16)



def _sc_copy_body(x4, out_a4, out_d4, buf0, buf1, semr, semw0, semw1):
    cid = lax.axis_index("c")
    sid = lax.axis_index("s")
    wid = cid * 16 + sid
    b = wid // 2
    c_base = (wid % 2) * (E // 2)

    bufs = (buf0, buf1)
    semws = (semw0, semw1)
    jobs = []
    for k in range(TOPK):
        for t_src, out4 in ((2 * k, out_a4), (2 * k + 1, out_d4)):
            for sub in range(NSUB):
                jobs.append((c_base + sub * CC, t_src, k, out4))
    for j, (c0, t_src, k, out4) in enumerate(jobs):
        buf = bufs[j % 2]
        semw = semws[j % 2]
        if j >= 2:
            pc0, pt, pk, pout4 = jobs[j - 2]
            pltpu.make_async_copy(buf, pout4.at[b, pl.ds(pc0, CC), pk, :],
                                  semw).wait()
        pltpu.async_copy(x4.at[b, pl.ds(c0, CC), t_src, :], buf, semr).wait()
        pltpu.async_copy(buf, out4.at[b, pl.ds(c0, CC), k, :], semw)
    for j in (len(jobs) - 2, len(jobs) - 1):
        c0, t_src, k, out4 = jobs[j]
        pltpu.make_async_copy(bufs[j % 2], out4.at[b, pl.ds(c0, CC), k, :],
                              semws[j % 2]).wait()


@functools.cache
def _sc_copy_call():
    return functools.partial(
        pl.kernel,
        out_type=(jax.ShapeDtypeStruct((B, E, TOPK, HW), jnp.float32),
                  jax.ShapeDtypeStruct((B, E, TOPK, HW), jnp.float32)),
        mesh=plsc.VectorSubcoreMesh(core_axis_name="c", subcore_axis_name="s"),
        compiler_params=pltpu.CompilerParams(use_tc_tiling_on_sc=False),
        scratch_types=[
            pltpu.VMEM((CC, HW), jnp.float32),
            pltpu.VMEM((CC, HW), jnp.float32),
            pltpu.SemaphoreType.DMA,
            pltpu.SemaphoreType.DMA,
            pltpu.SemaphoreType.DMA,
        ],
    )(_sc_copy_body)



def _sel_from_score(s):
    sj = jnp.broadcast_to(s[None, :], (T, T))
    si = jnp.broadcast_to(s[:, None], (T, T))
    ii = lax.broadcasted_iota(jnp.int32, (T, T), 0)
    jj = lax.broadcasted_iota(jnp.int32, (T, T), 1)
    tie = (sj == si) & (jj < ii)
    rank_a = jnp.sum(((sj > si) | tie).astype(jnp.int32), axis=1)
    rank_d = jnp.sum(((sj < si) | tie).astype(jnp.int32), axis=1)
    mem_a2 = jnp.broadcast_to((rank_a < TOPK)[None, :], (T, T))
    mem_d2 = jnp.broadcast_to((rank_d < TOPK)[None, :], (T, T))
    zero = jnp.zeros((T, T), jnp.int32)
    pos_a = jnp.sum(jnp.where((jj < ii) & mem_a2, 1, zero), axis=1)
    pos_d = jnp.sum(jnp.where((jj < ii) & mem_d2, 1, zero), axis=1)
    pos_a2 = jnp.broadcast_to(pos_a[None, :], (T, T))
    pos_d2 = jnp.broadcast_to(pos_d[None, :], (T, T))
    sel_a = jnp.sum(jnp.where(mem_a2 & (pos_a2 == ii), jj, zero), axis=1)
    sel_d = jnp.sum(jnp.where(mem_d2 & (pos_d2 == ii), jj, zero), axis=1)
    return sel_a, sel_d


def _score_body(x_ref, pt_ref, sela_ref, seld_ref, acc_ref):
    e = pl.program_id(1)
    x2 = x_ref[0].reshape(EC * T, HW).astype(jnp.bfloat16)
    z = jnp.dot(x2, pt_ref[...], preferred_element_type=jnp.float32)
    z3 = z.reshape(EC, T, DS * DS)
    w = jnp.sum(z3, axis=1)
    partial = jnp.sum(z3 * w[:, None, :], axis=(0, 2)) * SCALE

    @pl.when(e == 0)
    def _():
        t_i = lax.iota(jnp.int32, T)
        acc_ref[0, :] = partial + (1 - (t_i % 2)).astype(jnp.float32)

    @pl.when(e != 0)
    def _():
        acc_ref[0, :] = acc_ref[0, :] + partial

    @pl.when(e == NE - 1)
    def _():
        sel_a, sel_d = _sel_from_score(acc_ref[0, :])
        sela_ref[0, 0, :] = sel_a
        seld_ref[0, 0, :] = sel_d


_score_call = pl.pallas_call(
    _score_body,
    grid=(B, NE),
    in_specs=[
        pl.BlockSpec((1, EC, T, HW), lambda b, e: (b, e, 0, 0)),
        pl.BlockSpec((HW, DS * DS), lambda b, e: (0, 0)),
    ],
    out_specs=[pl.BlockSpec((1, 1, T), lambda b, e: (b, 0, 0))] * 2,
    out_shape=[jax.ShapeDtypeStruct((B, 1, T), jnp.int32)] * 2,
    scratch_shapes=[pltpu.VMEM((1, T), jnp.float32)],
)



def _correct_body(sela_sm, seld_sm, x_hbm, outa_in, outd_in,
                  outa_ref, outd_ref, sem):
    b = pl.program_id(0)
    for k in range(TOPK):
        t_a = sela_sm[b * T + k]
        t_d = seld_sm[b * T + k]

        @pl.when(t_a != 2 * k)
        def _():
            cp = pltpu.make_async_copy(
                x_hbm.at[b, :, t_a, :], outa_ref.at[b, :, k, :], sem)
            cp.start()
            cp.wait()

        @pl.when(t_d != 2 * k + 1)
        def _():
            cp = pltpu.make_async_copy(
                x_hbm.at[b, :, t_d, :], outd_ref.at[b, :, k, :], sem)
            cp.start()
            cp.wait()


_correct_call = pl.pallas_call(
    _correct_body,
    grid=(B,),
    in_specs=[
        pl.BlockSpec(memory_space=pltpu.SMEM),
        pl.BlockSpec(memory_space=pltpu.SMEM),
        pl.BlockSpec(memory_space=pltpu.HBM),
        pl.BlockSpec(memory_space=pltpu.HBM),
        pl.BlockSpec(memory_space=pltpu.HBM),
    ],
    out_specs=[pl.BlockSpec(memory_space=pltpu.HBM)] * 2,
    out_shape=[jax.ShapeDtypeStruct((B, E, TOPK, HW), jnp.float32)] * 2,
    input_output_aliases={3: 0, 4: 1},
    scratch_shapes=[pltpu.SemaphoreType.DMA],
)


def kernel(x_in):
    sel_a, sel_d = _score_call(x_in, _make_pool_matrix())
    oa0, od0 = _sc_copy_call()(x_in)
    return tuple(_correct_call(sel_a.reshape(B * T), sel_d.reshape(B * T),
                               x_in, oa0, od0))

# --- scband reference (transcript-rebuilt; emitter-appended) ---
"""Pipeline reference for scband-adapt-split-dotsim-81312320848588 (READ-ONLY COPY).

The authoritative reference and input builder live on the scoring server;
editing this copy changes nothing except your own understanding.
"""

import jax, jax.numpy as jnp
import numpy as np

T_ = 16
H_ = 14
W_ = 14
E_ = 768
DS = 7
TOPK = T_ // 2


def setup_inputs(seed: int = 0) -> dict:
    key = jax.random.key(seed)
    x_in = jax.random.normal(key, (16, E_, T_, H_ * W_), dtype=jnp.float32)
    return {"x_in": x_in}


def reference(x_in):
    b, c, t, hw = x_in.shape
    # view -> (b, E, T, H, W) -> permute -> (b, T, E, H, W)
    xi = x_in.reshape(b, E_, T_, H_, W_).transpose(0, 2, 1, 3, 4)
    # adaptive_avg_pool2d (14,14) -> (7,7): exact 2x2 block means since 14 % 7 == 0
    xi = xi.reshape(b, T_, E_, DS, H_ // DS, DS, W_ // DS).mean(axis=(4, 6))
    # permute to (b, T, ds, ds, E) and flatten last three dims
    xi = xi.transpose(0, 1, 3, 4, 2).reshape(b, T_, DS * DS * E_)
    # scaled dot-similarity (b, T, T), then mean over last dim
    sim = jnp.matmul((1.0 / E_) * xi, jnp.swapaxes(xi, 1, 2))
    score = jnp.mean(sim, axis=-1)
    # prior_order: add [1,0,1,0,...] pattern
    prior = jnp.tile(jnp.array([1.0, 0.0], dtype=score.dtype), t // 2)
    score = score + prior[None, :]
    # top-k largest and top-k smallest indices, then sort indices
    _, approx_idx = jax.lax.top_k(score, TOPK)
    _, detail_idx = jax.lax.top_k(-score, TOPK)
    approx_idx = jnp.sort(approx_idx, axis=-1)
    detail_idx = jnp.sort(detail_idx, axis=-1)
    # gather frames along time dim
    x_t = jnp.swapaxes(x_in, 1, 2)  # (b, t, c, hw)
    x_a = jnp.take_along_axis(x_t, approx_idx[:, :, None, None], axis=1)
    x_a = jnp.swapaxes(x_a, 1, 2)
    x_d = jnp.take_along_axis(x_t, detail_idx[:, :, None, None], axis=1)
    x_d = jnp.swapaxes(x_d, 1, 2)
    return (x_a, x_d)

if __name__ == "__main__":
    import jax
    _d = setup_inputs()
    print(jax.jit(kernel)(*tuple(_d.values())))

</pallas_src>

<mosaic_0001>
#map = affine_map<(d0, d1) -> (0, 0, 0, 0)>
module attributes {stable_mosaic.version = 14 : i64} {
  func.func @_sc_copy_body(%arg0: i32, %arg1: i32, %arg2: memref<16x768x16x196xf32, #tpu.memory_space<hbm>>, %arg3: memref<16x768x8x196xf32, #tpu.memory_space<hbm>>, %arg4: memref<16x768x8x196xf32, #tpu.memory_space<hbm>>, %arg5: memref<128x196xf32, #tpu.memory_space<vmem>>, %arg6: memref<128x196xf32, #tpu.memory_space<vmem>>, %arg7: memref<!tpu.dma_semaphore, #tpu.memory_space<semaphore_mem>>, %arg8: memref<!tpu.dma_semaphore, #tpu.memory_space<semaphore_mem>>, %arg9: memref<!tpu.dma_semaphore, #tpu.memory_space<semaphore_mem>>) attributes {dimension_semantics = [#tpu.dimension_semantics<core_parallel>, #tpu.dimension_semantics<subcore_parallel>], iteration_bounds = array<i64: 2, 16>, scalar_prefetch = 0 : i64, scratch_operands = 5 : i64, tpu.core_type = #tpu.core_type<sc_vector_subcore>, window_params = [{transform_indices = #map}, {transform_indices = #map}, {transform_indices = #map}]} {
    %mul3A = arith.constant 16 : i32
    %mul3A_0 = arith.muli %arg0, %mul3A : i32
    %add3A = arith.addi %mul3A_0, %arg1 : i32
    %jit3A = arith.constant 2 : i32
    %div3A = arith.divsi %add3A, %jit3A : i32
    %sign3A = arith.constant 0 : i32
    %sign3A_1 = arith.cmpi sgt, %add3A, %sign3A : i32
    %sign3A_2 = arith.extui %sign3A_1 : i1 to i32
    %sign3A_3 = arith.constant 0 : i32
    %sign3A_4 = arith.cmpi slt, %add3A, %sign3A_3 : i32
    %sign3A_5 = arith.extui %sign3A_4 : i1 to i32
    %sign3A_6 = arith.subi %sign3A_2, %sign3A_5 : i32
    %sign3A_7 = arith.constant 0 : i32
    %sign3A_8 = arith.cmpi sgt, %jit3A, %sign3A_7 : i32
    %sign3A_9 = arith.extui %sign3A_8 : i1 to i32
    %sign3A_10 = arith.constant 0 : i32
    %sign3A_11 = arith.cmpi slt, %jit3A, %sign3A_10 : i32
    %sign3A_12 = arith.extui %sign3A_11 : i1 to i32
    %sign3A_13 = arith.subi %sign3A_9, %sign3A_12 : i32
    %ne3A = arith.cmpi ne, %sign3A_6, %sign3A_13 : i32
    %rem3A = arith.remsi %add3A, %jit3A : i32
    %ne3A_14 = arith.constant 0 : i32
    %ne3A_15 = arith.cmpi ne, %rem3A, %ne3A_14 : i32
    %and3A = arith.andi %ne3A, %ne3A_15 : i1
    %sub3A = arith.constant 1 : i32
    %sub3A_16 = arith.subi %div3A, %sub3A : i32
    %select_n3A = arith.select %and3A, %sub3A_16, %div3A : i32
    %jit3A_17 = arith.constant 2 : i32
    %eq3A = arith.constant 0 : i32
    %eq3A_18 = arith.cmpi eq, %jit3A_17, %eq3A : i32
    %jit3A_19 = arith.constant 1 : i32
    %select_n3A_20 = arith.select %eq3A_18, %jit3A_19, %jit3A_17 : i32
    %rem3A_21 = arith.remsi %add3A, %select_n3A_20 : i32
    %ne3A_22 = arith.constant 0 : i32
    %ne3A_23 = arith.cmpi ne, %rem3A_21, %ne3A_22 : i32
    %lt3A = arith.constant 0 : i32
    %lt3A_24 = arith.cmpi slt, %rem3A_21, %lt3A : i32
    %lt3A_25 = arith.constant 0 : i32
    %lt3A_26 = arith.cmpi slt, %select_n3A_20, %lt3A_25 : i32
    %ne3A_27 = arith.xori %lt3A_24, %lt3A_26 : i1
    %and3A_28 = arith.andi %ne3A_27, %ne3A_23 : i1
    %add3A_29 = arith.addi %rem3A_21, %select_n3A_20 : i32
    %select_n3A_30 = arith.select %and3A_28, %add3A_29, %rem3A_21 : i32
    %mul3A_31 = arith.constant 384 : i32
    %mul3A_32 = arith.muli %select_n3A_30, %mul3A_31 : i32
    %add3A_33 = arith.constant 0 : i32
    %add3A_34 = arith.addi %mul3A_32, %add3A_33 : i32
    %add3A_35 = arith.constant 128 : i32
    %add3A_36 = arith.addi %mul3A_32, %add3A_35 : i32
    %add3A_37 = arith.constant 256 : i32
    %add3A_38 = arith.addi %mul3A_32, %add3A_37 : i32
    %add3A_39 = arith.constant 0 : i32
    %add3A_40 = arith.addi %mul3A_32, %add3A_39 : i32
    %add3A_41 = arith.constant 128 : i32
    %add3A_42 = arith.addi %mul3A_32, %add3A_41 : i32
    %add3A_43 = arith.constant 256 : i32
    %add3A_44 = arith.addi %mul3A_32, %add3A_43 : i32
    %add3A_45 = arith.constant 0 : i32
    %add3A_46 = arith.addi %mul3A_32, %add3A_45 : i32
    %add3A_47 = arith.constant 128 : i32
    %add3A_48 = arith.addi %mul3A_32, %add3A_47 : i32
    %add3A_49 = arith.constant 256 : i32
    %add3A_50 = arith.addi %mul3A_32, %add3A_49 : i32
    %add3A_51 = arith.constant 0 : i32
    %add3A_52 = arith.addi %mul3A_32, %add3A_51 : i32
    %add3A_53 = arith.constant 128 : i32
    %add3A_54 = arith.addi %mul3A_32, %add3A_53 : i32
    %add3A_55 = arith.constant 256 : i32
    %add3A_56 = arith.addi %mul3A_32, %add3A_55 : i32
    %add3A_57 = arith.constant 0 : i32
    %add3A_58 = arith.addi %mul3A_32, %add3A_57 : i32
    %add3A_59 = arith.constant 128 : i32
    %add3A_60 = arith.addi %mul3A_32, %add3A_59 : i32
    %add3A_61 = arith.constant 256 : i32
    %add3A_62 = arith.addi %mul3A_32, %add3A_61 : i32
    %add3A_63 = arith.constant 0 : i32
    %add3A_64 = arith.addi %mul3A_32, %add3A_63 : i32
    %add3A_65 = arith.constant 128 : i32
    %add3A_66 = arith.addi %mul3A_32, %add3A_65 : i32
    %add3A_67 = arith.constant 256 : i32
    %add3A_68 = arith.addi %mul3A_32, %add3A_67 : i32
    %add3A_69 = arith.constant 0 : i32
    %add3A_70 = arith.addi %mul3A_32, %add3A_69 : i32
    %add3A_71 = arith.constant 128 : i32
    %add3A_72 = arith.addi %mul3A_32, %add3A_71 : i32
    %add3A_73 = arith.constant 256 : i32
    %add3A_74 = arith.addi %mul3A_32, %add3A_73 : i32
    %add3A_75 = arith.constant 0 : i32
    %add3A_76 = arith.addi %mul3A_32, %add3A_75 : i32
    %add3A_77 = arith.constant 128 : i32
    %add3A_78 = arith.addi %mul3A_32, %add3A_77 : i32
    %add3A_79 = arith.constant 256 : i32
    %add3A_80 = arith.addi %mul3A_32, %add3A_79 : i32
    %add3A_81 = arith.constant 0 : i32
    %add3A_82 = arith.addi %mul3A_32, %add3A_81 : i32
    %add3A_83 = arith.constant 128 : i32
    %add3A_84 = arith.addi %mul3A_32, %add3A_83 : i32
    %add3A_85 = arith.constant 256 : i32
    %add3A_86 = arith.addi %mul3A_32, %add3A_85 : i32
    %add3A_87 = arith.constant 0 : i32
    %add3A_88 = arith.addi %mul3A_32, %add3A_87 : i32
    %add3A_89 = arith.constant 128 : i32
    %add3A_90 = arith.addi %mul3A_32, %add3A_89 : i32
    %add3A_91 = arith.constant 256 : i32
    %add3A_92 = arith.addi %mul3A_32, %add3A_91 : i32
    %add3A_93 = arith.constant 0 : i32
    %add3A_94 = arith.addi %mul3A_32, %add3A_93 : i32
    %add3A_95 = arith.constant 128 : i32
    %add3A_96 = arith.addi %mul3A_32, %add3A_95 : i32
    %add3A_97 = arith.constant 256 : i32
    %add3A_98 = arith.addi %mul3A_32, %add3A_97 : i32
    %add3A_99 = arith.constant 0 : i32
    %add3A_100 = arith.addi %mul3A_32, %add3A_99 : i32
    %add3A_101 = arith.constant 128 : i32
    %add3A_102 = arith.addi %mul3A_32, %add3A_101 : i32
    %add3A_103 = arith.constant 256 : i32
    %add3A_104 = arith.addi %mul3A_32, %add3A_103 : i32
    %add3A_105 = arith.constant 0 : i32
    %add3A_106 = arith.addi %mul3A_32, %add3A_105 : i32
    %add3A_107 = arith.constant 128 : i32
    %add3A_108 = arith.addi %mul3A_32, %add3A_107 : i32
    %add3A_109 = arith.constant 256 : i32
    %add3A_110 = arith.addi %mul3A_32, %add3A_109 : i32
    %add3A_111 = arith.constant 0 : i32
    %add3A_112 = arith.addi %mul3A_32, %add3A_111 : i32
    %add3A_113 = arith.constant 128 : i32
    %add3A_114 = arith.addi %mul3A_32, %add3A_113 : i32
    %add3A_115 = arith.constant 256 : i32
    %add3A_116 = arith.addi %mul3A_32, %add3A_115 : i32
    %add3A_117 = arith.constant 0 : i32
    %add3A_118 = arith.addi %mul3A_32, %add3A_117 : i32
    %add3A_119 = arith.constant 128 : i32
    %add3A_120 = arith.addi %mul3A_32, %add3A_119 : i32
    %add3A_121 = arith.constant 256 : i32
    %add3A_122 = arith.addi %mul3A_32, %add3A_121 : i32
    %add3A_123 = arith.constant 0 : i32
    %add3A_124 = arith.addi %mul3A_32, %add3A_123 : i32
    %add3A_125 = arith.constant 128 : i32
    %add3A_126 = arith.addi %mul3A_32, %add3A_125 : i32
    %add3A_127 = arith.constant 256 : i32
    %add3A_128 = arith.addi %mul3A_32, %add3A_127 : i32
    %dma_start3A = arith.constant 0 : i32
    %dma_start3A_129 = arith.constant 0 : i32
    %dma_start3A_130 = tpu.memref_slice %arg2[%select_n3A, %add3A_34, %dma_start3A, %dma_start3A_129] : memref<16x768x16x196xf32, #tpu.memory_space<hbm>> -> memref<1x128x1x196xf32, #tpu.memory_space<hbm>>
    %dma_start3A_131 = tpu.memref_squeeze %dma_start3A_130 : memref<1x128x1x196xf32, #tpu.memory_space<hbm>> -> memref<128x196xf32, #tpu.memory_space<hbm>>
    %dma_start3A_132 = arith.constant 0 : i32
    %dma_start3A_133 = tpu.memref_slice %arg2[%select_n3A, %add3A_34, %dma_start3A, %dma_start3A_132] : memref<16x768x16x196xf32, #tpu.memory_space<hbm>> -> memref<1x128x1x196xf32, #tpu.memory_space<hbm>>
    %dma_start3A_134 = tpu.memref_squeeze %dma_start3A_133 : memref<1x128x1x196xf32, #tpu.memory_space<hbm>> -> memref<128x196xf32, #tpu.memory_space<hbm>>
    tpu.enqueue_dma source(%dma_start3A_134 : memref<128x196xf32, #tpu.memory_space<hbm>>) target(%arg5 : memref<128x196xf32, #tpu.memory_space<vmem>>) target_semaphore(%arg7 : memref<!tpu.dma_semaphore, #tpu.memory_space<semaphore_mem>>)
    %dma_wait3A = arith.constant 0 : i32
    %dma_wait3A_135 = arith.constant 0 : i32
    %dma_wait3A_136 = tpu.memref_slice %arg2[%select_n3A, %add3A_34, %dma_wait3A, %dma_wait3A_135] : memref<16x768x16x196xf32, #tpu.memory_space<hbm>> -> memref<1x128x1x196xf32, #tpu.memory_space<hbm>>
    %dma_wait3A_137 = tpu.memref_squeeze %dma_wait3A_136 : memref<1x128x1x196xf32, #tpu.memory_space<hbm>> -> memref<128x196xf32, #tpu.memory_space<hbm>>
    %dma_wait3A_138 = arith.constant 0 : i32
    %dma_wait3A_139 = tpu.memref_slice %arg2[%select_n3A, %add3A_34, %dma_wait3A, %dma_wait3A_138] : memref<16x768x16x196xf32, #tpu.memory_space<hbm>> -> memref<1x128x1x196xf32, #tpu.memory_space<hbm>>
    %dma_wait3A_140 = tpu.memref_squeeze %dma_wait3A_139 : memref<1x128x1x196xf32, #tpu.memory_space<hbm>> -> memref<128x196xf32, #tpu.memory_space<hbm>>
    tpu.wait_dma2 semaphore(%arg7 : memref<!tpu.dma_semaphore, #tpu.memory_space<semaphore_mem>>) src(%dma_wait3A_140 : memref<128x196xf32, #tpu.memory_space<hbm>>) dst(%arg5 : memref<128x196xf32, #tpu.memory_space<vmem>>)
    %dma_start3A_141 = arith.constant 0 : i32
    %dma_start3A_142 = arith.constant 0 : i32
    %dma_start3A_143 = tpu.memref_slice %arg3[%select_n3A, %add3A_34, %dma_start3A_141, %dma_start3A_142] : memref<16x768x8x196xf32, #tpu.memory_space<hbm>> -> memref<1x128x1x196xf32, #tpu.memory_space<hbm>>
    %dma_start3A_144 = tpu.memref_squeeze %dma_start3A_143 : memref<1x128x1x196xf32, #tpu.memory_space<hbm>> -> memref<128x196xf32, #tpu.memory_space<hbm>>
    %dma_start3A_145 = arith.constant 0 : i32
    %dma_start3A_146 = tpu.memref_slice %arg3[%select_n3A, %add3A_34, %dma_start3A_141, %dma_start3A_145] : memref<16x768x8x196xf32, #tpu.memory_space<hbm>> -> memref<1x128x1x196xf32, #tpu.memory_space<hbm>>
    %dma_start3A_147 = tpu.memref_squeeze %dma_start3A_146 : memref<1x128x1x196xf32, #tpu.memory_space<hbm>> -> memref<128x196xf32, #tpu.memory_space<hbm>>
    tpu.enqueue_dma source(%arg5 : memref<128x196xf32, #tpu.memory_space<vmem>>) target(%dma_start3A_147 : memref<128x196xf32, #tpu.memory_space<hbm>>) target_semaphore(%arg8 : memref<!tpu.dma_semaphore, #tpu.memory_space<semaphore_mem>>)
    %dma_start3A_148 = arith.constant 0 : i32
    %dma_start3A_149 = arith.constant 0 : i32
    %dma_start3A_150 = tpu.memref_slice %arg2[%select_n3A, %add3A_36, %dma_start3A_148, %dma_start3A_149] : memref<16x768x16x196xf32, #tpu.memory_space<hbm>> -> memref<1x128x1x196xf32, #tpu.memory_space<hbm>>
    %dma_start3A_151 = tpu.memref_squeeze %dma_start3A_150 : memref<1x128x1x196xf32, #tpu.memory_space<hbm>> -> memref<128x196xf32, #tpu.memory_space<hbm>>
    %dma_start3A_152 = arith.constant 0 : i32
    %dma_start3A_153 = tpu.memref_slice %arg2[%select_n3A, %add3A_36, %dma_start3A_148, %dma_start3A_152] : memref<16x768x16x196xf32, #tpu.memory_space<hbm>> -> memref<1x128x1x196xf32, #tpu.memory_space<hbm>>
    %dma_start3A_154 = tpu.memref_squeeze %dma_start3A_153 : memref<1x128x1x196xf32, #tpu.memory_space<hbm>> -> memref<128x196xf32, #tpu.memory_space<hbm>>
    tpu.enqueue_dma source(%dma_start3A_154 : memref<128x196xf32, #tpu.memory_space<hbm>>) target(%arg6 : memref<128x196xf32, #tpu.memory_space<vmem>>) target_semaphore(%arg7 : memref<!tpu.dma_semaphore, #tpu.memory_space<semaphore_mem>>)
    %dma_wait3A_155 = arith.constant 0 : i32
    %dma_wait3A_156 = arith.constant 0 : i32
    %dma_wait3A_157 = tpu.memref_slice %arg2[%select_n3A, %add3A_36, %dma_wait3A_155, %dma_wait3A_156] : memref<16x768x16x196xf32, #tpu.memory_space<hbm>> -> memref<1x128x1x196xf32, #tpu.memory_space<hbm>>
    %dma_wait3A_158 = tpu.memref_squeeze %dma_wait3A_157 : memref<1x128x1x196xf32, #tpu.memory_space<hbm>> -> memref<128x196xf32, #tpu.memory_space<hbm>>
    %dma_wait3A_159 = arith.constant 0 : i32
    %dma_wait3A_160 = tpu.memref_slice %arg2[%select_n3A, %add3A_36, %dma_wait3A_155, %dma_wait3A_159] : memref<16x768x16x196xf32, #tpu.memory_space<hbm>> -> memref<1x128x1x196xf32, #tpu.memory_space<hbm>>
    %dma_wait3A_161 = tpu.memref_squeeze %dma_wait3A_160 : memref<1x128x1x196xf32, #tpu.memory_space<hbm>> -> memref<128x196xf32, #tpu.memory_space<hbm>>
    tpu.wait_dma2 semaphore(%arg7 : memref<!tpu.dma_semaphore, #tpu.memory_space<semaphore_mem>>) src(%dma_wait3A_161 : memref<128x196xf32, #tpu.memory_space<hbm>>) dst(%arg6 : memref<128x196xf32, #tpu.memory_space<vmem>>)
    %dma_start3A_162 = arith.constant 0 : i32
    %dma_start3A_163 = arith.constant 0 : i32
    %dma_start3A_164 = tpu.memref_slice %arg3[%select_n3A, %add3A_36, %dma_start3A_162, %dma_start3A_163] : memref<16x768x8x196xf32, #tpu.memory_space<hbm>> -> memref<1x128x1x196xf32, #tpu.memory_space<hbm>>
    %dma_start3A_165 = tpu.memref_squeeze %dma_start3A_164 : memref<1x128x1x196xf32, #tpu.memory_space<hbm>> -> memref<128x196xf32, #tpu.memory_space<hbm>>
    %dma_start3A_166 = arith.constant 0 : i32
    %dma_start3A_167 = tpu.memref_slice %arg3[%select_n3A, %add3A_36, %dma_start3A_162, %dma_start3A_166] : memref<16x768x8x196xf32, #tpu.memory_space<hbm>> -> memref<1x128x1x196xf32, #tpu.memory_space<hbm>>
    %dma_start3A_168 = tpu.memref_squeeze %dma_start3A_167 : memref<1x128x1x196xf32, #tpu.memory_space<hbm>> -> memref<128x196xf32, #tpu.memory_space<hbm>>
    tpu.enqueue_dma source(%arg6 : memref<128x196xf32, #tpu.memory_space<vmem>>) target(%dma_start3A_168 : memref<128x196xf32, #tpu.memory_space<hbm>>) target_semaphore(%arg9 : memref<!tpu.dma_semaphore, #tpu.memory_space<semaphore_mem>>)
    %dma_wait3A_169 = arith.constant 0 : i32
    %dma_wait3A_170 = arith.constant 0 : i32
    %dma_wait3A_171 = tpu.memref_slice %arg3[%select_n3A, %add3A_34, %dma_wait3A_169, %dma_wait3A_170] : memref<16x768x8x196xf32, #tpu.memory_space<hbm>> -> memref<1x128x1x196xf32, #tpu.memory_space<hbm>>
    %dma_wait3A_172 = tpu.memref_squeeze %dma_wait3A_171 : memref<1x128x1x196xf32, #tpu.memory_space<hbm>> -> memref<128x196xf32, #tpu.memory_space<hbm>>
    %dma_wait3A_173 = arith.constant 0 : i32
    %dma_wait3A_174 = tpu.memref_slice %arg3[%select_n3A, %add3A_34, %dma_wait3A_169, %dma_wait3A_173] : memref<16x768x8x196xf32, #tpu.memory_space<hbm>> -> memref<1x128x1x196xf32, #tpu.memory_space<hbm>>
    %dma_wait3A_175 = tpu.memref_squeeze %dma_wait3A_174 : memref<1x128x1x196xf32, #tpu.memory_space<hbm>> -> memref<128x196xf32, #tpu.memory_space<hbm>>
    tpu.wait_dma2 semaphore(%arg8 : memref<!tpu.dma_semaphore, #tpu.memory_space<semaphore_mem>>) src(%arg5 : memref<128x196xf32, #tpu.memory_space<vmem>>) dst(%dma_wait3A_175 : memref<128x196xf32, #tpu.memory_space<hbm>>)
    %dma_start3A_176 = arith.constant 0 : i32
    %dma_start3A_177 = arith.constant 0 : i32
    %dma_start3A_178 = tpu.memref_slice %arg2[%select_n3A, %add3A_38, %dma_start3A_176, %dma_start3A_177] : memref<16x768x16x196xf32, #tpu.memory_space<hbm>> -> memref<1x128x1x196xf32, #tpu.memory_space<hbm>>
    %dma_start3A_179 = tpu.memref_squeeze %dma_start3A_178 : memref<1x128x1x196xf32, #tpu.memory_space<hbm>> -> memref<128x196xf32, #tpu.memory_space<hbm>>
    %dma_start3A_180 = arith.constant 0 : i32
    %dma_start3A_181 = tpu.memref_slice %arg2[%select_n3A, %add3A_38, %dma_start3A_176, %dma_start3A_180] : memref<16x768x16x196xf32, #tpu.memory_space<hbm>> -> memref<1x128x1x196xf32, #tpu.memory_space<hbm>>
    %dma_start3A_182 = tpu.memref_squeeze %dma_start3A_181 : memref<1x128x1x196xf32, #tpu.memory_space<hbm>> -> memref<128x196xf32, #tpu.memory_space<hbm>>
    tpu.enqueue_dma source(%dma_start3A_182 : memref<128x196xf32, #tpu.memory_space<hbm>>) target(%arg5 : memref<128x196xf32, #tpu.memory_space<vmem>>) target_semaphore(%arg7 : memref<!tpu.dma_semaphore, #tpu.memory_space<semaphore_mem>>)
    %dma_wait3A_183 = arith.constant 0 : i32
    %dma_wait3A_184 = arith.constant 0 : i32
    %dma_wait3A_185 = tpu.memref_slice %arg2[%select_n3A, %add3A_38, %dma_wait3A_183, %dma_wait3A_184] : memref<16x768x16x196xf32, #tpu.memory_space<hbm>> -> memref<1x128x1x196xf32, #tpu.memory_space<hbm>>
    %dma_wait3A_186 = tpu.memref_squeeze %dma_wait3A_185 : memref<1x128x1x196xf32, #tpu.memory_space<hbm>> -> memref<128x196xf32, #tpu.memory_space<hbm>>
    %dma_wait3A_187 = arith.constant 0 : i32
    %dma_wait3A_188 = tpu.memref_slice %arg2[%select_n3A, %add3A_38, %dma_wait3A_183, %dma_wait3A_187] : memref<16x768x16x196xf32, #tpu.memory_space<hbm>> -> memref<1x128x1x196xf32, #tpu.memory_space<hbm>>
    %dma_wait3A_189 = tpu.memref_squeeze %dma_wait3A_188 : memref<1x128x1x196xf32, #tpu.memory_space<hbm>> -> memref<128x196xf32, #tpu.memory_space<hbm>>
    tpu.wait_dma2 semaphore(%arg7 : memref<!tpu.dma_semaphore, #tpu.memory_space<semaphore_mem>>) src(%dma_wait3A_189 : memref<128x196xf32, #tpu.memory_space<hbm>>) dst(%arg5 : memref<128x196xf32, #tpu.memory_space<vmem>>)
    %dma_start3A_190 = arith.constant 0 : i32
    %dma_start3A_191 = arith.constant 0 : i32
    %dma_start3A_192 = tpu.memref_slice %arg3[%select_n3A, %add3A_38, %dma_start3A_190, %dma_start3A_191] : memref<16x768x8x196xf32, #tpu.memory_space<hbm>> -> memref<1x128x1x196xf32, #tpu.memory_space<hbm>>
    %dma_start3A_193 = tpu.memref_squeeze %dma_start3A_192 : memref<1x128x1x196xf32, #tpu.memory_space<hbm>> -> memref<128x196xf32, #tpu.memory_space<hbm>>
    %dma_start3A_194 = arith.constant 0 : i32
    %dma_start3A_195 = tpu.memref_slice %arg3[%select_n3A, %add3A_38, %dma_start3A_190, %dma_start3A_194] : memref<16x768x8x196xf32, #tpu.memory_space<hbm>> -> memref<1x128x1x196xf32, #tpu.memory_space<hbm>>
    %dma_start3A_196 = tpu.memref_squeeze %dma_start3A_195 : memref<1x128x1x196xf32, #tpu.memory_space<hbm>> -> memref<128x196xf32, #tpu.memory_space<hbm>>
    tpu.enqueue_dma source(%arg5 : memref<128x196xf32, #tpu.memory_space<vmem>>) target(%dma_start3A_196 : memref<128x196xf32, #tpu.memory_space<hbm>>) target_semaphore(%arg8 : memref<!tpu.dma_semaphore, #tpu.memory_space<semaphore_mem>>)
    %dma_wait3A_197 = arith.constant 0 : i32
    %dma_wait3A_198 = arith.constant 0 : i32
    %dma_wait3A_199 = tpu.memref_slice %arg3[%select_n3A, %add3A_36, %dma_wait3A_197, %dma_wait3A_198] : memref<16x768x8x196xf32, #tpu.memory_space<hbm>> -> memref<1x128x1x196xf32, #tpu.memory_space<hbm>>
    %dma_wait3A_200 = tpu.memref_squeeze %dma_wait3A_199 : memref<1x128x1x196xf32, #tpu.memory_space<hbm>> -> memref<128x196xf32, #tpu.memory_space<hbm>>
    %dma_wait3A_201 = arith.constant 0 : i32
    %dma_wait3A_202 = tpu.memref_slice %arg3[%select_n3A, %add3A_36, %dma_wait3A_197, %dma_wait3A_201] : memref<16x768x8x196xf32, #tpu.memory_space<hbm>> -> memref<1x128x1x196xf32, #tpu.memory_space<hbm>>
    %dma_wait3A_203 = tpu.memref_squeeze %dma_wait3A_202 : memref<1x128x1x196xf32, #tpu.memory_space<hbm>> -> memref<128x196xf32, #tpu.memory_space<hbm>>
    tpu.wait_dma2 semaphore(%arg9 : memref<!tpu.dma_semaphore, #tpu.memory_space<semaphore_mem>>) src(%arg6 : memref<128x196xf32, #tpu.memory_space<vmem>>) dst(%dma_wait3A_203 : memref<128x196xf32, #tpu.memory_space<hbm>>)
    %dma_start3A_204 = arith.constant 1 : i32
    %dma_start3A_205 = arith.constant 0 : i32
    %dma_start3A_206 = tpu.memref_slice %arg2[%select_n3A, %add3A_40, %dma_start3A_204, %dma_start3A_205] : memref<16x768x16x196xf32, #tpu.memory_space<hbm>> -> memref<1x128x1x196xf32, #tpu.memory_space<hbm>>
    %dma_start3A_207 = tpu.memref_squeeze %dma_start3A_206 : memref<1x128x1x196xf32, #tpu.memory_space<hbm>> -> memref<128x196xf32, #tpu.memory_space<hbm>>
    %dma_start3A_208 = arith.constant 0 : i32
    %dma_start3A_209 = tpu.memref_slice %arg2[%select_n3A, %add3A_40, %dma_start3A_204, %dma_start3A_208] : memref<16x768x16x196xf32, #tpu.memory_space<hbm>> -> memref<1x128x1x196xf32, #tpu.memory_space<hbm>>
    %dma_start3A_210 = tpu.memref_squeeze %dma_start3A_209 : memref<1x128x1x196xf32, #tpu.memory_space<hbm>> -> memref<128x196xf32, #tpu.memory_space<hbm>>
    tpu.enqueue_dma source(%dma_start3A_210 : memref<128x196xf32, #tpu.memory_space<hbm>>) target(%arg6 : memref<128x196xf32, #tpu.memory_space<vmem>>) target_semaphore(%arg7 : memref<!tpu.dma_semaphore, #tpu.memory_space<semaphore_mem>>)
    %dma_wait3A_211 = arith.constant 1 : i32
    %dma_wait3A_212 = arith.constant 0 : i32
    %dma_wait3A_213 = tpu.memref_slice %arg2[%select_n3A, %add3A_40, %dma_wait3A_211, %dma_wait3A_212] : memref<16x768x16x196xf32, #tpu.memory_space<hbm>> -> memref<1x128x1x196xf32, #tpu.memory_space<hbm>>
    %dma_wait3A_214 = tpu.memref_squeeze %dma_wait3A_213 : memref<1x128x1x196xf32, #tpu.memory_space<hbm>> -> memref<128x196xf32, #tpu.memory_space<hbm>>
    %dma_wait3A_215 = arith.constant 0 : i32
    %dma_wait3A_216 = tpu.memref_slice %arg2[%select_n3A, %add3A_40, %dma_wait3A_211, %dma_wait3A_215] : memref<16x768x16x196xf32, #tpu.memory_space<hbm>> -> memref<1x128x1x196xf32, #tpu.memory_space<hbm>>
    %dma_wait3A_217 = tpu.memref_squeeze %dma_wait3A_216 : memref<1x128x1x196xf32, #tpu.memory_space<hbm>> -> memref<128x196xf32, #tpu.memory_space<hbm>>
    tpu.wait_dma2 semaphore(%arg7 : memref<!tpu.dma_semaphore, #tpu.memory_space<semaphore_mem>>) src(%dma_wait3A_217 : memref<128x196xf32, #tpu.memory_space<hbm>>) dst(%arg6 : memref<128x196xf32, #tpu.memory_space<vmem>>)
    %dma_start3A_218 = arith.constant 0 : i32
    %dma_start3A_219 = arith.constant 0 : i32
    %dma_start3A_220 = tpu.memref_slice %arg4[%select_n3A, %add3A_40, %dma_start3A_218, %dma_start3A_219] : memref<16x768x8x196xf32, #tpu.memory_space<hbm>> -> memref<1x128x1x196xf32, #tpu.memory_space<hbm>>
    %dma_start3A_221 = tpu.memref_squeeze %dma_start3A_220 : memref<1x128x1x196xf32, #tpu.memory_space<hbm>> -> memref<128x196xf32, #tpu.memory_space<hbm>>
    %dma_start3A_222 = arith.constant 0 : i32
    %dma_start3A_223 = tpu.memref_slice %arg4[%select_n3A, %add3A_40, %dma_start3A_218, %dma_start3A_222] : memref<16x768x8x196xf32, #tpu.memory_space<hbm>> -> memref<1x128x1x196xf32, #tpu.memory_space<hbm>>
    %dma_start3A_224 = tpu.memref_squeeze %dma_start3A_223 : memref<1x128x1x196xf32, #tpu.memory_space<hbm>> -> memref<128x196xf32, #tpu.memory_space<hbm>>
    tpu.enqueue_dma source(%arg6 : memref<128x196xf32, #tpu.memory_space<vmem>>) target(%dma_start3A_224 : memref<128x196xf32, #tpu.memory_space<hbm>>) target_semaphore(%arg9 : memref<!tpu.dma_semaphore, #tpu.memory_space<semaphore_mem>>)
    %dma_wait3A_225 = arith.constant 0 : i32
    %dma_wait3A_226 = arith.constant 0 : i32
    %dma_wait3A_227 = tpu.memref_slice %arg3[%select_n3A, %add3A_38, %dma_wait3A_225, %dma_wait3A_226] : memref<16x768x8x196xf32, #tpu.memory_space<hbm>> -> memref<1x128x1x196xf32, #tpu.memory_space<hbm>>
    %dma_wait3A_228 = tpu.memref_squeeze %dma_wait3A_227 : memref<1x128x1x196xf32, #tpu.memory_space<hbm>> -> memref<128x196xf32, #tpu.memory_space<hbm>>
    %dma_wait3A_229 = arith.constant 0 : i32
    %dma_wait3A_230 = tpu.memref_slice %arg3[%select_n3A, %add3A_38, %dma_wait3A_225, %dma_wait3A_229] : memref<16x768x8x196xf32, #tpu.memory_space<hbm>> -> memref<1x128x1x196xf32, #tpu.memory_space<hbm>>
    %dma_wait3A_231 = tpu.memref_squeeze %dma_wait3A_230 : memref<1x128x1x196xf32, #tpu.memory_space<hbm>> -> memref<128x196xf32, #tpu.memory_space<hbm>>
    tpu.wait_dma2 semaphore(%arg8 : memref<!tpu.dma_semaphore, #tpu.memory_space<semaphore_mem>>) src(%arg5 : memref<128x196xf32, #tpu.memory_space<vmem>>) dst(%dma_wait3A_231 : memref<128x196xf32, #tpu.memory_space<hbm>>)
    %dma_start3A_232 = arith.constant 1 : i32
    %dma_start3A_233 = arith.constant 0 : i32
    %dma_start3A_234 = tpu.memref_slice %arg2[%select_n3A, %add3A_42, %dma_start3A_232, %dma_start3A_233] : memref<16x768x16x196xf32, #tpu.memory_space<hbm>> -> memref<1x128x1x196xf32, #tpu.memory_space<hbm>>
    %dma_start3A_235 = tpu.memref_squeeze %dma_start3A_234 : memref<1x128x1x196xf32, #tpu.memory_space<hbm>> -> memref<128x196xf32, #tpu.memory_space<hbm>>
    %dma_start3A_236 = arith.constant 0 : i32
    %dma_start3A_237 = tpu.memref_slice %arg2[%select_n3A, %add3A_42, %dma_start3A_232, %dma_start3A_236] : memref<16x768x16x196xf32, #tpu.memory_space<hbm>> -> memref<1x128x1x196xf32, #tpu.memory_space<hbm>>
    %dma_start3A_238 = tpu.memref_squeeze %dma_start3A_237 : memref<1x128x1x196xf32, #tpu.memory_space<hbm>> -> memref<128x196xf32, #tpu.memory_space<hbm>>
    tpu.enqueue_dma source(%dma_start3A_238 : memref<128x196xf32, #tpu.memory_space<hbm>>) target(%arg5 : memref<128x196xf32, #tpu.memory_space<vmem>>) target_semaphore(%arg7 : memref<!tpu.dma_semaphore, #tpu.memory_space<semaphore_mem>>)
    %dma_wait3A_239 = arith.constant 1 : i32
    %dma_wait3A_240 = arith.constant 0 : i32
    %dma_wait3A_241 = tpu.memref_slice %arg2[%select_n3A, %add3A_42, %dma_wait3A_239, %dma_wait3A_240] : memref<16x768x16x196xf32, #tpu.memory_space<hbm>> -> memref<1x128x1x196xf32, #tpu.memory_space<hbm>>
    %dma_wait3A_242 = tpu.memref_squeeze %dma_wait3A_241 : memref<1x128x1x196xf32, #tpu.memory_space<hbm>> -> memref<128x196xf32, #tpu.memory_space<hbm>>
    %dma_wait3A_243 = arith.constant 0 : i32
    %dma_wait3A_244 = tpu.memref_slice %arg2[%select_n3A, %add3A_42, %dma_wait3A_239, %dma_wait3A_243] : memref<16x768x16x196xf32, #tpu.memory_space<hbm>> -> memref<1x128x1x196xf32, #tpu.memory_space<hbm>>
    %dma_wait3A_245 = tpu.memref_squeeze %dma_wait3A_244 : memref<1x128x1x196xf32, #tpu.memory_space<hbm>> -> memref<128x196xf32, #tpu.memory_space<hbm>>
    tpu.wait_dma2 semaphore(%arg7 : memref<!tpu.dma_semaphore, #tpu.memory_space<semaphore_mem>>) src(%dma_wait3A_245 : memref<128x196xf32, #tpu.memory_space<hbm>>) dst(%arg5 : memref<128x196xf32, #tpu.memory_space<vmem>>)
    %dma_start3A_246 = arith.constant 0 : i32
    %dma_start3A_247 = arith.constant 0 : i32
    %dma_start3A_248 = tpu.memref_slice %arg4[%select_n3A, %add3A_42, %dma_start3A_246, %dma_start3A_247] : memref<16x768x8x196xf32, #tpu.memory_space<hbm>> -> memref<1x128x1x196xf32, #tpu.memory_space<hbm>>
    %dma_start3A_249 = tpu.memref_squeeze %dma_start3A_248 : memref<1x128x1x196xf32, #tpu.memory_space<hbm>> -> memref<128x196xf32, #tpu.memory_space<hbm>>
    %dma_start3A_250 = arith.constant 0 : i32
    %dma_start3A_251 = tpu.memref_slice %arg4[%select_n3A, %add3A_42, %dma_start3A_246, %dma_start3A_250] : memref<16x768x8x196xf32, #tpu.memory_space<hbm>> -> memref<1x128x1x196xf32, #tpu.memory_space<hbm>>
    %dma_start3A_252 = tpu.memref_squeeze %dma_start3A_251 : memref<1x128x1x196xf32, #tpu.memory_space<hbm>> -> memref<128x196xf32, #tpu.memory_space<hbm>>
    tpu.enqueue_dma source(%arg5 : memref<128x196xf32, #tpu.memory_space<vmem>>) target(%dma_start3A_252 : memref<128x196xf32, #tpu.memory_space<hbm>>) target_semaphore(%arg8 : memref<!tpu.dma_semaphore, #tpu.memory_space<semaphore_mem>>)
    %dma_wait3A_253 = arith.constant 0 : i32
    %dma_wait3A_254 = arith.constant 0 : i32
    %dma_wait3A_255 = tpu.memref_slice %arg4[%select_n3A, %add3A_40, %dma_wait3A_253, %dma_wait3A_254] : memref<16x768x8x196xf32, #tpu.memory_space<hbm>> -> memref<1x128x1x196xf32, #tpu.memory_space<hbm>>
    %dma_wait3A_256 = tpu.memref_squeeze %dma_wait3A_255 : memref<1x128x1x196xf32, #tpu.memory_space<hbm>> -> memref<128x196xf32, #tpu.memory_space<hbm>>
    %dma_wait3A_257 = arith.constant 0 : i32
    %dma_wait3A_258 = tpu.memref_slice %arg4[%select_n3A, %add3A_40, %dma_wait3A_253, %dma_wait3A_257] : memref<16x768x8x196xf32, #tpu.memory_space<hbm>> -> memref<1x128x1x196xf32, #tpu.memory_space<hbm>>
    %dma_wait3A_259 = tpu.memref_squeeze %dma_wait3A_258 : memref<1x128x1x196xf32, #tpu.memory_space<hbm>> -> memref<128x196xf32, #tpu.memory_space<hbm>>
    tpu.wait_dma2 semaphore(%arg9 : memref<!tpu.dma_semaphore, #tpu.memory_space<semaphore_mem>>) src(%arg6 : memref<128x196xf32, #tpu.memory_space<vmem>>) dst(%dma_wait3A_259 : memref<128x196xf32, #tpu.memory_space<hbm>>)
    %dma_start3A_260 = arith.constant 1 : i32
    %dma_start3A_261 = arith.constant 0 : i32
    %dma_start3A_262 = tpu.memref_slice %arg2[%select_n3A, %add3A_44, %dma_start3A_260, %dma_start3A_261] : memref<16x768x16x196xf32, #tpu.memory_space<hbm>> -> memref<1x128x1x196xf32, #tpu.memory_space<hbm>>
    %dma_start3A_263 = tpu.memref_squeeze %dma_start3A_262 : memref<1x128x1x196xf32, #tpu.memory_space<hbm>> -> memref<128x196xf32, #tpu.memory_space<hbm>>
    %dma_start3A_264 = arith.constant 0 : i32
    %dma_start3A_265 = tpu.memref_slice %arg2[%select_n3A, %add3A_44, %dma_start3A_260, %dma_start3A_264] : memref<16x768x16x196xf32, #tpu.memory_space<hbm>> -> memref<1x128x1x196xf32, #tpu.memory_space<hbm>>
    %dma_start3A_266 = tpu.memref_squeeze %dma_start3A_265 : memref<1x128x1x196xf32, #tpu.memory_space<hbm>> -> memref<128x196xf32, #tpu.memory_space<hbm>>
    tpu.enqueue_dma source(%dma_start3A_266 : memref<128x196xf32, #tpu.memory_space<hbm>>) target(%arg6 : memref<128x196xf32, #tpu.memory_space<vmem>>) target_semaphore(%arg7 : memref<!tpu.dma_semaphore, #tpu.memory_space<semaphore_mem>>)
    %dma_wait3A_267 = arith.constant 1 : i32
    %dma_wait3A_268 = arith.constant 0 : i32
    %dma_wait3A_269 = tpu.memref_slice %arg2[%select_n3A, %add3A_44, %dma_wait3A_267, %dma_wait3A_268] : memref<16x768x16x196xf32, #tpu.memory_space<hbm>> -> memref<1x128x1x196xf32, #tpu.memory_space<hbm>>
    %dma_wait3A_270 = tpu.memref_squeeze %dma_wait3A_269 : memref<1x128x1x196xf32, #tpu.memory_space<hbm>> -> memref<128x196xf32, #tpu.memory_space<hbm>>
    %dma_wait3A_271 = arith.constant 0 : i32
    %dma_wait3A_272 = tpu.memref_slice %arg2[%select_n3A, %add3A_44, %dma_wait3A_267, %dma_wait3A_271] : memref<16x768x16x196xf32, #tpu.memory_space<hbm>> -> memref<1x128x1x196xf32, #tpu.memory_space<hbm>>
    %dma_wait3A_273 = tpu.memref_squeeze %dma_wait3A_272 : memref<1x128x1x196xf32, #tpu.memory_space<hbm>> -> memref<128x196xf32, #tpu.memory_space<hbm>>
    tpu.wait_dma2 semaphore(%arg7 : memref<!tpu.dma_semaphore, #tpu.memory_space<semaphore_mem>>) src(%dma_wait3A_273 : memref<128x196xf32, #tpu.memory_space<hbm>>) dst(%arg6 : memref<128x196xf32, #tpu.memory_space<vmem>>)
    %dma_start3A_274 = arith.constant 0 : i32
    %dma_start3A_275 = arith.constant 0 : i32
    %dma_start3A_276 = tpu.memref_slice %arg4[%select_n3A, %add3A_44, %dma_start3A_274, %dma_start3A_275] : memref<16x768x8x196xf32, #tpu.memory_space<hbm>> -> memref<1x128x1x196xf32, #tpu.memory_space<hbm>>
    %dma_start3A_277 = tpu.memref_squeeze %dma_start3A_276 : memref<1x128x1x196xf32, #tpu.memory_space<hbm>> -> memref<128x196xf32, #tpu.memory_space<hbm>>
    %dma_start3A_278 = arith.constant 0 : i32
    %dma_start3A_279 = tpu.memref_slice %arg4[%select_n3A, %add3A_44, %dma_start3A_274, %dma_start3A_278] : memref<16x768x8x196xf32, #tpu.memory_space<hbm>> -> memref<1x128x1x196xf32, #tpu.memory_space<hbm>>
    %dma_start3A_280 = tpu.memref_squeeze %dma_start3A_279 : memref<1x128x1x196xf32, #tpu.memory_space<hbm>> -> memref<128x196xf32, #tpu.memory_space<hbm>>
    tpu.enqueue_dma source(%arg6 : memref<128x196xf32, #tpu.memory_space<vmem>>) target(%dma_start3A_280 : memref<128x196xf32, #tpu.memory_space<hbm>>) target_semaphore(%arg9 : memref<!tpu.dma_semaphore, #tpu.memory_space<semaphore_mem>>)
    %dma_wait3A_281 = arith.constant 0 : i32
    %dma_wait3A_282 = arith.constant 0 : i32
    %dma_wait3A_283 = tpu.memref_slice %arg4[%select_n3A, %add3A_42, %dma_wait3A_281, %dma_wait3A_282] : memref<16x768x8x196xf32, #tpu.memory_space<hbm>> -> memref<1x128x1x196xf32, #tpu.memory_space<hbm>>
    %dma_wait3A_284 = tpu.memref_squeeze %dma_wait3A_283 : memref<1x128x1x196xf32, #tpu.memory_space<hbm>> -> memref<128x196xf32, #tpu.memory_space<hbm>>
    %dma_wait3A_285 = arith.constant 0 : i32
    %dma_wait3A_286 = tpu.memref_slice %arg4[%select_n3A, %add3A_42, %dma_wait3A_281, %dma_wait3A_285] : memref<16x768x8x196xf32, #tpu.memory_space<hbm>> -> memref<1x128x1x196xf32, #tpu.memory_space<hbm>>
    %dma_wait3A_287 = tpu.memref_squeeze %dma_wait3A_286 : memref<1x128x1x196xf32, #tpu.memory_space<hbm>> -> memref<128x196xf32, #tpu.memory_space<hbm>>
    tpu.wait_dma2 semaphore(%arg8 : memref<!tpu.dma_semaphore, #tpu.memory_space<semaphore_mem>>) src(%arg5 : memref<128x196xf32, #tpu.memory_space<vmem>>) dst(%dma_wait3A_287 : memref<128x196xf32, #tpu.memory_space<hbm>>)
    %dma_start3A_288 = arith.constant 2 : i32
    %dma_start3A_289 = arith.constant 0 : i32
    %dma_start3A_290 = tpu.memref_slice %arg2[%select_n3A, %add3A_46, %dma_start3A_288, %dma_start3A_289] : memref<16x768x16x196xf32, #tpu.memory_space<hbm>> -> memref<1x128x1x196xf32, #tpu.memory_space<hbm>>
    %dma_start3A_291 = tpu.memref_squeeze %dma_start3A_290 : memref<1x128x1x196xf32, #tpu.memory_space<hbm>> -> memref<128x196xf32, #tpu.memory_space<hbm>>
    %dma_start3A_292 = arith.constant 0 : i32
    %dma_start3A_293 = tpu.memref_slice %arg2[%select_n3A, %add3A_46, %dma_start3A_288, %dma_start3A_292] : memref<16x768x16x196xf32, #tpu.memory_space<hbm>> -> memref<1x128x1x196xf32, #tpu.memory_space<hbm>>
    %dma_start3A_294 = tpu.memref_squeeze %dma_start3A_293 : memref<1x128x1x196xf32, #tpu.memory_space<hbm>> -> memref<128x196xf32, #tpu.memory_space<hbm>>
    tpu.enqueue_dma source(%dma_start3A_294 : memref<128x196xf32, #tpu.memory_space<hbm>>) target(%arg5 : memref<128x196xf32, #tpu.memory_space<vmem>>) target_semaphore(%arg7 : memref<!tpu.dma_semaphore, #tpu.memory_space<semaphore_mem>>)
    %dma_wait3A_295 = arith.constant 2 : i32
    %dma_wait3A_296 = arith.constant 0 : i32
    %dma_wait3A_297 = tpu.memref_slice %arg2[%select_n3A, %add3A_46, %dma_wait3A_295, %dma_wait3A_296] : memref<16x768x16x196xf32, #tpu.memory_space<hbm>> -> memref<1x128x1x196xf32, #tpu.memory_space<hbm>>
    %dma_wait3A_298 = tpu.memref_squeeze %dma_wait3A_297 : memref<1x128x1x196xf32, #tpu.memory_space<hbm>> -> memref<128x196xf32, #tpu.memory_space<hbm>>
    %dma_wait3A_299 = arith.constant 0 : i32
    %dma_wait3A_300 = tpu.memref_slice %arg2[%select_n3A, %add3A_46, %dma_wait3A_295, %dma_wait3A_299] : memref<16x768x16x196xf32, #tpu.memory_space<hbm>> -> memref<1x128x1x196xf32, #tpu.memory_space<hbm>>
    %dma_wait3A_301 = tpu.memref_squeeze %dma_wait3A_300 : memref<1x128x1x196xf32, #tpu.memory_space<hbm>> -> memref<128x196xf32, #tpu.memory_space<hbm>>
    tpu.wait_dma2 semaphore(%arg7 : memref<!tpu.dma_semaphore, #tpu.memory_space<semaphore_mem>>) src(%dma_wait3A_301 : memref<128x196xf32, #tpu.memory_space<hbm>>) dst(%arg5 : memref<128x196xf32, #tpu.memory_space<vmem>>)
    %dma_start3A_302 = arith.constant 1 : i32
    %dma_start3A_303 = arith.constant 0 : i32
    %dma_start3A_304 = tpu.memref_slice %arg3[%select_n3A, %add3A_46, %dma_start3A_302, %dma_start3A_303] : memref<16x768x8x196xf32, #tpu.memory_space<hbm>> -> memref<1x128x1x196xf32, #tpu.memory_space<hbm>>
    %dma_start3A_305 = tpu.memref_squeeze %dma_start3A_304 : memref<1x128x1x196xf32, #tpu.memory_space<hbm>> -> memref<128x196xf32, #tpu.memory_space<hbm>>
    %dma_start3A_306 = arith.constant 0 : i32
    %dma_start3A_307 = tpu.memref_slice %arg3[%select_n3A, %add3A_46, %dma_start3A_302, %dma_start3A_306] : memref<16x768x8x196xf32, #tpu.memory_space<hbm>> -> memref<1x128x1x196xf32, #tpu.memory_space<hbm>>
    %dma_start3A_308 = tpu.memref_squeeze %dma_start3A_307 : memref<1x128x1x196xf32, #tpu.memory_space<hbm>> -> memref<128x196xf32, #tpu.memory_space<hbm>>
    tpu.enqueue_dma source(%arg5 : memref<128x196xf32, #tpu.memory_space<vmem>>) target(%dma_start3A_308 : memref<128x196xf32, #tpu.memory_space<hbm>>) target_semaphore(%arg8 : memref<!tpu.dma_semaphore, #tpu.memory_space<semaphore_mem>>)
    %dma_wait3A_309 = arith.constant 0 : i32
    %dma_wait3A_310 = arith.constant 0 : i32
    %dma_wait3A_311 = tpu.memref_slice %arg4[%select_n3A, %add3A_44, %dma_wait3A_309, %dma_wait3A_310] : memref<16x768x8x196xf32, #tpu.memory_space<hbm>> -> memref<1x128x1x196xf32, #tpu.memory_space<hbm>>
    %dma_wait3A_312 = tpu.memref_squeeze %dma_wait3A_311 : memref<1x128x1x196xf32, #tpu.memory_space<hbm>> -> memref<128x196xf32, #tpu.memory_space<hbm>>
    %dma_wait3A_313 = arith.constant 0 : i32
    %dma_wait3A_314 = tpu.memref_slice %arg4[%select_n3A, %add3A_44, %dma_wait3A_309, %dma_wait3A_313] : memref<16x768x8x196xf32, #tpu.memory_space<hbm>> -> memref<1x128x1x196xf32, #tpu.memory_space<hbm>>
    %dma_wait3A_315 = tpu.memref_squeeze %dma_wait3A_314 : memref<1x128x1x196xf32, #tpu.memory_space<hbm>> -> memref<128x196xf32, #tpu.memory_space<hbm>>
    tpu.wait_dma2 semaphore(%arg9 : memref<!tpu.dma_semaphore, #tpu.memory_space<semaphore_mem>>) src(%arg6 : memref<128x196xf32, #tpu.memory_space<vmem>>) dst(%dma_wait3A_315 : memref<128x196xf32, #tpu.memory_space<hbm>>)
    %dma_start3A_316 = arith.constant 2 : i32
    %dma_start3A_317 = arith.constant 0 : i32
    %dma_start3A_318 = tpu.memref_slice %arg2[%select_n3A, %add3A_48, %dma_start3A_316, %dma_start3A_317] : memref<16x768x16x196xf32, #tpu.memory_space<hbm>> -> memref<1x128x1x196xf32, #tpu.memory_space<hbm>>
    %dma_start3A_319 = tpu.memref_squeeze %dma_start3A_318 : memref<1x128x1x196xf32, #tpu.memory_space<hbm>> -> memref<128x196xf32, #tpu.memory_space<hbm>>
    %dma_start3A_320 = arith.constant 0 : i32
    %dma_start3A_321 = tpu.memref_slice %arg2[%select_n3A, %add3A_48, %dma_start3A_316, %dma_start3A_320] : memref<16x768x16x196xf32, #tpu.memory_space<hbm>> -> memref<1x128x1x196xf32, #tpu.memory_space<hbm>>
    %dma_start3A_322 = tpu.memref_squeeze %dma_start3A_321 : memref<1x128x1x196xf32, #tpu.memory_space<hbm>> -> memref<128x196xf32, #tpu.memory_space<hbm>>
    tpu.enqueue_dma source(%dma_start3A_322 : memref<128x196xf32, #tpu.memory_space<hbm>>) target(%arg6 : memref<128x196xf32, #tpu.memory_space<vmem>>) target_semaphore(%arg7 : memref<!tpu.dma_semaphore, #tpu.memory_space<semaphore_mem>>)
    %dma_wait3A_323 = arith.constant 2 : i32
    %dma_wait3A_324 = arith.constant 0 : i32
    %dma_wait3A_325 = tpu.memref_slice %arg2[%select_n3A, %add3A_48, %dma_wait3A_323, %dma_wait3A_324] : memref<16x768x16x196xf32, #tpu.memory_space<hbm>> -> memref<1x128x1x196xf32, #tpu.memory_space<hbm>>
    %dma_wait3A_326 = tpu.memref_squeeze %dma_wait3A_325 : memref<1x128x1x196xf32, #tpu.memory_space<hbm>> -> memref<128x196xf32, #tpu.memory_space<hbm>>
    %dma_wait3A_327 = arith.constant 0 : i32
    %dma_wait3A_328 = tpu.memref_slice %arg2[%select_n3A, %add3A_48, %dma_wait3A_323, %dma_wait3A_327] : memref<16x768x16x196xf32, #tpu.memory_space<hbm>> -> memref<1x128x1x196xf32, #tpu.memory_space<hbm>>
    %dma_wait3A_329 = tpu.memref_squeeze %dma_wait3A_328 : memref<1x128x1x196xf32, #tpu.memory_space<hbm>> -> memref<128x196xf32, #tpu.memory_space<hbm>>
    tpu.wait_dma2 semaphore(%arg7 : memref<!tpu.dma_semaphore, #tpu.memory_space<semaphore_mem>>) src(%dma_wait3A_329 : memref<128x196xf32, #tpu.memory_space<hbm>>) dst(%arg6 : memref<128x196xf32, #tpu.memory_space<vmem>>)
    %dma_start3A_330 = arith.constant 1 : i32
    %dma_start3A_331 = arith.constant 0 : i32
    %dma_start3A_332 = tpu.memref_slice %arg3[%select_n3A, %add3A_48, %dma_start3A_330, %dma_start3A_331] : memref<16x768x8x196xf32, #tpu.memory_space<hbm>> -> memref<1x128x1x196xf32, #tpu.memory_space<hbm>>
    %dma_start3A_333 = tpu.memref_squeeze %dma_start3A_332 : memref<1x128x1x196xf32, #tpu.memory_space<hbm>> -> memref<128x196xf32, #tpu.memory_space<hbm>>
    %dma_start3A_334 = arith.constant 0 : i32
    %dma_start3A_335 = tpu.memref_slice %arg3[%select_n3A, %add3A_48, %dma_start3A_330, %dma_start3A_334] : memref<16x768x8x196xf32, #tpu.memory_space<hbm>> -> memref<1x128x1x196xf32, #tpu.memory_space<hbm>>
    %dma_start3A_336 = tpu.memref_squeeze %dma_start3A_335 : memref<1x128x1x196xf32, #tpu.memory_space<hbm>> -> memref<128x196xf32, #tpu.memory_space<hbm>>
    tpu.enqueue_dma source(%arg6 : memref<128x196xf32, #tpu.memory_space<vmem>>) target(%dma_start3A_336 : memref<128x196xf32, #tpu.memory_space<hbm>>) target_semaphore(%arg9 : memref<!tpu.dma_semaphore, #tpu.memory_space<semaphore_mem>>)
    %dma_wait3A_337 = arith.constant 1 : i32
    %dma_wait3A_338 = arith.constant 0 : i32
    %dma_wait3A_339 = tpu.memref_slice %arg3[%select_n3A, %add3A_46, %dma_wait3A_337, %dma_wait3A_338] : memref<16x768x8x196xf32, #tpu.memory_space<hbm>> -> memref<1x128x1x196xf32, #tpu.memory_space<hbm>>
    %dma_wait3A_340 = tpu.memref_squeeze %dma_wait3A_339 : memref<1x128x1x196xf32, #tpu.memory_space<hbm>> -> memref<128x196xf32, #tpu.memory_space<hbm>>
    %dma_wait3A_341 = arith.constant 0 : i32
    %dma_wait3A_342 = tpu.memref_slice %arg3[%select_n3A, %add3A_46, %dma_wait3A_337, %dma_wait3A_341] : memref<16x768x8x196xf32, #tpu.memory_space<hbm>> -> memref<1x128x1x196xf32, #tpu.memory_space<hbm>>
    %dma_wait3A_343 = tpu.memref_squeeze %dma_wait3A_342 : memref<1x128x1x196xf32, #tpu.memory_space<hbm>> -> memref<128x196xf32, #tpu.memory_space<hbm>>
    tpu.wait_dma2 semaphore(%arg8 : memref<!tpu.dma_semaphore, #tpu.memory_space<semaphore_mem>>) src(%arg5 : memref<128x196xf32, #tpu.memory_space<vmem>>) dst(%dma_wait3A_343 : memref<128x196xf32, #tpu.memory_space<hbm>>)
    %dma_start3A_344 = arith.constant 2 : i32
    %dma_start3A_345 = arith.constant 0 : i32
    %dma_start3A_346 = tpu.memref_slice %arg2[%select_n3A, %add3A_50, %dma_start3A_344, %dma_start3A_345] : memref<16x768x16x196xf32, #tpu.memory_space<hbm>> -> memref<1x128x1x196xf32, #tpu.memory_space<hbm>>
    %dma_start3A_347 = tpu.memref_squeeze %dma_start3A_346 : memref<1x128x1x196xf32, #tpu.memory_space<hbm>> -> memref<128x196xf32, #tpu.memory_space<hbm>>
    %dma_start3A_348 = arith.constant 0 : i32
    %dma_start3A_349 = tpu.memref_slice %arg2[%select_n3A, %add3A_50, %dma_start3A_344, %dma_start3A_348] : memref<16x768x16x196xf32, #tpu.memory_space<hbm>> -> memref<1x128x1x196xf32, #tpu.memory_space<hbm>>
    %dma_start3A_350 = tpu.memref_squeeze %dma_start3A_349 : memref<1x128x1x196xf32, #tpu.memory_space<hbm>> -> memref<128x196xf32, #tpu.memory_space<hbm>>
    tpu.enqueue_dma source(%dma_start3A_350 : memref<128x196xf32, #tpu.memory_space<hbm>>) target(%arg5 : memref<128x196xf32, #tpu.memory_space<vmem>>) target_semaphore(%arg7 : memref<!tpu.dma_semaphore, #tpu.memory_space<semaphore_mem>>)
    %dma_wait3A_351 = arith.constant 2 : i32
    %dma_wait3A_352 = arith.constant 0 : i32
    %dma_wait3A_353 = tpu.memref_slice %arg2[%select_n3A, %add3A_50, %dma_wait3A_351, %dma_wait3A_352] : memref<16x768x16x196xf32, #tpu.memory_space<hbm>> -> memref<1x128x1x196xf32, #tpu.memory_space<hbm>>
    %dma_wait3A_354 = tpu.memref_squeeze %dma_wait3A_353 : memref<1x128x1x196xf32, #tpu.memory_space<hbm>> -> memref<128x196xf32, #tpu.memory_space<hbm>>
    %dma_wait3A_355 = arith.constant 0 : i32
    %dma_wait3A_356 = tpu.memref_slice %arg2[%select_n3A, %add3A_50, %dma_wait3A_351, %dma_wait3A_355] : memref<16x768x16x196xf32, #tpu.memory_space<hbm>> -> memref<1x128x1x196xf32, #tpu.memory_space<hbm>>
    %dma_wait3A_357 = tpu.memref_squeeze %dma_wait3A_356 : memref<1x128x1x196xf32, #tpu.memory_space<hbm>> -> memref<128x196xf32, #tpu.memory_space<hbm>>
    tpu.wait_dma2 semaphore(%arg7 : memref<!tpu.dma_semaphore, #tpu.memory_space<semaphore_mem>>) src(%dma_wait3A_357 : memref<128x196xf32, #tpu.memory_space<hbm>>) dst(%arg5 : memref<128x196xf32, #tpu.memory_space<vmem>>)
    %dma_start3A_358 = arith.constant 1 : i32
    %dma_start3A_359 = arith.constant 0 : i32
    %dma_start3A_360 = tpu.memref_slice %arg3[%select_n3A, %add3A_50, %dma_start3A_358, %dma_start3A_359] : memref<16x768x8x196xf32, #tpu.memory_space<hbm>> -> memref<1x128x1x196xf32, #tpu.memory_space<hbm>>
    %dma_start3A_361 = tpu.memref_squeeze %dma_start3A_360 : memref<1x128x1x196xf32, #tpu.memory_space<hbm>> -> memref<128x196xf32, #tpu.memory_space<hbm>>
    %dma_start3A_362 = arith.constant 0 : i32
    %dma_start3A_363 = tpu.memref_slice %arg3[%select_n3A, %add3A_50, %dma_start3A_358, %dma_start3A_362] : memref<16x768x8x196xf32, #tpu.memory_space<hbm>> -> memref<1x128x1x196xf32, #tpu.memory_space<hbm>>
    %dma_start3A_364 = tpu.memref_squeeze %dma_start3A_363 : memref<1x128x1x196xf32, #tpu.memory_space<hbm>> -> memref<128x196xf32, #tpu.memory_space<hbm>>
    tpu.enqueue_dma source(%arg5 : memref<128x196xf32, #tpu.memory_space<vmem>>) target(%dma_start3A_364 : memref<128x196xf32, #tpu.memory_space<hbm>>) target_semaphore(%arg8 : memref<!tpu.dma_semaphore, #tpu.memory_space<semaphore_mem>>)
    %dma_wait3A_365 = arith.constant 1 : i32
    %dma_wait3A_366 = arith.constant 0 : i32
    %dma_wait3A_367 = tpu.memref_slice %arg3[%select_n3A, %add3A_48, %dma_wait3A_365, %dma_wait3A_366] : memref<16x768x8x196xf32, #tpu.memory_space<hbm>> -> memref<1x128x1x196xf32, #tpu.memory_space<hbm>>
    %dma_wait3A_368 = tpu.memref_squeeze %dma_wait3A_367 : memref<1x128x1x196xf32, #tpu.memory_space<hbm>> -> memref<128x196xf32, #tpu.memory_space<hbm>>
    %dma_wait3A_369 = arith.constant 0 : i32
    %dma_wait3A_370 = tpu.memref_slice %arg3[%select_n3A, %add3A_48, %dma_wait3A_365, %dma_wait3A_369] : memref<16x768x8x196xf32, #tpu.memory_space<hbm>> -> memref<1x128x1x196xf32, #tpu.memory_space<hbm>>
    %dma_wait3A_371 = tpu.memref_squeeze %dma_wait3A_370 : memref<1x128x1x196xf32, #tpu.memory_space<hbm>> -> memref<128x196xf32, #tpu.memory_space<hbm>>
    tpu.wait_dma2 semaphore(%arg9 : memref<!tpu.dma_semaphore, #tpu.memory_space<semaphore_mem>>) src(%arg6 : memref<128x196xf32, #tpu.memory_space<vmem>>) dst(%dma_wait3A_371 : memref<128x196xf32, #tpu.memory_space<hbm>>)
    %dma_start3A_372 = arith.constant 3 : i32
    %dma_start3A_373 = arith.constant 0 : i32
    %dma_start3A_374 = tpu.memref_slice %arg2[%select_n3A, %add3A_52, %dma_start3A_372, %dma_start3A_373] : memref<16x768x16x196xf32, #tpu.memory_space<hbm>> -> memref<1x128x1x196xf32, #tpu.memory_space<hbm>>
    %dma_start3A_375 = tpu.memref_squeeze %dma_start3A_374 : memref<1x128x1x196xf32, #tpu.memory_space<hbm>> -> memref<128x196xf32, #tpu.memory_space<hbm>>
    %dma_start3A_376 = arith.constant 0 : i32
    %dma_start3A_377 = tpu.memref_slice %arg2[%select_n3A, %add3A_52, %dma_start3A_372, %dma_start3A_376] : memref<16x768x16x196xf32, #tpu.memory_space<hbm>> -> memref<1x128x1x196xf32, #tpu.memory_space<hbm>>
    %dma_start3A_378 = tpu.memref_squeeze %dma_start3A_377 : memref<1x128x1x196xf32, #tpu.memory_space<hbm>> -> memref<128x196xf32, #tpu.memory_space<hbm>>
    tpu.enqueue_dma source(%dma_start3A_378 : memref<128x196xf32, #tpu.memory_space<hbm>>) target(%arg6 : memref<128x196xf32, #tpu.memory_space<vmem>>) target_semaphore(%arg7 : memref<!tpu.dma_semaphore, #tpu.memory_space<semaphore_mem>>)
    %dma_wait3A_379 = arith.constant 3 : i32
    %dma_wait3A_380 = arith.constant 0 : i32
    %dma_wait3A_381 = tpu.memref_slice %arg2[%select_n3A, %add3A_52, %dma_wait3A_379, %dma_wait3A_380] : memref<16x768x16x196xf32, #tpu.memory_space<hbm>> -> memref<1x128x1x196xf32, #tpu.memory_space<hbm>>
    %dma_wait3A_382 = tpu.memref_squeeze %dma_wait3A_381 : memref<1x128x1x196xf32, #tpu.memory_space<hbm>> -> memref<128x196xf32, #tpu.memory_space<hbm>>
    %dma_wait3A_383 = arith.constant 0 : i32
    %dma_wait3A_384 = tpu.memref_slice %arg2[%select_n3A, %add3A_52, %dma_wait3A_379, %dma_wait3A_383] : memref<16x768x16x196xf32, #tpu.memory_space<hbm>> -> memref<1x128x1x196xf32, #tpu.memory_space<hbm>>
    %dma_wait3A_385 = tpu.memref_squeeze %dma_wait3A_384 : memref<1x128x1x196xf32, #tpu.memory_space<hbm>> -> memref<128x196xf32, #tpu.memory_space<hbm>>
    tpu.wait_dma2 semaphore(%arg7 : memref<!tpu.dma_semaphore, #tpu.memory_space<semaphore_mem>>) src(%dma_wait3A_385 : memref<128x196xf32, #tpu.memory_space<hbm>>) dst(%arg6 : memref<128x196xf32, #tpu.memory_space<vmem>>)
    %dma_start3A_386 = arith.constant 1 : i32
    %dma_start3A_387 = arith.constant 0 : i32
    %dma_start3A_388 = tpu.memref_slice %arg4[%select_n3A, %add3A_52, %dma_start3A_386, %dma_start3A_387] : memref<16x768x8x196xf32, #tpu.memory_space<hbm>> -> memref<1x128x1x196xf32, #tpu.memory_space<hbm>>
    %dma_start3A_389 = tpu.memref_squeeze %dma_start3A_388 : memref<1x128x1x196xf32, #tpu.memory_space<hbm>> -> memref<128x196xf32, #tpu.memory_space<hbm>>
    %dma_start3A_390 = arith.constant 0 : i32
    %dma_start3A_391 = tpu.memref_slice %arg4[%select_n3A, %add3A_52, %dma_start3A_386, %dma_start3A_390] : memref<16x768x8x196xf32, #tpu.memory_space<hbm>> -> memref<1x128x1x196xf32, #tpu.memory_space<hbm>>
    %dma_start3A_392 = tpu.memref_squeeze %dma_start3A_391 : memref<1x128x1x196xf32, #tpu.memory_space<hbm>> -> memref<128x196xf32, #tpu.memory_space<hbm>>
    tpu.enqueue_dma source(%arg6 : memref<128x196xf32, #tpu.memory_space<vmem>>) target(%dma_start3A_392 : memref<128x196xf32, #tpu.memory_space<hbm>>) target_semaphore(%arg9 : memref<!tpu.dma_semaphore, #tpu.memory_space<semaphore_mem>>)
    %dma_wait3A_393 = arith.constant 1 : i32
    %dma_wait3A_394 = arith.constant 0 : i32
    %dma_wait3A_395 = tpu.memref_slice %arg3[%select_n3A, %add3A_50, %dma_wait3A_393, %dma_wait3A_394] : memref<16x768x8x196xf32, #tpu.memory_space<hbm>> -> memref<1x128x1x196xf32, #tpu.memory_space<hbm>>
    %dma_wait3A_396 = tpu.memref_squeeze %dma_wait3A_395 : memref<1x128x1x196xf32, #tpu.memory_space<hbm>> -> memref<128x196xf32, #tpu.memory_space<hbm>>
    %dma_wait3A_397 = arith.constant 0 : i32
    %dma_wait3A_398 = tpu.memref_slice %arg3[%select_n3A, %add3A_50, %dma_wait3A_393, %dma_wait3A_397] : memref<16x768x8x196xf32, #tpu.memory_space<hbm>> -> memref<1x128x1x196xf32, #tpu.memory_space<hbm>>
    %dma_wait3A_399 = tpu.memref_squeeze %dma_wait3A_398 : memref<1x128x1x196xf32, #tpu.memory_space<hbm>> -> memref<128x196xf32, #tpu.memory_space<hbm>>
    tpu.wait_dma2 semaphore(%arg8 : memref<!tpu.dma_semaphore, #tpu.memory_space<semaphore_mem>>) src(%arg5 : memref<128x196xf32, #tpu.memory_space<vmem>>) dst(%dma_wait3A_399 : memref<128x196xf32, #tpu.memory_space<hbm>>)
    %dma_start3A_400 = arith.constant 3 : i32
    %dma_start3A_401 = arith.constant 0 : i32
    %dma_start3A_402 = tpu.memref_slice %arg2[%select_n3A, %add3A_54, %dma_start3A_400, %dma_start3A_401] : memref<16x768x16x196xf32, #tpu.memory_space<hbm>> -> memref<1x128x1x196xf32, #tpu.memory_space<hbm>>
    %dma_start3A_403 = tpu.memref_squeeze %dma_start3A_402 : memref<1x128x1x196xf32, #tpu.memory_space<hbm>> -> memref<128x196xf32, #tpu.memory_space<hbm>>
    %dma_start3A_404 = arith.constant 0 : i32
    %dma_start3A_405 = tpu.memref_slice %arg2[%select_n3A, %add3A_54, %dma_start3A_400, %dma_start3A_404] : memref<16x768x16x196xf32, #tpu.memory_space<hbm>> -> memref<1x128x1x196xf32, #tpu.memory_space<hbm>>
    %dma_start3A_406 = tpu.memref_squeeze %dma_start3A_405 : memref<1x128x1x196xf32, #tpu.memory_space<hbm>> -> memref<128x196xf32, #tpu.memory_space<hbm>>
    tpu.enqueue_dma source(%dma_start3A_406 : memref<128x196xf32, #tpu.memory_space<hbm>>) target(%arg5 : memref<128x196xf32, #tpu.memory_space<vmem>>) target_semaphore(%arg7 : memref<!tpu.dma_semaphore, #tpu.memory_space<semaphore_mem>>)
    %dma_wait3A_407 = arith.constant 3 : i32
    %dma_wait3A_408 = arith.constant 0 : i32
    %dma_wait3A_409 = tpu.memref_slice %arg2[%select_n3A, %add3A_54, %dma_wait3A_407, %dma_wait3A_408] : memref<16x768x16x196xf32, #tpu.memory_space<hbm>> -> memref<1x128x1x196xf32, #tpu.memory_space<hbm>>
    %dma_wait3A_410 = tpu.memref_squeeze %dma_wait3A_409 : memref<1x128x1x196xf32, #tpu.memory_space<hbm>> -> memref<128x196xf32, #tpu.memory_space<hbm>>
    %dma_wait3A_411 = arith.constant 0 : i32
    %dma_wait3A_412 = tpu.memref_slice %arg2[%select_n3A, %add3A_54, %dma_wait3A_407, %dma_wait3A_411] : memref<16x768x16x196xf32, #tpu.memory_space<hbm>> -> memref<1x128x1x196xf32, #tpu.memory_space<hbm>>
    %dma_wait3A_413 = tpu.memref_squeeze %dma_wait3A_412 : memref<1x128x1x196xf32, #tpu.memory_space<hbm>> -> memref<128x196xf32, #tpu.memory_space<hbm>>
    tpu.wait_dma2 semaphore(%arg7 : memref<!tpu.dma_semaphore, #tpu.memory_space<semaphore_mem>>) src(%dma_wait3A_413 : memref<128x196xf32, #tpu.memory_space<hbm>>) dst(%arg5 : memref<128x196xf32, #tpu.memory_space<vmem>>)
    %dma_start3A_414 = arith.constant 1 : i32
    %dma_start3A_415 = arith.constant 0 : i32
    %dma_start3A_416 = tpu.memref_slice %arg4[%select_n3A, %add3A_54, %dma_start3A_414, %dma_start3A_415] : memref<16x768x8x196xf32, #tpu.memory_space<hbm>> -> memref<1x128x1x196xf32, #tpu.memory_space<hbm>>
    %dma_start3A_417 = tpu.memref_squeeze %dma_start3A_416 : memref<1x128x1x196xf32, #tpu.memory_space<hbm>> -> memref<128x196xf32, #tpu.memory_space<hbm>>
    %dma_start3A_418 = arith.constant 0 : i32
    %dma_start3A_419 = tpu.memref_slice %arg4[%select_n3A, %add3A_54, %dma_start3A_414, %dma_start3A_418] : memref<16x768x8x196xf32, #tpu.memory_space<hbm>> -> memref<1x128x1x196xf32, #tpu.memory_space<hbm>>
    %dma_start3A_420 = tpu.memref_squeeze %dma_start3A_419 : memref<1x128x1x196xf32, #tpu.memory_space<hbm>> -> memref<128x196xf32, #tpu.memory_space<hbm>>
    tpu.enqueue_dma source(%arg5 : memref<128x196xf32, #tpu.memory_space<vmem>>) target(%dma_start3A_420 : memref<128x196xf32, #tpu.memory_space<hbm>>) target_semaphore(%arg8 : memref<!tpu.dma_semaphore, #tpu.memory_space<semaphore_mem>>)
    %dma_wait3A_421 = arith.constant 1 : i32
    %dma_wait3A_422 = arith.constant 0 : i32
    %dma_wait3A_423 = tpu.memref_slice %arg4[%select_n3A, %add3A_52, %dma_wait3A_421, %dma_wait3A_422] : memref<16x768x8x196xf32, #tpu.memory_space<hbm>> -> memref<1x128x1x196xf32, #tpu.memory_space<hbm>>
    %dma_wait3A_424 = tpu.memref_squeeze %dma_wait3A_423 : memref<1x128x1x196xf32, #tpu.memory_space<hbm>> -> memref<128x196xf32, #tpu.memory_space<hbm>>
    %dma_wait3A_425 = arith.constant 0 : i32
    %dma_wait3A_426 = tpu.memref_slice %arg4[%select_n3A, %add3A_52, %dma_wait3A_421, %dma_wait3A_425] : memref<16x768x8x196xf32, #tpu.memory_space<hbm>> -> memref<1x128x1x196xf32, #tpu.memory_space<hbm>>
    %dma_wait3A_427 = tpu.memref_squeeze %dma_wait3A_426 : memref<1x128x1x196xf32, #tpu.memory_space<hbm>> -> memref<128x196xf32, #tpu.memory_space<hbm>>
    tpu.wait_dma2 semaphore(%arg9 : memref<!tpu.dma_semaphore, #tpu.memory_space<semaphore_mem>>) src(%arg6 : memref<128x196xf32, #tpu.memory_space<vmem>>) dst(%dma_wait3A_427 : memref<128x196xf32, #tpu.memory_space<hbm>>)
    %dma_start3A_428 = arith.constant 3 : i32
    %dma_start3A_429 = arith.constant 0 : i32
    %dma_start3A_430 = tpu.memref_slice %arg2[%select_n3A, %add3A_56, %dma_start3A_428, %dma_start3A_429] : memref<16x768x16x196xf32, #tpu.memory_space<hbm>> -> memref<1x128x1x196xf32, #tpu.memory_space<hbm>>
    %dma_start3A_431 = tpu.memref_squeeze %dma_start3A_430 : memref<1x128x1x196xf32, #tpu.memory_space<hbm>> -> memref<128x196xf32, #tpu.memory_space<hbm>>
    %dma_start3A_432 = arith.constant 0 : i32
    %dma_start3A_433 = tpu.memref_slice %arg2[%select_n3A, %add3A_56, %dma_start3A_428, %dma_start3A_432] : memref<16x768x16x196xf32, #tpu.memory_space<hbm>> -> memref<1x128x1x196xf32, #tpu.memory_space<hbm>>
    %dma_start3A_434 = tpu.memref_squeeze %dma_start3A_433 : memref<1x128x1x196xf32, #tpu.memory_space<hbm>> -> memref<128x196xf32, #tpu.memory_space<hbm>>
    tpu.enqueue_dma source(%dma_start3A_434 : memref<128x196xf32, #tpu.memory_space<hbm>>) target(%arg6 : memref<128x196xf32, #tpu.memory_space<vmem>>) target_semaphore(%arg7 : memref<!tpu.dma_semaphore, #tpu.memory_space<semaphore_mem>>)
    %dma_wait3A_435 = arith.constant 3 : i32
    %dma_wait3A_436 = arith.constant 0 : i32
    %dma_wait3A_437 = tpu.memref_slice %arg2[%select_n3A, %add3A_56, %dma_wait3A_435, %dma_wait3A_436] : memref<16x768x16x196xf32, #tpu.memory_space<hbm>> -> memref<1x128x1x196xf32, #tpu.memory_space<hbm>>
    %dma_wait3A_438 = tpu.memref_squeeze %dma_wait3A_437 : memref<1x128x1x196xf32, #tpu.memory_space<hbm>> -> memref<128x196xf32, #tpu.memory_space<hbm>>
    %dma_wait3A_439 = arith.constant 0 : i32
    %dma_wait3A_440 = tpu.memref_slice %arg2[%select_n3A, %add3A_56, %dma_wait3A_435, %dma_wait3A_439] : memref<16x768x16x196xf32, #tpu.memory_space<hbm>> -> memref<1x128x1x196xf32, #tpu.memory_space<hbm>>
    %dma_wait3A_441 = tpu.memref_squeeze %dma_wait3A_440 : memref<1x128x1x196xf32, #tpu.memory_space<hbm>> -> memref<128x196xf32, #tpu.memory_space<hbm>>
    tpu.wait_dma2 semaphore(%arg7 : memref<!tpu.dma_semaphore, #tpu.memory_space<semaphore_mem>>) src(%dma_wait3A_441 : memref<128x196xf32, #tpu.memory_space<hbm>>) dst(%arg6 : memref<128x196xf32, #tpu.memory_space<vmem>>)
    %dma_start3A_442 = arith.constant 1 : i32
    %dma_start3A_443 = arith.constant 0 : i32
    %dma_start3A_444 = tpu.memref_slice %arg4[%select_n3A, %add3A_56, %dma_start3A_442, %dma_start3A_443] : memref<16x768x8x196xf32, #tpu.memory_space<hbm>> -> memref<1x128x1x196xf32, #tpu.memory_space<hbm>>
    %dma_start3A_445 = tpu.memref_squeeze %dma_start3A_444 : memref<1x128x1x196xf32, #tpu.memory_space<hbm>> -> memref<128x196xf32, #tpu.memory_space<hbm>>
    %dma_start3A_446 = arith.constant 0 : i32
    %dma_start3A_447 = tpu.memref_slice %arg4[%select_n3A, %add3A_56, %dma_start3A_442, %dma_start3A_446] : memref<16x768x8x196xf32, #tpu.memory_space<hbm>> -> memref<1x128x1x196xf32, #tpu.memory_space<hbm>>
    %dma_start3A_448 = tpu.memref_squeeze %dma_start3A_447 : memref<1x128x1x196xf32, #tpu.memory_space<hbm>> -> memref<128x196xf32, #tpu.memory_space<hbm>>
    tpu.enqueue_dma source(%arg6 : memref<128x196xf32, #tpu.memory_space<vmem>>) target(%dma_start3A_448 : memref<128x196xf32, #tpu.memory_space<hbm>>) target_semaphore(%arg9 : memref<!tpu.dma_semaphore, #tpu.memory_space<semaphore_mem>>)
    %dma_wait3A_449 = arith.constant 1 : i32
    %dma_wait3A_450 = arith.constant 0 : i32
    %dma_wait3A_451 = tpu.memref_slice %arg4[%select_n3A, %add3A_54, %dma_wait3A_449, %dma_wait3A_450] : memref<16x768x8x196xf32, #tpu.memory_space<hbm>> -> memref<1x128x1x196xf32, #tpu.memory_space<hbm>>
    %dma_wait3A_452 = tpu.memref_squeeze %dma_wait3A_451 : memref<1x128x1x196xf32, #tpu.memory_space<hbm>> -> memref<128x196xf32, #tpu.memory_space<hbm>>
    %dma_wait3A_453 = arith.constant 0 : i32
    %dma_wait3A_454 = tpu.memref_slice %arg4[%select_n3A, %add3A_54, %dma_wait3A_449, %dma_wait3A_453] : memref<16x768x8x196xf32, #tpu.memory_space<hbm>> -> memref<1x128x1x196xf32, #tpu.memory_space<hbm>>
    %dma_wait3A_455 = tpu.memref_squeeze %dma_wait3A_454 : memref<1x128x1x196xf32, #tpu.memory_space<hbm>> -> memref<128x196xf32, #tpu.memory_space<hbm>>
    tpu.wait_dma2 semaphore(%arg8 : memref<!tpu.dma_semaphore, #tpu.memory_space<semaphore_mem>>) src(%arg5 : memref<128x196xf32, #tpu.memory_space<vmem>>) dst(%dma_wait3A_455 : memref<128x196xf32, #tpu.memory_space<hbm>>)
    %dma_start3A_456 = arith.constant 4 : i32
    %dma_start3A_457 = arith.constant 0 : i32
    %dma_start3A_458 = tpu.memref_slice %arg2[%select_n3A, %add3A_58, %dma_start3A_456, %dma_start3A_457] : memref<16x768x16x196xf32, #tpu.memory_space<hbm>> -> memref<1x128x1x196xf32, #tpu.memory_space<hbm>>
    %dma_start3A_459 = tpu.memref_squeeze %dma_start3A_458 : memref<1x128x1x196xf32, #tpu.memory_space<hbm>> -> memref<128x196xf32, #tpu.memory_space<hbm>>
    %dma_start3A_460 = arith.constant 0 : i32
    %dma_start3A_461 = tpu.memref_slice %arg2[%select_n3A, %add3A_58, %dma_start3A_456, %dma_start3A_460] : memref<16x768x16x196xf32, #tpu.memory_space<hbm>> -> memref<1x128x1x196xf32, #tpu.memory_space<hbm>>
    %dma_start3A_462 = tpu.memref_squeeze %dma_start3A_461 : memref<1x128x1x196xf32, #tpu.memory_space<hbm>> -> memref<128x196xf32, #tpu.memory_space<hbm>>
    tpu.enqueue_dma source(%dma_start3A_462 : memref<128x196xf32, #tpu.memory_space<hbm>>) target(%arg5 : memref<128x196xf32, #tpu.memory_space<vmem>>) target_semaphore(%arg7 : memref<!tpu.dma_semaphore, #tpu.memory_space<semaphore_mem>>)
    %dma_wait3A_463 = arith.constant 4 : i32
    %dma_wait3A_464 = arith.constant 0 : i32
    %dma_wait3A_465 = tpu.memref_slice %arg2[%select_n3A, %add3A_58, %dma_wait3A_463, %dma_wait3A_464] : memref<16x768x16x196xf32, #tpu.memory_space<hbm>> -> memref<1x128x1x196xf32, #tpu.memory_space<hbm>>
    %dma_wait3A_466 = tpu.memref_squeeze %dma_wait3A_465 : memref<1x128x1x196xf32, #tpu.memory_space<hbm>> -> memref<128x196xf32, #tpu.memory_space<hbm>>
    %dma_wait3A_467 = arith.constant 0 : i32
    %dma_wait3A_468 = tpu.memref_slice %arg2[%select_n3A, %add3A_58, %dma_wait3A_463, %dma_wait3A_467] : memref<16x768x16x196xf32, #tpu.memory_space<hbm>> -> memref<1x128x1x196xf32, #tpu.memory_space<hbm>>
    %dma_wait3A_469 = tpu.memref_squeeze %dma_wait3A_468 : memref<1x128x1x196xf32, #tpu.memory_space<hbm>> -> memref<128x196xf32, #tpu.memory_space<hbm>>
    tpu.wait_dma2 semaphore(%arg7 : memref<!tpu.dma_semaphore, #tpu.memory_space<semaphore_mem>>) src(%dma_wait3A_469 : memref<128x196xf32, #tpu.memory_space<hbm>>) dst(%arg5 : memref<128x196xf32, #tpu.memory_space<vmem>>)
    %dma_start3A_470 = arith.constant 2 : i32
    %dma_start3A_471 = arith.constant 0 : i32
    %dma_start3A_472 = tpu.memref_slice %arg3[%select_n3A, %add3A_58, %dma_start3A_470, %dma_start3A_471] : memref<16x768x8x196xf32, #tpu.memory_space<hbm>> -> memref<1x128x1x196xf32, #tpu.memory_space<hbm>>
    %dma_start3A_473 = tpu.memref_squeeze %dma_start3A_472 : memref<1x128x1x196xf32, #tpu.memory_space<hbm>> -> memref<128x196xf32, #tpu.memory_space<hbm>>
    %dma_start3A_474 = arith.constant 0 : i32
    %dma_start3A_475 = tpu.memref_slice %arg3[%select_n3A, %add3A_58, %dma_start3A_470, %dma_start3A_474] : memref<16x768x8x196xf32, #tpu.memory_space<hbm>> -> memref<1x128x1x196xf32, #tpu.memory_space<hbm>>
    %dma_start3A_476 = tpu.memref_squeeze %dma_start3A_475 : memref<1x128x1x196xf32, #tpu.memory_space<hbm>> -> memref<128x196xf32, #tpu.memory_space<hbm>>
    tpu.enqueue_dma source(%arg5 : memref<128x196xf32, #tpu.memory_space<vmem>>) target(%dma_start3A_476 : memref<128x196xf32, #tpu.memory_space<hbm>>) target_semaphore(%arg8 : memref<!tpu.dma_semaphore, #tpu.memory_space<semaphore_mem>>)
    %dma_wait3A_477 = arith.constant 1 : i32
    %dma_wait3A_478 = arith.constant 0 : i32
    %dma_wait3A_479 = tpu.memref_slice %arg4[%select_n3A, %add3A_56, %dma_wait3A_477, %dma_wait3A_478] : memref<16x768x8x196xf32, #tpu.memory_space<hbm>> -> memref<1x128x1x196xf32, #tpu.memory_space<hbm>>
    %dma_wait3A_480 = tpu.memref_squeeze %dma_wait3A_479 : memref<1x128x1x196xf32, #tpu.memory_space<hbm>> -> memref<128x196xf32, #tpu.memory_space<hbm>>
    %dma_wait3A_481 = arith.constant 0 : i32
    %dma_wait3A_482 = tpu.memref_slice %arg4[%select_n3A, %add3A_56, %dma_wait3A_477, %dma_wait3A_481] : memref<16x768x8x196xf32, #tpu.memory_space<hbm>> -> memref<1x128x1x196xf32, #tpu.memory_space<hbm>>
    %dma_wait3A_483 = tpu.memref_squeeze %dma_wait3A_482 : memref<1x128x1x196xf32, #tpu.memory_space<hbm>> -> memref<128x196xf32, #tpu.memory_space<hbm>>
    tpu.wait_dma2 semaphore(%arg9 : memref<!tpu.dma_semaphore, #tpu.memory_space<semaphore_mem>>) src(%arg6 : memref<128x196xf32, #tpu.memory_space<vmem>>) dst(%dma_wait3A_483 : memref<128x196xf32, #tpu.memory_space<hbm>>)
    %dma_start3A_484 = arith.constant 4 : i32
    %dma_start3A_485 = arith.constant 0 : i32
    %dma_start3A_486 = tpu.memref_slice %arg2[%select_n3A, %add3A_60, %dma_start3A_484, %dma_start3A_485] : memref<16x768x16x196xf32, #tpu.memory_space<hbm>> -> memref<1x128x1x196xf32, #tpu.memory_space<hbm>>
    %dma_start3A_487 = tpu.memref_squeeze %dma_start3A_486 : memref<1x128x1x196xf32, #tpu.memory_space<hbm>> -> memref<128x196xf32, #tpu.memory_space<hbm>>
    %dma_start3A_488 = arith.constant 0 : i32
    %dma_start3A_489 = tpu.memref_slice %arg2[%select_n3A, %add3A_60, %dma_start3A_484, %dma_start3A_488] : memref<16x768x16x196xf32, #tpu.memory_space<hbm>> -> memref<1x128x1x196xf32, #tpu.memory_space<hbm>>
    %dma_start3A_490 = tpu.memref_squeeze %dma_start3A_489 : memref<1x128x1x196xf32, #tpu.memory_space<hbm>> -> memref<128x196xf32, #tpu.memory_space<hbm>>
    tpu.enqueue_dma source(%dma_start3A_490 : memref<128x196xf32, #tpu.memory_space<hbm>>) target(%arg6 : memref<128x196xf32, #tpu.memory_space<vmem>>) target_semaphore(%arg7 : memref<!tpu.dma_semaphore, #tpu.memory_space<semaphore_mem>>)
    %dma_wait3A_491 = arith.constant 4 : i32
    %dma_wait3A_492 = arith.constant 0 : i32
    %dma_wait3A_493 = tpu.memref_slice %arg2[%select_n3A, %add3A_60, %dma_wait3A_491, %dma_wait3A_492] : memref<16x768x16x196xf32, #tpu.memory_space<hbm>> -> memref<1x128x1x196xf32, #tpu.memory_space<hbm>>
    %dma_wait3A_494 = tpu.memref_squeeze %dma_wait3A_493 : memref<1x128x1x196xf32, #tpu.memory_space<hbm>> -> memref<128x196xf32, #tpu.memory_space<hbm>>
    %dma_wait3A_495 = arith.constant 0 : i32
    %dma_wait3A_496 = tpu.memref_slice %arg2[%select_n3A, %add3A_60, %dma_wait3A_491, %dma_wait3A_495] : memref<16x768x16x196xf32, #tpu.memory_space<hbm>> -> memref<1x128x1x196xf32, #tpu.memory_space<hbm>>
    %dma_wait3A_497 = tpu.memref_squeeze %dma_wait3A_496 : memref<1x128x1x196xf32, #tpu.memory_space<hbm>> -> memref<128x196xf32, #tpu.memory_space<hbm>>
    tpu.wait_dma2 semaphore(%arg7 : memref<!tpu.dma_semaphore, #tpu.memory_space<semaphore_mem>>) src(%dma_wait3A_497 : memref<128x196xf32, #tpu.memory_space<hbm>>) dst(%arg6 : memref<128x196xf32, #tpu.memory_space<vmem>>)
    %dma_start3A_498 = arith.constant 2 : i32
    %dma_start3A_499 = arith.constant 0 : i32
    %dma_start3A_500 = tpu.memref_slice %arg3[%select_n3A, %add3A_60, %dma_start3A_498, %dma_start3A_499] : memref<16x768x8x196xf32, #tpu.memory_space<hbm>> -> memref<1x128x1x196xf32, #tpu.memory_space<hbm>>
    %dma_start3A_501 = tpu.memref_squeeze %dma_start3A_500 : memref<1x128x1x196xf32, #tpu.memory_space<hbm>> -> memref<128x196xf32, #tpu.memory_space<hbm>>
    %dma_start3A_502 = arith.constant 0 : i32
    %dma_start3A_503 = tpu.memref_slice %arg3[%select_n3A, %add3A_60, %dma_start3A_498, %dma_start3A_502] : memref<16x768x8x196xf32, #tpu.memory_space<hbm>> -> memref<1x128x1x196xf32, #tpu.memory_space<hbm>>
    %dma_start3A_504 = tpu.memref_squeeze %dma_start3A_503 : memref<1x128x1x196xf32, #tpu.memory_space<hbm>> -> memref<128x196xf32, #tpu.memory_space<hbm>>
    tpu.enqueue_dma source(%arg6 : memref<128x196xf32, #tpu.memory_space<vmem>>) target(%dma_start3A_504 : memref<128x196xf32, #tpu.memory_space<hbm>>) target_semaphore(%arg9 : memref<!tpu.dma_semaphore, #tpu.memory_space<semaphore_mem>>)
    %dma_wait3A_505 = arith.constant 2 : i32
    %dma_wait3A_506 = arith.constant 0 : i32
    %dma_wait3A_507 = tpu.memref_slice %arg3[%select_n3A, %add3A_58, %dma_wait3A_505, %dma_wait3A_506] : memref<16x768x8x196xf32, #tpu.memory_space<hbm>> -> memref<1x128x1x196xf32, #tpu.memory_space<hbm>>
    %dma_wait3A_508 = tpu.memref_squeeze %dma_wait3A_507 : memref<1x128x1x196xf32, #tpu.memory_space<hbm>> -> memref<128x196xf32, #tpu.memory_space<hbm>>
    %dma_wait3A_509 = arith.constant 0 : i32
    %dma_wait3A_510 = tpu.memref_slice %arg3[%select_n3A, %add3A_58, %dma_wait3A_505, %dma_wait3A_509] : memref<16x768x8x196xf32, #tpu.memory_space<hbm>> -> memref<1x128x1x196xf32, #tpu.memory_space<hbm>>
    %dma_wait3A_511 = tpu.memref_squeeze %dma_wait3A_510 : memref<1x128x1x196xf32, #tpu.memory_space<hbm>> -> memref<128x196xf32, #tpu.memory_space<hbm>>
    tpu.wait_dma2 semaphore(%arg8 : memref<!tpu.dma_semaphore, #tpu.memory_space<semaphore_mem>>) src(%arg5 : memref<128x196xf32, #tpu.memory_space<vmem>>) dst(%dma_wait3A_511 : memref<128x196xf32, #tpu.memory_space<hbm>>)
    %dma_start3A_512 = arith.constant 4 : i32
    %dma_start3A_513 = arith.constant 0 : i32
    %dma_start3A_514 = tpu.memref_slice %arg2[%select_n3A, %add3A_62, %dma_start3A_512, %dma_start3A_513] : memref<16x768x16x196xf32, #tpu.memory_space<hbm>> -> memref<1x128x1x196xf32, #tpu.memory_space<hbm>>
    %dma_start3A_515 = tpu.memref_squeeze %dma_start3A_514 : memref<1x128x1x196xf32, #tpu.memory_space<hbm>> -> memref<128x196xf32, #tpu.memory_space<hbm>>
    %dma_start3A_516 = arith.constant 0 : i32
    %dma_start3A_517 = tpu.memref_slice %arg2[%select_n3A, %add3A_62, %dma_start3A_512, %dma_start3A_516] : memref<16x768x16x196xf32, #tpu.memory_space<hbm>> -> memref<1x128x1x196xf32, #tpu.memory_space<hbm>>
    %dma_start3A_518 = tpu.memref_squeeze %dma_start3A_517 : memref<1x128x1x196xf32, #tpu.memory_space<hbm>> -> memref<128x196xf32, #tpu.memory_space<hbm>>
    tpu.enqueue_dma source(%dma_start3A_518 : memref<128x196xf32, #tpu.memory_space<hbm>>) target(%arg5 : memref<128x196xf32, #tpu.memory_space<vmem>>) target_semaphore(%arg7 : memref<!tpu.dma_semaphore, #tpu.memory_space<semaphore_mem>>)
    %dma_wait3A_519 = arith.constant 4 : i32
    %dma_wait3A_520 = arith.constant 0 : i32
    %dma_wait3A_521 = tpu.memref_slice %arg2[%select_n3A, %add3A_62, %dma_wait3A_519, %dma_wait3A_520] : memref<16x768x16x196xf32, #tpu.memory_space<hbm>> -> memref<1x128x1x196xf32, #tpu.memory_space<hbm>>
    %dma_wait3A_522 = tpu.memref_squeeze %dma_wait3A_521 : memref<1x128x1x196xf32, #tpu.memory_space<hbm>> -> memref<128x196xf32, #tpu.memory_space<hbm>>
    %dma_wait3A_523 = arith.constant 0 : i32
    %dma_wait3A_524 = tpu.memref_slice %arg2[%select_n3A, %add3A_62, %dma_wait3A_519, %dma_wait3A_523] : memref<16x768x16x196xf32, #tpu.memory_space<hbm>> -> memref<1x128x1x196xf32, #tpu.memory_space<hbm>>
    %dma_wait3A_525 = tpu.memref_squeeze %dma_wait3A_524 : memref<1x128x1x196xf32, #tpu.memory_space<hbm>> -> memref<128x196xf32, #tpu.memory_space<hbm>>
    tpu.wait_dma2 semaphore(%arg7 : memref<!tpu.dma_semaphore, #tpu.memory_space<semaphore_mem>>) src(%dma_wait3A_525 : memref<128x196xf32, #tpu.memory_space<hbm>>) dst(%arg5 : memref<128x196xf32, #tpu.memory_space<vmem>>)
    %dma_start3A_526 = arith.constant 2 : i32
    %dma_start3A_527 = arith.constant 0 : i32
    %dma_start3A_528 = tpu.memref_slice %arg3[%select_n3A, %add3A_62, %dma_start3A_526, %dma_start3A_527] : memref<16x768x8x196xf32, #tpu.memory_space<hbm>> -> memref<1x128x1x196xf32, #tpu.memory_space<hbm>>
    %dma_start3A_529 = tpu.memref_squeeze %dma_start3A_528 : memref<1x128x1x196xf32, #tpu.memory_space<hbm>> -> memref<128x196xf32, #tpu.memory_space<hbm>>
    %dma_start3A_530 = arith.constant 0 : i32
    %dma_start3A_531 = tpu.memref_slice %arg3[%select_n3A, %add3A_62, %dma_start3A_526, %dma_start3A_530] : memref<16x768x8x196xf32, #tpu.memory_space<hbm>> -> memref<1x128x1x196xf32, #tpu.memory_space<hbm>>
    %dma_start3A_532 = tpu.memref_squeeze %dma_start3A_531 : memref<1x128x1x196xf32, #tpu.memory_space<hbm>> -> memref<128x196xf32, #tpu.memory_space<hbm>>
    tpu.enqueue_dma source(%arg5 : memref<128x196xf32, #tpu.memory_space<vmem>>) target(%dma_start3A_532 : memref<128x196xf32, #tpu.memory_space<hbm>>) target_semaphore(%arg8 : memref<!tpu.dma_semaphore, #tpu.memory_space<semaphore_mem>>)
    %dma_wait3A_533 = arith.constant 2 : i32
    %dma_wait3A_534 = arith.constant 0 : i32
    %dma_wait3A_535 = tpu.memref_slice %arg3[%select_n3A, %add3A_60, %dma_wait3A_533, %dma_wait3A_534] : memref<16x768x8x196xf32, #tpu.memory_space<hbm>> -> memref<1x128x1x196xf32, #tpu.memory_space<hbm>>
    %dma_wait3A_536 = tpu.memref_squeeze %dma_wait3A_535 : memref<1x128x1x196xf32, #tpu.memory_space<hbm>> -> memref<128x196xf32, #tpu.memory_space<hbm>>
    %dma_wait3A_537 = arith.constant 0 : i32
    %dma_wait3A_538 = tpu.memref_slice %arg3[%select_n3A, %add3A_60, %dma_wait3A_533, %dma_wait3A_537] : memref<16x768x8x196xf32, #tpu.memory_space<hbm>> -> memref<1x128x1x196xf32, #tpu.memory_space<hbm>>
    %dma_wait3A_539 = tpu.memref_squeeze %dma_wait3A_538 : memref<1x128x1x196xf32, #tpu.memory_space<hbm>> -> memref<128x196xf32, #tpu.memory_space<hbm>>
    tpu.wait_dma2 semaphore(%arg9 : memref<!tpu.dma_semaphore, #tpu.memory_space<semaphore_mem>>) src(%arg6 : memref<128x196xf32, #tpu.memory_space<vmem>>) dst(%dma_wait3A_539 : memref<128x196xf32, #tpu.memory_space<hbm>>)
    %dma_start3A_540 = arith.constant 5 : i32
    %dma_start3A_541 = arith.constant 0 : i32
    %dma_start3A_542 = tpu.memref_slice %arg2[%select_n3A, %add3A_64, %dma_start3A_540, %dma_start3A_541] : memref<16x768x16x196xf32, #tpu.memory_space<hbm>> -> memref<1x128x1x196xf32, #tpu.memory_space<hbm>>
    %dma_start3A_543 = tpu.memref_squeeze %dma_start3A_542 : memref<1x128x1x196xf32, #tpu.memory_space<hbm>> -> memref<128x196xf32, #tpu.memory_space<hbm>>
    %dma_start3A_544 = arith.constant 0 : i32
    %dma_start3A_545 = tpu.memref_slice %arg2[%select_n3A, %add3A_64, %dma_start3A_540, %dma_start3A_544] : memref<16x768x16x196xf32, #tpu.memory_space<hbm>> -> memref<1x128x1x196xf32, #tpu.memory_space<hbm>>
    %dma_start3A_546 = tpu.memref_squeeze %dma_start3A_545 : memref<1x128x1x196xf32, #tpu.memory_space<hbm>> -> memref<128x196xf32, #tpu.memory_space<hbm>>
    tpu.enqueue_dma source(%dma_start3A_546 : memref<128x196xf32, #tpu.memory_space<hbm>>) target(%arg6 : memref<128x196xf32, #tpu.memory_space<vmem>>) target_semaphore(%arg7 : memref<!tpu.dma_semaphore, #tpu.memory_space<semaphore_mem>>)
    %dma_wait3A_547 = arith.constant 5 : i32
    %dma_wait3A_548 = arith.constant 0 : i32
    %dma_wait3A_549 = tpu.memref_slice %arg2[%select_n3A, %add3A_64, %dma_wait3A_547, %dma_wait3A_548] : memref<16x768x16x196xf32, #tpu.memory_space<hbm>> -> memref<1x128x1x196xf32, #tpu.memory_space<hbm>>
    %dma_wait3A_550 = tpu.memref_squeeze %dma_wait3A_549 : memref<1x128x1x196xf32, #tpu.memory_space<hbm>> -> memref<128x196xf32, #tpu.memory_space<hbm>>
    %dma_wait3A_551 = arith.constant 0 : i32
    %dma_wait3A_552 = tpu.memref_slice %arg2[%select_n3A, %add3A_64, %dma_wait3A_547, %dma_wait3A_551] : memref<16x768x16x196xf32, #tpu.memory_space<hbm>> -> memref<1x128x1x196xf32, #tpu.memory_space<hbm>>
    %dma_wait3A_553 = tpu.memref_squeeze %dma_wait3A_552 : memref<1x128x1x196xf32, #tpu.memory_space<hbm>> -> memref<128x196xf32, #tpu.memory_space<hbm>>
    tpu.wait_dma2 semaphore(%arg7 : memref<!tpu.dma_semaphore, #tpu.memory_space<semaphore_mem>>) src(%dma_wait3A_553 : memref<128x196xf32, #tpu.memory_space<hbm>>) dst(%arg6 : memref<128x196xf32, #tpu.memory_space<vmem>>)
    %dma_start3A_554 = arith.constant 2 : i32
    %dma_start3A_555 = arith.constant 0 : i32
    %dma_start3A_556 = tpu.memref_slice %arg4[%select_n3A, %add3A_64, %dma_start3A_554, %dma_start3A_555] : memref<16x768x8x196xf32, #tpu.memory_space<hbm>> -> memref<1x128x1x196xf32, #tpu.memory_space<hbm>>
    %dma_start3A_557 = tpu.memref_squeeze %dma_start3A_556 : memref<1x128x1x196xf32, #tpu.memory_space<hbm>> -> memref<128x196xf32, #tpu.memory_space<hbm>>
    %dma_start3A_558 = arith.constant 0 : i32
    %dma_start3A_559 = tpu.memref_slice %arg4[%select_n3A, %add3A_64, %dma_start3A_554, %dma_start3A_558] : memref<16x768x8x196xf32, #tpu.memory_space<hbm>> -> memref<1x128x1x196xf32, #tpu.memory_space<hbm>>
    %dma_start3A_560 = tpu.memref_squeeze %dma_start3A_559 : memref<1x128x1x196xf32, #tpu.memory_space<hbm>> -> memref<128x196xf32, #tpu.memory_space<hbm>>
    tpu.enqueue_dma source(%arg6 : memref<128x196xf32, #tpu.memory_space<vmem>>) target(%dma_start3A_560 : memref<128x196xf32, #tpu.memory_space<hbm>>) target_semaphore(%arg9 : memref<!tpu.dma_semaphore, #tpu.memory_space<semaphore_mem>>)
    %dma_wait3A_561 = arith.constant 2 : i32
    %dma_wait3A_562 = arith.constant 0 : i32
    %dma_wait3A_563 = tpu.memref_slice %arg3[%select_n3A, %add3A_62, %dma_wait3A_561, %dma_wait3A_562] : memref<16x768x8x196xf32, #tpu.memory_space<hbm>> -> memref<1x128x1x196xf32, #tpu.memory_space<hbm>>
    %dma_wait3A_564 = tpu.memref_squeeze %dma_wait3A_563 : memref<1x128x1x196xf32, #tpu.memory_space<hbm>> -> memref<128x196xf32, #tpu.memory_space<hbm>>
    %dma_wait3A_565 = arith.constant 0 : i32
    %dma_wait3A_566 = tpu.memref_slice %arg3[%select_n3A, %add3A_62, %dma_wait3A_561, %dma_wait3A_565] : memref<16x768x8x196xf32, #tpu.memory_space<hbm>> -> memref<1x128x1x196xf32, #tpu.memory_space<hbm>>
    %dma_wait3A_567 = tpu.memref_squeeze %dma_wait3A_566 : memref<1x128x1x196xf32, #tpu.memory_space<hbm>> -> memref<128x196xf32, #tpu.memory_space<hbm>>
    tpu.wait_dma2 semaphore(%arg8 : memref<!tpu.dma_semaphore, #tpu.memory_space<semaphore_mem>>) src(%arg5 : memref<128x196xf32, #tpu.memory_space<vmem>>) dst(%dma_wait3A_567 : memref<128x196xf32, #tpu.memory_space<hbm>>)
    %dma_start3A_568 = arith.constant 5 : i32
    %dma_start3A_569 = arith.constant 0 : i32
    %dma_start3A_570 = tpu.memref_slice %arg2[%select_n3A, %add3A_66, %dma_start3A_568, %dma_start3A_569] : memref<16x768x16x196xf32, #tpu.memory_space<hbm>> -> memref<1x128x1x196xf32, #tpu.memory_space<hbm>>
    %dma_start3A_571 = tpu.memref_squeeze %dma_start3A_570 : memref<1x128x1x196xf32, #tpu.memory_space<hbm>> -> memref<128x196xf32, #tpu.memory_space<hbm>>
    %dma_start3A_572 = arith.constant 0 : i32
    %dma_start3A_573 = tpu.memref_slice %arg2[%select_n3A, %add3A_66, %dma_start3A_568, %dma_start3A_572] : memref<16x768x16x196xf32, #tpu.memory_space<hbm>> -> memref<1x128x1x196xf32, #tpu.memory_space<hbm>>
    %dma_start3A_574 = tpu.memref_squeeze %dma_start3A_573 : memref<1x128x1x196xf32, #tpu.memory_space<hbm>> -> memref<128x196xf32, #tpu.memory_space<hbm>>
    tpu.enqueue_dma source(%dma_start3A_574 : memref<128x196xf32, #tpu.memory_space<hbm>>) target(%arg5 : memref<128x196xf32, #tpu.memory_space<vmem>>) target_semaphore(%arg7 : memref<!tpu.dma_semaphore, #tpu.memory_space<semaphore_mem>>)
    %dma_wait3A_575 = arith.constant 5 : i32
    %dma_wait3A_576 = arith.constant 0 : i32
    %dma_wait3A_577 = tpu.memref_slice %arg2[%select_n3A, %add3A_66, %dma_wait3A_575, %dma_wait3A_576] : memref<16x768x16x196xf32, #tpu.memory_space<hbm>> -> memref<1x128x1x196xf32, #tpu.memory_space<hbm>>
    %dma_wait3A_578 = tpu.memref_squeeze %dma_wait3A_577 : memref<1x128x1x196xf32, #tpu.memory_space<hbm>> -> memref<128x196xf32, #tpu.memory_space<hbm>>
    %dma_wait3A_579 = arith.constant 0 : i32
    %dma_wait3A_580 = tpu.memref_slice %arg2[%select_n3A, %add3A_66, %dma_wait3A_575, %dma_wait3A_579] : memref<16x768x16x196xf32, #tpu.memory_space<hbm>> -> memref<1x128x1x196xf32, #tpu.memory_space<hbm>>
    %dma_wait3A_581 = tpu.memref_squeeze %dma_wait3A_580 : memref<1x128x1x196xf32, #tpu.memory_space<hbm>> -> memref<128x196xf32, #tpu.memory_space<hbm>>
    tpu.wait_dma2 semaphore(%arg7 : memref<!tpu.dma_semaphore, #tpu.memory_space<semaphore_mem>>) src(%dma_wait3A_581 : memref<128x196xf32, #tpu.memory_space<hbm>>) dst(%arg5 : memref<128x196xf32, #tpu.memory_space<vmem>>)
    %dma_start3A_582 = arith.constant 2 : i32
    %dma_start3A_583 = arith.constant 0 : i32
    %dma_start3A_584 = tpu.memref_slice %arg4[%select_n3A, %add3A_66, %dma_start3A_582, %dma_start3A_583] : memref<16x768x8x196xf32, #tpu.memory_space<hbm>> -> memref<1x128x1x196xf32, #tpu.memory_space<hbm>>
    %dma_start3A_585 = tpu.memref_squeeze %dma_start3A_584 : memref<1x128x1x196xf32, #tpu.memory_space<hbm>> -> memref<128x196xf32, #tpu.memory_space<hbm>>
    %dma_start3A_586 = arith.constant 0 : i32
    %dma_start3A_587 = tpu.memref_slice %arg4[%select_n3A, %add3A_66, %dma_start3A_582, %dma_start3A_586] : memref<16x768x8x196xf32, #tpu.memory_space<hbm>> -> memref<1x128x1x196xf32, #tpu.memory_space<hbm>>
    %dma_start3A_588 = tpu.memref_squeeze %dma_start3A_587 : memref<1x128x1x196xf32, #tpu.memory_space<hbm>> -> memref<128x196xf32, #tpu.memory_space<hbm>>
    tpu.enqueue_dma source(%arg5 : memref<128x196xf32, #tpu.memory_space<vmem>>) target(%dma_start3A_588 : memref<128x196xf32, #tpu.memory_space<hbm>>) target_semaphore(%arg8 : memref<!tpu.dma_semaphore, #tpu.memory_space<semaphore_mem>>)
    %dma_wait3A_589 = arith.constant 2 : i32
    %dma_wait3A_590 = arith.constant 0 : i32
    %dma_wait3A_591 = tpu.memref_slice %arg4[%select_n3A, %add3A_64, %dma_wait3A_589, %dma_wait3A_590] : memref<16x768x8x196xf32, #tpu.memory_space<hbm>> -> memref<1x128x1x196xf32, #tpu.memory_space<hbm>>
    %dma_wait3A_592 = tpu.memref_squeeze %dma_wait3A_591 : memref<1x128x1x196xf32, #tpu.memory_space<hbm>> -> memref<128x196xf32, #tpu.memory_space<hbm>>
    %dma_wait3A_593 = arith.constant 0 : i32
    %dma_wait3A_594 = tpu.memref_slice %arg4[%select_n3A, %add3A_64, %dma_wait3A_589, %dma_wait3A_593] : memref<16x768x8x196xf32, #tpu.memory_space<hbm>> -> memref<1x128x1x196xf32, #tpu.memory_space<hbm>>
    %dma_wait3A_595 = tpu.memref_squeeze %dma_wait3A_594 : memref<1x128x1x196xf32, #tpu.memory_space<hbm>> -> memref<128x196xf32, #tpu.memory_space<hbm>>
    tpu.wait_dma2 semaphore(%arg9 : memref<!tpu.dma_semaphore, #tpu.memory_space<semaphore_mem>>) src(%arg6 : memref<128x196xf32, #tpu.memory_space<vmem>>) dst(%dma_wait3A_595 : memref<128x196xf32, #tpu.memory_space<hbm>>)
    %dma_start3A_596 = arith.constant 5 : i32
    %dma_start3A_597 = arith.constant 0 : i32
    %dma_start3A_598 = tpu.memref_slice %arg2[%select_n3A, %add3A_68, %dma_start3A_596, %dma_start3A_597] : memref<16x768x16x196xf32, #tpu.memory_space<hbm>> -> memref<1x128x1x196xf32, #tpu.memory_space<hbm>>
    %dma_start3A_599 = tpu.memref_squeeze %dma_start3A_598 : memref<1x128x1x196xf32, #tpu.memory_space<hbm>> -> memref<128x196xf32, #tpu.memory_space<hbm>>
    %dma_start3A_600 = arith.constant 0 : i32
    %dma_start3A_601 = tpu.memref_slice %arg2[%select_n3A, %add3A_68, %dma_start3A_596, %dma_start3A_600] : memref<16x768x16x196xf32, #tpu.memory_space<hbm>> -> memref<1x128x1x196xf32, #tpu.memory_space<hbm>>
    %dma_start3A_602 = tpu.memref_squeeze %dma_start3A_601 : memref<1x128x1x196xf32, #tpu.memory_space<hbm>> -> memref<128x196xf32, #tpu.memory_space<hbm>>
    tpu.enqueue_dma source(%dma_start3A_602 : memref<128x196xf32, #tpu.memory_space<hbm>>) target(%arg6 : memref<128x196xf32, #tpu.memory_space<vmem>>) target_semaphore(%arg7 : memref<!tpu.dma_semaphore, #tpu.memory_space<semaphore_mem>>)
    %dma_wait3A_603 = arith.constant 5 : i32
    %dma_wait3A_604 = arith.constant 0 : i32
    %dma_wait3A_605 = tpu.memref_slice %arg2[%select_n3A, %add3A_68, %dma_wait3A_603, %dma_wait3A_604] : memref<16x768x16x196xf32, #tpu.memory_space<hbm>> -> memref<1x128x1x196xf32, #tpu.memory_space<hbm>>
    %dma_wait3A_606 = tpu.memref_squeeze %dma_wait3A_605 : memref<1x128x1x196xf32, #tpu.memory_space<hbm>> -> memref<128x196xf32, #tpu.memory_space<hbm>>
    %dma_wait3A_607 = arith.constant 0 : i32
    %dma_wait3A_608 = tpu.memref_slice %arg2[%select_n3A, %add3A_68, %dma_wait3A_603, %dma_wait3A_607] : memref<16x768x16x196xf32, #tpu.memory_space<hbm>> -> memref<1x128x1x196xf32, #tpu.memory_space<hbm>>
    %dma_wait3A_609 = tpu.memref_squeeze %dma_wait3A_608 : memref<1x128x1x196xf32, #tpu.memory_space<hbm>> -> memref<128x196xf32, #tpu.memory_space<hbm>>
    tpu.wait_dma2 semaphore(%arg7 : memref<!tpu.dma_semaphore, #tpu.memory_space<semaphore_mem>>) src(%dma_wait3A_609 : memref<128x196xf32, #tpu.memory_space<hbm>>) dst(%arg6 : memref<128x196xf32, #tpu.memory_space<vmem>>)
    %dma_start3A_610 = arith.constant 2 : i32
    %dma_start3A_611 = arith.constant 0 : i32
    %dma_start3A_612 = tpu.memref_slice %arg4[%select_n3A, %add3A_68, %dma_start3A_610, %dma_start3A_611] : memref<16x768x8x196xf32, #tpu.memory_space<hbm>> -> memref<1x128x1x196xf32, #tpu.memory_space<hbm>>
    %dma_start3A_613 = tpu.memref_squeeze %dma_start3A_612 : memref<1x128x1x196xf32, #tpu.memory_space<hbm>> -> memref<128x196xf32, #tpu.memory_space<hbm>>
    %dma_start3A_614 = arith.constant 0 : i32
    %dma_start3A_615 = tpu.memref_slice %arg4[%select_n3A, %add3A_68, %dma_start3A_610, %dma_start3A_614] : memref<16x768x8x196xf32, #tpu.memory_space<hbm>> -> memref<1x128x1x196xf32, #tpu.memory_space<hbm>>
    %dma_start3A_616 = tpu.memref_squeeze %dma_start3A_615 : memref<1x128x1x196xf32, #tpu.memory_space<hbm>> -> memref<128x196xf32, #tpu.memory_space<hbm>>
    tpu.enqueue_dma source(%arg6 : memref<128x196xf32, #tpu.memory_space<vmem>>) target(%dma_start3A_616 : memref<128x196xf32, #tpu.memory_space<hbm>>) target_semaphore(%arg9 : memref<!tpu.dma_semaphore, #tpu.memory_space<semaphore_mem>>)
    %dma_wait3A_617 = arith.constant 2 : i32
    %dma_wait3A_618 = arith.constant 0 : i32
    %dma_wait3A_619 = tpu.memref_slice %arg4[%select_n3A, %add3A_66, %dma_wait3A_617, %dma_wait3A_618] : memref<16x768x8x196xf32, #tpu.memory_space<hbm>> -> memref<1x128x1x196xf32, #tpu.memory_space<hbm>>
    %dma_wait3A_620 = tpu.memref_squeeze %dma_wait3A_619 : memref<1x128x1x196xf32, #tpu.memory_space<hbm>> -> memref<128x196xf32, #tpu.memory_space<hbm>>
    %dma_wait3A_621 = arith.constant 0 : i32
    %dma_wait3A_622 = tpu.memref_slice %arg4[%select_n3A, %add3A_66, %dma_wait3A_617, %dma_wait3A_621] : memref<16x768x8x196xf32, #tpu.memory_space<hbm>> -> memref<1x128x1x196xf32, #tpu.memory_space<hbm>>
    %dma_wait3A_623 = tpu.memref_squeeze %dma_wait3A_622 : memref<1x128x1x196xf32, #tpu.memory_space<hbm>> -> memref<128x196xf32, #tpu.memory_space<hbm>>
    tpu.wait_dma2 semaphore(%arg8 : memref<!tpu.dma_semaphore, #tpu.memory_space<semaphore_mem>>) src(%arg5 : memref<128x196xf32, #tpu.memory_space<vmem>>) dst(%dma_wait3A_623 : memref<128x196xf32, #tpu.memory_space<hbm>>)
    %dma_start3A_624 = arith.constant 6 : i32
    %dma_start3A_625 = arith.constant 0 : i32
    %dma_start3A_626 = tpu.memref_slice %arg2[%select_n3A, %add3A_70, %dma_start3A_624, %dma_start3A_625] : memref<16x768x16x196xf32, #tpu.memory_space<hbm>> -> memref<1x128x1x196xf32, #tpu.memory_space<hbm>>
    %dma_start3A_627 = tpu.memref_squeeze %dma_start3A_626 : memref<1x128x1x196xf32, #tpu.memory_space<hbm>> -> memref<128x196xf32, #tpu.memory_space<hbm>>
    %dma_start3A_628 = arith.constant 0 : i32
    %dma_start3A_629 = tpu.memref_slice %arg2[%select_n3A, %add3A_70, %dma_start3A_624, %dma_start3A_628] : memref<16x768x16x196xf32, #tpu.memory_space<hbm>> -> memref<1x128x1x196xf32, #tpu.memory_space<hbm>>
    %dma_start3A_630 = tpu.memref_squeeze %dma_start3A_629 : memref<1x128x1x196xf32, #tpu.memory_space<hbm>> -> memref<128x196xf32, #tpu.memory_space<hbm>>
    tpu.enqueue_dma source(%dma_start3A_630 : memref<128x196xf32, #tpu.memory_space<hbm>>) target(%arg5 : memref<128x196xf32, #tpu.memory_space<vmem>>) target_semaphore(%arg7 : memref<!tpu.dma_semaphore, #tpu.memory_space<semaphore_mem>>)
    %dma_wait3A_631 = arith.constant 6 : i32
    %dma_wait3A_632 = arith.constant 0 : i32
    %dma_wait3A_633 = tpu.memref_slice %arg2[%select_n3A, %add3A_70, %dma_wait3A_631, %dma_wait3A_632] : memref<16x768x16x196xf32, #tpu.memory_space<hbm>> -> memref<1x128x1x196xf32, #tpu.memory_space<hbm>>
    %dma_wait3A_634 = tpu.memref_squeeze %dma_wait3A_633 : memref<1x128x1x196xf32, #tpu.memory_space<hbm>> -> memref<128x196xf32, #tpu.memory_space<hbm>>
    %dma_wait3A_635 = arith.constant 0 : i32
    %dma_wait3A_636 = tpu.memref_slice %arg2[%select_n3A, %add3A_70, %dma_wait3A_631, %dma_wait3A_635] : memref<16x768x16x196xf32, #tpu.memory_space<hbm>> -> memref<1x128x1x196xf32, #tpu.memory_space<hbm>>
    %dma_wait3A_637 = tpu.memref_squeeze %dma_wait3A_636 : memref<1x128x1x196xf32, #tpu.memory_space<hbm>> -> memref<128x196xf32, #tpu.memory_space<hbm>>
    tpu.wait_dma2 semaphore(%arg7 : memref<!tpu.dma_semaphore, #tpu.memory_space<semaphore_mem>>) src(%dma_wait3A_637 : memref<128x196xf32, #tpu.memory_space<hbm>>) dst(%arg5 : memref<128x196xf32, #tpu.memory_space<vmem>>)
    %dma_start3A_638 = arith.constant 3 : i32
    %dma_start3A_639 = arith.constant 0 : i32
    %dma_start3A_640 = tpu.memref_slice %arg3[%select_n3A, %add3A_70, %dma_start3A_638, %dma_start3A_639] : memref<16x768x8x196xf32, #tpu.memory_space<hbm>> -> memref<1x128x1x196xf32, #tpu.memory_space<hbm>>
    %dma_start3A_641 = tpu.memref_squeeze %dma_start3A_640 : memref<1x128x1x196xf32, #tpu.memory_space<hbm>> -> memref<128x196xf32, #tpu.memory_space<hbm>>
    %dma_start3A_642 = arith.constant 0 : i32
    %dma_start3A_643 = tpu.memref_slice %arg3[%select_n3A, %add3A_70, %dma_start3A_638, %dma_start3A_642] : memref<16x768x8x196xf32, #tpu.memory_space<hbm>> -> memref<1x128x1x196xf32, #tpu.memory_space<hbm>>
    %dma_start3A_644 = tpu.memref_squeeze %dma_start3A_643 : memref<1x128x1x196xf32, #tpu.memory_space<hbm>> -> memref<128x196xf32, #tpu.memory_space<hbm>>
    tpu.enqueue_dma source(%arg5 : memref<128x196xf32, #tpu.memory_space<vmem>>) target(%dma_start3A_644 : memref<128x196xf32, #tpu.memory_space<hbm>>) target_semaphore(%arg8 : memref<!tpu.dma_semaphore, #tpu.memory_space<semaphore_mem>>)
    %dma_wait3A_645 = arith.constant 2 : i32
    %dma_wait3A_646 = arith.constant 0 : i32
    %dma_wait3A_647 = tpu.memref_slice %arg4[%select_n3A, %add3A_68, %dma_wait3A_645, %dma_wait3A_646] : memref<16x768x8x196xf32, #tpu.memory_space<hbm>> -> memref<1x128x1x196xf32, #tpu.memory_space<hbm>>
    %dma_wait3A_648 = tpu.memref_squeeze %dma_wait3A_647 : memref<1x128x1x196xf32, #tpu.memory_space<hbm>> -> memref<128x196xf32, #tpu.memory_space<hbm>>
    %dma_wait3A_649 = arith.constant 0 : i32
    %dma_wait3A_650 = tpu.memref_slice %arg4[%select_n3A, %add3A_68, %dma_wait3A_645, %dma_wait3A_649] : memref<16x768x8x196xf32, #tpu.memory_space<hbm>> -> memref<1x128x1x196xf32, #tpu.memory_space<hbm>>
    %dma_wait3A_651 = tpu.memref_squeeze %dma_wait3A_650 : memref<1x128x1x196xf32, #tpu.memory_space<hbm>> -> memref<128x196xf32, #tpu.memory_space<hbm>>
    tpu.wait_dma2 semaphore(%arg9 : memref<!tpu.dma_semaphore, #tpu.memory_space<semaphore_mem>>) src(%arg6 : memref<128x196xf32, #tpu.memory_space<vmem>>) dst(%dma_wait3A_651 : memref<128x196xf32, #tpu.memory_space<hbm>>)
    %dma_start3A_652 = arith.constant 6 : i32
    %dma_start3A_653 = arith.constant 0 : i32
    %dma_start3A_654 = tpu.memref_slice %arg2[%select_n3A, %add3A_72, %dma_start3A_652, %dma_start3A_653] : memref<16x768x16x196xf32, #tpu.memory_space<hbm>> -> memref<1x128x1x196xf32, #tpu.memory_space<hbm>>
    %dma_start3A_655 = tpu.memref_squeeze %dma_start3A_654 : memref<1x128x1x196xf32, #tpu.memory_space<hbm>> -> memref<128x196xf32, #tpu.memory_space<hbm>>
    %dma_start3A_656 = arith.constant 0 : i32
    %dma_start3A_657 = tpu.memref_slice %arg2[%select_n3A, %add3A_72, %dma_start3A_652, %dma_start3A_656] : memref<16x768x16x196xf32, #tpu.memory_space<hbm>> -> memref<1x128x1x196xf32, #tpu.memory_space<hbm>>
    %dma_start3A_658 = tpu.memref_squeeze %dma_start3A_657 : memref<1x128x1x196xf32, #tpu.memory_space<hbm>> -> memref<128x196xf32, #tpu.memory_space<hbm>>
    tpu.enqueue_dma source(%dma_start3A_658 : memref<128x196xf32, #tpu.memory_space<hbm>>) target(%arg6 : memref<128x196xf32, #tpu.memory_space<vmem>>) target_semaphore(%arg7 : memref<!tpu.dma_semaphore, #tpu.memory_space<semaphore_mem>>)
    %dma_wait3A_659 = arith.constant 6 : i32
    %dma_wait3A_660 = arith.constant 0 : i32
    %dma_wait3A_661 = tpu.memref_slice %arg2[%select_n3A, %add3A_72, %dma_wait3A_659, %dma_wait3A_660] : memref<16x768x16x196xf32, #tpu.memory_space<hbm>> -> memref<1x128x1x196xf32, #tpu.memory_space<hbm>>
    %dma_wait3A_662 = tpu.memref_squeeze %dma_wait3A_661 : memref<1x128x1x196xf32, #tpu.memory_space<hbm>> -> memref<128x196xf32, #tpu.memory_space<hbm>>
    %dma_wait3A_663 = arith.constant 0 : i32
    %dma_wait3A_664 = tpu.memref_slice %arg2[%select_n3A, %add3A_72, %dma_wait3A_659, %dma_wait3A_663] : memref<16x768x16x196xf32, #tpu.memory_space<hbm>> -> memref<1x128x1x196xf32, #tpu.memory_space<hbm>>
    %dma_wait3A_665 = tpu.memref_squeeze %dma_wait3A_664 : memref<1x128x1x196xf32, #tpu.memory_space<hbm>> -> memref<128x196xf32, #tpu.memory_space<hbm>>
    tpu.wait_dma2 semaphore(%arg7 : memref<!tpu.dma_semaphore, #tpu.memory_space<semaphore_mem>>) src(%dma_wait3A_665 : memref<128x196xf32, #tpu.memory_space<hbm>>) dst(%arg6 : memref<128x196xf32, #tpu.memory_space<vmem>>)
    %dma_start3A_666 = arith.constant 3 : i32
    %dma_start3A_667 = arith.constant 0 : i32
    %dma_start3A_668 = tpu.memref_slice %arg3[%select_n3A, %add3A_72, %dma_start3A_666, %dma_start3A_667] : memref<16x768x8x196xf32, #tpu.memory_space<hbm>> -> memref<1x128x1x196xf32, #tpu.memory_space<hbm>>
    %dma_start3A_669 = tpu.memref_squeeze %dma_start3A_668 : memref<1x128x1x196xf32, #tpu.memory_space<hbm>> -> memref<128x196xf32, #tpu.memory_space<hbm>>
    %dma_start3A_670 = arith.constant 0 : i32
    %dma_start3A_671 = tpu.memref_slice %arg3[%select_n3A, %add3A_72, %dma_start3A_666, %dma_start3A_670] : memref<16x768x8x196xf32, #tpu.memory_space<hbm>> -> memref<1x128x1x196xf32, #tpu.memory_space<hbm>>
    %dma_start3A_672 = tpu.memref_squeeze %dma_start3A_671 : memref<1x128x1x196xf32, #tpu.memory_space<hbm>> -> memref<128x196xf32, #tpu.memory_space<hbm>>
    tpu.enqueue_dma source(%arg6 : memref<128x196xf32, #tpu.memory_space<vmem>>) target(%dma_start3A_672 : memref<128x196xf32, #tpu.memory_space<hbm>>) target_semaphore(%arg9 : memref<!tpu.dma_semaphore, #tpu.memory_space<semaphore_mem>>)
    %dma_wait3A_673 = arith.constant 3 : i32
    %dma_wait3A_674 = arith.constant 0 : i32
    %dma_wait3A_675 = tpu.memref_slice %arg3[%select_n3A, %add3A_70, %dma_wait3A_673, %dma_wait3A_674] : memref<16x768x8x196xf32, #tpu.memory_space<hbm>> -> memref<1x128x1x196xf32, #tpu.memory_space<hbm>>
    %dma_wait3A_676 = tpu.memref_squeeze %dma_wait3A_675 : memref<1x128x1x196xf32, #tpu.memory_space<hbm>> -> memref<128x196xf32, #tpu.memory_space<hbm>>
    %dma_wait3A_677 = arith.constant 0 : i32
    %dma_wait3A_678 = tpu.memref_slice %arg3[%select_n3A, %add3A_70, %dma_wait3A_673, %dma_wait3A_677] : memref<16x768x8x196xf32, #tpu.memory_space<hbm>> -> memref<1x128x1x196xf32, #tpu.memory_space<hbm>>
    %dma_wait3A_679 = tpu.memref_squeeze %dma_wait3A_678 : memref<1x128x1x196xf32, #tpu.memory_space<hbm>> -> memref<128x196xf32, #tpu.memory_space<hbm>>
    tpu.wait_dma2 semaphore(%arg8 : memref<!tpu.dma_semaphore, #tpu.memory_space<semaphore_mem>>) src(%arg5 : memref<128x196xf32, #tpu.memory_space<vmem>>) dst(%dma_wait3A_679 : memref<128x196xf32, #tpu.memory_space<hbm>>)
    %dma_start3A_680 = arith.constant 6 : i32
    %dma_start3A_681 = arith.constant 0 : i32
    %dma_start3A_682 = tpu.memref_slice %arg2[%select_n3A, %add3A_74, %dma_start3A_680, %dma_start3A_681] : memref<16x768x16x196xf32, #tpu.memory_space<hbm>> -> memref<1x128x1x196xf32, #tpu.memory_space<hbm>>
    %dma_start3A_683 = tpu.memref_squeeze %dma_start3A_682 : memref<1x128x1x196xf32, #tpu.memory_space<hbm>> -> memref<128x196xf32, #tpu.memory_space<hbm>>
    %dma_start3A_684 = arith.constant 0 : i32
    %dma_start3A_685 = tpu.memref_slice %arg2[%select_n3A, %add3A_74, %dma_start3A_680, %dma_start3A_684] : memref<16x768x16x196xf32, #tpu.memory_space<hbm>> -> memref<1x128x1x196xf32, #tpu.memory_space<hbm>>
    %dma_start3A_686 = tpu.memref_squeeze %dma_start3A_685 : memref<1x128x1x196xf32, #tpu.memory_space<hbm>> -> memref<128x196xf32, #tpu.memory_space<hbm>>
    tpu.enqueue_dma source(%dma_start3A_686 : memref<128x196xf32, #tpu.memory_space<hbm>>) target(%arg5 : memref<128x196xf32, #tpu.memory_space<vmem>>) target_semaphore(%arg7 : memref<!tpu.dma_semaphore, #tpu.memory_space<semaphore_mem>>)
    %dma_wait3A_687 = arith.constant 6 : i32
    %dma_wait3A_688 = arith.constant 0 : i32
    %dma_wait3A_689 = tpu.memref_slice %arg2[%select_n3A, %add3A_74, %dma_wait3A_687, %dma_wait3A_688] : memref<16x768x16x196xf32, #tpu.memory_space<hbm>> -> memref<1x128x1x196xf32, #tpu.memory_space<hbm>>
    %dma_wait3A_690 = tpu.memref_squeeze %dma_wait3A_689 : memref<1x128x1x196xf32, #tpu.memory_space<hbm>> -> memref<128x196xf32, #tpu.memory_space<hbm>>
    %dma_wait3A_691 = arith.constant 0 : i32
    %dma_wait3A_692 = tpu.memref_slice %arg2[%select_n3A, %add3A_74, %dma_wait3A_687, %dma_wait3A_691] : memref<16x768x16x196xf32, #tpu.memory_space<hbm>> -> memref<1x128x1x196xf32, #tpu.memory_space<hbm>>
    %dma_wait3A_693 = tpu.memref_squeeze %dma_wait3A_692 : memref<1x128x1x196xf32, #tpu.memory_space<hbm>> -> memref<128x196xf32, #tpu.memory_space<hbm>>
    tpu.wait_dma2 semaphore(%arg7 : memref<!tpu.dma_semaphore, #tpu.memory_space<semaphore_mem>>) src(%dma_wait3A_693 : memref<128x196xf32, #tpu.memory_space<hbm>>) dst(%arg5 : memref<128x196xf32, #tpu.memory_space<vmem>>)
    %dma_start3A_694 = arith.constant 3 : i32
    %dma_start3A_695 = arith.constant 0 : i32
    %dma_start3A_696 = tpu.memref_slice %arg3[%select_n3A, %add3A_74, %dma_start3A_694, %dma_start3A_695] : memref<16x768x8x196xf32, #tpu.memory_space<hbm>> -> memref<1x128x1x196xf32, #tpu.memory_space<hbm>>
    %dma_start3A_697 = tpu.memref_squeeze %dma_start3A_696 : memref<1x128x1x196xf32, #tpu.memory_space<hbm>> -> memref<128x196xf32, #tpu.memory_space<hbm>>
    %dma_start3A_698 = arith.constant 0 : i32
    %dma_start3A_699 = tpu.memref_slice %arg3[%select_n3A, %add3A_74, %dma_start3A_694, %dma_start3A_698] : memref<16x768x8x196xf32, #tpu.memory_space<hbm>> -> memref<1x128x1x196xf32, #tpu.memory_space<hbm>>
    %dma_start3A_700 = tpu.memref_squeeze %dma_start3A_699 : memref<1x128x1x196xf32, #tpu.memory_space<hbm>> -> memref<128x196xf32, #tpu.memory_space<hbm>>
    tpu.enqueue_dma source(%arg5 : memref<128x196xf32, #tpu.memory_space<vmem>>) target(%dma_start3A_700 : memref<128x196xf32, #tpu.memory_space<hbm>>) target_semaphore(%arg8 : memref<!tpu.dma_semaphore, #tpu.memory_space<semaphore_mem>>)
    %dma_wait3A_701 = arith.constant 3 : i32
    %dma_wait3A_702 = arith.constant 0 : i32
    %dma_wait3A_703 = tpu.memref_slice %arg3[%select_n3A, %add3A_72, %dma_wait3A_701, %dma_wait3A_702] : memref<16x768x8x196xf32, #tpu.memory_space<hbm>> -> memref<1x128x1x196xf32, #tpu.memory_space<hbm>>
    %dma_wait3A_704 = tpu.memref_squeeze %dma_wait3A_703 : memref<1x128x1x196xf32, #tpu.memory_space<hbm>> -> memref<128x196xf32, #tpu.memory_space<hbm>>
    %dma_wait3A_705 = arith.constant 0 : i32
    %dma_wait3A_706 = tpu.memref_slice %arg3[%select_n3A, %add3A_72, %dma_wait3A_701, %dma_wait3A_705] : memref<16x768x8x196xf32, #tpu.memory_space<hbm>> -> memref<1x128x1x196xf32, #tpu.memory_space<hbm>>
    %dma_wait3A_707 = tpu.memref_squeeze %dma_wait3A_706 : memref<1x128x1x196xf32, #tpu.memory_space<hbm>> -> memref<128x196xf32, #tpu.memory_space<hbm>>
    tpu.wait_dma2 semaphore(%arg9 : memref<!tpu.dma_semaphore, #tpu.memory_space<semaphore_mem>>) src(%arg6 : memref<128x196xf32, #tpu.memory_space<vmem>>) dst(%dma_wait3A_707 : memref<128x196xf32, #tpu.memory_space<hbm>>)
    %dma_start3A_708 = arith.constant 7 : i32
    %dma_start3A_709 = arith.constant 0 : i32
    %dma_start3A_710 = tpu.memref_slice %arg2[%select_n3A, %add3A_76, %dma_start3A_708, %dma_start3A_709] : memref<16x768x16x196xf32, #tpu.memory_space<hbm>> -> memref<1x128x1x196xf32, #tpu.memory_space<hbm>>
    %dma_start3A_711 = tpu.memref_squeeze %dma_start3A_710 : memref<1x128x1x196xf32, #tpu.memory_space<hbm>> -> memref<128x196xf32, #tpu.memory_space<hbm>>
    %dma_start3A_712 = arith.constant 0 : i32
    %dma_start3A_713 = tpu.memref_slice %arg2[%select_n3A, %add3A_76, %dma_start3A_708, %dma_start3A_712] : memref<16x768x16x196xf32, #tpu.memory_space<hbm>> -> memref<1x128x1x196xf32, #tpu.memory_space<hbm>>
    %dma_start3A_714 = tpu.memref_squeeze %dma_start3A_713 : memref<1x128x1x196xf32, #tpu.memory_space<hbm>> -> memref<128x196xf32, #tpu.memory_space<hbm>>
    tpu.enqueue_dma source(%dma_start3A_714 : memref<128x196xf32, #tpu.memory_space<hbm>>) target(%arg6 : memref<128x196xf32, #tpu.memory_space<vmem>>) target_semaphore(%arg7 : memref<!tpu.dma_semaphore, #tpu.memory_space<semaphore_mem>>)
    %dma_wait3A_715 = arith.constant 7 : i32
    %dma_wait3A_716 = arith.constant 0 : i32
    %dma_wait3A_717 = tpu.memref_slice %arg2[%select_n3A, %add3A_76, %dma_wait3A_715, %dma_wait3A_716] : memref<16x768x16x196xf32, #tpu.memory_space<hbm>> -> memref<1x128x1x196xf32, #tpu.memory_space<hbm>>
    %dma_wait3A_718 = tpu.memref_squeeze %dma_wait3A_717 : memref<1x128x1x196xf32, #tpu.memory_space<hbm>> -> memref<128x196xf32, #tpu.memory_space<hbm>>
    %dma_wait3A_719 = arith.constant 0 : i32
    %dma_wait3A_720 = tpu.memref_slice %arg2[%select_n3A, %add3A_76, %dma_wait3A_715, %dma_wait3A_719] : memref<16x768x16x196xf32, #tpu.memory_space<hbm>> -> memref<1x128x1x196xf32, #tpu.memory_space<hbm>>
    %dma_wait3A_721 = tpu.memref_squeeze %dma_wait3A_720 : memref<1x128x1x196xf32, #tpu.memory_space<hbm>> -> memref<128x196xf32, #tpu.memory_space<hbm>>
    tpu.wait_dma2 semaphore(%arg7 : memref<!tpu.dma_semaphore, #tpu.memory_space<semaphore_mem>>) src(%dma_wait3A_721 : memref<128x196xf32, #tpu.memory_space<hbm>>) dst(%arg6 : memref<128x196xf32, #tpu.memory_space<vmem>>)
    %dma_start3A_722 = arith.constant 3 : i32
    %dma_start3A_723 = arith.constant 0 : i32
    %dma_start3A_724 = tpu.memref_slice %arg4[%select_n3A, %add3A_76, %dma_start3A_722, %dma_start3A_723] : memref<16x768x8x196xf32, #tpu.memory_space<hbm>> -> memref<1x128x1x196xf32, #tpu.memory_space<hbm>>
    %dma_start3A_725 = tpu.memref_squeeze %dma_start3A_724 : memref<1x128x1x196xf32, #tpu.memory_space<hbm>> -> memref<128x196xf32, #tpu.memory_space<hbm>>
    %dma_start3A_726 = arith.constant 0 : i32
    %dma_start3A_727 = tpu.memref_slice %arg4[%select_n3A, %add3A_76, %dma_start3A_722, %dma_start3A_726] : memref<16x768x8x196xf32, #tpu.memory_space<hbm>> -> memref<1x128x1x196xf32, #tpu.memory_space<hbm>>
    %dma_start3A_728 = tpu.memref_squeeze %dma_start3A_727 : memref<1x128x1x196xf32, #tpu.memory_space<hbm>> -> memref<128x196xf32, #tpu.memory_space<hbm>>
    tpu.enqueue_dma source(%arg6 : memref<128x196xf32, #tpu.memory_space<vmem>>) target(%dma_start3A_728 : memref<128x196xf32, #tpu.memory_space<hbm>>) target_semaphore(%arg9 : memref<!tpu.dma_semaphore, #tpu.memory_space<semaphore_mem>>)
    %dma_wait3A_729 = arith.constant 3 : i32
    %dma_wait3A_730 = arith.constant 0 : i32
    %dma_wait3A_731 = tpu.memref_slice %arg3[%select_n3A, %add3A_74, %dma_wait3A_729, %dma_wait3A_730] : memref<16x768x8x196xf32, #tpu.memory_space<hbm>> -> memref<1x128x1x196xf32, #tpu.memory_space<hbm>>
    %dma_wait3A_732 = tpu.memref_squeeze %dma_wait3A_731 : memref<1x128x1x196xf32, #tpu.memory_space<hbm>> -> memref<128x196xf32, #tpu.memory_space<hbm>>
    %dma_wait3A_733 = arith.constant 0 : i32
    %dma_wait3A_734 = tpu.memref_slice %arg3[%select_n3A, %add3A_74, %dma_wait3A_729, %dma_wait3A_733] : memref<16x768x8x196xf32, #tpu.memory_space<hbm>> -> memref<1x128x1x196xf32, #tpu.memory_space<hbm>>
    %dma_wait3A_735 = tpu.memref_squeeze %dma_wait3A_734 : memref<1x128x1x196xf32, #tpu.memory_space<hbm>> -> memref<128x196xf32, #tpu.memory_space<hbm>>
    tpu.wait_dma2 semaphore(%arg8 : memref<!tpu.dma_semaphore, #tpu.memory_space<semaphore_mem>>) src(%arg5 : memref<128x196xf32, #tpu.memory_space<vmem>>) dst(%dma_wait3A_735 : memref<128x196xf32, #tpu.memory_space<hbm>>)
    %dma_start3A_736 = arith.constant 7 : i32
    %dma_start3A_737 = arith.constant 0 : i32
    %dma_start3A_738 = tpu.memref_slice %arg2[%select_n3A, %add3A_78, %dma_start3A_736, %dma_start3A_737] : memref<16x768x16x196xf32, #tpu.memory_space<hbm>> -> memref<1x128x1x196xf32, #tpu.memory_space<hbm>>
    %dma_start3A_739 = tpu.memref_squeeze %dma_start3A_738 : memref<1x128x1x196xf32, #tpu.memory_space<hbm>> -> memref<128x196xf32, #tpu.memory_space<hbm>>
    %dma_start3A_740 = arith.constant 0 : i32
    %dma_start3A_741 = tpu.memref_slice %arg2[%select_n3A, %add3A_78, %dma_start3A_736, %dma_start3A_740] : memref<16x768x16x196xf32, #tpu.memory_space<hbm>> -> memref<1x128x1x196xf32, #tpu.memory_space<hbm>>
    %dma_start3A_742 = tpu.memref_squeeze %dma_start3A_741 : memref<1x128x1x196xf32, #tpu.memory_space<hbm>> -> memref<128x196xf32, #tpu.memory_space<hbm>>
    tpu.enqueue_dma source(%dma_start3A_742 : memref<128x196xf32, #tpu.memory_space<hbm>>) target(%arg5 : memref<128x196xf32, #tpu.memory_space<vmem>>) target_semaphore(%arg7 : memref<!tpu.dma_semaphore, #tpu.memory_space<semaphore_mem>>)
    %dma_wait3A_743 = arith.constant 7 : i32
    %dma_wait3A_744 = arith.constant 0 : i32
    %dma_wait3A_745 = tpu.memref_slice %arg2[%select_n3A, %add3A_78, %dma_wait3A_743, %dma_wait3A_744] : memref<16x768x16x196xf32, #tpu.memory_space<hbm>> -> memref<1x128x1x196xf32, #tpu.memory_space<hbm>>
    %dma_wait3A_746 = tpu.memref_squeeze %dma_wait3A_745 : memref<1x128x1x196xf32, #tpu.memory_space<hbm>> -> memref<128x196xf32, #tpu.memory_space<hbm>>
    %dma_wait3A_747 = arith.constant 0 : i32
    %dma_wait3A_748 = tpu.memref_slice %arg2[%select_n3A, %add3A_78, %dma_wait3A_743, %dma_wait3A_747] : memref<16x768x16x196xf32, #tpu.memory_space<hbm>> -> memref<1x128x1x196xf32, #tpu.memory_space<hbm>>
    %dma_wait3A_749 = tpu.memref_squeeze %dma_wait3A_748 : memref<1x128x1x196xf32, #tpu.memory_space<hbm>> -> memref<128x196xf32, #tpu.memory_space<hbm>>
    tpu.wait_dma2 semaphore(%arg7 : memref<!tpu.dma_semaphore, #tpu.memory_space<semaphore_mem>>) src(%dma_wait3A_749 : memref<128x196xf32, #tpu.memory_space<hbm>>) dst(%arg5 : memref<128x196xf32, #tpu.memory_space<vmem>>)
    %dma_start3A_750 = arith.constant 3 : i32
    %dma_start3A_751 = arith.constant 0 : i32
    %dma_start3A_752 = tpu.memref_slice %arg4[%select_n3A, %add3A_78, %dma_start3A_750, %dma_start3A_751] : memref<16x768x8x196xf32, #tpu.memory_space<hbm>> -> memref<1x128x1x196xf32, #tpu.memory_space<hbm>>
    %dma_start3A_753 = tpu.memref_squeeze %dma_start3A_752 : memref<1x128x1x196xf32, #tpu.memory_space<hbm>> -> memref<128x196xf32, #tpu.memory_space<hbm>>
    %dma_start3A_754 = arith.constant 0 : i32
    %dma_start3A_755 = tpu.memref_slice %arg4[%select_n3A, %add3A_78, %dma_start3A_750, %dma_start3A_754] : memref<16x768x8x196xf32, #tpu.memory_space<hbm>> -> memref<1x128x1x196xf32, #tpu.memory_space<hbm>>
    %dma_start3A_756 = tpu.memref_squeeze %dma_start3A_755 : memref<1x128x1x196xf32, #tpu.memory_space<hbm>> -> memref<128x196xf32, #tpu.memory_space<hbm>>
    tpu.enqueue_dma source(%arg5 : memref<128x196xf32, #tpu.memory_space<vmem>>) target(%dma_start3A_756 : memref<128x196xf32, #tpu.memory_space<hbm>>) target_semaphore(%arg8 : memref<!tpu.dma_semaphore, #tpu.memory_space<semaphore_mem>>)
    %dma_wait3A_757 = arith.constant 3 : i32
    %dma_wait3A_758 = arith.constant 0 : i32
    %dma_wait3A_759 = tpu.memref_slice %arg4[%select_n3A, %add3A_76, %dma_wait3A_757, %dma_wait3A_758] : memref<16x768x8x196xf32, #tpu.memory_space<hbm>> -> memref<1x128x1x196xf32, #tpu.memory_space<hbm>>
    %dma_wait3A_760 = tpu.memref_squeeze %dma_wait3A_759 : memref<1x128x1x196xf32, #tpu.memory_space<hbm>> -> memref<128x196xf32, #tpu.memory_space<hbm>>
    %dma_wait3A_761 = arith.constant 0 : i32
    %dma_wait3A_762 = tpu.memref_slice %arg4[%select_n3A, %add3A_76, %dma_wait3A_757, %dma_wait3A_761] : memref<16x768x8x196xf32, #tpu.memory_space<hbm>> -> memref<1x128x1x196xf32, #tpu.memory_space<hbm>>
    %dma_wait3A_763 = tpu.memref_squeeze %dma_wait3A_762 : memref<1x128x1x196xf32, #tpu.memory_space<hbm>> -> memref<128x196xf32, #tpu.memory_space<hbm>>
    tpu.wait_dma2 semaphore(%arg9 : memref<!tpu.dma_semaphore, #tpu.memory_space<semaphore_mem>>) src(%arg6 : memref<128x196xf32, #tpu.memory_space<vmem>>) dst(%dma_wait3A_763 : memref<128x196xf32, #tpu.memory_space<hbm>>)
    %dma_start3A_764 = arith.constant 7 : i32
    %dma_start3A_765 = arith.constant 0 : i32
    %dma_start3A_766 = tpu.memref_slice %arg2[%select_n3A, %add3A_80, %dma_start3A_764, %dma_start3A_765] : memref<16x768x16x196xf32, #tpu.memory_space<hbm>> -> memref<1x128x1x196xf32, #tpu.memory_space<hbm>>
    %dma_start3A_767 = tpu.memref_squeeze %dma_start3A_766 : memref<1x128x1x196xf32, #tpu.memory_space<hbm>> -> memref<128x196xf32, #tpu.memory_space<hbm>>
    %dma_start3A_768 = arith.constant 0 : i32
    %dma_start3A_769 = tpu.memref_slice %arg2[%select_n3A, %add3A_80, %dma_start3A_764, %dma_start3A_768] : memref<16x768x16x196xf32, #tpu.memory_space<hbm>> -> memref<1x128x1x196xf32, #tpu.memory_space<hbm>>
    %dma_start3A_770 = tpu.memref_squeeze %dma_start3A_769 : memref<1x128x1x196xf32, #tpu.memory_space<hbm>> -> memref<128x196xf32, #tpu.memory_space<hbm>>
    tpu.enqueue_dma source(%dma_start3A_770 : memref<128x196xf32, #tpu.memory_space<hbm>>) target(%arg6 : memref<128x196xf32, #tpu.memory_space<vmem>>) target_semaphore(%arg7 : memref<!tpu.dma_semaphore, #tpu.memory_space<semaphore_mem>>)
    %dma_wait3A_771 = arith.constant 7 : i32
    %dma_wait3A_772 = arith.constant 0 : i32
    %dma_wait3A_773 = tpu.memref_slice %arg2[%select_n3A, %add3A_80, %dma_wait3A_771, %dma_wait3A_772] : memref<16x768x16x196xf32, #tpu.memory_space<hbm>> -> memref<1x128x1x196xf32, #tpu.memory_space<hbm>>
    %dma_wait3A_774 = tpu.memref_squeeze %dma_wait3A_773 : memref<1x128x1x196xf32, #tpu.memory_space<hbm>> -> memref<128x196xf32, #tpu.memory_space<hbm>>
    %dma_wait3A_775 = arith.constant 0 : i32
    %dma_wait3A_776 = tpu.memref_slice %arg2[%select_n3A, %add3A_80, %dma_wait3A_771, %dma_wait3A_775] : memref<16x768x16x196xf32, #tpu.memory_space<hbm>> -> memref<1x128x1x196xf32, #tpu.memory_space<hbm>>
    %dma_wait3A_777 = tpu.memref_squeeze %dma_wait3A_776 : memref<1x128x1x196xf32, #tpu.memory_space<hbm>> -> memref<128x196xf32, #tpu.memory_space<hbm>>
    tpu.wait_dma2 semaphore(%arg7 : memref<!tpu.dma_semaphore, #tpu.memory_space<semaphore_mem>>) src(%dma_wait3A_777 : memref<128x196xf32, #tpu.memory_space<hbm>>) dst(%arg6 : memref<128x196xf32, #tpu.memory_space<vmem>>)
    %dma_start3A_778 = arith.constant 3 : i32
    %dma_start3A_779 = arith.constant 0 : i32
    %dma_start3A_780 = tpu.memref_slice %arg4[%select_n3A, %add3A_80, %dma_start3A_778, %dma_start3A_779] : memref<16x768x8x196xf32, #tpu.memory_space<hbm>> -> memref<1x128x1x196xf32, #tpu.memory_space<hbm>>
    %dma_start3A_781 = tpu.memref_squeeze %dma_start3A_780 : memref<1x128x1x196xf32, #tpu.memory_space<hbm>> -> memref<128x196xf32, #tpu.memory_space<hbm>>
    %dma_start3A_782 = arith.constant 0 : i32
    %dma_start3A_783 = tpu.memref_slice %arg4[%select_n3A, %add3A_80, %dma_start3A_778, %dma_start3A_782] : memref<16x768x8x196xf32, #tpu.memory_space<hbm>> -> memref<1x128x1x196xf32, #tpu.memory_space<hbm>>
    %dma_start3A_784 = tpu.memref_squeeze %dma_start3A_783 : memref<1x128x1x196xf32, #tpu.memory_space<hbm>> -> memref<128x196xf32, #tpu.memory_space<hbm>>
    tpu.enqueue_dma source(%arg6 : memref<128x196xf32, #tpu.memory_space<vmem>>) target(%dma_start3A_784 : memref<128x196xf32, #tpu.memory_space<hbm>>) target_semaphore(%arg9 : memref<!tpu.dma_semaphore, #tpu.memory_space<semaphore_mem>>)
    %dma_wait3A_785 = arith.constant 3 : i32
    %dma_wait3A_786 = arith.constant 0 : i32
    %dma_wait3A_787 = tpu.memref_slice %arg4[%select_n3A, %add3A_78, %dma_wait3A_785, %dma_wait3A_786] : memref<16x768x8x196xf32, #tpu.memory_space<hbm>> -> memref<1x128x1x196xf32, #tpu.memory_space<hbm>>
    %dma_wait3A_788 = tpu.memref_squeeze %dma_wait3A_787 : memref<1x128x1x196xf32, #tpu.memory_space<hbm>> -> memref<128x196xf32, #tpu.memory_space<hbm>>
    %dma_wait3A_789 = arith.constant 0 : i32
    %dma_wait3A_790 = tpu.memref_slice %arg4[%select_n3A, %add3A_78, %dma_wait3A_785, %dma_wait3A_789] : memref<16x768x8x196xf32, #tpu.memory_space<hbm>> -> memref<1x128x1x196xf32, #tpu.memory_space<hbm>>
    %dma_wait3A_791 = tpu.memref_squeeze %dma_wait3A_790 : memref<1x128x1x196xf32, #tpu.memory_space<hbm>> -> memref<128x196xf32, #tpu.memory_space<hbm>>
    tpu.wait_dma2 semaphore(%arg8 : memref<!tpu.dma_semaphore, #tpu.memory_space<semaphore_mem>>) src(%arg5 : memref<128x196xf32, #tpu.memory_space<vmem>>) dst(%dma_wait3A_791 : memref<128x196xf32, #tpu.memory_space<hbm>>)
    %dma_start3A_792 = arith.constant 8 : i32
    %dma_start3A_793 = arith.constant 0 : i32
    %dma_start3A_794 = tpu.memref_slice %arg2[%select_n3A, %add3A_82, %dma_start3A_792, %dma_start3A_793] : memref<16x768x16x196xf32, #tpu.memory_space<hbm>> -> memref<1x128x1x196xf32, #tpu.memory_space<hbm>>
    %dma_start3A_795 = tpu.memref_squeeze %dma_start3A_794 : memref<1x128x1x196xf32, #tpu.memory_space<hbm>> -> memref<128x196xf32, #tpu.memory_space<hbm>>
    %dma_start3A_796 = arith.constant 0 : i32
    %dma_start3A_797 = tpu.memref_slice %arg2[%select_n3A, %add3A_82, %dma_start3A_792, %dma_start3A_796] : memref<16x768x16x196xf32, #tpu.memory_space<hbm>> -> memref<1x128x1x196xf32, #tpu.memory_space<hbm>>
    %dma_start3A_798 = tpu.memref_squeeze %dma_start3A_797 : memref<1x128x1x196xf32, #tpu.memory_space<hbm>> -> memref<128x196xf32, #tpu.memory_space<hbm>>
    tpu.enqueue_dma source(%dma_start3A_798 : memref<128x196xf32, #tpu.memory_space<hbm>>) target(%arg5 : memref<128x196xf32, #tpu.memory_space<vmem>>) target_semaphore(%arg7 : memref<!tpu.dma_semaphore, #tpu.memory_space<semaphore_mem>>)
    %dma_wait3A_799 = arith.constant 8 : i32
    %dma_wait3A_800 = arith.constant 0 : i32
    %dma_wait3A_801 = tpu.memref_slice %arg2[%select_n3A, %add3A_82, %dma_wait3A_799, %dma_wait3A_800] : memref<16x768x16x196xf32, #tpu.memory_space<hbm>> -> memref<1x128x1x196xf32, #tpu.memory_space<hbm>>
    %dma_wait3A_802 = tpu.memref_squeeze %dma_wait3A_801 : memref<1x128x1x196xf32, #tpu.memory_space<hbm>> -> memref<128x196xf32, #tpu.memory_space<hbm>>
    %dma_wait3A_803 = arith.constant 0 : i32
    %dma_wait3A_804 = tpu.memref_slice %arg2[%select_n3A, %add3A_82, %dma_wait3A_799, %dma_wait3A_803] : memref<16x768x16x196xf32, #tpu.memory_space<hbm>> -> memref<1x128x1x196xf32, #tpu.memory_space<hbm>>
    %dma_wait3A_805 = tpu.memref_squeeze %dma_wait3A_804 : memref<1x128x1x196xf32, #tpu.memory_space<hbm>> -> memref<128x196xf32, #tpu.memory_space<hbm>>
    tpu.wait_dma2 semaphore(%arg7 : memref<!tpu.dma_semaphore, #tpu.memory_space<semaphore_mem>>) src(%dma_wait3A_805 : memref<128x196xf32, #tpu.memory_space<hbm>>) dst(%arg5 : memref<128x196xf32, #tpu.memory_space<vmem>>)
    %dma_start3A_806 = arith.constant 4 : i32
    %dma_start3A_807 = arith.constant 0 : i32
    %dma_start3A_808 = tpu.memref_slice %arg3[%select_n3A, %add3A_82, %dma_start3A_806, %dma_start3A_807] : memref<16x768x8x196xf32, #tpu.memory_space<hbm>> -> memref<1x128x1x196xf32, #tpu.memory_space<hbm>>
    %dma_start3A_809 = tpu.memref_squeeze %dma_start3A_808 : memref<1x128x1x196xf32, #tpu.memory_space<hbm>> -> memref<128x196xf32, #tpu.memory_space<hbm>>
    %dma_start3A_810 = arith.constant 0 : i32
    %dma_start3A_811 = tpu.memref_slice %arg3[%select_n3A, %add3A_82, %dma_start3A_806, %dma_start3A_810] : memref<16x768x8x196xf32, #tpu.memory_space<hbm>> -> memref<1x128x1x196xf32, #tpu.memory_space<hbm>>
    %dma_start3A_812 = tpu.memref_squeeze %dma_start3A_811 : memref<1x128x1x196xf32, #tpu.memory_space<hbm>> -> memref<128x196xf32, #tpu.memory_space<hbm>>
    tpu.enqueue_dma source(%arg5 : memref<128x196xf32, #tpu.memory_space<vmem>>) target(%dma_start3A_812 : memref<128x196xf32, #tpu.memory_space<hbm>>) target_semaphore(%arg8 : memref<!tpu.dma_semaphore, #tpu.memory_space<semaphore_mem>>)
    %dma_wait3A_813 = arith.constant 3 : i32
    %dma_wait3A_814 = arith.constant 0 : i32
    %dma_wait3A_815 = tpu.memref_slice %arg4[%select_n3A, %add3A_80, %dma_wait3A_813, %dma_wait3A_814] : memref<16x768x8x196xf32, #tpu.memory_space<hbm>> -> memref<1x128x1x196xf32, #tpu.memory_space<hbm>>
    %dma_wait3A_816 = tpu.memref_squeeze %dma_wait3A_815 : memref<1x128x1x196xf32, #tpu.memory_space<hbm>> -> memref<128x196xf32, #tpu.memory_space<hbm>>
    %dma_wait3A_817 = arith.constant 0 : i32
    %dma_wait3A_818 = tpu.memref_slice %arg4[%select_n3A, %add3A_80, %dma_wait3A_813, %dma_wait3A_817] : memref<16x768x8x196xf32, #tpu.memory_space<hbm>> -> memref<1x128x1x196xf32, #tpu.memory_space<hbm>>
    %dma_wait3A_819 = tpu.memref_squeeze %dma_wait3A_818 : memref<1x128x1x196xf32, #tpu.memory_space<hbm>> -> memref<128x196xf32, #tpu.memory_space<hbm>>
    tpu.wait_dma2 semaphore(%arg9 : memref<!tpu.dma_semaphore, #tpu.memory_space<semaphore_mem>>) src(%arg6 : memref<128x196xf32, #tpu.memory_space<vmem>>) dst(%dma_wait3A_819 : memref<128x196xf32, #tpu.memory_space<hbm>>)
    %dma_start3A_820 = arith.constant 8 : i32
    %dma_start3A_821 = arith.constant 0 : i32
    %dma_start3A_822 = tpu.memref_slice %arg2[%select_n3A, %add3A_84, %dma_start3A_820, %dma_start3A_821] : memref<16x768x16x196xf32, #tpu.memory_space<hbm>> -> memref<1x128x1x196xf32, #tpu.memory_space<hbm>>
    %dma_start3A_823 = tpu.memref_squeeze %dma_start3A_822 : memref<1x128x1x196xf32, #tpu.memory_space<hbm>> -> memref<128x196xf32, #tpu.memory_space<hbm>>
    %dma_start3A_824 = arith.constant 0 : i32
    %dma_start3A_825 = tpu.memref_slice %arg2[%select_n3A, %add3A_84, %dma_start3A_820, %dma_start3A_824] : memref<16x768x16x196xf32, #tpu.memory_space<hbm>> -> memref<1x128x1x196xf32, #tpu.memory_space<hbm>>
    %dma_start3A_826 = tpu.memref_squeeze %dma_start3A_825 : memref<1x128x1x196xf32, #tpu.memory_space<hbm>> -> memref<128x196xf32, #tpu.memory_space<hbm>>
    tpu.enqueue_dma source(%dma_start3A_826 : memref<128x196xf32, #tpu.memory_space<hbm>>) target(%arg6 : memref<128x196xf32, #tpu.memory_space<vmem>>) target_semaphore(%arg7 : memref<!tpu.dma_semaphore, #tpu.memory_space<semaphore_mem>>)
    %dma_wait3A_827 = arith.constant 8 : i32
    %dma_wait3A_828 = arith.constant 0 : i32
    %dma_wait3A_829 = tpu.memref_slice %arg2[%select_n3A, %add3A_84, %dma_wait3A_827, %dma_wait3A_828] : memref<16x768x16x196xf32, #tpu.memory_space<hbm>> -> memref<1x128x1x196xf32, #tpu.memory_space<hbm>>
    %dma_wait3A_830 = tpu.memref_squeeze %dma_wait3A_829 : memref<1x128x1x196xf32, #tpu.memory_space<hbm>> -> memref<128x196xf32, #tpu.memory_space<hbm>>
    %dma_wait3A_831 = arith.constant 0 : i32
    %dma_wait3A_832 = tpu.memref_slice %arg2[%select_n3A, %add3A_84, %dma_wait3A_827, %dma_wait3A_831] : memref<16x768x16x196xf32, #tpu.memory_space<hbm>> -> memref<1x128x1x196xf32, #tpu.memory_space<hbm>>
    %dma_wait3A_833 = tpu.memref_squeeze %dma_wait3A_832 : memref<1x128x1x196xf32, #tpu.memory_space<hbm>> -> memref<128x196xf32, #tpu.memory_space<hbm>>
    tpu.wait_dma2 semaphore(%arg7 : memref<!tpu.dma_semaphore, #tpu.memory_space<semaphore_mem>>) src(%dma_wait3A_833 : memref<128x196xf32, #tpu.memory_space<hbm>>) dst(%arg6 : memref<128x196xf32, #tpu.memory_space<vmem>>)
    %dma_start3A_834 = arith.constant 4 : i32
    %dma_start3A_835 = arith.constant 0 : i32
    %dma_start3A_836 = tpu.memref_slice %arg3[%select_n3A, %add3A_84, %dma_start3A_834, %dma_start3A_835] : memref<16x768x8x196xf32, #tpu.memory_space<hbm>> -> memref<1x128x1x196xf32, #tpu.memory_space<hbm>>
    %dma_start3A_837 = tpu.memref_squeeze %dma_start3A_836 : memref<1x128x1x196xf32, #tpu.memory_space<hbm>> -> memref<128x196xf32, #tpu.memory_space<hbm>>
    %dma_start3A_838 = arith.constant 0 : i32
    %dma_start3A_839 = tpu.memref_slice %arg3[%select_n3A, %add3A_84, %dma_start3A_834, %dma_start3A_838] : memref<16x768x8x196xf32, #tpu.memory_space<hbm>> -> memref<1x128x1x196xf32, #tpu.memory_space<hbm>>
    %dma_start3A_840 = tpu.memref_squeeze %dma_start3A_839 : memref<1x128x1x196xf32, #tpu.memory_space<hbm>> -> memref<128x196xf32, #tpu.memory_space<hbm>>
    tpu.enqueue_dma source(%arg6 : memref<128x196xf32, #tpu.memory_space<vmem>>) target(%dma_start3A_840 : memref<128x196xf32, #tpu.memory_space<hbm>>) target_semaphore(%arg9 : memref<!tpu.dma_semaphore, #tpu.memory_space<semaphore_mem>>)
    %dma_wait3A_841 = arith.constant 4 : i32
    %dma_wait3A_842 = arith.constant 0 : i32
    %dma_wait3A_843 = tpu.memref_slice %arg3[%select_n3A, %add3A_82, %dma_wait3A_841, %dma_wait3A_842] : memref<16x768x8x196xf32, #tpu.memory_space<hbm>> -> memref<1x128x1x196xf32, #tpu.memory_space<hbm>>
    %dma_wait3A_844 = tpu.memref_squeeze %dma_wait3A_843 : memref<1x128x1x196xf32, #tpu.memory_space<hbm>> -> memref<128x196xf32, #tpu.memory_space<hbm>>
    %dma_wait3A_845 = arith.constant 0 : i32
    %dma_wait3A_846 = tpu.memref_slice %arg3[%select_n3A, %add3A_82, %dma_wait3A_841, %dma_wait3A_845] : memref<16x768x8x196xf32, #tpu.memory_space<hbm>> -> memref<1x128x1x196xf32, #tpu.memory_space<hbm>>
    %dma_wait3A_847 = tpu.memref_squeeze %dma_wait3A_846 : memref<1x128x1x196xf32, #tpu.memory_space<hbm>> -> memref<128x196xf32, #tpu.memory_space<hbm>>
    tpu.wait_dma2 semaphore(%arg8 : memref<!tpu.dma_semaphore, #tpu.memory_space<semaphore_mem>>) src(%arg5 : memref<128x196xf32, #tpu.memory_space<vmem>>) dst(%dma_wait3A_847 : memref<128x196xf32, #tpu.memory_space<hbm>>)
    %dma_start3A_848 = arith.constant 8 : i32
    %dma_start3A_849 = arith.constant 0 : i32
    %dma_start3A_850 = tpu.memref_slice %arg2[%select_n3A, %add3A_86, %dma_start3A_848, %dma_start3A_849] : memref<16x768x16x196xf32, #tpu.memory_space<hbm>> -> memref<1x128x1x196xf32, #tpu.memory_space<hbm>>
    %dma_start3A_851 = tpu.memref_squeeze %dma_start3A_850 : memref<1x128x1x196xf32, #tpu.memory_space<hbm>> -> memref<128x196xf32, #tpu.memory_space<hbm>>
    %dma_start3A_852 = arith.constant 0 : i32
    %dma_start3A_853 = tpu.memref_slice %arg2[%select_n3A, %add3A_86, %dma_start3A_848, %dma_start3A_852] : memref<16x768x16x196xf32, #tpu.memory_space<hbm>> -> memref<1x128x1x196xf32, #tpu.memory_space<hbm>>
    %dma_start3A_854 = tpu.memref_squeeze %dma_start3A_853 : memref<1x128x1x196xf32, #tpu.memory_space<hbm>> -> memref<128x196xf32, #tpu.memory_space<hbm>>
    tpu.enqueue_dma source(%dma_start3A_854 : memref<128x196xf32, #tpu.memory_space<hbm>>) target(%arg5 : memref<128x196xf32, #tpu.memory_space<vmem>>) target_semaphore(%arg7 : memref<!tpu.dma_semaphore, #tpu.memory_space<semaphore_mem>>)
    %dma_wait3A_855 = arith.constant 8 : i32
    %dma_wait3A_856 = arith.constant 0 : i32
    %dma_wait3A_857 = tpu.memref_slice %arg2[%select_n3A, %add3A_86, %dma_wait3A_855, %dma_wait3A_856] : memref<16x768x16x196xf32, #tpu.memory_space<hbm>> -> memref<1x128x1x196xf32, #tpu.memory_space<hbm>>
    %dma_wait3A_858 = tpu.memref_squeeze %dma_wait3A_857 : memref<1x128x1x196xf32, #tpu.memory_space<hbm>> -> memref<128x196xf32, #tpu.memory_space<hbm>>
    %dma_wait3A_859 = arith.constant 0 : i32
    %dma_wait3A_860 = tpu.memref_slice %arg2[%select_n3A, %add3A_86, %dma_wait3A_855, %dma_wait3A_859] : memref<16x768x16x196xf32, #tpu.memory_space<hbm>> -> memref<1x128x1x196xf32, #tpu.memory_space<hbm>>
    %dma_wait3A_861 = tpu.memref_squeeze %dma_wait3A_860 : memref<1x128x1x196xf32, #tpu.memory_space<hbm>> -> memref<128x196xf32, #tpu.memory_space<hbm>>
    tpu.wait_dma2 semaphore(%arg7 : memref<!tpu.dma_semaphore, #tpu.memory_space<semaphore_mem>>) src(%dma_wait3A_861 : memref<128x196xf32, #tpu.memory_space<hbm>>) dst(%arg5 : memref<128x196xf32, #tpu.memory_space<vmem>>)
    %dma_start3A_862 = arith.constant 4 : i32
    %dma_start3A_863 = arith.constant 0 : i32
    %dma_start3A_864 = tpu.memref_slice %arg3[%select_n3A, %add3A_86, %dma_start3A_862, %dma_start3A_863] : memref<16x768x8x196xf32, #tpu.memory_space<hbm>> -> memref<1x128x1x196xf32, #tpu.memory_space<hbm>>
    %dma_start3A_865 = tpu.memref_squeeze %dma_start3A_864 : memref<1x128x1x196xf32, #tpu.memory_space<hbm>> -> memref<128x196xf32, #tpu.memory_space<hbm>>
    %dma_start3A_866 = arith.constant 0 : i32
    %dma_start3A_867 = tpu.memref_slice %arg3[%select_n3A, %add3A_86, %dma_start3A_862, %dma_start3A_866] : memref<16x768x8x196xf32, #tpu.memory_space<hbm>> -> memref<1x128x1x196xf32, #tpu.memory_space<hbm>>
    %dma_start3A_868 = tpu.memref_squeeze %dma_start3A_867 : memref<1x128x1x196xf32, #tpu.memory_space<hbm>> -> memref<128x196xf32, #tpu.memory_space<hbm>>
    tpu.enqueue_dma source(%arg5 : memref<128x196xf32, #tpu.memory_space<vmem>>) target(%dma_start3A_868 : memref<128x196xf32, #tpu.memory_space<hbm>>) target_semaphore(%arg8 : memref<!tpu.dma_semaphore, #tpu.memory_space<semaphore_mem>>)
    %dma_wait3A_869 = arith.constant 4 : i32
    %dma_wait3A_870 = arith.constant 0 : i32
    %dma_wait3A_871 = tpu.memref_slice %arg3[%select_n3A, %add3A_84, %dma_wait3A_869, %dma_wait3A_870] : memref<16x768x8x196xf32, #tpu.memory_space<hbm>> -> memref<1x128x1x196xf32, #tpu.memory_space<hbm>>
    %dma_wait3A_872 = tpu.memref_squeeze %dma_wait3A_871 : memref<1x128x1x196xf32, #tpu.memory_space<hbm>> -> memref<128x196xf32, #tpu.memory_space<hbm>>
    %dma_wait3A_873 = arith.constant 0 : i32
    %dma_wait3A_874 = tpu.memref_slice %arg3[%select_n3A, %add3A_84, %dma_wait3A_869, %dma_wait3A_873] : memref<16x768x8x196xf32, #tpu.memory_space<hbm>> -> memref<1x128x1x196xf32, #tpu.memory_space<hbm>>
    %dma_wait3A_875 = tpu.memref_squeeze %dma_wait3A_874 : memref<1x128x1x196xf32, #tpu.memory_space<hbm>> -> memref<128x196xf32, #tpu.memory_space<hbm>>
    tpu.wait_dma2 semaphore(%arg9 : memref<!tpu.dma_semaphore, #tpu.memory_space<semaphore_mem>>) src(%arg6 : memref<128x196xf32, #tpu.memory_space<vmem>>) dst(%dma_wait3A_875 : memref<128x196xf32, #tpu.memory_space<hbm>>)
    %dma_start3A_876 = arith.constant 9 : i32
    %dma_start3A_877 = arith.constant 0 : i32
    %dma_start3A_878 = tpu.memref_slice %arg2[%select_n3A, %add3A_88, %dma_start3A_876, %dma_start3A_877] : memref<16x768x16x196xf32, #tpu.memory_space<hbm>> -> memref<1x128x1x196xf32, #tpu.memory_space<hbm>>
    %dma_start3A_879 = tpu.memref_squeeze %dma_start3A_878 : memref<1x128x1x196xf32, #tpu.memory_space<hbm>> -> memref<128x196xf32, #tpu.memory_space<hbm>>
    %dma_start3A_880 = arith.constant 0 : i32
    %dma_start3A_881 = tpu.memref_slice %arg2[%select_n3A, %add3A_88, %dma_start3A_876, %dma_start3A_880] : memref<16x768x16x196xf32, #tpu.memory_space<hbm>> -> memref<1x128x1x196xf32, #tpu.memory_space<hbm>>
    %dma_start3A_882 = tpu.memref_squeeze %dma_start3A_881 : memref<1x128x1x196xf32, #tpu.memory_space<hbm>> -> memref<128x196xf32, #tpu.memory_space<hbm>>
    tpu.enqueue_dma source(%dma_start3A_882 : memref<128x196xf32, #tpu.memory_space<hbm>>) target(%arg6 : memref<128x196xf32, #tpu.memory_space<vmem>>) target_semaphore(%arg7 : memref<!tpu.dma_semaphore, #tpu.memory_space<semaphore_mem>>)
    %dma_wait3A_883 = arith.constant 9 : i32
    %dma_wait3A_884 = arith.constant 0 : i32
    %dma_wait3A_885 = tpu.memref_slice %arg2[%select_n3A, %add3A_88, %dma_wait3A_883, %dma_wait3A_884] : memref<16x768x16x196xf32, #tpu.memory_space<hbm>> -> memref<1x128x1x196xf32, #tpu.memory_space<hbm>>
    %dma_wait3A_886 = tpu.memref_squeeze %dma_wait3A_885 : memref<1x128x1x196xf32, #tpu.memory_space<hbm>> -> memref<128x196xf32, #tpu.memory_space<hbm>>
    %dma_wait3A_887 = arith.constant 0 : i32
    %dma_wait3A_888 = tpu.memref_slice %arg2[%select_n3A, %add3A_88, %dma_wait3A_883, %dma_wait3A_887] : memref<16x768x16x196xf32, #tpu.memory_space<hbm>> -> memref<1x128x1x196xf32, #tpu.memory_space<hbm>>
    %dma_wait3A_889 = tpu.memref_squeeze %dma_wait3A_888 : memref<1x128x1x196xf32, #tpu.memory_space<hbm>> -> memref<128x196xf32, #tpu.memory_space<hbm>>
    tpu.wait_dma2 semaphore(%arg7 : memref<!tpu.dma_semaphore, #tpu.memory_space<semaphore_mem>>) src(%dma_wait3A_889 : memref<128x196xf32, #tpu.memory_space<hbm>>) dst(%arg6 : memref<128x196xf32, #tpu.memory_space<vmem>>)
    %dma_start3A_890 = arith.constant 4 : i32
    %dma_start3A_891 = arith.constant 0 : i32
    %dma_start3A_892 = tpu.memref_slice %arg4[%select_n3A, %add3A_88, %dma_start3A_890, %dma_start3A_891] : memref<16x768x8x196xf32, #tpu.memory_space<hbm>> -> memref<1x128x1x196xf32, #tpu.memory_space<hbm>>
    %dma_start3A_893 = tpu.memref_squeeze %dma_start3A_892 : memref<1x128x1x196xf32, #tpu.memory_space<hbm>> -> memref<128x196xf32, #tpu.memory_space<hbm>>
    %dma_start3A_894 = arith.constant 0 : i32
    %dma_start3A_895 = tpu.memref_slice %arg4[%select_n3A, %add3A_88, %dma_start3A_890, %dma_start3A_894] : memref<16x768x8x196xf32, #tpu.memory_space<hbm>> -> memref<1x128x1x196xf32, #tpu.memory_space<hbm>>
    %dma_start3A_896 = tpu.memref_squeeze %dma_start3A_895 : memref<1x128x1x196xf32, #tpu.memory_space<hbm>> -> memref<128x196xf32, #tpu.memory_space<hbm>>
    tpu.enqueue_dma source(%arg6 : memref<128x196xf32, #tpu.memory_space<vmem>>) target(%dma_start3A_896 : memref<128x196xf32, #tpu.memory_space<hbm>>) target_semaphore(%arg9 : memref<!tpu.dma_semaphore, #tpu.memory_space<semaphore_mem>>)
    %dma_wait3A_897 = arith.constant 4 : i32
    %dma_wait3A_898 = arith.constant 0 : i32
    %dma_wait3A_899 = tpu.memref_slice %arg3[%select_n3A, %add3A_86, %dma_wait3A_897, %dma_wait3A_898] : memref<16x768x8x196xf32, #tpu.memory_space<hbm>> -> memref<1x128x1x196xf32, #tpu.memory_space<hbm>>
    %dma_wait3A_900 = tpu.memref_squeeze %dma_wait3A_899 : memref<1x128x1x196xf32, #tpu.memory_space<hbm>> -> memref<128x196xf32, #tpu.memory_space<hbm>>
    %dma_wait3A_901 = arith.constant 0 : i32
    %dma_wait3A_902 = tpu.memref_slice %arg3[%select_n3A, %add3A_86, %dma_wait3A_897, %dma_wait3A_901] : memref<16x768x8x196xf32, #tpu.memory_space<hbm>> -> memref<1x128x1x196xf32, #tpu.memory_space<hbm>>
    %dma_wait3A_903 = tpu.memref_squeeze %dma_wait3A_902 : memref<1x128x1x196xf32, #tpu.memory_space<hbm>> -> memref<128x196xf32, #tpu.memory_space<hbm>>
    tpu.wait_dma2 semaphore(%arg8 : memref<!tpu.dma_semaphore, #tpu.memory_space<semaphore_mem>>) src(%arg5 : memref<128x196xf32, #tpu.memory_space<vmem>>) dst(%dma_wait3A_903 : memref<128x196xf32, #tpu.memory_space<hbm>>)
    %dma_start3A_904 = arith.constant 9 : i32
    %dma_start3A_905 = arith.constant 0 : i32
    %dma_start3A_906 = tpu.memref_slice %arg2[%select_n3A, %add3A_90, %dma_start3A_904, %dma_start3A_905] : memref<16x768x16x196xf32, #tpu.memory_space<hbm>> -> memref<1x128x1x196xf32, #tpu.memory_space<hbm>>
    %dma_start3A_907 = tpu.memref_squeeze %dma_start3A_906 : memref<1x128x1x196xf32, #tpu.memory_space<hbm>> -> memref<128x196xf32, #tpu.memory_space<hbm>>
    %dma_start3A_908 = arith.constant 0 : i32
    %dma_start3A_909 = tpu.memref_slice %arg2[%select_n3A, %add3A_90, %dma_start3A_904, %dma_start3A_908] : memref<16x768x16x196xf32, #tpu.memory_space<hbm>> -> memref<1x128x1x196xf32, #tpu.memory_space<hbm>>
    %dma_start3A_910 = tpu.memref_squeeze %dma_start3A_909 : memref<1x128x1x196xf32, #tpu.memory_space<hbm>> -> memref<128x196xf32, #tpu.memory_space<hbm>>
    tpu.enqueue_dma source(%dma_start3A_910 : memref<128x196xf32, #tpu.memory_space<hbm>>) target(%arg5 : memref<128x196xf32, #tpu.memory_space<vmem>>) target_semaphore(%arg7 : memref<!tpu.dma_semaphore, #tpu.memory_space<semaphore_mem>>)
    %dma_wait3A_911 = arith.constant 9 : i32
    %dma_wait3A_912 = arith.constant 0 : i32
    %dma_wait3A_913 = tpu.memref_slice %arg2[%select_n3A, %add3A_90, %dma_wait3A_911, %dma_wait3A_912] : memref<16x768x16x196xf32, #tpu.memory_space<hbm>> -> memref<1x128x1x196xf32, #tpu.memory_space<hbm>>
    %dma_wait3A_914 = tpu.memref_squeeze %dma_wait3A_913 : memref<1x128x1x196xf32, #tpu.memory_space<hbm>> -> memref<128x196xf32, #tpu.memory_space<hbm>>
    %dma_wait3A_915 = arith.constant 0 : i32
    %dma_wait3A_916 = tpu.memref_slice %arg2[%select_n3A, %add3A_90, %dma_wait3A_911, %dma_wait3A_915] : memref<16x768x16x196xf32, #tpu.memory_space<hbm>> -> memref<1x128x1x196xf32, #tpu.memory_space<hbm>>
    %dma_wait3A_917 = tpu.memref_squeeze %dma_wait3A_916 : memref<1x128x1x196xf32, #tpu.memory_space<hbm>> -> memref<128x196xf32, #tpu.memory_space<hbm>>
    tpu.wait_dma2 semaphore(%arg7 : memref<!tpu.dma_semaphore, #tpu.memory_space<semaphore_mem>>) src(%dma_wait3A_917 : memref<128x196xf32, #tpu.memory_space<hbm>>) dst(%arg5 : memref<128x196xf32, #tpu.memory_space<vmem>>)
    %dma_start3A_918 = arith.constant 4 : i32
    %dma_start3A_919 = arith.constant 0 : i32
    %dma_start3A_920 = tpu.memref_slice %arg4[%select_n3A, %add3A_90, %dma_start3A_918, %dma_start3A_919] : memref<16x768x8x196xf32, #tpu.memory_space<hbm>> -> memref<1x128x1x196xf32, #tpu.memory_space<hbm>>
    %dma_start3A_921 = tpu.memref_squeeze %dma_start3A_920 : memref<1x128x1x196xf32, #tpu.memory_space<hbm>> -> memref<128x196xf32, #tpu.memory_space<hbm>>
    %dma_start3A_922 = arith.constant 0 : i32
    %dma_start3A_923 = tpu.memref_slice %arg4[%select_n3A, %add3A_90, %dma_start3A_918, %dma_start3A_922] : memref<16x768x8x196xf32, #tpu.memory_space<hbm>> -> memref<1x128x1x196xf32, #tpu.memory_space<hbm>>
    %dma_start3A_924 = tpu.memref_squeeze %dma_start3A_923 : memref<1x128x1x196xf32, #tpu.memory_space<hbm>> -> memref<128x196xf32, #tpu.memory_space<hbm>>
    tpu.enqueue_dma source(%arg5 : memref<128x196xf32, #tpu.memory_space<vmem>>) target(%dma_start3A_924 : memref<128x196xf32, #tpu.memory_space<hbm>>) target_semaphore(%arg8 : memref<!tpu.dma_semaphore, #tpu.memory_space<semaphore_mem>>)
    %dma_wait3A_925 = arith.constant 4 : i32
    %dma_wait3A_926 = arith.constant 0 : i32
    %dma_wait3A_927 = tpu.memref_slice %arg4[%select_n3A, %add3A_88, %dma_wait3A_925, %dma_wait3A_926] : memref<16x768x8x196xf32, #tpu.memory_space<hbm>> -> memref<1x128x1x196xf32, #tpu.memory_space<hbm>>
    %dma_wait3A_928 = tpu.memref_squeeze %dma_wait3A_927 : memref<1x128x1x196xf32, #tpu.memory_space<hbm>> -> memref<128x196xf32, #tpu.memory_space<hbm>>
    %dma_wait3A_929 = arith.constant 0 : i32
    %dma_wait3A_930 = tpu.memref_slice %arg4[%select_n3A, %add3A_88, %dma_wait3A_925, %dma_wait3A_929] : memref<16x768x8x196xf32, #tpu.memory_space<hbm>> -> memref<1x128x1x196xf32, #tpu.memory_space<hbm>>
    %dma_wait3A_931 = tpu.memref_squeeze %dma_wait3A_930 : memref<1x128x1x196xf32, #tpu.memory_space<hbm>> -> memref<128x196xf32, #tpu.memory_space<hbm>>
    tpu.wait_dma2 semaphore(%arg9 : memref<!tpu.dma_semaphore, #tpu.memory_space<semaphore_mem>>) src(%arg6 : memref<128x196xf32, #tpu.memory_space<vmem>>) dst(%dma_wait3A_931 : memref<128x196xf32, #tpu.memory_space<hbm>>)
    %dma_start3A_932 = arith.constant 9 : i32
    %dma_start3A_933 = arith.constant 0 : i32
    %dma_start3A_934 = tpu.memref_slice %arg2[%select_n3A, %add3A_92, %dma_start3A_932, %dma_start3A_933] : memref<16x768x16x196xf32, #tpu.memory_space<hbm>> -> memref<1x128x1x196xf32, #tpu.memory_space<hbm>>
    %dma_start3A_935 = tpu.memref_squeeze %dma_start3A_934 : memref<1x128x1x196xf32, #tpu.memory_space<hbm>> -> memref<128x196xf32, #tpu.memory_space<hbm>>
    %dma_start3A_936 = arith.constant 0 : i32
    %dma_start3A_937 = tpu.memref_slice %arg2[%select_n3A, %add3A_92, %dma_start3A_932, %dma_start3A_936] : memref<16x768x16x196xf32, #tpu.memory_space<hbm>> -> memref<1x128x1x196xf32, #tpu.memory_space<hbm>>
    %dma_start3A_938 = tpu.memref_squeeze %dma_start3A_937 : memref<1x128x1x196xf32, #tpu.memory_space<hbm>> -> memref<128x196xf32, #tpu.memory_space<hbm>>
    tpu.enqueue_dma source(%dma_start3A_938 : memref<128x196xf32, #tpu.memory_space<hbm>>) target(%arg6 : memref<128x196xf32, #tpu.memory_space<vmem>>) target_semaphore(%arg7 : memref<!tpu.dma_semaphore, #tpu.memory_space<semaphore_mem>>)
    %dma_wait3A_939 = arith.constant 9 : i32
    %dma_wait3A_940 = arith.constant 0 : i32
    %dma_wait3A_941 = tpu.memref_slice %arg2[%select_n3A, %add3A_92, %dma_wait3A_939, %dma_wait3A_940] : memref<16x768x16x196xf32, #tpu.memory_space<hbm>> -> memref<1x128x1x196xf32, #tpu.memory_space<hbm>>
    %dma_wait3A_942 = tpu.memref_squeeze %dma_wait3A_941 : memref<1x128x1x196xf32, #tpu.memory_space<hbm>> -> memref<128x196xf32, #tpu.memory_space<hbm>>
    %dma_wait3A_943 = arith.constant 0 : i32
    %dma_wait3A_944 = tpu.memref_slice %arg2[%select_n3A, %add3A_92, %dma_wait3A_939, %dma_wait3A_943] : memref<16x768x16x196xf32, #tpu.memory_space<hbm>> -> memref<1x128x1x196xf32, #tpu.memory_space<hbm>>
    %dma_wait3A_945 = tpu.memref_squeeze %dma_wait3A_944 : memref<1x128x1x196xf32, #tpu.memory_space<hbm>> -> memref<128x196xf32, #tpu.memory_space<hbm>>
    tpu.wait_dma2 semaphore(%arg7 : memref<!tpu.dma_semaphore, #tpu.memory_space<semaphore_mem>>) src(%dma_wait3A_945 : memref<128x196xf32, #tpu.memory_space<hbm>>) dst(%arg6 : memref<128x196xf32, #tpu.memory_space<vmem>>)
    %dma_start3A_946 = arith.constant 4 : i32
    %dma_start3A_947 = arith.constant 0 : i32
    %dma_start3A_948 = tpu.memref_slice %arg4[%select_n3A, %add3A_92, %dma_start3A_946, %dma_start3A_947] : memref<16x768x8x196xf32, #tpu.memory_space<hbm>> -> memref<1x128x1x196xf32, #tpu.memory_space<hbm>>
    %dma_start3A_949 = tpu.memref_squeeze %dma_start3A_948 : memref<1x128x1x196xf32, #tpu.memory_space<hbm>> -> memref<128x196xf32, #tpu.memory_space<hbm>>
    %dma_start3A_950 = arith.constant 0 : i32
    %dma_start3A_951 = tpu.memref_slice %arg4[%select_n3A, %add3A_92, %dma_start3A_946, %dma_start3A_950] : memref<16x768x8x196xf32, #tpu.memory_space<hbm>> -> memref<1x128x1x196xf32, #tpu.memory_space<hbm>>
    %dma_start3A_952 = tpu.memref_squeeze %dma_start3A_951 : memref<1x128x1x196xf32, #tpu.memory_space<hbm>> -> memref<128x196xf32, #tpu.memory_space<hbm>>
    tpu.enqueue_dma source(%arg6 : memref<128x196xf32, #tpu.memory_space<vmem>>) target(%dma_start3A_952 : memref<128x196xf32, #tpu.memory_space<hbm>>) target_semaphore(%arg9 : memref<!tpu.dma_semaphore, #tpu.memory_space<semaphore_mem>>)
    %dma_wait3A_953 = arith.constant 4 : i32
    %dma_wait3A_954 = arith.constant 0 : i32
    %dma_wait3A_955 = tpu.memref_slice %arg4[%select_n3A, %add3A_90, %dma_wait3A_953, %dma_wait3A_954] : memref<16x768x8x196xf32, #tpu.memory_space<hbm>> -> memref<1x128x1x196xf32, #tpu.memory_space<hbm>>
    %dma_wait3A_956 = tpu.memref_squeeze %dma_wait3A_955 : memref<1x128x1x196xf32, #tpu.memory_space<hbm>> -> memref<128x196xf32, #tpu.memory_space<hbm>>
    %dma_wait3A_957 = arith.constant 0 : i32
    %dma_wait3A_958 = tpu.memref_slice %arg4[%select_n3A, %add3A_90, %dma_wait3A_953, %dma_wait3A_957] : memref<16x768x8x196xf32, #tpu.memory_space<hbm>> -> memref<1x128x1x196xf32, #tpu.memory_space<hbm>>
    %dma_wait3A_959 = tpu.memref_squeeze %dma_wait3A_958 : memref<1x128x1x196xf32, #tpu.memory_space<hbm>> -> memref<128x196xf32, #tpu.memory_space<hbm>>
    tpu.wait_dma2 semaphore(%arg8 : memref<!tpu.dma_semaphore, #tpu.memory_space<semaphore_mem>>) src(%arg5 : memref<128x196xf32, #tpu.memory_space<vmem>>) dst(%dma_wait3A_959 : memref<128x196xf32, #tpu.memory_space<hbm>>)
    %dma_start3A_960 = arith.constant 10 : i32
    %dma_start3A_961 = arith.constant 0 : i32
    %dma_start3A_962 = tpu.memref_slice %arg2[%select_n3A, %add3A_94, %dma_start3A_960, %dma_start3A_961] : memref<16x768x16x196xf32, #tpu.memory_space<hbm>> -> memref<1x128x1x196xf32, #tpu.memory_space<hbm>>
    %dma_start3A_963 = tpu.memref_squeeze %dma_start3A_962 : memref<1x128x1x196xf32, #tpu.memory_space<hbm>> -> memref<128x196xf32, #tpu.memory_space<hbm>>
    %dma_start3A_964 = arith.constant 0 : i32
    %dma_start3A_965 = tpu.memref_slice %arg2[%select_n3A, %add3A_94, %dma_start3A_960, %dma_start3A_964] : memref<16x768x16x196xf32, #tpu.memory_space<hbm>> -> memref<1x128x1x196xf32, #tpu.memory_space<hbm>>
    %dma_start3A_966 = tpu.memref_squeeze %dma_start3A_965 : memref<1x128x1x196xf32, #tpu.memory_space<hbm>> -> memref<128x196xf32, #tpu.memory_space<hbm>>
    tpu.enqueue_dma source(%dma_start3A_966 : memref<128x196xf32, #tpu.memory_space<hbm>>) target(%arg5 : memref<128x196xf32, #tpu.memory_space<vmem>>) target_semaphore(%arg7 : memref<!tpu.dma_semaphore, #tpu.memory_space<semaphore_mem>>)
    %dma_wait3A_967 = arith.constant 10 : i32
    %dma_wait3A_968 = arith.constant 0 : i32
    %dma_wait3A_969 = tpu.memref_slice %arg2[%select_n3A, %add3A_94, %dma_wait3A_967, %dma_wait3A_968] : memref<16x768x16x196xf32, #tpu.memory_space<hbm>> -> memref<1x128x1x196xf32, #tpu.memory_space<hbm>>
    %dma_wait3A_970 = tpu.memref_squeeze %dma_wait3A_969 : memref<1x128x1x196xf32, #tpu.memory_space<hbm>> -> memref<128x196xf32, #tpu.memory_space<hbm>>
    %dma_wait3A_971 = arith.constant 0 : i32
    %dma_wait3A_972 = tpu.memref_slice %arg2[%select_n3A, %add3A_94, %dma_wait3A_967, %dma_wait3A_971] : memref<16x768x16x196xf32, #tpu.memory_space<hbm>> -> memref<1x128x1x196xf32, #tpu.memory_space<hbm>>
    %dma_wait3A_973 = tpu.memref_squeeze %dma_wait3A_972 : memref<1x128x1x196xf32, #tpu.memory_space<hbm>> -> memref<128x196xf32, #tpu.memory_space<hbm>>
    tpu.wait_dma2 semaphore(%arg7 : memref<!tpu.dma_semaphore, #tpu.memory_space<semaphore_mem>>) src(%dma_wait3A_973 : memref<128x196xf32, #tpu.memory_space<hbm>>) dst(%arg5 : memref<128x196xf32, #tpu.memory_space<vmem>>)
    %dma_start3A_974 = arith.constant 5 : i32
    %dma_start3A_975 = arith.constant 0 : i32
    %dma_start3A_976 = tpu.memref_slice %arg3[%select_n3A, %add3A_94, %dma_start3A_974, %dma_start3A_975] : memref<16x768x8x196xf32, #tpu.memory_space<hbm>> -> memref<1x128x1x196xf32, #tpu.memory_space<hbm>>
    %dma_start3A_977 = tpu.memref_squeeze %dma_start3A_976 : memref<1x128x1x196xf32, #tpu.memory_space<hbm>> -> memref<128x196xf32, #tpu.memory_space<hbm>>
    %dma_start3A_978 = arith.constant 0 : i32
    %dma_start3A_979 = tpu.memref_slice %arg3[%select_n3A, %add3A_94, %dma_start3A_974, %dma_start3A_978] : memref<16x768x8x196xf32, #tpu.memory_space<hbm>> -> memref<1x128x1x196xf32, #tpu.memory_space<hbm>>
    %dma_start3A_980 = tpu.memref_squeeze %dma_start3A_979 : memref<1x128x1x196xf32, #tpu.memory_space<hbm>> -> memref<128x196xf32, #tpu.memory_space<hbm>>
    tpu.enqueue_dma source(%arg5 : memref<128x196xf32, #tpu.memory_space<vmem>>) target(%dma_start3A_980 : memref<128x196xf32, #tpu.memory_space<hbm>>) target_semaphore(%arg8 : memref<!tpu.dma_semaphore, #tpu.memory_space<semaphore_mem>>)
    %dma_wait3A_981 = arith.constant 4 : i32
    %dma_wait3A_982 = arith.constant 0 : i32
    %dma_wait3A_983 = tpu.memref_slice %arg4[%select_n3A, %add3A_92, %dma_wait3A_981, %dma_wait3A_982] : memref<16x768x8x196xf32, #tpu.memory_space<hbm>> -> memref<1x128x1x196xf32, #tpu.memory_space<hbm>>
    %dma_wait3A_984 = tpu.memref_squeeze %dma_wait3A_983 : memref<1x128x1x196xf32, #tpu.memory_space<hbm>> -> memref<128x196xf32, #tpu.memory_space<hbm>>
    %dma_wait3A_985 = arith.constant 0 : i32
    %dma_wait3A_986 = tpu.memref_slice %arg4[%select_n3A, %add3A_92, %dma_wait3A_981, %dma_wait3A_985] : memref<16x768x8x196xf32, #tpu.memory_space<hbm>> -> memref<1x128x1x196xf32, #tpu.memory_space<hbm>>
    %dma_wait3A_987 = tpu.memref_squeeze %dma_wait3A_986 : memref<1x128x1x196xf32, #tpu.memory_space<hbm>> -> memref<128x196xf32, #tpu.memory_space<hbm>>
    tpu.wait_dma2 semaphore(%arg9 : memref<!tpu.dma_semaphore, #tpu.memory_space<semaphore_mem>>) src(%arg6 : memref<128x196xf32, #tpu.memory_space<vmem>>) dst(%dma_wait3A_987 : memref<128x196xf32, #tpu.memory_space<hbm>>)
    %dma_start3A_988 = arith.constant 10 : i32
    %dma_start3A_989 = arith.constant 0 : i32
    %dma_start3A_990 = tpu.memref_slice %arg2[%select_n3A, %add3A_96, %dma_start3A_988, %dma_start3A_989] : memref<16x768x16x196xf32, #tpu.memory_space<hbm>> -> memref<1x128x1x196xf32, #tpu.memory_space<hbm>>
    %dma_start3A_991 = tpu.memref_squeeze %dma_start3A_990 : memref<1x128x1x196xf32, #tpu.memory_space<hbm>> -> memref<128x196xf32, #tpu.memory_space<hbm>>
    %dma_start3A_992 = arith.constant 0 : i32
    %dma_start3A_993 = tpu.memref_slice %arg2[%select_n3A, %add3A_96, %dma_start3A_988, %dma_start3A_992] : memref<16x768x16x196xf32, #tpu.memory_space<hbm>> -> memref<1x128x1x196xf32, #tpu.memory_space<hbm>>
    %dma_start3A_994 = tpu.memref_squeeze %dma_start3A_993 : memref<1x128x1x196xf32, #tpu.memory_space<hbm>> -> memref<128x196xf32, #tpu.memory_space<hbm>>
    tpu.enqueue_dma source(%dma_start3A_994 : memref<128x196xf32, #tpu.memory_space<hbm>>) target(%arg6 : memref<128x196xf32, #tpu.memory_space<vmem>>) target_semaphore(%arg7 : memref<!tpu.dma_semaphore, #tpu.memory_space<semaphore_mem>>)
    %dma_wait3A_995 = arith.constant 10 : i32
    %dma_wait3A_996 = arith.constant 0 : i32
    %dma_wait3A_997 = tpu.memref_slice %arg2[%select_n3A, %add3A_96, %dma_wait3A_995, %dma_wait3A_996] : memref<16x768x16x196xf32, #tpu.memory_space<hbm>> -> memref<1x128x1x196xf32, #tpu.memory_space<hbm>>
    %dma_wait3A_998 = tpu.memref_squeeze %dma_wait3A_997 : memref<1x128x1x196xf32, #tpu.memory_space<hbm>> -> memref<128x196xf32, #tpu.memory_space<hbm>>
    %dma_wait3A_999 = arith.constant 0 : i32
    %dma_wait3A_1000 = tpu.memref_slice %arg2[%select_n3A, %add3A_96, %dma_wait3A_995, %dma_wait3A_999] : memref<16x768x16x196xf32, #tpu.memory_space<hbm>> -> memref<1x128x1x196xf32, #tpu.memory_space<hbm>>
    %dma_wait3A_1001 = tpu.memref_squeeze %dma_wait3A_1000 : memref<1x128x1x196xf32, #tpu.memory_space<hbm>> -> memref<128x196xf32, #tpu.memory_space<hbm>>
    tpu.wait_dma2 semaphore(%arg7 : memref<!tpu.dma_semaphore, #tpu.memory_space<semaphore_mem>>) src(%dma_wait3A_1001 : memref<128x196xf32, #tpu.memory_space<hbm>>) dst(%arg6 : memref<128x196xf32, #tpu.memory_space<vmem>>)
    %dma_start3A_1002 = arith.constant 5 : i32
    %dma_start3A_1003 = arith.constant 0 : i32
    %dma_start3A_1004 = tpu.memref_slice %arg3[%select_n3A, %add3A_96, %dma_start3A_1002, %dma_start3A_1003] : memref<16x768x8x196xf32, #tpu.memory_space<hbm>> -> memref<1x128x1x196xf32, #tpu.memory_space<hbm>>
    %dma_start3A_1005 = tpu.memref_squeeze %dma_start3A_1004 : memref<1x128x1x196xf32, #tpu.memory_space<hbm>> -> memref<128x196xf32, #tpu.memory_space<hbm>>
    %dma_start3A_1006 = arith.constant 0 : i32
    %dma_start3A_1007 = tpu.memref_slice %arg3[%select_n3A, %add3A_96, %dma_start3A_1002, %dma_start3A_1006] : memref<16x768x8x196xf32, #tpu.memory_space<hbm>> -> memref<1x128x1x196xf32, #tpu.memory_space<hbm>>
    %dma_start3A_1008 = tpu.memref_squeeze %dma_start3A_1007 : memref<1x128x1x196xf32, #tpu.memory_space<hbm>> -> memref<128x196xf32, #tpu.memory_space<hbm>>
    tpu.enqueue_dma source(%arg6 : memref<128x196xf32, #tpu.memory_space<vmem>>) target(%dma_start3A_1008 : memref<128x196xf32, #tpu.memory_space<hbm>>) target_semaphore(%arg9 : memref<!tpu.dma_semaphore, #tpu.memory_space<semaphore_mem>>)
    %dma_wait3A_1009 = arith.constant 5 : i32
    %dma_wait3A_1010 = arith.constant 0 : i32
    %dma_wait3A_1011 = tpu.memref_slice %arg3[%select_n3A, %add3A_94, %dma_wait3A_1009, %dma_wait3A_1010] : memref<16x768x8x196xf32, #tpu.memory_space<hbm>> -> memref<1x128x1x196xf32, #tpu.memory_space<hbm>>
    %dma_wait3A_1012 = tpu.memref_squeeze %dma_wait3A_1011 : memref<1x128x1x196xf32, #tpu.memory_space<hbm>> -> memref<128x196xf32, #tpu.memory_space<hbm>>
    %dma_wait3A_1013 = arith.constant 0 : i32
    %dma_wait3A_1014 = tpu.memref_slice %arg3[%select_n3A, %add3A_94, %dma_wait3A_1009, %dma_wait3A_1013] : memref<16x768x8x196xf32, #tpu.memory_space<hbm>> -> memref<1x128x1x196xf32, #tpu.memory_space<hbm>>
    %dma_wait3A_1015 = tpu.memref_squeeze %dma_wait3A_1014 : memref<1x128x1x196xf32, #tpu.memory_space<hbm>> -> memref<128x196xf32, #tpu.memory_space<hbm>>
    tpu.wait_dma2 semaphore(%arg8 : memref<!tpu.dma_semaphore, #tpu.memory_space<semaphore_mem>>) src(%arg5 : memref<128x196xf32, #tpu.memory_space<vmem>>) dst(%dma_wait3A_1015 : memref<128x196xf32, #tpu.memory_space<hbm>>)
    %dma_start3A_1016 = arith.constant 10 : i32
    %dma_start3A_1017 = arith.constant 0 : i32
    %dma_start3A_1018 = tpu.memref_slice %arg2[%select_n3A, %add3A_98, %dma_start3A_1016, %dma_start3A_1017] : memref<16x768x16x196xf32, #tpu.memory_space<hbm>> -> memref<1x128x1x196xf32, #tpu.memory_space<hbm>>
    %dma_start3A_1019 = tpu.memref_squeeze %dma_start3A_1018 : memref<1x128x1x196xf32, #tpu.memory_space<hbm>> -> memref<128x196xf32, #tpu.memory_space<hbm>>
    %dma_start3A_1020 = arith.constant 0 : i32
    %dma_start3A_1021 = tpu.memref_slice %arg2[%select_n3A, %add3A_98, %dma_start3A_1016, %dma_start3A_1020] : memref<16x768x16x196xf32, #tpu.memory_space<hbm>> -> memref<1x128x1x196xf32, #tpu.memory_space<hbm>>
    %dma_start3A_1022 = tpu.memref_squeeze %dma_start3A_1021 : memref<1x128x1x196xf32, #tpu.memory_space<hbm>> -> memref<128x196xf32, #tpu.memory_space<hbm>>
    tpu.enqueue_dma source(%dma_start3A_1022 : memref<128x196xf32, #tpu.memory_space<hbm>>) target(%arg5 : memref<128x196xf32, #tpu.memory_space<vmem>>) target_semaphore(%arg7 : memref<!tpu.dma_semaphore, #tpu.memory_space<semaphore_mem>>)
    %dma_wait3A_1023 = arith.constant 10 : i32
    %dma_wait3A_1024 = arith.constant 0 : i32
    %dma_wait3A_1025 = tpu.memref_slice %arg2[%select_n3A, %add3A_98, %dma_wait3A_1023, %dma_wait3A_1024] : memref<16x768x16x196xf32, #tpu.memory_space<hbm>> -> memref<1x128x1x196xf32, #tpu.memory_space<hbm>>
    %dma_wait3A_1026 = tpu.memref_squeeze %dma_wait3A_1025 : memref<1x128x1x196xf32, #tpu.memory_space<hbm>> -> memref<128x196xf32, #tpu.memory_space<hbm>>
    %dma_wait3A_1027 = arith.constant 0 : i32
    %dma_wait3A_1028 = tpu.memref_slice %arg2[%select_n3A, %add3A_98, %dma_wait3A_1023, %dma_wait3A_1027] : memref<16x768x16x196xf32, #tpu.memory_space<hbm>> -> memref<1x128x1x196xf32, #tpu.memory_space<hbm>>
    %dma_wait3A_1029 = tpu.memref_squeeze %dma_wait3A_1028 : memref<1x128x1x196xf32, #tpu.memory_space<hbm>> -> memref<128x196xf32, #tpu.memory_space<hbm>>
    tpu.wait_dma2 semaphore(%arg7 : memref<!tpu.dma_semaphore, #tpu.memory_space<semaphore_mem>>) src(%dma_wait3A_1029 : memref<128x196xf32, #tpu.memory_space<hbm>>) dst(%arg5 : memref<128x196xf32, #tpu.memory_space<vmem>>)
    %dma_start3A_1030 = arith.constant 5 : i32
    %dma_start3A_1031 = arith.constant 0 : i32
    %dma_start3A_1032 = tpu.memref_slice %arg3[%select_n3A, %add3A_98, %dma_start3A_1030, %dma_start3A_1031] : memref<16x768x8x196xf32, #tpu.memory_space<hbm>> -> memref<1x128x1x196xf32, #tpu.memory_space<hbm>>
    %dma_start3A_1033 = tpu.memref_squeeze %dma_start3A_1032 : memref<1x128x1x196xf32, #tpu.memory_space<hbm>> -> memref<128x196xf32, #tpu.memory_space<hbm>>
    %dma_start3A_1034 = arith.constant 0 : i32
    %dma_start3A_1035 = tpu.memref_slice %arg3[%select_n3A, %add3A_98, %dma_start3A_1030, %dma_start3A_1034] : memref<16x768x8x196xf32, #tpu.memory_space<hbm>> -> memref<1x128x1x196xf32, #tpu.memory_space<hbm>>
    %dma_start3A_1036 = tpu.memref_squeeze %dma_start3A_1035 : memref<1x128x1x196xf32, #tpu.memory_space<hbm>> -> memref<128x196xf32, #tpu.memory_space<hbm>>
    tpu.enqueue_dma source(%arg5 : memref<128x196xf32, #tpu.memory_space<vmem>>) target(%dma_start3A_1036 : memref<128x196xf32, #tpu.memory_space<hbm>>) target_semaphore(%arg8 : memref<!tpu.dma_semaphore, #tpu.memory_space<semaphore_mem>>)
    %dma_wait3A_1037 = arith.constant 5 : i32
    %dma_wait3A_1038 = arith.constant 0 : i32
    %dma_wait3A_1039 = tpu.memref_slice %arg3[%select_n3A, %add3A_96, %dma_wait3A_1037, %dma_wait3A_1038] : memref<16x768x8x196xf32, #tpu.memory_space<hbm>> -> memref<1x128x1x196xf32, #tpu.memory_space<hbm>>
    %dma_wait3A_1040 = tpu.memref_squeeze %dma_wait3A_1039 : memref<1x128x1x196xf32, #tpu.memory_space<hbm>> -> memref<128x196xf32, #tpu.memory_space<hbm>>
    %dma_wait3A_1041 = arith.constant 0 : i32
    %dma_wait3A_1042 = tpu.memref_slice %arg3[%select_n3A, %add3A_96, %dma_wait3A_1037, %dma_wait3A_1041] : memref<16x768x8x196xf32, #tpu.memory_space<hbm>> -> memref<1x128x1x196xf32, #tpu.memory_space<hbm>>
    %dma_wait3A_1043 = tpu.memref_squeeze %dma_wait3A_1042 : memref<1x128x1x196xf32, #tpu.memory_space<hbm>> -> memref<128x196xf32, #tpu.memory_space<hbm>>
    tpu.wait_dma2 semaphore(%arg9 : memref<!tpu.dma_semaphore, #tpu.memory_space<semaphore_mem>>) src(%arg6 : memref<128x196xf32, #tpu.memory_space<vmem>>) dst(%dma_wait3A_1043 : memref<128x196xf32, #tpu.memory_space<hbm>>)
    %dma_start3A_1044 = arith.constant 11 : i32
    %dma_start3A_1045 = arith.constant 0 : i32
    %dma_start3A_1046 = tpu.memref_slice %arg2[%select_n3A, %add3A_100, %dma_start3A_1044, %dma_start3A_1045] : memref<16x768x16x196xf32, #tpu.memory_space<hbm>> -> memref<1x128x1x196xf32, #tpu.memory_space<hbm>>
    %dma_start3A_1047 = tpu.memref_squeeze %dma_start3A_1046 : memref<1x128x1x196xf32, #tpu.memory_space<hbm>> -> memref<128x196xf32, #tpu.memory_space<hbm>>
    %dma_start3A_1048 = arith.constant 0 : i32
    %dma_start3A_1049 = tpu.memref_slice %arg2[%select_n3A, %add3A_100, %dma_start3A_1044, %dma_start3A_1048] : memref<16x768x16x196xf32, #tpu.memory_space<hbm>> -> memref<1x128x1x196xf32, #tpu.memory_space<hbm>>
    %dma_start3A_1050 = tpu.memref_squeeze %dma_start3A_1049 : memref<1x128x1x196xf32, #tpu.memory_space<hbm>> -> memref<128x196xf32, #tpu.memory_space<hbm>>
    tpu.enqueue_dma source(%dma_start3A_1050 : memref<128x196xf32, #tpu.memory_space<hbm>>) target(%arg6 : memref<128x196xf32, #tpu.memory_space<vmem>>) target_semaphore(%arg7 : memref<!tpu.dma_semaphore, #tpu.memory_space<semaphore_mem>>)
    %dma_wait3A_1051 = arith.constant 11 : i32
    %dma_wait3A_1052 = arith.constant 0 : i32
    %dma_wait3A_1053 = tpu.memref_slice %arg2[%select_n3A, %add3A_100, %dma_wait3A_1051, %dma_wait3A_1052] : memref<16x768x16x196xf32, #tpu.memory_space<hbm>> -> memref<1x128x1x196xf32, #tpu.memory_space<hbm>>
    %dma_wait3A_1054 = tpu.memref_squeeze %dma_wait3A_1053 : memref<1x128x1x196xf32, #tpu.memory_space<hbm>> -> memref<128x196xf32, #tpu.memory_space<hbm>>
    %dma_wait3A_1055 = arith.constant 0 : i32
    %dma_wait3A_1056 = tpu.memref_slice %arg2[%select_n3A, %add3A_100, %dma_wait3A_1051, %dma_wait3A_1055] : memref<16x768x16x196xf32, #tpu.memory_space<hbm>> -> memref<1x128x1x196xf32, #tpu.memory_space<hbm>>
    %dma_wait3A_1057 = tpu.memref_squeeze %dma_wait3A_1056 : memref<1x128x1x196xf32, #tpu.memory_space<hbm>> -> memref<128x196xf32, #tpu.memory_space<hbm>>
    tpu.wait_dma2 semaphore(%arg7 : memref<!tpu.dma_semaphore, #tpu.memory_space<semaphore_mem>>) src(%dma_wait3A_1057 : memref<128x196xf32, #tpu.memory_space<hbm>>) dst(%arg6 : memref<128x196xf32, #tpu.memory_space<vmem>>)
    %dma_start3A_1058 = arith.constant 5 : i32
    %dma_start3A_1059 = arith.constant 0 : i32
    %dma_start3A_1060 = tpu.memref_slice %arg4[%select_n3A, %add3A_100, %dma_start3A_1058, %dma_start3A_1059] : memref<16x768x8x196xf32, #tpu.memory_space<hbm>> -> memref<1x128x1x196xf32, #tpu.memory_space<hbm>>
    %dma_start3A_1061 = tpu.memref_squeeze %dma_start3A_1060 : memref<1x128x1x196xf32, #tpu.memory_space<hbm>> -> memref<128x196xf32, #tpu.memory_space<hbm>>
    %dma_start3A_1062 = arith.constant 0 : i32
    %dma_start3A_1063 = tpu.memref_slice %arg4[%select_n3A, %add3A_100, %dma_start3A_1058, %dma_start3A_1062] : memref<16x768x8x196xf32, #tpu.memory_space<hbm>> -> memref<1x128x1x196xf32, #tpu.memory_space<hbm>>
    %dma_start3A_1064 = tpu.memref_squeeze %dma_start3A_1063 : memref<1x128x1x196xf32, #tpu.memory_space<hbm>> -> memref<128x196xf32, #tpu.memory_space<hbm>>
    tpu.enqueue_dma source(%arg6 : memref<128x196xf32, #tpu.memory_space<vmem>>) target(%dma_start3A_1064 : memref<128x196xf32, #tpu.memory_space<hbm>>) target_semaphore(%arg9 : memref<!tpu.dma_semaphore, #tpu.memory_space<semaphore_mem>>)
    %dma_wait3A_1065 = arith.constant 5 : i32
    %dma_wait3A_1066 = arith.constant 0 : i32
    %dma_wait3A_1067 = tpu.memref_slice %arg3[%select_n3A, %add3A_98, %dma_wait3A_1065, %dma_wait3A_1066] : memref<16x768x8x196xf32, #tpu.memory_space<hbm>> -> memref<1x128x1x196xf32, #tpu.memory_space<hbm>>
    %dma_wait3A_1068 = tpu.memref_squeeze %dma_wait3A_1067 : memref<1x128x1x196xf32, #tpu.memory_space<hbm>> -> memref<128x196xf32, #tpu.memory_space<hbm>>
    %dma_wait3A_1069 = arith.constant 0 : i32
    %dma_wait3A_1070 = tpu.memref_slice %arg3[%select_n3A, %add3A_98, %dma_wait3A_1065, %dma_wait3A_1069] : memref<16x768x8x196xf32, #tpu.memory_space<hbm>> -> memref<1x128x1x196xf32, #tpu.memory_space<hbm>>
    %dma_wait3A_1071 = tpu.memref_squeeze %dma_wait3A_1070 : memref<1x128x1x196xf32, #tpu.memory_space<hbm>> -> memref<128x196xf32, #tpu.memory_space<hbm>>
    tpu.wait_dma2 semaphore(%arg8 : memref<!tpu.dma_semaphore, #tpu.memory_space<semaphore_mem>>) src(%arg5 : memref<128x196xf32, #tpu.memory_space<vmem>>) dst(%dma_wait3A_1071 : memref<128x196xf32, #tpu.memory_space<hbm>>)
    %dma_start3A_1072 = arith.constant 11 : i32
    %dma_start3A_1073 = arith.constant 0 : i32
    %dma_start3A_1074 = tpu.memref_slice %arg2[%select_n3A, %add3A_102, %dma_start3A_1072, %dma_start3A_1073] : memref<16x768x16x196xf32, #tpu.memory_space<hbm>> -> memref<1x128x1x196xf32, #tpu.memory_space<hbm>>
    %dma_start3A_1075 = tpu.memref_squeeze %dma_start3A_1074 : memref<1x128x1x196xf32, #tpu.memory_space<hbm>> -> memref<128x196xf32, #tpu.memory_space<hbm>>
    %dma_start3A_1076 = arith.constant 0 : i32
    %dma_start3A_1077 = tpu.memref_slice %arg2[%select_n3A, %add3A_102, %dma_start3A_1072, %dma_start3A_1076] : memref<16x768x16x196xf32, #tpu.memory_space<hbm>> -> memref<1x128x1x196xf32, #tpu.memory_space<hbm>>
    %dma_start3A_1078 = tpu.memref_squeeze %dma_start3A_1077 : memref<1x128x1x196xf32, #tpu.memory_space<hbm>> -> memref<128x196xf32, #tpu.memory_space<hbm>>
    tpu.enqueue_dma source(%dma_start3A_1078 : memref<128x196xf32, #tpu.memory_space<hbm>>) target(%arg5 : memref<128x196xf32, #tpu.memory_space<vmem>>) target_semaphore(%arg7 : memref<!tpu.dma_semaphore, #tpu.memory_space<semaphore_mem>>)
    %dma_wait3A_1079 = arith.constant 11 : i32
    %dma_wait3A_1080 = arith.constant 0 : i32
    %dma_wait3A_1081 = tpu.memref_slice %arg2[%select_n3A, %add3A_102, %dma_wait3A_1079, %dma_wait3A_1080] : memref<16x768x16x196xf32, #tpu.memory_space<hbm>> -> memref<1x128x1x196xf32, #tpu.memory_space<hbm>>
    %dma_wait3A_1082 = tpu.memref_squeeze %dma_wait3A_1081 : memref<1x128x1x196xf32, #tpu.memory_space<hbm>> -> memref<128x196xf32, #tpu.memory_space<hbm>>
    %dma_wait3A_1083 = arith.constant 0 : i32
    %dma_wait3A_1084 = tpu.memref_slice %arg2[%select_n3A, %add3A_102, %dma_wait3A_1079, %dma_wait3A_1083] : memref<16x768x16x196xf32, #tpu.memory_space<hbm>> -> memref<1x128x1x196xf32, #tpu.memory_space<hbm>>
    %dma_wait3A_1085 = tpu.memref_squeeze %dma_wait3A_1084 : memref<1x128x1x196xf32, #tpu.memory_space<hbm>> -> memref<128x196xf32, #tpu.memory_space<hbm>>
    tpu.wait_dma2 semaphore(%arg7 : memref<!tpu.dma_semaphore, #tpu.memory_space<semaphore_mem>>) src(%dma_wait3A_1085 : memref<128x196xf32, #tpu.memory_space<hbm>>) dst(%arg5 : memref<128x196xf32, #tpu.memory_space<vmem>>)
    %dma_start3A_1086 = arith.constant 5 : i32
    %dma_start3A_1087 = arith.constant 0 : i32
    %dma_start3A_1088 = tpu.memref_slice %arg4[%select_n3A, %add3A_102, %dma_start3A_1086, %dma_start3A_1087] : memref<16x768x8x196xf32, #tpu.memory_space<hbm>> -> memref<1x128x1x196xf32, #tpu.memory_space<hbm>>
    %dma_start3A_1089 = tpu.memref_squeeze %dma_start3A_1088 : memref<1x128x1x196xf32, #tpu.memory_space<hbm>> -> memref<128x196xf32, #tpu.memory_space<hbm>>
    %dma_start3A_1090 = arith.constant 0 : i32
    %dma_start3A_1091 = tpu.memref_slice %arg4[%select_n3A, %add3A_102, %dma_start3A_1086, %dma_start3A_1090] : memref<16x768x8x196xf32, #tpu.memory_space<hbm>> -> memref<1x128x1x196xf32, #tpu.memory_space<hbm>>
    %dma_start3A_1092 = tpu.memref_squeeze %dma_start3A_1091 : memref<1x128x1x196xf32, #tpu.memory_space<hbm>> -> memref<128x196xf32, #tpu.memory_space<hbm>>
    tpu.enqueue_dma source(%arg5 : memref<128x196xf32, #tpu.memory_space<vmem>>) target(%dma_start3A_1092 : memref<128x196xf32, #tpu.memory_space<hbm>>) target_semaphore(%arg8 : memref<!tpu.dma_semaphore, #tpu.memory_space<semaphore_mem>>)
    %dma_wait3A_1093 = arith.constant 5 : i32
    %dma_wait3A_1094 = arith.constant 0 : i32
    %dma_wait3A_1095 = tpu.memref_slice %arg4[%select_n3A, %add3A_100, %dma_wait3A_1093, %dma_wait3A_1094] : memref<16x768x8x196xf32, #tpu.memory_space<hbm>> -> memref<1x128x1x196xf32, #tpu.memory_space<hbm>>
    %dma_wait3A_1096 = tpu.memref_squeeze %dma_wait3A_1095 : memref<1x128x1x196xf32, #tpu.memory_space<hbm>> -> memref<128x196xf32, #tpu.memory_space<hbm>>
    %dma_wait3A_1097 = arith.constant 0 : i32
    %dma_wait3A_1098 = tpu.memref_slice %arg4[%select_n3A, %add3A_100, %dma_wait3A_1093, %dma_wait3A_1097] : memref<16x768x8x196xf32, #tpu.memory_space<hbm>> -> memref<1x128x1x196xf32, #tpu.memory_space<hbm>>
    %dma_wait3A_1099 = tpu.memref_squeeze %dma_wait3A_1098 : memref<1x128x1x196xf32, #tpu.memory_space<hbm>> -> memref<128x196xf32, #tpu.memory_space<hbm>>
    tpu.wait_dma2 semaphore(%arg9 : memref<!tpu.dma_semaphore, #tpu.memory_space<semaphore_mem>>) src(%arg6 : memref<128x196xf32, #tpu.memory_space<vmem>>) dst(%dma_wait3A_1099 : memref<128x196xf32, #tpu.memory_space<hbm>>)
    %dma_start3A_1100 = arith.constant 11 : i32
    %dma_start3A_1101 = arith.constant 0 : i32
    %dma_start3A_1102 = tpu.memref_slice %arg2[%select_n3A, %add3A_104, %dma_start3A_1100, %dma_start3A_1101] : memref<16x768x16x196xf32, #tpu.memory_space<hbm>> -> memref<1x128x1x196xf32, #tpu.memory_space<hbm>>
    %dma_start3A_1103 = tpu.memref_squeeze %dma_start3A_1102 : memref<1x128x1x196xf32, #tpu.memory_space<hbm>> -> memref<128x196xf32, #tpu.memory_space<hbm>>
    %dma_start3A_1104 = arith.constant 0 : i32
    %dma_start3A_1105 = tpu.memref_slice %arg2[%select_n3A, %add3A_104, %dma_start3A_1100, %dma_start3A_1104] : memref<16x768x16x196xf32, #tpu.memory_space<hbm>> -> memref<1x128x1x196xf32, #tpu.memory_space<hbm>>
    %dma_start3A_1106 = tpu.memref_squeeze %dma_start3A_1105 : memref<1x128x1x196xf32, #tpu.memory_space<hbm>> -> memref<128x196xf32, #tpu.memory_space<hbm>>
    tpu.enqueue_dma source(%dma_start3A_1106 : memref<128x196xf32, #tpu.memory_space<hbm>>) target(%arg6 : memref<128x196xf32, #tpu.memory_space<vmem>>) target_semaphore(%arg7 : memref<!tpu.dma_semaphore, #tpu.memory_space<semaphore_mem>>)
    %dma_wait3A_1107 = arith.constant 11 : i32
    %dma_wait3A_1108 = arith.constant 0 : i32
    %dma_wait3A_1109 = tpu.memref_slice %arg2[%select_n3A, %add3A_104, %dma_wait3A_1107, %dma_wait3A_1108] : memref<16x768x16x196xf32, #tpu.memory_space<hbm>> -> memref<1x128x1x196xf32, #tpu.memory_space<hbm>>
    %dma_wait3A_1110 = tpu.memref_squeeze %dma_wait3A_1109 : memref<1x128x1x196xf32, #tpu.memory_space<hbm>> -> memref<128x196xf32, #tpu.memory_space<hbm>>
    %dma_wait3A_1111 = arith.constant 0 : i32
    %dma_wait3A_1112 = tpu.memref_slice %arg2[%select_n3A, %add3A_104, %dma_wait3A_1107, %dma_wait3A_1111] : memref<16x768x16x196xf32, #tpu.memory_space<hbm>> -> memref<1x128x1x196xf32, #tpu.memory_space<hbm>>
    %dma_wait3A_1113 = tpu.memref_squeeze %dma_wait3A_1112 : memref<1x128x1x196xf32, #tpu.memory_space<hbm>> -> memref<128x196xf32, #tpu.memory_space<hbm>>
    tpu.wait_dma2 semaphore(%arg7 : memref<!tpu.dma_semaphore, #tpu.memory_space<semaphore_mem>>) src(%dma_wait3A_1113 : memref<128x196xf32, #tpu.memory_space<hbm>>) dst(%arg6 : memref<128x196xf32, #tpu.memory_space<vmem>>)
    %dma_start3A_1114 = arith.constant 5 : i32
    %dma_start3A_1115 = arith.constant 0 : i32
    %dma_start3A_1116 = tpu.memref_slice %arg4[%select_n3A, %add3A_104, %dma_start3A_1114, %dma_start3A_1115] : memref<16x768x8x196xf32, #tpu.memory_space<hbm>> -> memref<1x128x1x196xf32, #tpu.memory_space<hbm>>
    %dma_start3A_1117 = tpu.memref_squeeze %dma_start3A_1116 : memref<1x128x1x196xf32, #tpu.memory_space<hbm>> -> memref<128x196xf32, #tpu.memory_space<hbm>>
    %dma_start3A_1118 = arith.constant 0 : i32
    %dma_start3A_1119 = tpu.memref_slice %arg4[%select_n3A, %add3A_104, %dma_start3A_1114, %dma_start3A_1118] : memref<16x768x8x196xf32, #tpu.memory_space<hbm>> -> memref<1x128x1x196xf32, #tpu.memory_space<hbm>>
    %dma_start3A_1120 = tpu.memref_squeeze %dma_start3A_1119 : memref<1x128x1x196xf32, #tpu.memory_space<hbm>> -> memref<128x196xf32, #tpu.memory_space<hbm>>
    tpu.enqueue_dma source(%arg6 : memref<128x196xf32, #tpu.memory_space<vmem>>) target(%dma_start3A_1120 : memref<128x196xf32, #tpu.memory_space<hbm>>) target_semaphore(%arg9 : memref<!tpu.dma_semaphore, #tpu.memory_space<semaphore_mem>>)
    %dma_wait3A_1121 = arith.constant 5 : i32
    %dma_wait3A_1122 = arith.constant 0 : i32
    %dma_wait3A_1123 = tpu.memref_slice %arg4[%select_n3A, %add3A_102, %dma_wait3A_1121, %dma_wait3A_1122] : memref<16x768x8x196xf32, #tpu.memory_space<hbm>> -> memref<1x128x1x196xf32, #tpu.memory_space<hbm>>
    %dma_wait3A_1124 = tpu.memref_squeeze %dma_wait3A_1123 : memref<1x128x1x196xf32, #tpu.memory_space<hbm>> -> memref<128x196xf32, #tpu.memory_space<hbm>>
    %dma_wait3A_1125 = arith.constant 0 : i32
    %dma_wait3A_1126 = tpu.memref_slice %arg4[%select_n3A, %add3A_102, %dma_wait3A_1121, %dma_wait3A_1125] : memref<16x768x8x196xf32, #tpu.memory_space<hbm>> -> memref<1x128x1x196xf32, #tpu.memory_space<hbm>>
    %dma_wait3A_1127 = tpu.memref_squeeze %dma_wait3A_1126 : memref<1x128x1x196xf32, #tpu.memory_space<hbm>> -> memref<128x196xf32, #tpu.memory_space<hbm>>
    tpu.wait_dma2 semaphore(%arg8 : memref<!tpu.dma_semaphore, #tpu.memory_space<semaphore_mem>>) src(%arg5 : memref<128x196xf32, #tpu.memory_space<vmem>>) dst(%dma_wait3A_1127 : memref<128x196xf32, #tpu.memory_space<hbm>>)
    %dma_start3A_1128 = arith.constant 12 : i32
    %dma_start3A_1129 = arith.constant 0 : i32
    %dma_start3A_1130 = tpu.memref_slice %arg2[%select_n3A, %add3A_106, %dma_start3A_1128, %dma_start3A_1129] : memref<16x768x16x196xf32, #tpu.memory_space<hbm>> -> memref<1x128x1x196xf32, #tpu.memory_space<hbm>>
    %dma_start3A_1131 = tpu.memref_squeeze %dma_start3A_1130 : memref<1x128x1x196xf32, #tpu.memory_space<hbm>> -> memref<128x196xf32, #tpu.memory_space<hbm>>
    %dma_start3A_1132 = arith.constant 0 : i32
    %dma_start3A_1133 = tpu.memref_slice %arg2[%select_n3A, %add3A_106, %dma_start3A_1128, %dma_start3A_1132] : memref<16x768x16x196xf32, #tpu.memory_space<hbm>> -> memref<1x128x1x196xf32, #tpu.memory_space<hbm>>
    %dma_start3A_1134 = tpu.memref_squeeze %dma_start3A_1133 : memref<1x128x1x196xf32, #tpu.memory_space<hbm>> -> memref<128x196xf32, #tpu.memory_space<hbm>>
    tpu.enqueue_dma source(%dma_start3A_1134 : memref<128x196xf32, #tpu.memory_space<hbm>>) target(%arg5 : memref<128x196xf32, #tpu.memory_space<vmem>>) target_semaphore(%arg7 : memref<!tpu.dma_semaphore, #tpu.memory_space<semaphore_mem>>)
    %dma_wait3A_1135 = arith.constant 12 : i32
    %dma_wait3A_1136 = arith.constant 0 : i32
    %dma_wait3A_1137 = tpu.memref_slice %arg2[%select_n3A, %add3A_106, %dma_wait3A_1135, %dma_wait3A_1136] : memref<16x768x16x196xf32, #tpu.memory_space<hbm>> -> memref<1x128x1x196xf32, #tpu.memory_space<hbm>>
    %dma_wait3A_1138 = tpu.memref_squeeze %dma_wait3A_1137 : memref<1x128x1x196xf32, #tpu.memory_space<hbm>> -> memref<128x196xf32, #tpu.memory_space<hbm>>
    %dma_wait3A_1139 = arith.constant 0 : i32
    %dma_wait3A_1140 = tpu.memref_slice %arg2[%select_n3A, %add3A_106, %dma_wait3A_1135, %dma_wait3A_1139] : memref<16x768x16x196xf32, #tpu.memory_space<hbm>> -> memref<1x128x1x196xf32, #tpu.memory_space<hbm>>
    %dma_wait3A_1141 = tpu.memref_squeeze %dma_wait3A_1140 : memref<1x128x1x196xf32, #tpu.memory_space<hbm>> -> memref<128x196xf32, #tpu.memory_space<hbm>>
    tpu.wait_dma2 semaphore(%arg7 : memref<!tpu.dma_semaphore, #tpu.memory_space<semaphore_mem>>) src(%dma_wait3A_1141 : memref<128x196xf32, #tpu.memory_space<hbm>>) dst(%arg5 : memref<128x196xf32, #tpu.memory_space<vmem>>)
    %dma_start3A_1142 = arith.constant 6 : i32
    %dma_start3A_1143 = arith.constant 0 : i32
    %dma_start3A_1144 = tpu.memref_slice %arg3[%select_n3A, %add3A_106, %dma_start3A_1142, %dma_start3A_1143] : memref<16x768x8x196xf32, #tpu.memory_space<hbm>> -> memref<1x128x1x196xf32, #tpu.memory_space<hbm>>
    %dma_start3A_1145 = tpu.memref_squeeze %dma_start3A_1144 : memref<1x128x1x196xf32, #tpu.memory_space<hbm>> -> memref<128x196xf32, #tpu.memory_space<hbm>>
    %dma_start3A_1146 = arith.constant 0 : i32
    %dma_start3A_1147 = tpu.memref_slice %arg3[%select_n3A, %add3A_106, %dma_start3A_1142, %dma_start3A_1146] : memref<16x768x8x196xf32, #tpu.memory_space<hbm>> -> memref<1x128x1x196xf32, #tpu.memory_space<hbm>>
    %dma_start3A_1148 = tpu.memref_squeeze %dma_start3A_1147 : memref<1x128x1x196xf32, #tpu.memory_space<hbm>> -> memref<128x196xf32, #tpu.memory_space<hbm>>
    tpu.enqueue_dma source(%arg5 : memref<128x196xf32, #tpu.memory_space<vmem>>) target(%dma_start3A_1148 : memref<128x196xf32, #tpu.memory_space<hbm>>) target_semaphore(%arg8 : memref<!tpu.dma_semaphore, #tpu.memory_space<semaphore_mem>>)
    %dma_wait3A_1149 = arith.constant 5 : i32
    %dma_wait3A_1150 = arith.constant 0 : i32
    %dma_wait3A_1151 = tpu.memref_slice %arg4[%select_n3A, %add3A_104, %dma_wait3A_1149, %dma_wait3A_1150] : memref<16x768x8x196xf32, #tpu.memory_space<hbm>> -> memref<1x128x1x196xf32, #tpu.memory_space<hbm>>
    %dma_wait3A_1152 = tpu.memref_squeeze %dma_wait3A_1151 : memref<1x128x1x196xf32, #tpu.memory_space<hbm>> -> memref<128x196xf32, #tpu.memory_space<hbm>>
    %dma_wait3A_1153 = arith.constant 0 : i32
    %dma_wait3A_1154 = tpu.memref_slice %arg4[%select_n3A, %add3A_104, %dma_wait3A_1149, %dma_wait3A_1153] : memref<16x768x8x196xf32, #tpu.memory_space<hbm>> -> memref<1x128x1x196xf32, #tpu.memory_space<hbm>>
    %dma_wait3A_1155 = tpu.memref_squeeze %dma_wait3A_1154 : memref<1x128x1x196xf32, #tpu.memory_space<hbm>> -> memref<128x196xf32, #tpu.memory_space<hbm>>
    tpu.wait_dma2 semaphore(%arg9 : memref<!tpu.dma_semaphore, #tpu.memory_space<semaphore_mem>>) src(%arg6 : memref<128x196xf32, #tpu.memory_space<vmem>>) dst(%dma_wait3A_1155 : memref<128x196xf32, #tpu.memory_space<hbm>>)
    %dma_start3A_1156 = arith.constant 12 : i32
    %dma_start3A_1157 = arith.constant 0 : i32
    %dma_start3A_1158 = tpu.memref_slice %arg2[%select_n3A, %add3A_108, %dma_start3A_1156, %dma_start3A_1157] : memref<16x768x16x196xf32, #tpu.memory_space<hbm>> -> memref<1x128x1x196xf32, #tpu.memory_space<hbm>>
    %dma_start3A_1159 = tpu.memref_squeeze %dma_start3A_1158 : memref<1x128x1x196xf32, #tpu.memory_space<hbm>> -> memref<128x196xf32, #tpu.memory_space<hbm>>
    %dma_start3A_1160 = arith.constant 0 : i32
    %dma_start3A_1161 = tpu.memref_slice %arg2[%select_n3A, %add3A_108, %dma_start3A_1156, %dma_start3A_1160] : memref<16x768x16x196xf32, #tpu.memory_space<hbm>> -> memref<1x128x1x196xf32, #tpu.memory_space<hbm>>
    %dma_start3A_1162 = tpu.memref_squeeze %dma_start3A_1161 : memref<1x128x1x196xf32, #tpu.memory_space<hbm>> -> memref<128x196xf32, #tpu.memory_space<hbm>>
    tpu.enqueue_dma source(%dma_start3A_1162 : memref<128x196xf32, #tpu.memory_space<hbm>>) target(%arg6 : memref<128x196xf32, #tpu.memory_space<vmem>>) target_semaphore(%arg7 : memref<!tpu.dma_semaphore, #tpu.memory_space<semaphore_mem>>)
    %dma_wait3A_1163 = arith.constant 12 : i32
    %dma_wait3A_1164 = arith.constant 0 : i32
    %dma_wait3A_1165 = tpu.memref_slice %arg2[%select_n3A, %add3A_108, %dma_wait3A_1163, %dma_wait3A_1164] : memref<16x768x16x196xf32, #tpu.memory_space<hbm>> -> memref<1x128x1x196xf32, #tpu.memory_space<hbm>>
    %dma_wait3A_1166 = tpu.memref_squeeze %dma_wait3A_1165 : memref<1x128x1x196xf32, #tpu.memory_space<hbm>> -> memref<128x196xf32, #tpu.memory_space<hbm>>
    %dma_wait3A_1167 = arith.constant 0 : i32
    %dma_wait3A_1168 = tpu.memref_slice %arg2[%select_n3A, %add3A_108, %dma_wait3A_1163, %dma_wait3A_1167] : memref<16x768x16x196xf32, #tpu.memory_space<hbm>> -> memref<1x128x1x196xf32, #tpu.memory_space<hbm>>
    %dma_wait3A_1169 = tpu.memref_squeeze %dma_wait3A_1168 : memref<1x128x1x196xf32, #tpu.memory_space<hbm>> -> memref<128x196xf32, #tpu.memory_space<hbm>>
    tpu.wait_dma2 semaphore(%arg7 : memref<!tpu.dma_semaphore, #tpu.memory_space<semaphore_mem>>) src(%dma_wait3A_1169 : memref<128x196xf32, #tpu.memory_space<hbm>>) dst(%arg6 : memref<128x196xf32, #tpu.memory_space<vmem>>)
    %dma_start3A_1170 = arith.constant 6 : i32
    %dma_start3A_1171 = arith.constant 0 : i32
    %dma_start3A_1172 = tpu.memref_slice %arg3[%select_n3A, %add3A_108, %dma_start3A_1170, %dma_start3A_1171] : memref<16x768x8x196xf32, #tpu.memory_space<hbm>> -> memref<1x128x1x196xf32, #tpu.memory_space<hbm>>
    %dma_start3A_1173 = tpu.memref_squeeze %dma_start3A_1172 : memref<1x128x1x196xf32, #tpu.memory_space<hbm>> -> memref<128x196xf32, #tpu.memory_space<hbm>>
    %dma_start3A_1174 = arith.constant 0 : i32
    %dma_start3A_1175 = tpu.memref_slice %arg3[%select_n3A, %add3A_108, %dma_start3A_1170, %dma_start3A_1174] : memref<16x768x8x196xf32, #tpu.memory_space<hbm>> -> memref<1x128x1x196xf32, #tpu.memory_space<hbm>>
    %dma_start3A_1176 = tpu.memref_squeeze %dma_start3A_1175 : memref<1x128x1x196xf32, #tpu.memory_space<hbm>> -> memref<128x196xf32, #tpu.memory_space<hbm>>
    tpu.enqueue_dma source(%arg6 : memref<128x196xf32, #tpu.memory_space<vmem>>) target(%dma_start3A_1176 : memref<128x196xf32, #tpu.memory_space<hbm>>) target_semaphore(%arg9 : memref<!tpu.dma_semaphore, #tpu.memory_space<semaphore_mem>>)
    %dma_wait3A_1177 = arith.constant 6 : i32
    %dma_wait3A_1178 = arith.constant 0 : i32
    %dma_wait3A_1179 = tpu.memref_slice %arg3[%select_n3A, %add3A_106, %dma_wait3A_1177, %dma_wait3A_1178] : memref<16x768x8x196xf32, #tpu.memory_space<hbm>> -> memref<1x128x1x196xf32, #tpu.memory_space<hbm>>
    %dma_wait3A_1180 = tpu.memref_squeeze %dma_wait3A_1179 : memref<1x128x1x196xf32, #tpu.memory_space<hbm>> -> memref<128x196xf32, #tpu.memory_space<hbm>>
    %dma_wait3A_1181 = arith.constant 0 : i32
    %dma_wait3A_1182 = tpu.memref_slice %arg3[%select_n3A, %add3A_106, %dma_wait3A_1177, %dma_wait3A_1181] : memref<16x768x8x196xf32, #tpu.memory_space<hbm>> -> memref<1x128x1x196xf32, #tpu.memory_space<hbm>>
    %dma_wait3A_1183 = tpu.memref_squeeze %dma_wait3A_1182 : memref<1x128x1x196xf32, #tpu.memory_space<hbm>> -> memref<128x196xf32, #tpu.memory_space<hbm>>
    tpu.wait_dma2 semaphore(%arg8 : memref<!tpu.dma_semaphore, #tpu.memory_space<semaphore_mem>>) src(%arg5 : memref<128x196xf32, #tpu.memory_space<vmem>>) dst(%dma_wait3A_1183 : memref<128x196xf32, #tpu.memory_space<hbm>>)
    %dma_start3A_1184 = arith.constant 12 : i32
    %dma_start3A_1185 = arith.constant 0 : i32
    %dma_start3A_1186 = tpu.memref_slice %arg2[%select_n3A, %add3A_110, %dma_start3A_1184, %dma_start3A_1185] : memref<16x768x16x196xf32, #tpu.memory_space<hbm>> -> memref<1x128x1x196xf32, #tpu.memory_space<hbm>>
    %dma_start3A_1187 = tpu.memref_squeeze %dma_start3A_1186 : memref<1x128x1x196xf32, #tpu.memory_space<hbm>> -> memref<128x196xf32, #tpu.memory_space<hbm>>
    %dma_start3A_1188 = arith.constant 0 : i32
    %dma_start3A_1189 = tpu.memref_slice %arg2[%select_n3A, %add3A_110, %dma_start3A_1184, %dma_start3A_1188] : memref<16x768x16x196xf32, #tpu.memory_space<hbm>> -> memref<1x128x1x196xf32, #tpu.memory_space<hbm>>
    %dma_start3A_1190 = tpu.memref_squeeze %dma_start3A_1189 : memref<1x128x1x196xf32, #tpu.memory_space<hbm>> -> memref<128x196xf32, #tpu.memory_space<hbm>>
    tpu.enqueue_dma source(%dma_start3A_1190 : memref<128x196xf32, #tpu.memory_space<hbm>>) target(%arg5 : memref<128x196xf32, #tpu.memory_space<vmem>>) target_semaphore(%arg7 : memref<!tpu.dma_semaphore, #tpu.memory_space<semaphore_mem>>)
    %dma_wait3A_1191 = arith.constant 12 : i32
    %dma_wait3A_1192 = arith.constant 0 : i32
    %dma_wait3A_1193 = tpu.memref_slice %arg2[%select_n3A, %add3A_110, %dma_wait3A_1191, %dma_wait3A_1192] : memref<16x768x16x196xf32, #tpu.memory_space<hbm>> -> memref<1x128x1x196xf32, #tpu.memory_space<hbm>>
    %dma_wait3A_1194 = tpu.memref_squeeze %dma_wait3A_1193 : memref<1x128x1x196xf32, #tpu.memory_space<hbm>> -> memref<128x196xf32, #tpu.memory_space<hbm>>
    %dma_wait3A_1195 = arith.constant 0 : i32
    %dma_wait3A_1196 = tpu.memref_slice %arg2[%select_n3A, %add3A_110, %dma_wait3A_1191, %dma_wait3A_1195] : memref<16x768x16x196xf32, #tpu.memory_space<hbm>> -> memref<1x128x1x196xf32, #tpu.memory_space<hbm>>
    %dma_wait3A_1197 = tpu.memref_squeeze %dma_wait3A_1196 : memref<1x128x1x196xf32, #tpu.memory_space<hbm>> -> memref<128x196xf32, #tpu.memory_space<hbm>>
    tpu.wait_dma2 semaphore(%arg7 : memref<!tpu.dma_semaphore, #tpu.memory_space<semaphore_mem>>) src(%dma_wait3A_1197 : memref<128x196xf32, #tpu.memory_space<hbm>>) dst(%arg5 : memref<128x196xf32, #tpu.memory_space<vmem>>)
    %dma_start3A_1198 = arith.constant 6 : i32
    %dma_start3A_1199 = arith.constant 0 : i32
    %dma_start3A_1200 = tpu.memref_slice %arg3[%select_n3A, %add3A_110, %dma_start3A_1198, %dma_start3A_1199] : memref<16x768x8x196xf32, #tpu.memory_space<hbm>> -> memref<1x128x1x196xf32, #tpu.memory_space<hbm>>
    %dma_start3A_1201 = tpu.memref_squeeze %dma_start3A_1200 : memref<1x128x1x196xf32, #tpu.memory_space<hbm>> -> memref<128x196xf32, #tpu.memory_space<hbm>>
    %dma_start3A_1202 = arith.constant 0 : i32
    %dma_start3A_1203 = tpu.memref_slice %arg3[%select_n3A, %add3A_110, %dma_start3A_1198, %dma_start3A_1202] : memref<16x768x8x196xf32, #tpu.memory_space<hbm>> -> memref<1x128x1x196xf32, #tpu.memory_space<hbm>>
    %dma_start3A_1204 = tpu.memref_squeeze %dma_start3A_1203 : memref<1x128x1x196xf32, #tpu.memory_space<hbm>> -> memref<128x196xf32, #tpu.memory_space<hbm>>
    tpu.enqueue_dma source(%arg5 : memref<128x196xf32, #tpu.memory_space<vmem>>) target(%dma_start3A_1204 : memref<128x196xf32, #tpu.memory_space<hbm>>) target_semaphore(%arg8 : memref<!tpu.dma_semaphore, #tpu.memory_space<semaphore_mem>>)
    %dma_wait3A_1205 = arith.constant 6 : i32
    %dma_wait3A_1206 = arith.constant 0 : i32
    %dma_wait3A_1207 = tpu.memref_slice %arg3[%select_n3A, %add3A_108, %dma_wait3A_1205, %dma_wait3A_1206] : memref<16x768x8x196xf32, #tpu.memory_space<hbm>> -> memref<1x128x1x196xf32, #tpu.memory_space<hbm>>
    %dma_wait3A_1208 = tpu.memref_squeeze %dma_wait3A_1207 : memref<1x128x1x196xf32, #tpu.memory_space<hbm>> -> memref<128x196xf32, #tpu.memory_space<hbm>>
    %dma_wait3A_1209 = arith.constant 0 : i32
    %dma_wait3A_1210 = tpu.memref_slice %arg3[%select_n3A, %add3A_108, %dma_wait3A_1205, %dma_wait3A_1209] : memref<16x768x8x196xf32, #tpu.memory_space<hbm>> -> memref<1x128x1x196xf32, #tpu.memory_space<hbm>>
    %dma_wait3A_1211 = tpu.memref_squeeze %dma_wait3A_1210 : memref<1x128x1x196xf32, #tpu.memory_space<hbm>> -> memref<128x196xf32, #tpu.memory_space<hbm>>
    tpu.wait_dma2 semaphore(%arg9 : memref<!tpu.dma_semaphore, #tpu.memory_space<semaphore_mem>>) src(%arg6 : memref<128x196xf32, #tpu.memory_space<vmem>>) dst(%dma_wait3A_1211 : memref<128x196xf32, #tpu.memory_space<hbm>>)
    %dma_start3A_1212 = arith.constant 13 : i32
    %dma_start3A_1213 = arith.constant 0 : i32
    %dma_start3A_1214 = tpu.memref_slice %arg2[%select_n3A, %add3A_112, %dma_start3A_1212, %dma_start3A_1213] : memref<16x768x16x196xf32, #tpu.memory_space<hbm>> -> memref<1x128x1x196xf32, #tpu.memory_space<hbm>>
    %dma_start3A_1215 = tpu.memref_squeeze %dma_start3A_1214 : memref<1x128x1x196xf32, #tpu.memory_space<hbm>> -> memref<128x196xf32, #tpu.memory_space<hbm>>
    %dma_start3A_1216 = arith.constant 0 : i32
    %dma_start3A_1217 = tpu.memref_slice %arg2[%select_n3A, %add3A_112, %dma_start3A_1212, %dma_start3A_1216] : memref<16x768x16x196xf32, #tpu.memory_space<hbm>> -> memref<1x128x1x196xf32, #tpu.memory_space<hbm>>
    %dma_start3A_1218 = tpu.memref_squeeze %dma_start3A_1217 : memref<1x128x1x196xf32, #tpu.memory_space<hbm>> -> memref<128x196xf32, #tpu.memory_space<hbm>>
    tpu.enqueue_dma source(%dma_start3A_1218 : memref<128x196xf32, #tpu.memory_space<hbm>>) target(%arg6 : memref<128x196xf32, #tpu.memory_space<vmem>>) target_semaphore(%arg7 : memref<!tpu.dma_semaphore, #tpu.memory_space<semaphore_mem>>)
    %dma_wait3A_1219 = arith.constant 13 : i32
    %dma_wait3A_1220 = arith.constant 0 : i32
    %dma_wait3A_1221 = tpu.memref_slice %arg2[%select_n3A, %add3A_112, %dma_wait3A_1219, %dma_wait3A_1220] : memref<16x768x16x196xf32, #tpu.memory_space<hbm>> -> memref<1x128x1x196xf32, #tpu.memory_space<hbm>>
    %dma_wait3A_1222 = tpu.memref_squeeze %dma_wait3A_1221 : memref<1x128x1x196xf32, #tpu.memory_space<hbm>> -> memref<128x196xf32, #tpu.memory_space<hbm>>
    %dma_wait3A_1223 = arith.constant 0 : i32
    %dma_wait3A_1224 = tpu.memref_slice %arg2[%select_n3A, %add3A_112, %dma_wait3A_1219, %dma_wait3A_1223] : memref<16x768x16x196xf32, #tpu.memory_space<hbm>> -> memref<1x128x1x196xf32, #tpu.memory_space<hbm>>
    %dma_wait3A_1225 = tpu.memref_squeeze %dma_wait3A_1224 : memref<1x128x1x196xf32, #tpu.memory_space<hbm>> -> memref<128x196xf32, #tpu.memory_space<hbm>>
    tpu.wait_dma2 semaphore(%arg7 : memref<!tpu.dma_semaphore, #tpu.memory_space<semaphore_mem>>) src(%dma_wait3A_1225 : memref<128x196xf32, #tpu.memory_space<hbm>>) dst(%arg6 : memref<128x196xf32, #tpu.memory_space<vmem>>)
    %dma_start3A_1226 = arith.constant 6 : i32
    %dma_start3A_1227 = arith.constant 0 : i32
    %dma_start3A_1228 = tpu.memref_slice %arg4[%select_n3A, %add3A_112, %dma_start3A_1226, %dma_start3A_1227] : memref<16x768x8x196xf32, #tpu.memory_space<hbm>> -> memref<1x128x1x196xf32, #tpu.memory_space<hbm>>
    %dma_start3A_1229 = tpu.memref_squeeze %dma_start3A_1228 : memref<1x128x1x196xf32, #tpu.memory_space<hbm>> -> memref<128x196xf32, #tpu.memory_space<hbm>>
    %dma_start3A_1230 = arith.constant 0 : i32
    %dma_start3A_1231 = tpu.memref_slice %arg4[%select_n3A, %add3A_112, %dma_start3A_1226, %dma_start3A_1230] : memref<16x768x8x196xf32, #tpu.memory_space<hbm>> -> memref<1x128x1x196xf32, #tpu.memory_space<hbm>>
    %dma_start3A_1232 = tpu.memref_squeeze %dma_start3A_1231 : memref<1x128x1x196xf32, #tpu.memory_space<hbm>> -> memref<128x196xf32, #tpu.memory_space<hbm>>
    tpu.enqueue_dma source(%arg6 : memref<128x196xf32, #tpu.memory_space<vmem>>) target(%dma_start3A_1232 : memref<128x196xf32, #tpu.memory_space<hbm>>) target_semaphore(%arg9 : memref<!tpu.dma_semaphore, #tpu.memory_space<semaphore_mem>>)
    %dma_wait3A_1233 = arith.constant 6 : i32
    %dma_wait3A_1234 = arith.constant 0 : i32
    %dma_wait3A_1235 = tpu.memref_slice %arg3[%select_n3A, %add3A_110, %dma_wait3A_1233, %dma_wait3A_1234] : memref<16x768x8x196xf32, #tpu.memory_space<hbm>> -> memref<1x128x1x196xf32, #tpu.memory_space<hbm>>
    %dma_wait3A_1236 = tpu.memref_squeeze %dma_wait3A_1235 : memref<1x128x1x196xf32, #tpu.memory_space<hbm>> -> memref<128x196xf32, #tpu.memory_space<hbm>>
    %dma_wait3A_1237 = arith.constant 0 : i32
    %dma_wait3A_1238 = tpu.memref_slice %arg3[%select_n3A, %add3A_110, %dma_wait3A_1233, %dma_wait3A_1237] : memref<16x768x8x196xf32, #tpu.memory_space<hbm>> -> memref<1x128x1x196xf32, #tpu.memory_space<hbm>>
    %dma_wait3A_1239 = tpu.memref_squeeze %dma_wait3A_1238 : memref<1x128x1x196xf32, #tpu.memory_space<hbm>> -> memref<128x196xf32, #tpu.memory_space<hbm>>
    tpu.wait_dma2 semaphore(%arg8 : memref<!tpu.dma_semaphore, #tpu.memory_space<semaphore_mem>>) src(%arg5 : memref<128x196xf32, #tpu.memory_space<vmem>>) dst(%dma_wait3A_1239 : memref<128x196xf32, #tpu.memory_space<hbm>>)
    %dma_start3A_1240 = arith.constant 13 : i32
    %dma_start3A_1241 = arith.constant 0 : i32
    %dma_start3A_1242 = tpu.memref_slice %arg2[%select_n3A, %add3A_114, %dma_start3A_1240, %dma_start3A_1241] : memref<16x768x16x196xf32, #tpu.memory_space<hbm>> -> memref<1x128x1x196xf32, #tpu.memory_space<hbm>>
    %dma_start3A_1243 = tpu.memref_squeeze %dma_start3A_1242 : memref<1x128x1x196xf32, #tpu.memory_space<hbm>> -> memref<128x196xf32, #tpu.memory_space<hbm>>
    %dma_start3A_1244 = arith.constant 0 : i32
    %dma_start3A_1245 = tpu.memref_slice %arg2[%select_n3A, %add3A_114, %dma_start3A_1240, %dma_start3A_1244] : memref<16x768x16x196xf32, #tpu.memory_space<hbm>> -> memref<1x128x1x196xf32, #tpu.memory_space<hbm>>
    %dma_start3A_1246 = tpu.memref_squeeze %dma_start3A_1245 : memref<1x128x1x196xf32, #tpu.memory_space<hbm>> -> memref<128x196xf32, #tpu.memory_space<hbm>>
    tpu.enqueue_dma source(%dma_start3A_1246 : memref<128x196xf32, #tpu.memory_space<hbm>>) target(%arg5 : memref<128x196xf32, #tpu.memory_space<vmem>>) target_semaphore(%arg7 : memref<!tpu.dma_semaphore, #tpu.memory_space<semaphore_mem>>)
    %dma_wait3A_1247 = arith.constant 13 : i32
    %dma_wait3A_1248 = arith.constant 0 : i32
    %dma_wait3A_1249 = tpu.memref_slice %arg2[%select_n3A, %add3A_114, %dma_wait3A_1247, %dma_wait3A_1248] : memref<16x768x16x196xf32, #tpu.memory_space<hbm>> -> memref<1x128x1x196xf32, #tpu.memory_space<hbm>>
    %dma_wait3A_1250 = tpu.memref_squeeze %dma_wait3A_1249 : memref<1x128x1x196xf32, #tpu.memory_space<hbm>> -> memref<128x196xf32, #tpu.memory_space<hbm>>
    %dma_wait3A_1251 = arith.constant 0 : i32
    %dma_wait3A_1252 = tpu.memref_slice %arg2[%select_n3A, %add3A_114, %dma_wait3A_1247, %dma_wait3A_1251] : memref<16x768x16x196xf32, #tpu.memory_space<hbm>> -> memref<1x128x1x196xf32, #tpu.memory_space<hbm>>
    %dma_wait3A_1253 = tpu.memref_squeeze %dma_wait3A_1252 : memref<1x128x1x196xf32, #tpu.memory_space<hbm>> -> memref<128x196xf32, #tpu.memory_space<hbm>>
    tpu.wait_dma2 semaphore(%arg7 : memref<!tpu.dma_semaphore, #tpu.memory_space<semaphore_mem>>) src(%dma_wait3A_1253 : memref<128x196xf32, #tpu.memory_space<hbm>>) dst(%arg5 : memref<128x196xf32, #tpu.memory_space<vmem>>)
    %dma_start3A_1254 = arith.constant 6 : i32
    %dma_start3A_1255 = arith.constant 0 : i32
    %dma_start3A_1256 = tpu.memref_slice %arg4[%select_n3A, %add3A_114, %dma_start3A_1254, %dma_start3A_1255] : memref<16x768x8x196xf32, #tpu.memory_space<hbm>> -> memref<1x128x1x196xf32, #tpu.memory_space<hbm>>
    %dma_start3A_1257 = tpu.memref_squeeze %dma_start3A_1256 : memref<1x128x1x196xf32, #tpu.memory_space<hbm>> -> memref<128x196xf32, #tpu.memory_space<hbm>>
    %dma_start3A_1258 = arith.constant 0 : i32
    %dma_start3A_1259 = tpu.memref_slice %arg4[%select_n3A, %add3A_114, %dma_start3A_1254, %dma_start3A_1258] : memref<16x768x8x196xf32, #tpu.memory_space<hbm>> -> memref<1x128x1x196xf32, #tpu.memory_space<hbm>>
    %dma_start3A_1260 = tpu.memref_squeeze %dma_start3A_1259 : memref<1x128x1x196xf32, #tpu.memory_space<hbm>> -> memref<128x196xf32, #tpu.memory_space<hbm>>
    tpu.enqueue_dma source(%arg5 : memref<128x196xf32, #tpu.memory_space<vmem>>) target(%dma_start3A_1260 : memref<128x196xf32, #tpu.memory_space<hbm>>) target_semaphore(%arg8 : memref<!tpu.dma_semaphore, #tpu.memory_space<semaphore_mem>>)
    %dma_wait3A_1261 = arith.constant 6 : i32
    %dma_wait3A_1262 = arith.constant 0 : i32
    %dma_wait3A_1263 = tpu.memref_slice %arg4[%select_n3A, %add3A_112, %dma_wait3A_1261, %dma_wait3A_1262] : memref<16x768x8x196xf32, #tpu.memory_space<hbm>> -> memref<1x128x1x196xf32, #tpu.memory_space<hbm>>
    %dma_wait3A_1264 = tpu.memref_squeeze %dma_wait3A_1263 : memref<1x128x1x196xf32, #tpu.memory_space<hbm>> -> memref<128x196xf32, #tpu.memory_space<hbm>>
    %dma_wait3A_1265 = arith.constant 0 : i32
    %dma_wait3A_1266 = tpu.memref_slice %arg4[%select_n3A, %add3A_112, %dma_wait3A_1261, %dma_wait3A_1265] : memref<16x768x8x196xf32, #tpu.memory_space<hbm>> -> memref<1x128x1x196xf32, #tpu.memory_space<hbm>>
    %dma_wait3A_1267 = tpu.memref_squeeze %dma_wait3A_1266 : memref<1x128x1x196xf32, #tpu.memory_space<hbm>> -> memref<128x196xf32, #tpu.memory_space<hbm>>
    tpu.wait_dma2 semaphore(%arg9 : memref<!tpu.dma_semaphore, #tpu.memory_space<semaphore_mem>>) src(%arg6 : memref<128x196xf32, #tpu.memory_space<vmem>>) dst(%dma_wait3A_1267 : memref<128x196xf32, #tpu.memory_space<hbm>>)
    %dma_start3A_1268 = arith.constant 13 : i32
    %dma_start3A_1269 = arith.constant 0 : i32
    %dma_start3A_1270 = tpu.memref_slice %arg2[%select_n3A, %add3A_116, %dma_start3A_1268, %dma_start3A_1269] : memref<16x768x16x196xf32, #tpu.memory_space<hbm>> -> memref<1x128x1x196xf32, #tpu.memory_space<hbm>>
    %dma_start3A_1271 = tpu.memref_squeeze %dma_start3A_1270 : memref<1x128x1x196xf32, #tpu.memory_space<hbm>> -> memref<128x196xf32, #tpu.memory_space<hbm>>
    %dma_start3A_1272 = arith.constant 0 : i32
    %dma_start3A_1273 = tpu.memref_slice %arg2[%select_n3A, %add3A_116, %dma_start3A_1268, %dma_start3A_1272] : memref<16x768x16x196xf32, #tpu.memory_space<hbm>> -> memref<1x128x1x196xf32, #tpu.memory_space<hbm>>
    %dma_start3A_1274 = tpu.memref_squeeze %dma_start3A_1273 : memref<1x128x1x196xf32, #tpu.memory_space<hbm>> -> memref<128x196xf32, #tpu.memory_space<hbm>>
    tpu.enqueue_dma source(%dma_start3A_1274 : memref<128x196xf32, #tpu.memory_space<hbm>>) target(%arg6 : memref<128x196xf32, #tpu.memory_space<vmem>>) target_semaphore(%arg7 : memref<!tpu.dma_semaphore, #tpu.memory_space<semaphore_mem>>)
    %dma_wait3A_1275 = arith.constant 13 : i32
    %dma_wait3A_1276 = arith.constant 0 : i32
    %dma_wait3A_1277 = tpu.memref_slice %arg2[%select_n3A, %add3A_116, %dma_wait3A_1275, %dma_wait3A_1276] : memref<16x768x16x196xf32, #tpu.memory_space<hbm>> -> memref<1x128x1x196xf32, #tpu.memory_space<hbm>>
    %dma_wait3A_1278 = tpu.memref_squeeze %dma_wait3A_1277 : memref<1x128x1x196xf32, #tpu.memory_space<hbm>> -> memref<128x196xf32, #tpu.memory_space<hbm>>
    %dma_wait3A_1279 = arith.constant 0 : i32
    %dma_wait3A_1280 = tpu.memref_slice %arg2[%select_n3A, %add3A_116, %dma_wait3A_1275, %dma_wait3A_1279] : memref<16x768x16x196xf32, #tpu.memory_space<hbm>> -> memref<1x128x1x196xf32, #tpu.memory_space<hbm>>
    %dma_wait3A_1281 = tpu.memref_squeeze %dma_wait3A_1280 : memref<1x128x1x196xf32, #tpu.memory_space<hbm>> -> memref<128x196xf32, #tpu.memory_space<hbm>>
    tpu.wait_dma2 semaphore(%arg7 : memref<!tpu.dma_semaphore, #tpu.memory_space<semaphore_mem>>) src(%dma_wait3A_1281 : memref<128x196xf32, #tpu.memory_space<hbm>>) dst(%arg6 : memref<128x196xf32, #tpu.memory_space<vmem>>)
    %dma_start3A_1282 = arith.constant 6 : i32
    %dma_start3A_1283 = arith.constant 0 : i32
    %dma_start3A_1284 = tpu.memref_slice %arg4[%select_n3A, %add3A_116, %dma_start3A_1282, %dma_start3A_1283] : memref<16x768x8x196xf32, #tpu.memory_space<hbm>> -> memref<1x128x1x196xf32, #tpu.memory_space<hbm>>
    %dma_start3A_1285 = tpu.memref_squeeze %dma_start3A_1284 : memref<1x128x1x196xf32, #tpu.memory_space<hbm>> -> memref<128x196xf32, #tpu.memory_space<hbm>>
    %dma_start3A_1286 = arith.constant 0 : i32
    %dma_start3A_1287 = tpu.memref_slice %arg4[%select_n3A, %add3A_116, %dma_start3A_1282, %dma_start3A_1286] : memref<16x768x8x196xf32, #tpu.memory_space<hbm>> -> memref<1x128x1x196xf32, #tpu.memory_space<hbm>>
    %dma_start3A_1288 = tpu.memref_squeeze %dma_start3A_1287 : memref<1x128x1x196xf32, #tpu.memory_space<hbm>> -> memref<128x196xf32, #tpu.memory_space<hbm>>
    tpu.enqueue_dma source(%arg6 : memref<128x196xf32, #tpu.memory_space<vmem>>) target(%dma_start3A_1288 : memref<128x196xf32, #tpu.memory_space<hbm>>) target_semaphore(%arg9 : memref<!tpu.dma_semaphore, #tpu.memory_space<semaphore_mem>>)
    %dma_wait3A_1289 = arith.constant 6 : i32
    %dma_wait3A_1290 = arith.constant 0 : i32
    %dma_wait3A_1291 = tpu.memref_slice %arg4[%select_n3A, %add3A_114, %dma_wait3A_1289, %dma_wait3A_1290] : memref<16x768x8x196xf32, #tpu.memory_space<hbm>> -> memref<1x128x1x196xf32, #tpu.memory_space<hbm>>
    %dma_wait3A_1292 = tpu.memref_squeeze %dma_wait3A_1291 : memref<1x128x1x196xf32, #tpu.memory_space<hbm>> -> memref<128x196xf32, #tpu.memory_space<hbm>>
    %dma_wait3A_1293 = arith.constant 0 : i32
    %dma_wait3A_1294 = tpu.memref_slice %arg4[%select_n3A, %add3A_114, %dma_wait3A_1289, %dma_wait3A_1293] : memref<16x768x8x196xf32, #tpu.memory_space<hbm>> -> memref<1x128x1x196xf32, #tpu.memory_space<hbm>>
    %dma_wait3A_1295 = tpu.memref_squeeze %dma_wait3A_1294 : memref<1x128x1x196xf32, #tpu.memory_space<hbm>> -> memref<128x196xf32, #tpu.memory_space<hbm>>
    tpu.wait_dma2 semaphore(%arg8 : memref<!tpu.dma_semaphore, #tpu.memory_space<semaphore_mem>>) src(%arg5 : memref<128x196xf32, #tpu.memory_space<vmem>>) dst(%dma_wait3A_1295 : memref<128x196xf32, #tpu.memory_space<hbm>>)
    %dma_start3A_1296 = arith.constant 14 : i32
    %dma_start3A_1297 = arith.constant 0 : i32
    %dma_start3A_1298 = tpu.memref_slice %arg2[%select_n3A, %add3A_118, %dma_start3A_1296, %dma_start3A_1297] : memref<16x768x16x196xf32, #tpu.memory_space<hbm>> -> memref<1x128x1x196xf32, #tpu.memory_space<hbm>>
    %dma_start3A_1299 = tpu.memref_squeeze %dma_start3A_1298 : memref<1x128x1x196xf32, #tpu.memory_space<hbm>> -> memref<128x196xf32, #tpu.memory_space<hbm>>
    %dma_start3A_1300 = arith.constant 0 : i32
    %dma_start3A_1301 = tpu.memref_slice %arg2[%select_n3A, %add3A_118, %dma_start3A_1296, %dma_start3A_1300] : memref<16x768x16x196xf32, #tpu.memory_space<hbm>> -> memref<1x128x1x196xf32, #tpu.memory_space<hbm>>
    %dma_start3A_1302 = tpu.memref_squeeze %dma_start3A_1301 : memref<1x128x1x196xf32, #tpu.memory_space<hbm>> -> memref<128x196xf32, #tpu.memory_space<hbm>>
    tpu.enqueue_dma source(%dma_start3A_1302 : memref<128x196xf32, #tpu.memory_space<hbm>>) target(%arg5 : memref<128x196xf32, #tpu.memory_space<vmem>>) target_semaphore(%arg7 : memref<!tpu.dma_semaphore, #tpu.memory_space<semaphore_mem>>)
    %dma_wait3A_1303 = arith.constant 14 : i32
    %dma_wait3A_1304 = arith.constant 0 : i32
    %dma_wait3A_1305 = tpu.memref_slice %arg2[%select_n3A, %add3A_118, %dma_wait3A_1303, %dma_wait3A_1304] : memref<16x768x16x196xf32, #tpu.memory_space<hbm>> -> memref<1x128x1x196xf32, #tpu.memory_space<hbm>>
    %dma_wait3A_1306 = tpu.memref_squeeze %dma_wait3A_1305 : memref<1x128x1x196xf32, #tpu.memory_space<hbm>> -> memref<128x196xf32, #tpu.memory_space<hbm>>
    %dma_wait3A_1307 = arith.constant 0 : i32
    %dma_wait3A_1308 = tpu.memref_slice %arg2[%select_n3A, %add3A_118, %dma_wait3A_1303, %dma_wait3A_1307] : memref<16x768x16x196xf32, #tpu.memory_space<hbm>> -> memref<1x128x1x196xf32, #tpu.memory_space<hbm>>
    %dma_wait3A_1309 = tpu.memref_squeeze %dma_wait3A_1308 : memref<1x128x1x196xf32, #tpu.memory_space<hbm>> -> memref<128x196xf32, #tpu.memory_space<hbm>>
    tpu.wait_dma2 semaphore(%arg7 : memref<!tpu.dma_semaphore, #tpu.memory_space<semaphore_mem>>) src(%dma_wait3A_1309 : memref<128x196xf32, #tpu.memory_space<hbm>>) dst(%arg5 : memref<128x196xf32, #tpu.memory_space<vmem>>)
    %dma_start3A_1310 = arith.constant 7 : i32
    %dma_start3A_1311 = arith.constant 0 : i32
    %dma_start3A_1312 = tpu.memref_slice %arg3[%select_n3A, %add3A_118, %dma_start3A_1310, %dma_start3A_1311] : memref<16x768x8x196xf32, #tpu.memory_space<hbm>> -> memref<1x128x1x196xf32, #tpu.memory_space<hbm>>
    %dma_start3A_1313 = tpu.memref_squeeze %dma_start3A_1312 : memref<1x128x1x196xf32, #tpu.memory_space<hbm>> -> memref<128x196xf32, #tpu.memory_space<hbm>>
    %dma_start3A_1314 = arith.constant 0 : i32
    %dma_start3A_1315 = tpu.memref_slice %arg3[%select_n3A, %add3A_118, %dma_start3A_1310, %dma_start3A_1314] : memref<16x768x8x196xf32, #tpu.memory_space<hbm>> -> memref<1x128x1x196xf32, #tpu.memory_space<hbm>>
    %dma_start3A_1316 = tpu.memref_squeeze %dma_start3A_1315 : memref<1x128x1x196xf32, #tpu.memory_space<hbm>> -> memref<128x196xf32, #tpu.memory_space<hbm>>
    tpu.enqueue_dma source(%arg5 : memref<128x196xf32, #tpu.memory_space<vmem>>) target(%dma_start3A_1316 : memref<128x196xf32, #tpu.memory_space<hbm>>) target_semaphore(%arg8 : memref<!tpu.dma_semaphore, #tpu.memory_space<semaphore_mem>>)
    %dma_wait3A_1317 = arith.constant 6 : i32
    %dma_wait3A_1318 = arith.constant 0 : i32
    %dma_wait3A_1319 = tpu.memref_slice %arg4[%select_n3A, %add3A_116, %dma_wait3A_1317, %dma_wait3A_1318] : memref<16x768x8x196xf32, #tpu.memory_space<hbm>> -> memref<1x128x1x196xf32, #tpu.memory_space<hbm>>
    %dma_wait3A_1320 = tpu.memref_squeeze %dma_wait3A_1319 : memref<1x128x1x196xf32, #tpu.memory_space<hbm>> -> memref<128x196xf32, #tpu.memory_space<hbm>>
    %dma_wait3A_1321 = arith.constant 0 : i32
    %dma_wait3A_1322 = tpu.memref_slice %arg4[%select_n3A, %add3A_116, %dma_wait3A_1317, %dma_wait3A_1321] : memref<16x768x8x196xf32, #tpu.memory_space<hbm>> -> memref<1x128x1x196xf32, #tpu.memory_space<hbm>>
    %dma_wait3A_1323 = tpu.memref_squeeze %dma_wait3A_1322 : memref<1x128x1x196xf32, #tpu.memory_space<hbm>> -> memref<128x196xf32, #tpu.memory_space<hbm>>
    tpu.wait_dma2 semaphore(%arg9 : memref<!tpu.dma_semaphore, #tpu.memory_space<semaphore_mem>>) src(%arg6 : memref<128x196xf32, #tpu.memory_space<vmem>>) dst(%dma_wait3A_1323 : memref<128x196xf32, #tpu.memory_space<hbm>>)
    %dma_start3A_1324 = arith.constant 14 : i32
    %dma_start3A_1325 = arith.constant 0 : i32
    %dma_start3A_1326 = tpu.memref_slice %arg2[%select_n3A, %add3A_120, %dma_start3A_1324, %dma_start3A_1325] : memref<16x768x16x196xf32, #tpu.memory_space<hbm>> -> memref<1x128x1x196xf32, #tpu.memory_space<hbm>>
    %dma_start3A_1327 = tpu.memref_squeeze %dma_start3A_1326 : memref<1x128x1x196xf32, #tpu.memory_space<hbm>> -> memref<128x196xf32, #tpu.memory_space<hbm>>
    %dma_start3A_1328 = arith.constant 0 : i32
    %dma_start3A_1329 = tpu.memref_slice %arg2[%select_n3A, %add3A_120, %dma_start3A_1324, %dma_start3A_1328] : memref<16x768x16x196xf32, #tpu.memory_space<hbm>> -> memref<1x128x1x196xf32, #tpu.memory_space<hbm>>
    %dma_start3A_1330 = tpu.memref_squeeze %dma_start3A_1329 : memref<1x128x1x196xf32, #tpu.memory_space<hbm>> -> memref<128x196xf32, #tpu.memory_space<hbm>>
    tpu.enqueue_dma source(%dma_start3A_1330 : memref<128x196xf32, #tpu.memory_space<hbm>>) target(%arg6 : memref<128x196xf32, #tpu.memory_space<vmem>>) target_semaphore(%arg7 : memref<!tpu.dma_semaphore, #tpu.memory_space<semaphore_mem>>)
    %dma_wait3A_1331 = arith.constant 14 : i32
    %dma_wait3A_1332 = arith.constant 0 : i32
    %dma_wait3A_1333 = tpu.memref_slice %arg2[%select_n3A, %add3A_120, %dma_wait3A_1331, %dma_wait3A_1332] : memref<16x768x16x196xf32, #tpu.memory_space<hbm>> -> memref<1x128x1x196xf32, #tpu.memory_space<hbm>>
    %dma_wait3A_1334 = tpu.memref_squeeze %dma_wait3A_1333 : memref<1x128x1x196xf32, #tpu.memory_space<hbm>> -> memref<128x196xf32, #tpu.memory_space<hbm>>
    %dma_wait3A_1335 = arith.constant 0 : i32
    %dma_wait3A_1336 = tpu.memref_slice %arg2[%select_n3A, %add3A_120, %dma_wait3A_1331, %dma_wait3A_1335] : memref<16x768x16x196xf32, #tpu.memory_space<hbm>> -> memref<1x128x1x196xf32, #tpu.memory_space<hbm>>
    %dma_wait3A_1337 = tpu.memref_squeeze %dma_wait3A_1336 : memref<1x128x1x196xf32, #tpu.memory_space<hbm>> -> memref<128x196xf32, #tpu.memory_space<hbm>>
    tpu.wait_dma2 semaphore(%arg7 : memref<!tpu.dma_semaphore, #tpu.memory_space<semaphore_mem>>) src(%dma_wait3A_1337 : memref<128x196xf32, #tpu.memory_space<hbm>>) dst(%arg6 : memref<128x196xf32, #tpu.memory_space<vmem>>)
    %dma_start3A_1338 = arith.constant 7 : i32
    %dma_start3A_1339 = arith.constant 0 : i32
    %dma_start3A_1340 = tpu.memref_slice %arg3[%select_n3A, %add3A_120, %dma_start3A_1338, %dma_start3A_1339] : memref<16x768x8x196xf32, #tpu.memory_space<hbm>> -> memref<1x128x1x196xf32, #tpu.memory_space<hbm>>
    %dma_start3A_1341 = tpu.memref_squeeze %dma_start3A_1340 : memref<1x128x1x196xf32, #tpu.memory_space<hbm>> -> memref<128x196xf32, #tpu.memory_space<hbm>>
    %dma_start3A_1342 = arith.constant 0 : i32
    %dma_start3A_1343 = tpu.memref_slice %arg3[%select_n3A, %add3A_120, %dma_start3A_1338, %dma_start3A_1342] : memref<16x768x8x196xf32, #tpu.memory_space<hbm>> -> memref<1x128x1x196xf32, #tpu.memory_space<hbm>>
    %dma_start3A_1344 = tpu.memref_squeeze %dma_start3A_1343 : memref<1x128x1x196xf32, #tpu.memory_space<hbm>> -> memref<128x196xf32, #tpu.memory_space<hbm>>
    tpu.enqueue_dma source(%arg6 : memref<128x196xf32, #tpu.memory_space<vmem>>) target(%dma_start3A_1344 : memref<128x196xf32, #tpu.memory_space<hbm>>) target_semaphore(%arg9 : memref<!tpu.dma_semaphore, #tpu.memory_space<semaphore_mem>>)
    %dma_wait3A_1345 = arith.constant 7 : i32
    %dma_wait3A_1346 = arith.constant 0 : i32
    %dma_wait3A_1347 = tpu.memref_slice %arg3[%select_n3A, %add3A_118, %dma_wait3A_1345, %dma_wait3A_1346] : memref<16x768x8x196xf32, #tpu.memory_space<hbm>> -> memref<1x128x1x196xf32, #tpu.memory_space<hbm>>
    %dma_wait3A_1348 = tpu.memref_squeeze %dma_wait3A_1347 : memref<1x128x1x196xf32, #tpu.memory_space<hbm>> -> memref<128x196xf32, #tpu.memory_space<hbm>>
    %dma_wait3A_1349 = arith.constant 0 : i32
    %dma_wait3A_1350 = tpu.memref_slice %arg3[%select_n3A, %add3A_118, %dma_wait3A_1345, %dma_wait3A_1349] : memref<16x768x8x196xf32, #tpu.memory_space<hbm>> -> memref<1x128x1x196xf32, #tpu.memory_space<hbm>>
    %dma_wait3A_1351 = tpu.memref_squeeze %dma_wait3A_1350 : memref<1x128x1x196xf32, #tpu.memory_space<hbm>> -> memref<128x196xf32, #tpu.memory_space<hbm>>
    tpu.wait_dma2 semaphore(%arg8 : memref<!tpu.dma_semaphore, #tpu.memory_space<semaphore_mem>>) src(%arg5 : memref<128x196xf32, #tpu.memory_space<vmem>>) dst(%dma_wait3A_1351 : memref<128x196xf32, #tpu.memory_space<hbm>>)
    %dma_start3A_1352 = arith.constant 14 : i32
    %dma_start3A_1353 = arith.constant 0 : i32
    %dma_start3A_1354 = tpu.memref_slice %arg2[%select_n3A, %add3A_122, %dma_start3A_1352, %dma_start3A_1353] : memref<16x768x16x196xf32, #tpu.memory_space<hbm>> -> memref<1x128x1x196xf32, #tpu.memory_space<hbm>>
    %dma_start3A_1355 = tpu.memref_squeeze %dma_start3A_1354 : memref<1x128x1x196xf32, #tpu.memory_space<hbm>> -> memref<128x196xf32, #tpu.memory_space<hbm>>
    %dma_start3A_1356 = arith.constant 0 : i32
    %dma_start3A_1357 = tpu.memref_slice %arg2[%select_n3A, %add3A_122, %dma_start3A_1352, %dma_start3A_1356] : memref<16x768x16x196xf32, #tpu.memory_space<hbm>> -> memref<1x128x1x196xf32, #tpu.memory_space<hbm>>
    %dma_start3A_1358 = tpu.memref_squeeze %dma_start3A_1357 : memref<1x128x1x196xf32, #tpu.memory_space<hbm>> -> memref<128x196xf32, #tpu.memory_space<hbm>>
    tpu.enqueue_dma source(%dma_start3A_1358 : memref<128x196xf32, #tpu.memory_space<hbm>>) target(%arg5 : memref<128x196xf32, #tpu.memory_space<vmem>>) target_semaphore(%arg7 : memref<!tpu.dma_semaphore, #tpu.memory_space<semaphore_mem>>)
    %dma_wait3A_1359 = arith.constant 14 : i32
    %dma_wait3A_1360 = arith.constant 0 : i32
    %dma_wait3A_1361 = tpu.memref_slice %arg2[%select_n3A, %add3A_122, %dma_wait3A_1359, %dma_wait3A_1360] : memref<16x768x16x196xf32, #tpu.memory_space<hbm>> -> memref<1x128x1x196xf32, #tpu.memory_space<hbm>>
    %dma_wait3A_1362 = tpu.memref_squeeze %dma_wait3A_1361 : memref<1x128x1x196xf32, #tpu.memory_space<hbm>> -> memref<128x196xf32, #tpu.memory_space<hbm>>
    %dma_wait3A_1363 = arith.constant 0 : i32
    %dma_wait3A_1364 = tpu.memref_slice %arg2[%select_n3A, %add3A_122, %dma_wait3A_1359, %dma_wait3A_1363] : memref<16x768x16x196xf32, #tpu.memory_space<hbm>> -> memref<1x128x1x196xf32, #tpu.memory_space<hbm>>
    %dma_wait3A_1365 = tpu.memref_squeeze %dma_wait3A_1364 : memref<1x128x1x196xf32, #tpu.memory_space<hbm>> -> memref<128x196xf32, #tpu.memory_space<hbm>>
    tpu.wait_dma2 semaphore(%arg7 : memref<!tpu.dma_semaphore, #tpu.memory_space<semaphore_mem>>) src(%dma_wait3A_1365 : memref<128x196xf32, #tpu.memory_space<hbm>>) dst(%arg5 : memref<128x196xf32, #tpu.memory_space<vmem>>)
    %dma_start3A_1366 = arith.constant 7 : i32
    %dma_start3A_1367 = arith.constant 0 : i32
    %dma_start3A_1368 = tpu.memref_slice %arg3[%select_n3A, %add3A_122, %dma_start3A_1366, %dma_start3A_1367] : memref<16x768x8x196xf32, #tpu.memory_space<hbm>> -> memref<1x128x1x196xf32, #tpu.memory_space<hbm>>
    %dma_start3A_1369 = tpu.memref_squeeze %dma_start3A_1368 : memref<1x128x1x196xf32, #tpu.memory_space<hbm>> -> memref<128x196xf32, #tpu.memory_space<hbm>>
    %dma_start3A_1370 = arith.constant 0 : i32
    %dma_start3A_1371 = tpu.memref_slice %arg3[%select_n3A, %add3A_122, %dma_start3A_1366, %dma_start3A_1370] : memref<16x768x8x196xf32, #tpu.memory_space<hbm>> -> memref<1x128x1x196xf32, #tpu.memory_space<hbm>>
    %dma_start3A_1372 = tpu.memref_squeeze %dma_start3A_1371 : memref<1x128x1x196xf32, #tpu.memory_space<hbm>> -> memref<128x196xf32, #tpu.memory_space<hbm>>
    tpu.enqueue_dma source(%arg5 : memref<128x196xf32, #tpu.memory_space<vmem>>) target(%dma_start3A_1372 : memref<128x196xf32, #tpu.memory_space<hbm>>) target_semaphore(%arg8 : memref<!tpu.dma_semaphore, #tpu.memory_space<semaphore_mem>>)
    %dma_wait3A_1373 = arith.constant 7 : i32
    %dma_wait3A_1374 = arith.constant 0 : i32
    %dma_wait3A_1375 = tpu.memref_slice %arg3[%select_n3A, %add3A_120, %dma_wait3A_1373, %dma_wait3A_1374] : memref<16x768x8x196xf32, #tpu.memory_space<hbm>> -> memref<1x128x1x196xf32, #tpu.memory_space<hbm>>
    %dma_wait3A_1376 = tpu.memref_squeeze %dma_wait3A_1375 : memref<1x128x1x196xf32, #tpu.memory_space<hbm>> -> memref<128x196xf32, #tpu.memory_space<hbm>>
    %dma_wait3A_1377 = arith.constant 0 : i32
    %dma_wait3A_1378 = tpu.memref_slice %arg3[%select_n3A, %add3A_120, %dma_wait3A_1373, %dma_wait3A_1377] : memref<16x768x8x196xf32, #tpu.memory_space<hbm>> -> memref<1x128x1x196xf32, #tpu.memory_space<hbm>>
    %dma_wait3A_1379 = tpu.memref_squeeze %dma_wait3A_1378 : memref<1x128x1x196xf32, #tpu.memory_space<hbm>> -> memref<128x196xf32, #tpu.memory_space<hbm>>
    tpu.wait_dma2 semaphore(%arg9 : memref<!tpu.dma_semaphore, #tpu.memory_space<semaphore_mem>>) src(%arg6 : memref<128x196xf32, #tpu.memory_space<vmem>>) dst(%dma_wait3A_1379 : memref<128x196xf32, #tpu.memory_space<hbm>>)
    %dma_start3A_1380 = arith.constant 15 : i32
    %dma_start3A_1381 = arith.constant 0 : i32
    %dma_start3A_1382 = tpu.memref_slice %arg2[%select_n3A, %add3A_124, %dma_start3A_1380, %dma_start3A_1381] : memref<16x768x16x196xf32, #tpu.memory_space<hbm>> -> memref<1x128x1x196xf32, #tpu.memory_space<hbm>>
    %dma_start3A_1383 = tpu.memref_squeeze %dma_start3A_1382 : memref<1x128x1x196xf32, #tpu.memory_space<hbm>> -> memref<128x196xf32, #tpu.memory_space<hbm>>
    %dma_start3A_1384 = arith.constant 0 : i32
    %dma_start3A_1385 = tpu.memref_slice %arg2[%select_n3A, %add3A_124, %dma_start3A_1380, %dma_start3A_1384] : memref<16x768x16x196xf32, #tpu.memory_space<hbm>> -> memref<1x128x1x196xf32, #tpu.memory_space<hbm>>
    %dma_start3A_1386 = tpu.memref_squeeze %dma_start3A_1385 : memref<1x128x1x196xf32, #tpu.memory_space<hbm>> -> memref<128x196xf32, #tpu.memory_space<hbm>>
    tpu.enqueue_dma source(%dma_start3A_1386 : memref<128x196xf32, #tpu.memory_space<hbm>>) target(%arg6 : memref<128x196xf32, #tpu.memory_space<vmem>>) target_semaphore(%arg7 : memref<!tpu.dma_semaphore, #tpu.memory_space<semaphore_mem>>)
    %dma_wait3A_1387 = arith.constant 15 : i32
    %dma_wait3A_1388 = arith.constant 0 : i32
    %dma_wait3A_1389 = tpu.memref_slice %arg2[%select_n3A, %add3A_124, %dma_wait3A_1387, %dma_wait3A_1388] : memref<16x768x16x196xf32, #tpu.memory_space<hbm>> -> memref<1x128x1x196xf32, #tpu.memory_space<hbm>>
    %dma_wait3A_1390 = tpu.memref_squeeze %dma_wait3A_1389 : memref<1x128x1x196xf32, #tpu.memory_space<hbm>> -> memref<128x196xf32, #tpu.memory_space<hbm>>
    %dma_wait3A_1391 = arith.constant 0 : i32
    %dma_wait3A_1392 = tpu.memref_slice %arg2[%select_n3A, %add3A_124, %dma_wait3A_1387, %dma_wait3A_1391] : memref<16x768x16x196xf32, #tpu.memory_space<hbm>> -> memref<1x128x1x196xf32, #tpu.memory_space<hbm>>
    %dma_wait3A_1393 = tpu.memref_squeeze %dma_wait3A_1392 : memref<1x128x1x196xf32, #tpu.memory_space<hbm>> -> memref<128x196xf32, #tpu.memory_space<hbm>>
    tpu.wait_dma2 semaphore(%arg7 : memref<!tpu.dma_semaphore, #tpu.memory_space<semaphore_mem>>) src(%dma_wait3A_1393 : memref<128x196xf32, #tpu.memory_space<hbm>>) dst(%arg6 : memref<128x196xf32, #tpu.memory_space<vmem>>)
    %dma_start3A_1394 = arith.constant 7 : i32
    %dma_start3A_1395 = arith.constant 0 : i32
    %dma_start3A_1396 = tpu.memref_slice %arg4[%select_n3A, %add3A_124, %dma_start3A_1394, %dma_start3A_1395] : memref<16x768x8x196xf32, #tpu.memory_space<hbm>> -> memref<1x128x1x196xf32, #tpu.memory_space<hbm>>
    %dma_start3A_1397 = tpu.memref_squeeze %dma_start3A_1396 : memref<1x128x1x196xf32, #tpu.memory_space<hbm>> -> memref<128x196xf32, #tpu.memory_space<hbm>>
    %dma_start3A_1398 = arith.constant 0 : i32
    %dma_start3A_1399 = tpu.memref_slice %arg4[%select_n3A, %add3A_124, %dma_start3A_1394, %dma_start3A_1398] : memref<16x768x8x196xf32, #tpu.memory_space<hbm>> -> memref<1x128x1x196xf32, #tpu.memory_space<hbm>>
    %dma_start3A_1400 = tpu.memref_squeeze %dma_start3A_1399 : memref<1x128x1x196xf32, #tpu.memory_space<hbm>> -> memref<128x196xf32, #tpu.memory_space<hbm>>
    tpu.enqueue_dma source(%arg6 : memref<128x196xf32, #tpu.memory_space<vmem>>) target(%dma_start3A_1400 : memref<128x196xf32, #tpu.memory_space<hbm>>) target_semaphore(%arg9 : memref<!tpu.dma_semaphore, #tpu.memory_space<semaphore_mem>>)
    %dma_wait3A_1401 = arith.constant 7 : i32
    %dma_wait3A_1402 = arith.constant 0 : i32
    %dma_wait3A_1403 = tpu.memref_slice %arg3[%select_n3A, %add3A_122, %dma_wait3A_1401, %dma_wait3A_1402] : memref<16x768x8x196xf32, #tpu.memory_space<hbm>> -> memref<1x128x1x196xf32, #tpu.memory_space<hbm>>
    %dma_wait3A_1404 = tpu.memref_squeeze %dma_wait3A_1403 : memref<1x128x1x196xf32, #tpu.memory_space<hbm>> -> memref<128x196xf32, #tpu.memory_space<hbm>>
    %dma_wait3A_1405 = arith.constant 0 : i32
    %dma_wait3A_1406 = tpu.memref_slice %arg3[%select_n3A, %add3A_122, %dma_wait3A_1401, %dma_wait3A_1405] : memref<16x768x8x196xf32, #tpu.memory_space<hbm>> -> memref<1x128x1x196xf32, #tpu.memory_space<hbm>>
    %dma_wait3A_1407 = tpu.memref_squeeze %dma_wait3A_1406 : memref<1x128x1x196xf32, #tpu.memory_space<hbm>> -> memref<128x196xf32, #tpu.memory_space<hbm>>
    tpu.wait_dma2 semaphore(%arg8 : memref<!tpu.dma_semaphore, #tpu.memory_space<semaphore_mem>>) src(%arg5 : memref<128x196xf32, #tpu.memory_space<vmem>>) dst(%dma_wait3A_1407 : memref<128x196xf32, #tpu.memory_space<hbm>>)
    %dma_start3A_1408 = arith.constant 15 : i32
    %dma_start3A_1409 = arith.constant 0 : i32
    %dma_start3A_1410 = tpu.memref_slice %arg2[%select_n3A, %add3A_126, %dma_start3A_1408, %dma_start3A_1409] : memref<16x768x16x196xf32, #tpu.memory_space<hbm>> -> memref<1x128x1x196xf32, #tpu.memory_space<hbm>>
    %dma_start3A_1411 = tpu.memref_squeeze %dma_start3A_1410 : memref<1x128x1x196xf32, #tpu.memory_space<hbm>> -> memref<128x196xf32, #tpu.memory_space<hbm>>
    %dma_start3A_1412 = arith.constant 0 : i32
    %dma_start3A_1413 = tpu.memref_slice %arg2[%select_n3A, %add3A_126, %dma_start3A_1408, %dma_start3A_1412] : memref<16x768x16x196xf32, #tpu.memory_space<hbm>> -> memref<1x128x1x196xf32, #tpu.memory_space<hbm>>
    %dma_start3A_1414 = tpu.memref_squeeze %dma_start3A_1413 : memref<1x128x1x196xf32, #tpu.memory_space<hbm>> -> memref<128x196xf32, #tpu.memory_space<hbm>>
    tpu.enqueue_dma source(%dma_start3A_1414 : memref<128x196xf32, #tpu.memory_space<hbm>>) target(%arg5 : memref<128x196xf32, #tpu.memory_space<vmem>>) target_semaphore(%arg7 : memref<!tpu.dma_semaphore, #tpu.memory_space<semaphore_mem>>)
    %dma_wait3A_1415 = arith.constant 15 : i32
    %dma_wait3A_1416 = arith.constant 0 : i32
    %dma_wait3A_1417 = tpu.memref_slice %arg2[%select_n3A, %add3A_126, %dma_wait3A_1415, %dma_wait3A_1416] : memref<16x768x16x196xf32, #tpu.memory_space<hbm>> -> memref<1x128x1x196xf32, #tpu.memory_space<hbm>>
    %dma_wait3A_1418 = tpu.memref_squeeze %dma_wait3A_1417 : memref<1x128x1x196xf32, #tpu.memory_space<hbm>> -> memref<128x196xf32, #tpu.memory_space<hbm>>
    %dma_wait3A_1419 = arith.constant 0 : i32
    %dma_wait3A_1420 = tpu.memref_slice %arg2[%select_n3A, %add3A_126, %dma_wait3A_1415, %dma_wait3A_1419] : memref<16x768x16x196xf32, #tpu.memory_space<hbm>> -> memref<1x128x1x196xf32, #tpu.memory_space<hbm>>
    %dma_wait3A_1421 = tpu.memref_squeeze %dma_wait3A_1420 : memref<1x128x1x196xf32, #tpu.memory_space<hbm>> -> memref<128x196xf32, #tpu.memory_space<hbm>>
    tpu.wait_dma2 semaphore(%arg7 : memref<!tpu.dma_semaphore, #tpu.memory_space<semaphore_mem>>) src(%dma_wait3A_1421 : memref<128x196xf32, #tpu.memory_space<hbm>>) dst(%arg5 : memref<128x196xf32, #tpu.memory_space<vmem>>)
    %dma_start3A_1422 = arith.constant 7 : i32
    %dma_start3A_1423 = arith.constant 0 : i32
    %dma_start3A_1424 = tpu.memref_slice %arg4[%select_n3A, %add3A_126, %dma_start3A_1422, %dma_start3A_1423] : memref<16x768x8x196xf32, #tpu.memory_space<hbm>> -> memref<1x128x1x196xf32, #tpu.memory_space<hbm>>
    %dma_start3A_1425 = tpu.memref_squeeze %dma_start3A_1424 : memref<1x128x1x196xf32, #tpu.memory_space<hbm>> -> memref<128x196xf32, #tpu.memory_space<hbm>>
    %dma_start3A_1426 = arith.constant 0 : i32
    %dma_start3A_1427 = tpu.memref_slice %arg4[%select_n3A, %add3A_126, %dma_start3A_1422, %dma_start3A_1426] : memref<16x768x8x196xf32, #tpu.memory_space<hbm>> -> memref<1x128x1x196xf32, #tpu.memory_space<hbm>>
    %dma_start3A_1428 = tpu.memref_squeeze %dma_start3A_1427 : memref<1x128x1x196xf32, #tpu.memory_space<hbm>> -> memref<128x196xf32, #tpu.memory_space<hbm>>
    tpu.enqueue_dma source(%arg5 : memref<128x196xf32, #tpu.memory_space<vmem>>) target(%dma_start3A_1428 : memref<128x196xf32, #tpu.memory_space<hbm>>) target_semaphore(%arg8 : memref<!tpu.dma_semaphore, #tpu.memory_space<semaphore_mem>>)
    %dma_wait3A_1429 = arith.constant 7 : i32
    %dma_wait3A_1430 = arith.constant 0 : i32
    %dma_wait3A_1431 = tpu.memref_slice %arg4[%select_n3A, %add3A_124, %dma_wait3A_1429, %dma_wait3A_1430] : memref<16x768x8x196xf32, #tpu.memory_space<hbm>> -> memref<1x128x1x196xf32, #tpu.memory_space<hbm>>
    %dma_wait3A_1432 = tpu.memref_squeeze %dma_wait3A_1431 : memref<1x128x1x196xf32, #tpu.memory_space<hbm>> -> memref<128x196xf32, #tpu.memory_space<hbm>>
    %dma_wait3A_1433 = arith.constant 0 : i32
    %dma_wait3A_1434 = tpu.memref_slice %arg4[%select_n3A, %add3A_124, %dma_wait3A_1429, %dma_wait3A_1433] : memref<16x768x8x196xf32, #tpu.memory_space<hbm>> -> memref<1x128x1x196xf32, #tpu.memory_space<hbm>>
    %dma_wait3A_1435 = tpu.memref_squeeze %dma_wait3A_1434 : memref<1x128x1x196xf32, #tpu.memory_space<hbm>> -> memref<128x196xf32, #tpu.memory_space<hbm>>
    tpu.wait_dma2 semaphore(%arg9 : memref<!tpu.dma_semaphore, #tpu.memory_space<semaphore_mem>>) src(%arg6 : memref<128x196xf32, #tpu.memory_space<vmem>>) dst(%dma_wait3A_1435 : memref<128x196xf32, #tpu.memory_space<hbm>>)
    %dma_start3A_1436 = arith.constant 15 : i32
    %dma_start3A_1437 = arith.constant 0 : i32
    %dma_start3A_1438 = tpu.memref_slice %arg2[%select_n3A, %add3A_128, %dma_start3A_1436, %dma_start3A_1437] : memref<16x768x16x196xf32, #tpu.memory_space<hbm>> -> memref<1x128x1x196xf32, #tpu.memory_space<hbm>>
    %dma_start3A_1439 = tpu.memref_squeeze %dma_start3A_1438 : memref<1x128x1x196xf32, #tpu.memory_space<hbm>> -> memref<128x196xf32, #tpu.memory_space<hbm>>
    %dma_start3A_1440 = arith.constant 0 : i32
    %dma_start3A_1441 = tpu.memref_slice %arg2[%select_n3A, %add3A_128, %dma_start3A_1436, %dma_start3A_1440] : memref<16x768x16x196xf32, #tpu.memory_space<hbm>> -> memref<1x128x1x196xf32, #tpu.memory_space<hbm>>
    %dma_start3A_1442 = tpu.memref_squeeze %dma_start3A_1441 : memref<1x128x1x196xf32, #tpu.memory_space<hbm>> -> memref<128x196xf32, #tpu.memory_space<hbm>>
    tpu.enqueue_dma source(%dma_start3A_1442 : memref<128x196xf32, #tpu.memory_space<hbm>>) target(%arg6 : memref<128x196xf32, #tpu.memory_space<vmem>>) target_semaphore(%arg7 : memref<!tpu.dma_semaphore, #tpu.memory_space<semaphore_mem>>)
    %dma_wait3A_1443 = arith.constant 15 : i32
    %dma_wait3A_1444 = arith.constant 0 : i32
    %dma_wait3A_1445 = tpu.memref_slice %arg2[%select_n3A, %add3A_128, %dma_wait3A_1443, %dma_wait3A_1444] : memref<16x768x16x196xf32, #tpu.memory_space<hbm>> -> memref<1x128x1x196xf32, #tpu.memory_space<hbm>>
    %dma_wait3A_1446 = tpu.memref_squeeze %dma_wait3A_1445 : memref<1x128x1x196xf32, #tpu.memory_space<hbm>> -> memref<128x196xf32, #tpu.memory_space<hbm>>
    %dma_wait3A_1447 = arith.constant 0 : i32
    %dma_wait3A_1448 = tpu.memref_slice %arg2[%select_n3A, %add3A_128, %dma_wait3A_1443, %dma_wait3A_1447] : memref<16x768x16x196xf32, #tpu.memory_space<hbm>> -> memref<1x128x1x196xf32, #tpu.memory_space<hbm>>
    %dma_wait3A_1449 = tpu.memref_squeeze %dma_wait3A_1448 : memref<1x128x1x196xf32, #tpu.memory_space<hbm>> -> memref<128x196xf32, #tpu.memory_space<hbm>>
    tpu.wait_dma2 semaphore(%arg7 : memref<!tpu.dma_semaphore, #tpu.memory_space<semaphore_mem>>) src(%dma_wait3A_1449 : memref<128x196xf32, #tpu.memory_space<hbm>>) dst(%arg6 : memref<128x196xf32, #tpu.memory_space<vmem>>)
    %dma_start3A_1450 = arith.constant 7 : i32
    %dma_start3A_1451 = arith.constant 0 : i32
    %dma_start3A_1452 = tpu.memref_slice %arg4[%select_n3A, %add3A_128, %dma_start3A_1450, %dma_start3A_1451] : memref<16x768x8x196xf32, #tpu.memory_space<hbm>> -> memref<1x128x1x196xf32, #tpu.memory_space<hbm>>
    %dma_start3A_1453 = tpu.memref_squeeze %dma_start3A_1452 : memref<1x128x1x196xf32, #tpu.memory_space<hbm>> -> memref<128x196xf32, #tpu.memory_space<hbm>>
    %dma_start3A_1454 = arith.constant 0 : i32
    %dma_start3A_1455 = tpu.memref_slice %arg4[%select_n3A, %add3A_128, %dma_start3A_1450, %dma_start3A_1454] : memref<16x768x8x196xf32, #tpu.memory_space<hbm>> -> memref<1x128x1x196xf32, #tpu.memory_space<hbm>>
    %dma_start3A_1456 = tpu.memref_squeeze %dma_start3A_1455 : memref<1x128x1x196xf32, #tpu.memory_space<hbm>> -> memref<128x196xf32, #tpu.memory_space<hbm>>
    tpu.enqueue_dma source(%arg6 : memref<128x196xf32, #tpu.memory_space<vmem>>) target(%dma_start3A_1456 : memref<128x196xf32, #tpu.memory_space<hbm>>) target_semaphore(%arg9 : memref<!tpu.dma_semaphore, #tpu.memory_space<semaphore_mem>>)
    %dma_wait3A_1457 = arith.constant 7 : i32
    %dma_wait3A_1458 = arith.constant 0 : i32
    %dma_wait3A_1459 = tpu.memref_slice %arg4[%select_n3A, %add3A_126, %dma_wait3A_1457, %dma_wait3A_1458] : memref<16x768x8x196xf32, #tpu.memory_space<hbm>> -> memref<1x128x1x196xf32, #tpu.memory_space<hbm>>
    %dma_wait3A_1460 = tpu.memref_squeeze %dma_wait3A_1459 : memref<1x128x1x196xf32, #tpu.memory_space<hbm>> -> memref<128x196xf32, #tpu.memory_space<hbm>>
    %dma_wait3A_1461 = arith.constant 0 : i32
    %dma_wait3A_1462 = tpu.memref_slice %arg4[%select_n3A, %add3A_126, %dma_wait3A_1457, %dma_wait3A_1461] : memref<16x768x8x196xf32, #tpu.memory_space<hbm>> -> memref<1x128x1x196xf32, #tpu.memory_space<hbm>>
    %dma_wait3A_1463 = tpu.memref_squeeze %dma_wait3A_1462 : memref<1x128x1x196xf32, #tpu.memory_space<hbm>> -> memref<128x196xf32, #tpu.memory_space<hbm>>
    tpu.wait_dma2 semaphore(%arg8 : memref<!tpu.dma_semaphore, #tpu.memory_space<semaphore_mem>>) src(%arg5 : memref<128x196xf32, #tpu.memory_space<vmem>>) dst(%dma_wait3A_1463 : memref<128x196xf32, #tpu.memory_space<hbm>>)
    %dma_wait3A_1464 = arith.constant 7 : i32
    %dma_wait3A_1465 = arith.constant 0 : i32
    %dma_wait3A_1466 = tpu.memref_slice %arg4[%select_n3A, %add3A_128, %dma_wait3A_1464, %dma_wait3A_1465] : memref<16x768x8x196xf32, #tpu.memory_space<hbm>> -> memref<1x128x1x196xf32, #tpu.memory_space<hbm>>
    %dma_wait3A_1467 = tpu.memref_squeeze %dma_wait3A_1466 : memref<1x128x1x196xf32, #tpu.memory_space<hbm>> -> memref<128x196xf32, #tpu.memory_space<hbm>>
    %dma_wait3A_1468 = arith.constant 0 : i32
    %dma_wait3A_1469 = tpu.memref_slice %arg4[%select_n3A, %add3A_128, %dma_wait3A_1464, %dma_wait3A_1468] : memref<16x768x8x196xf32, #tpu.memory_space<hbm>> -> memref<1x128x1x196xf32, #tpu.memory_space<hbm>>
    %dma_wait3A_1470 = tpu.memref_squeeze %dma_wait3A_1469 : memref<1x128x1x196xf32, #tpu.memory_space<hbm>> -> memref<128x196xf32, #tpu.memory_space<hbm>>
    tpu.wait_dma2 semaphore(%arg9 : memref<!tpu.dma_semaphore, #tpu.memory_space<semaphore_mem>>) src(%arg6 : memref<128x196xf32, #tpu.memory_space<vmem>>) dst(%dma_wait3A_1470 : memref<128x196xf32, #tpu.memory_space<hbm>>)
    return
  }
}

module attributes {stable_mosaic.version = 14 : i64} {
  func.func @_score_body(%arg0: i32, %arg1: i32, %arg2: memref<1x128x16x196xf32, #tpu.memory_space<vmem>>, %arg3: memref<196x49xbf16, #tpu.memory_space<vmem>>, %arg4: memref<1x1x16xi32, #tpu.memory_space<vmem>>, %arg5: memref<1x1x16xi32, #tpu.memory_space<vmem>>, %arg6: memref<1x16xf32, #tpu.memory_space<vmem>>) attributes {dimension_semantics = [#tpu.dimension_semantics<arbitrary>, #tpu.dimension_semantics<arbitrary>], iteration_bounds = array<i64: 16, 6>, scalar_prefetch = 0 : i64, scratch_operands = 1 : i64, tpu.core_type = #tpu.core_type<tc>, window_params = [{transform_indices = @transform_0, window_bounds = array<i64: 1, 128, 16, 196>}, {pipeline_mode = #tpu.pipeline_mode<synchronous>, transform_indices = @transform_1, window_bounds = array<i64: 196, 49>}, {transform_indices = @transform_2, window_bounds = array<i64: 1, 1, 16>}, {transform_indices = @transform_3, window_bounds = array<i64: 1, 1, 16>}]} {
    %get3A = arith.constant 0 : index
    %get3A_0 = arith.constant 0 : index
    %get3A_1 = arith.constant 0 : index
    %get3A_2 = arith.constant 0 : index
    %get3A_3 = vector.load %arg2[%get3A, %get3A_0, %get3A_1, %get3A_2] : memref<1x128x16x196xf32, #tpu.memory_space<vmem>>, vector<1x128x16x196xf32>
    %get3A_4 = vector.shape_cast %get3A_3 : vector<1x128x16x196xf32> to vector<128x16x196xf32>
    %reshape3A = vector.shape_cast %get3A_4 : vector<128x16x196xf32> to vector<2048x196xf32>
    %convert_element_type3A = arith.truncf %reshape3A : vector<2048x196xf32> to vector<2048x196xbf16>
    %get3A_5 = arith.constant 0 : index
    %get3A_6 = arith.constant 0 : index
    %get3A_7 = vector.load %arg3[%get3A_5, %get3A_6] : memref<196x49xbf16, #tpu.memory_space<vmem>>, vector<196x49xbf16>
    %dot_general3A = arith.constant dense<0.000000e+00> : vector<2048x49xf32>
    %dot_general3A_8 = tpu.matmul %convert_element_type3A, %get3A_7, %dot_general3A {dimension_numbers = #tpu.dot_dimension_numbers<[1], [0], [0], [1], [0, 0, 1, 1], [], []>, transpose_lhs_hint = false} : vector<2048x196xbf16>, vector<196x49xbf16>, vector<2048x49xf32> -> vector<2048x49xf32>
    %reshape3A_9 = vector.shape_cast %dot_general3A_8 : vector<2048x49xf32> to vector<128x16x49xf32>
    %reduce_sum3A = arith.constant dense<0.000000e+00> : vector<128x49xf32>
    %reduce_sum3A_10 = vector.multi_reduction <add>, %reshape3A_9, %reduce_sum3A [1] : vector<128x16x49xf32> to vector<128x49xf32>
    %broadcast_in_dim3A = vector.shape_cast %reduce_sum3A_10 : vector<128x49xf32> to vector<128x1x49xf32>
    %mul3A = vector.broadcast %broadcast_in_dim3A : vector<128x1x49xf32> to vector<128x16x49xf32>
    %mul3A_11 = arith.mulf %reshape3A_9, %mul3A : vector<128x16x49xf32>
    %reduce_sum3A_12 = arith.constant dense<0.000000e+00> : vector<16xf32>
    %reduce_sum3A_13 = vector.multi_reduction <add>, %mul3A_11, %reduce_sum3A_12 [0, 2] : vector<128x16x49xf32> to vector<16xf32>
    %mul3A_14 = arith.constant 5.08626317E-6 : f32
    %mul3A_15 = vector.broadcast %mul3A_14 : f32 to vector<16xf32>
    %mul3A_16 = arith.mulf %reduce_sum3A_13, %mul3A_15 : vector<16xf32>
    %eq3A = arith.constant 0 : i32
    %eq3A_17 = arith.cmpi eq, %arg1, %eq3A : i32
    %convert_element_type3A_18 = arith.extui %eq3A_17 : i1 to i32
    %cond3A = arith.constant 0 : i32
    %cond3A_19 = arith.cmpi ne, %convert_element_type3A_18, %cond3A : i32
    scf.if %cond3A_19 {
      %iota3A = tpu.iota {dimensions = array<i32: 1>} : vector<1x16xi32>
      %iota3A_29 = vector.shape_cast %iota3A : vector<1x16xi32> to vector<16xi32>
      %jit3A = arith.constant 2 : i32
      %eq3A_30 = arith.constant 0 : i32
      %eq3A_31 = arith.cmpi eq, %jit3A, %eq3A_30 : i32
      %jit3A_32 = arith.constant 1 : i32
      %select_n3A = arith.select %eq3A_31, %jit3A_32, %jit3A : i32
      %rem3A = vector.broadcast %select_n3A : i32 to vector<16xi32>
      %rem3A_33 = arith.remsi %iota3A_29, %rem3A : vector<16xi32>
      %ne3A_34 = arith.constant 0 : i32
      %ne3A_35 = vector.broadcast %ne3A_34 : i32 to vector<16xi32>
      %ne3A_36 = arith.cmpi ne, %rem3A_33, %ne3A_35 : vector<16xi32>
      %lt3A = arith.constant 0 : i32
      %lt3A_37 = vector.broadcast %lt3A : i32 to vector<16xi32>
      %lt3A_38 = arith.cmpi slt, %rem3A_33, %lt3A_37 : vector<16xi32>
      %lt3A_39 = arith.constant 0 : i32
      %lt3A_40 = arith.cmpi slt, %select_n3A, %lt3A_39 : i32
      %ne3A_41 = vector.broadcast %lt3A_40 : i1 to vector<16xi1>
      %ne3A_42 = vector.broadcast %ne3A_41 : vector<16xi1> to vector<16xi1>
      %ne3A_43 = arith.xori %lt3A_38, %ne3A_42 : vector<16xi1>
      %and3A = arith.andi %ne3A_43, %ne3A_36 : vector<16xi1>
      %add3A = vector.broadcast %select_n3A : i32 to vector<16xi32>
      %add3A_44 = arith.addi %rem3A_33, %add3A : vector<16xi32>
      %select_n3A_45 = arith.select %and3A, %add3A_44, %rem3A_33 : vector<16xi1>, vector<16xi32>
      %sub3A = arith.constant 1 : i32
      %sub3A_46 = vector.broadcast %sub3A : i32 to vector<16xi32>
      %sub3A_47 = arith.subi %sub3A_46, %select_n3A_45 : vector<16xi32>
      %convert_element_type3A_48 = arith.sitofp %sub3A_47 : vector<16xi32> to vector<16xf32>
      %add3A_49 = arith.addf %mul3A_16, %convert_element_type3A_48 : vector<16xf32>
      %swap3A = arith.constant 0 : index
      %swap3A_50 = arith.constant 0 : index
      %swap3A_51 = vector.load %arg6[%swap3A, %swap3A_50] : memref<1x16xf32, #tpu.memory_space<vmem>>, vector<1x16xf32>
      %swap3A_52 = vector.shape_cast %swap3A_51 : vector<1x16xf32> to vector<16xf32>
      %swap3A_53 = vector.shape_cast %add3A_49 : vector<16xf32> to vector<1x16xf32>
      tpu.vector_store %arg6[%swap3A, %swap3A_50], %swap3A_53 {strides = array<i32>} : memref<1x16xf32, #tpu.memory_space<vmem>>, vector<1x16xf32>,
    } else {
    }
    %ne3A = arith.constant 0 : i32
    %ne3A_20 = arith.cmpi ne, %arg1, %ne3A : i32
    %convert_element_type3A_21 = arith.extui %ne3A_20 : i1 to i32
    %cond3A_22 = arith.constant 0 : i32
    %cond3A_23 = arith.cmpi ne, %convert_element_type3A_21, %cond3A_22 : i32
    scf.if %cond3A_23 {
      %get3A_29 = arith.constant 0 : index
      %get3A_30 = arith.constant 0 : index
      %get3A_31 = vector.load %arg6[%get3A_29, %get3A_30] : memref<1x16xf32, #tpu.memory_space<vmem>>, vector<1x16xf32>
      %get3A_32 = vector.shape_cast %get3A_31 : vector<1x16xf32> to vector<16xf32>
      %add3A = arith.addf %get3A_32, %mul3A_16 : vector<16xf32>
      %swap3A = arith.constant 0 : index
      %swap3A_33 = arith.constant 0 : index
      %swap3A_34 = vector.load %arg6[%swap3A, %swap3A_33] : memref<1x16xf32, #tpu.memory_space<vmem>>, vector<1x16xf32>
      %swap3A_35 = vector.shape_cast %swap3A_34 : vector<1x16xf32> to vector<16xf32>
      %swap3A_36 = vector.shape_cast %add3A : vector<16xf32> to vector<1x16xf32>
      tpu.vector_store %arg6[%swap3A, %swap3A_33], %swap3A_36 {strides = array<i32>} : memref<1x16xf32, #tpu.memory_space<vmem>>, vector<1x16xf32>,
    } else {
    }
    %eq3A_24 = arith.constant 5 : i32
    %eq3A_25 = arith.cmpi eq, %arg1, %eq3A_24 : i32
    %convert_element_type3A_26 = arith.extui %eq3A_25 : i1 to i32
    %cond3A_27 = arith.constant 0 : i32
    %cond3A_28 = arith.cmpi ne, %convert_element_type3A_26, %cond3A_27 : i32
    scf.if %cond3A_28 {
      %get3A_29 = arith.constant 0 : index
      %get3A_30 = arith.constant 0 : index
      %get3A_31 = vector.load %arg6[%get3A_29, %get3A_30] : memref<1x16xf32, #tpu.memory_space<vmem>>, vector<1x16xf32>
      %get3A_32 = vector.shape_cast %get3A_31 : vector<1x16xf32> to vector<16xf32>
      %broadcast_in_dim3A_33 = vector.shape_cast %get3A_32 : vector<16xf32> to vector<1x16xf32>
      %broadcast_in_dim3A_34 = vector.shape_cast %broadcast_in_dim3A_33 : vector<1x16xf32> to vector<1x16xf32>
      %broadcast_in_dim3A_35 = vector.broadcast %broadcast_in_dim3A_34 : vector<1x16xf32> to vector<16x16xf32>
      %broadcast_in_dim3A_36 = vector.shape_cast %get3A_32 : vector<16xf32> to vector<16x1xf32>
      %broadcast_in_dim3A_37 = vector.shape_cast %broadcast_in_dim3A_36 : vector<16x1xf32> to vector<16x1xf32>
      %broadcast_in_dim3A_38 = vector.broadcast %broadcast_in_dim3A_37 : vector<16x1xf32> to vector<16x16xf32>
      %iota3A = tpu.iota {dimensions = array<i32: 0>} : vector<16x16xi32>
      %iota3A_39 = tpu.iota {dimensions = array<i32: 1>} : vector<16x16xi32>
      %eq3A_40 = arith.cmpf oeq, %broadcast_in_dim3A_35, %broadcast_in_dim3A_38 : vector<16x16xf32>
      %lt3A = arith.cmpi slt, %iota3A_39, %iota3A : vector<16x16xi32>
      %and3A = arith.andi %eq3A_40, %lt3A : vector<16x16xi1>
      %gt3A = arith.cmpf ogt, %broadcast_in_dim3A_35, %broadcast_in_dim3A_38 : vector<16x16xf32>
      %or3A = arith.ori %gt3A, %and3A : vector<16x16xi1>
      %convert_element_type3A_41 = arith.extui %or3A : vector<16x16xi1> to vector<16x16xi32>
      %reduce_sum3A_42 = arith.constant dense<0> : vector<16xi32>
      %reduce_sum3A_43 = vector.multi_reduction <add>, %convert_element_type3A_41, %reduce_sum3A_42 [1] : vector<16x16xi32> to vector<16xi32>
      %lt3A_44 = arith.cmpf olt, %broadcast_in_dim3A_35, %broadcast_in_dim3A_38 : vector<16x16xf32>
      %or3A_45 = arith.ori %lt3A_44, %and3A : vector<16x16xi1>
      %convert_element_type3A_46 = arith.extui %or3A_45 : vector<16x16xi1> to vector<16x16xi32>
      %reduce_sum3A_47 = arith.constant dense<0> : vector<16xi32>
      %reduce_sum3A_48 = vector.multi_reduction <add>, %convert_element_type3A_46, %reduce_sum3A_47 [1] : vector<16x16xi32> to vector<16xi32>
      %lt3A_49 = arith.constant 8 : i32
      %lt3A_50 = vector.broadcast %lt3A_49 : i32 to vector<16xi32>
      %lt3A_51 = arith.cmpi slt, %reduce_sum3A_43, %lt3A_50 : vector<16xi32>
      %broadcast_in_dim3A_52 = vector.shape_cast %lt3A_51 : vector<16xi1> to vector<1x16xi1>
      %broadcast_in_dim3A_53 = vector.shape_cast %broadcast_in_dim3A_52 : vector<1x16xi1> to vector<1x16xi1>
      %broadcast_in_dim3A_54 = vector.broadcast %broadcast_in_dim3A_53 : vector<1x16xi1> to vector<16x16xi1>
      %lt3A_55 = arith.constant 8 : i32
      %lt3A_56 = vector.broadcast %lt3A_55 : i32 to vector<16xi32>
      %lt3A_57 = arith.cmpi slt, %reduce_sum3A_48, %lt3A_56 : vector<16xi32>
      %broadcast_in_dim3A_58 = vector.shape_cast %lt3A_57 : vector<16xi1> to vector<1x16xi1>
      %broadcast_in_dim3A_59 = vector.shape_cast %broadcast_in_dim3A_58 : vector<1x16xi1> to vector<1x16xi1>
      %broadcast_in_dim3A_60 = vector.broadcast %broadcast_in_dim3A_59 : vector<1x16xi1> to vector<16x16xi1>
      %broadcast_in_dim3A_61 = arith.constant 0 : i32
      %broadcast_in_dim3A_62 = vector.broadcast %broadcast_in_dim3A_61 : i32 to vector<16x16xi32>
      %lt3A_63 = arith.cmpi slt, %iota3A_39, %iota3A : vector<16x16xi32>
      %and3A_64 = arith.andi %lt3A_63, %broadcast_in_dim3A_54 : vector<16x16xi1>
      %jit3A = arith.constant 1 : i32
      %broadcast_in_dim3A_65 = vector.broadcast %jit3A : i32 to vector<16x16xi32>
      %select_n3A = arith.select %and3A_64, %broadcast_in_dim3A_65, %broadcast_in_dim3A_62 : vector<16x16xi1>, vector<16x16xi32>
      %reduce_sum3A_66 = arith.constant dense<0> : vector<16xi32>
      %reduce_sum3A_67 = vector.multi_reduction <add>, %select_n3A, %reduce_sum3A_66 [1] : vector<16x16xi32> to vector<16xi32>
      %lt3A_68 = arith.cmpi slt, %iota3A_39, %iota3A : vector<16x16xi32>
      %and3A_69 = arith.andi %lt3A_68, %broadcast_in_dim3A_60 : vector<16x16xi1>
      %jit3A_70 = arith.constant 1 : i32
      %broadcast_in_dim3A_71 = vector.broadcast %jit3A_70 : i32 to vector<16x16xi32>
      %select_n3A_72 = arith.select %and3A_69, %broadcast_in_dim3A_71, %broadcast_in_dim3A_62 : vector<16x16xi1>, vector<16x16xi32>
      %reduce_sum3A_73 = arith.constant dense<0> : vector<16xi32>
      %reduce_sum3A_74 = vector.multi_reduction <add>, %select_n3A_72, %reduce_sum3A_73 [1] : vector<16x16xi32> to vector<16xi32>
      %broadcast_in_dim3A_75 = vector.shape_cast %reduce_sum3A_67 : vector<16xi32> to vector<1x16xi32>
      %broadcast_in_dim3A_76 = vector.shape_cast %broadcast_in_dim3A_75 : vector<1x16xi32> to vector<1x16xi32>
      %broadcast_in_dim3A_77 = vector.broadcast %broadcast_in_dim3A_76 : vector<1x16xi32> to vector<16x16xi32>
      %broadcast_in_dim3A_78 = vector.shape_cast %reduce_sum3A_74 : vector<16xi32> to vector<1x16xi32>
      %broadcast_in_dim3A_79 = vector.shape_cast %broadcast_in_dim3A_78 : vector<1x16xi32> to vector<1x16xi32>
      %broadcast_in_dim3A_80 = vector.broadcast %broadcast_in_dim3A_79 : vector<1x16xi32> to vector<16x16xi32>
      %eq3A_81 = arith.cmpi eq, %broadcast_in_dim3A_77, %iota3A : vector<16x16xi32>
      %and3A_82 = arith.andi %broadcast_in_dim3A_54, %eq3A_81 : vector<16x16xi1>
      %select_n3A_83 = arith.select %and3A_82, %iota3A_39, %broadcast_in_dim3A_62 : vector<16x16xi1>, vector<16x16xi32>
      %reduce_sum3A_84 = arith.constant dense<0> : vector<16xi32>
      %reduce_sum3A_85 = vector.multi_reduction <add>, %select_n3A_83, %reduce_sum3A_84 [1] : vector<16x16xi32> to vector<16xi32>
      %eq3A_86 = arith.cmpi eq, %broadcast_in_dim3A_80, %iota3A : vector<16x16xi32>
      %and3A_87 = arith.andi %broadcast_in_dim3A_60, %eq3A_86 : vector<16x16xi1>
      %select_n3A_88 = arith.select %and3A_87, %iota3A_39, %broadcast_in_dim3A_62 : vector<16x16xi1>, vector<16x16xi32>
      %reduce_sum3A_89 = arith.constant dense<0> : vector<16xi32>
      %reduce_sum3A_90 = vector.multi_reduction <add>, %select_n3A_88, %reduce_sum3A_89 [1] : vector<16x16xi32> to vector<16xi32>
      %swap3A = arith.constant 0 : index
      %swap3A_91 = arith.constant 0 : index
      %swap3A_92 = arith.constant 0 : index
      %swap3A_93 = vector.load %arg4[%swap3A, %swap3A_91, %swap3A_92] : memref<1x1x16xi32, #tpu.memory_space<vmem>>, vector<1x1x16xi32>
      %swap3A_94 = vector.shape_cast %swap3A_93 : vector<1x1x16xi32> to vector<16xi32>
      %swap3A_95 = vector.shape_cast %reduce_sum3A_85 : vector<16xi32> to vector<1x1x16xi32>
      tpu.vector_store %arg4[%swap3A, %swap3A_91, %swap3A_92], %swap3A_95 {strides = array<i32>} : memref<1x1x16xi32, #tpu.memory_space<vmem>>, vector<1x1x16xi32>,
      %swap3A_96 = arith.constant 0 : index
      %swap3A_97 = arith.constant 0 : index
      %swap3A_98 = arith.constant 0 : index
      %swap3A_99 = vector.load %arg5[%swap3A_96, %swap3A_97, %swap3A_98] : memref<1x1x16xi32, #tpu.memory_space<vmem>>, vector<1x1x16xi32>
      %swap3A_100 = vector.shape_cast %swap3A_99 : vector<1x1x16xi32> to vector<16xi32>
      %swap3A_101 = vector.shape_cast %reduce_sum3A_90 : vector<16xi32> to vector<1x1x16xi32>
      tpu.vector_store %arg5[%swap3A_96, %swap3A_97, %swap3A_98], %swap3A_101 {strides = array<i32>} : memref<1x1x16xi32, #tpu.memory_space<vmem>>, vector<1x1x16xi32>,
    } else {
    }
    return
  }
  func.func @transform_0(%arg0: i32, %arg1: i32) -> (i32, i32, i32, i32) {
    %c0_i32 = arith.constant 0 : i32
    %c0_i32_0 = arith.constant 0 : i32
    %c0_i32_1 = arith.constant 0 : i32
    return %arg0, %arg1, %c0_i32, %c0_i32_0 : i32, i32, i32, i32
  }
  func.func @transform_1(%arg0: i32, %arg1: i32) -> (i32, i32) {
    %c0_i32 = arith.constant 0 : i32
    %c0_i32_0 = arith.constant 0 : i32
    %c0_i32_1 = arith.constant 0 : i32
    return %c0_i32, %c0_i32_0 : i32, i32
  }
  func.func @transform_2(%arg0: i32, %arg1: i32) -> (i32, i32, i32) {
    %c0_i32 = arith.constant 0 : i32
    %c0_i32_0 = arith.constant 0 : i32
    %c0_i32_1 = arith.constant 0 : i32
    return %arg0, %c0_i32, %c0_i32_0 : i32, i32, i32
  }
  func.func @transform_3(%arg0: i32, %arg1: i32) -> (i32, i32, i32) {
    %c0_i32 = arith.constant 0 : i32
    %c0_i32_0 = arith.constant 0 : i32
    %c0_i32_1 = arith.constant 0 : i32
    return %arg0, %c0_i32, %c0_i32_0 : i32, i32, i32
  }
}

module attributes {stable_mosaic.version = 14 : i64} {
  func.func @_correct_body(%arg0: i32, %arg1: memref<256xi32, #tpu.memory_space<smem>>, %arg2: memref<256xi32, #tpu.memory_space<smem>>, %arg3: memref<16x768x16x196xf32, #tpu.memory_space<hbm>>, %arg4: memref<16x768x8x196xf32, #tpu.memory_space<hbm>>, %arg5: memref<16x768x8x196xf32, #tpu.memory_space<hbm>>, %arg6: memref<16x768x8x196xf32, #tpu.memory_space<hbm>>, %arg7: memref<16x768x8x196xf32, #tpu.memory_space<hbm>>, %arg8: memref<!tpu.dma_semaphore, #tpu.memory_space<semaphore_mem>>) attributes {dimension_semantics = [#tpu.dimension_semantics<arbitrary>], iteration_bounds = array<i64: 16>, scalar_prefetch = 0 : i64, scratch_operands = 1 : i64, tpu.core_type = #tpu.core_type<tc>, window_params = [{transform_indices = @transform_0, window_bounds = array<i64: 256>}, {transform_indices = @transform_1, window_bounds = array<i64: 256>}, {}, {}, {}, {}, {}]} {
    %mul3A = arith.constant 16 : i32
    %mul3A_0 = arith.muli %arg0, %mul3A : i32
    %add3A = arith.constant 0 : i32
    %add3A_1 = arith.addi %mul3A_0, %add3A : i32
    %get3A = arith.index_cast %add3A_1 : i32 to index
    %get3A_2 = memref.load %arg1[%get3A] : memref<256xi32, #tpu.memory_space<smem>>
    %mul3A_3 = arith.constant 16 : i32
    %mul3A_4 = arith.muli %arg0, %mul3A_3 : i32
    %add3A_5 = arith.constant 0 : i32
    %add3A_6 = arith.addi %mul3A_4, %add3A_5 : i32
    %get3A_7 = arith.index_cast %add3A_6 : i32 to index
    %get3A_8 = memref.load %arg2[%get3A_7] : memref<256xi32, #tpu.memory_space<smem>>
    %ne3A = arith.constant 0 : i32
    %ne3A_9 = arith.cmpi ne, %get3A_2, %ne3A : i32
    %convert_element_type3A = arith.extui %ne3A_9 : i1 to i32
    %cond3A = arith.constant 0 : i32
    %cond3A_10 = arith.cmpi ne, %convert_element_type3A, %cond3A : i32
    scf.if %cond3A_10 {
      %dma_start3A = arith.constant 0 : i32
      %dma_start3A_170 = arith.constant 0 : i32
      %dma_start3A_171 = arith.constant 0 : i32
      %dma_start3A_172 = tpu.memref_slice %arg6[%arg0, %dma_start3A_170, %dma_start3A, %dma_start3A_171] : memref<16x768x8x196xf32, #tpu.memory_space<hbm>> -> memref<1x768x1x196xf32, #tpu.memory_space<hbm>>
      %dma_start3A_173 = tpu.memref_squeeze %dma_start3A_172 : memref<1x768x1x196xf32, #tpu.memory_space<hbm>> -> memref<768x196xf32, #tpu.memory_space<hbm>>
      %dma_start3A_174 = arith.constant 0 : i32
      %dma_start3A_175 = arith.constant 0 : i32
      %dma_start3A_176 = tpu.memref_slice %arg3[%arg0, %dma_start3A_174, %get3A_2, %dma_start3A_175] : memref<16x768x16x196xf32, #tpu.memory_space<hbm>> -> memref<1x768x1x196xf32, #tpu.memory_space<hbm>>
      %dma_start3A_177 = tpu.memref_squeeze %dma_start3A_176 : memref<1x768x1x196xf32, #tpu.memory_space<hbm>> -> memref<768x196xf32, #tpu.memory_space<hbm>>
      tpu.enqueue_dma source(%dma_start3A_177 : memref<768x196xf32, #tpu.memory_space<hbm>>) target(%dma_start3A_173 : memref<768x196xf32, #tpu.memory_space<hbm>>) target_semaphore(%arg8 : memref<!tpu.dma_semaphore, #tpu.memory_space<semaphore_mem>>)
      %dma_wait3A = arith.constant 0 : i32
      %dma_wait3A_178 = arith.constant 0 : i32
      %dma_wait3A_179 = arith.constant 0 : i32
      %dma_wait3A_180 = tpu.memref_slice %arg6[%arg0, %dma_wait3A_178, %dma_wait3A, %dma_wait3A_179] : memref<16x768x8x196xf32, #tpu.memory_space<hbm>> -> memref<1x768x1x196xf32, #tpu.memory_space<hbm>>
      %dma_wait3A_181 = tpu.memref_squeeze %dma_wait3A_180 : memref<1x768x1x196xf32, #tpu.memory_space<hbm>> -> memref<768x196xf32, #tpu.memory_space<hbm>>
      %dma_wait3A_182 = arith.constant 0 : i32
      %dma_wait3A_183 = arith.constant 0 : i32
      %dma_wait3A_184 = tpu.memref_slice %arg3[%arg0, %dma_wait3A_182, %get3A_2, %dma_wait3A_183] : memref<16x768x16x196xf32, #tpu.memory_space<hbm>> -> memref<1x768x1x196xf32, #tpu.memory_space<hbm>>
      %dma_wait3A_185 = tpu.memref_squeeze %dma_wait3A_184 : memref<1x768x1x196xf32, #tpu.memory_space<hbm>> -> memref<768x196xf32, #tpu.memory_space<hbm>>
      tpu.wait_dma2 semaphore(%arg8 : memref<!tpu.dma_semaphore, #tpu.memory_space<semaphore_mem>>) src(%dma_wait3A_185 : memref<768x196xf32, #tpu.memory_space<hbm>>) dst(%dma_wait3A_181 : memref<768x196xf32, #tpu.memory_space<hbm>>)
    } else {
    }
    %ne3A_11 = arith.constant 1 : i32
    %ne3A_12 = arith.cmpi ne, %get3A_8, %ne3A_11 : i32
    %convert_element_type3A_13 = arith.extui %ne3A_12 : i1 to i32
    %cond3A_14 = arith.constant 0 : i32
    %cond3A_15 = arith.cmpi ne, %convert_element_type3A_13, %cond3A_14 : i32
    scf.if %cond3A_15 {
      %dma_start3A = arith.constant 0 : i32
      %dma_start3A_170 = arith.constant 0 : i32
      %dma_start3A_171 = arith.constant 0 : i32
      %dma_start3A_172 = tpu.memref_slice %arg7[%arg0, %dma_start3A_170, %dma_start3A, %dma_start3A_171] : memref<16x768x8x196xf32, #tpu.memory_space<hbm>> -> memref<1x768x1x196xf32, #tpu.memory_space<hbm>>
      %dma_start3A_173 = tpu.memref_squeeze %dma_start3A_172 : memref<1x768x1x196xf32, #tpu.memory_space<hbm>> -> memref<768x196xf32, #tpu.memory_space<hbm>>
      %dma_start3A_174 = arith.constant 0 : i32
      %dma_start3A_175 = arith.constant 0 : i32
      %dma_start3A_176 = tpu.memref_slice %arg3[%arg0, %dma_start3A_174, %get3A_8, %dma_start3A_175] : memref<16x768x16x196xf32, #tpu.memory_space<hbm>> -> memref<1x768x1x196xf32, #tpu.memory_space<hbm>>
      %dma_start3A_177 = tpu.memref_squeeze %dma_start3A_176 : memref<1x768x1x196xf32, #tpu.memory_space<hbm>> -> memref<768x196xf32, #tpu.memory_space<hbm>>
      tpu.enqueue_dma source(%dma_start3A_177 : memref<768x196xf32, #tpu.memory_space<hbm>>) target(%dma_start3A_173 : memref<768x196xf32, #tpu.memory_space<hbm>>) target_semaphore(%arg8 : memref<!tpu.dma_semaphore, #tpu.memory_space<semaphore_mem>>)
      %dma_wait3A = arith.constant 0 : i32
      %dma_wait3A_178 = arith.constant 0 : i32
      %dma_wait3A_179 = arith.constant 0 : i32
      %dma_wait3A_180 = tpu.memref_slice %arg7[%arg0, %dma_wait3A_178, %dma_wait3A, %dma_wait3A_179] : memref<16x768x8x196xf32, #tpu.memory_space<hbm>> -> memref<1x768x1x196xf32, #tpu.memory_space<hbm>>
      %dma_wait3A_181 = tpu.memref_squeeze %dma_wait3A_180 : memref<1x768x1x196xf32, #tpu.memory_space<hbm>> -> memref<768x196xf32, #tpu.memory_space<hbm>>
      %dma_wait3A_182 = arith.constant 0 : i32
      %dma_wait3A_183 = arith.constant 0 : i32
      %dma_wait3A_184 = tpu.memref_slice %arg3[%arg0, %dma_wait3A_182, %get3A_8, %dma_wait3A_183] : memref<16x768x16x196xf32, #tpu.memory_space<hbm>> -> memref<1x768x1x196xf32, #tpu.memory_space<hbm>>
      %dma_wait3A_185 = tpu.memref_squeeze %dma_wait3A_184 : memref<1x768x1x196xf32, #tpu.memory_space<hbm>> -> memref<768x196xf32, #tpu.memory_space<hbm>>
      tpu.wait_dma2 semaphore(%arg8 : memref<!tpu.dma_semaphore, #tpu.memory_space<semaphore_mem>>) src(%dma_wait3A_185 : memref<768x196xf32, #tpu.memory_space<hbm>>) dst(%dma_wait3A_181 : memref<768x196xf32, #tpu.memory_space<hbm>>)
    } else {
    }
    %mul3A_16 = arith.constant 16 : i32
    %mul3A_17 = arith.muli %arg0, %mul3A_16 : i32
    %add3A_18 = arith.constant 1 : i32
    %add3A_19 = arith.addi %mul3A_17, %add3A_18 : i32
    %get3A_20 = arith.index_cast %add3A_19 : i32 to index
    %get3A_21 = memref.load %arg1[%get3A_20] : memref<256xi32, #tpu.memory_space<smem>>
    %mul3A_22 = arith.constant 16 : i32
    %mul3A_23 = arith.muli %arg0, %mul3A_22 : i32
    %add3A_24 = arith.constant 1 : i32
    %add3A_25 = arith.addi %mul3A_23, %add3A_24 : i32
    %get3A_26 = arith.index_cast %add3A_25 : i32 to index
    %get3A_27 = memref.load %arg2[%get3A_26] : memref<256xi32, #tpu.memory_space<smem>>
    %ne3A_28 = arith.constant 2 : i32
    %ne3A_29 = arith.cmpi ne, %get3A_21, %ne3A_28 : i32
    %convert_element_type3A_30 = arith.extui %ne3A_29 : i1 to i32
    %cond3A_31 = arith.constant 0 : i32
    %cond3A_32 = arith.cmpi ne, %convert_element_type3A_30, %cond3A_31 : i32
    scf.if %cond3A_32 {
      %dma_start3A = arith.constant 1 : i32
      %dma_start3A_170 = arith.constant 0 : i32
      %dma_start3A_171 = arith.constant 0 : i32
      %dma_start3A_172 = tpu.memref_slice %arg6[%arg0, %dma_start3A_170, %dma_start3A, %dma_start3A_171] : memref<16x768x8x196xf32, #tpu.memory_space<hbm>> -> memref<1x768x1x196xf32, #tpu.memory_space<hbm>>
      %dma_start3A_173 = tpu.memref_squeeze %dma_start3A_172 : memref<1x768x1x196xf32, #tpu.memory_space<hbm>> -> memref<768x196xf32, #tpu.memory_space<hbm>>
      %dma_start3A_174 = arith.constant 0 : i32
      %dma_start3A_175 = arith.constant 0 : i32
      %dma_start3A_176 = tpu.memref_slice %arg3[%arg0, %dma_start3A_174, %get3A_21, %dma_start3A_175] : memref<16x768x16x196xf32, #tpu.memory_space<hbm>> -> memref<1x768x1x196xf32, #tpu.memory_space<hbm>>
      %dma_start3A_177 = tpu.memref_squeeze %dma_start3A_176 : memref<1x768x1x196xf32, #tpu.memory_space<hbm>> -> memref<768x196xf32, #tpu.memory_space<hbm>>
      tpu.enqueue_dma source(%dma_start3A_177 : memref<768x196xf32, #tpu.memory_space<hbm>>) target(%dma_start3A_173 : memref<768x196xf32, #tpu.memory_space<hbm>>) target_semaphore(%arg8 : memref<!tpu.dma_semaphore, #tpu.memory_space<semaphore_mem>>)
      %dma_wait3A = arith.constant 1 : i32
      %dma_wait3A_178 = arith.constant 0 : i32
      %dma_wait3A_179 = arith.constant 0 : i32
      %dma_wait3A_180 = tpu.memref_slice %arg6[%arg0, %dma_wait3A_178, %dma_wait3A, %dma_wait3A_179] : memref<16x768x8x196xf32, #tpu.memory_space<hbm>> -> memref<1x768x1x196xf32, #tpu.memory_space<hbm>>
      %dma_wait3A_181 = tpu.memref_squeeze %dma_wait3A_180 : memref<1x768x1x196xf32, #tpu.memory_space<hbm>> -> memref<768x196xf32, #tpu.memory_space<hbm>>
      %dma_wait3A_182 = arith.constant 0 : i32
      %dma_wait3A_183 = arith.constant 0 : i32
      %dma_wait3A_184 = tpu.memref_slice %arg3[%arg0, %dma_wait3A_182, %get3A_21, %dma_wait3A_183] : memref<16x768x16x196xf32, #tpu.memory_space<hbm>> -> memref<1x768x1x196xf32, #tpu.memory_space<hbm>>
      %dma_wait3A_185 = tpu.memref_squeeze %dma_wait3A_184 : memref<1x768x1x196xf32, #tpu.memory_space<hbm>> -> memref<768x196xf32, #tpu.memory_space<hbm>>
      tpu.wait_dma2 semaphore(%arg8 : memref<!tpu.dma_semaphore, #tpu.memory_space<semaphore_mem>>) src(%dma_wait3A_185 : memref<768x196xf32, #tpu.memory_space<hbm>>) dst(%dma_wait3A_181 : memref<768x196xf32, #tpu.memory_space<hbm>>)
    } else {
    }
    %ne3A_33 = arith.constant 3 : i32
    %ne3A_34 = arith.cmpi ne, %get3A_27, %ne3A_33 : i32
    %convert_element_type3A_35 = arith.extui %ne3A_34 : i1 to i32
    %cond3A_36 = arith.constant 0 : i32
    %cond3A_37 = arith.cmpi ne, %convert_element_type3A_35, %cond3A_36 : i32
    scf.if %cond3A_37 {
      %dma_start3A = arith.constant 1 : i32
      %dma_start3A_170 = arith.constant 0 : i32
      %dma_start3A_171 = arith.constant 0 : i32
      %dma_start3A_172 = tpu.memref_slice %arg7[%arg0, %dma_start3A_170, %dma_start3A, %dma_start3A_171] : memref<16x768x8x196xf32, #tpu.memory_space<hbm>> -> memref<1x768x1x196xf32, #tpu.memory_space<hbm>>
      %dma_start3A_173 = tpu.memref_squeeze %dma_start3A_172 : memref<1x768x1x196xf32, #tpu.memory_space<hbm>> -> memref<768x196xf32, #tpu.memory_space<hbm>>
      %dma_start3A_174 = arith.constant 0 : i32
      %dma_start3A_175 = arith.constant 0 : i32
      %dma_start3A_176 = tpu.memref_slice %arg3[%arg0, %dma_start3A_174, %get3A_27, %dma_start3A_175] : memref<16x768x16x196xf32, #tpu.memory_space<hbm>> -> memref<1x768x1x196xf32, #tpu.memory_space<hbm>>
      %dma_start3A_177 = tpu.memref_squeeze %dma_start3A_176 : memref<1x768x1x196xf32, #tpu.memory_space<hbm>> -> memref<768x196xf32, #tpu.memory_space<hbm>>
      tpu.enqueue_dma source(%dma_start3A_177 : memref<768x196xf32, #tpu.memory_space<hbm>>) target(%dma_start3A_173 : memref<768x196xf32, #tpu.memory_space<hbm>>) target_semaphore(%arg8 : memref<!tpu.dma_semaphore, #tpu.memory_space<semaphore_mem>>)
      %dma_wait3A = arith.constant 1 : i32
      %dma_wait3A_178 = arith.constant 0 : i32
      %dma_wait3A_179 = arith.constant 0 : i32
      %dma_wait3A_180 = tpu.memref_slice %arg7[%arg0, %dma_wait3A_178, %dma_wait3A, %dma_wait3A_179] : memref<16x768x8x196xf32, #tpu.memory_space<hbm>> -> memref<1x768x1x196xf32, #tpu.memory_space<hbm>>
      %dma_wait3A_181 = tpu.memref_squeeze %dma_wait3A_180 : memref<1x768x1x196xf32, #tpu.memory_space<hbm>> -> memref<768x196xf32, #tpu.memory_space<hbm>>
      %dma_wait3A_182 = arith.constant 0 : i32
      %dma_wait3A_183 = arith.constant 0 : i32
      %dma_wait3A_184 = tpu.memref_slice %arg3[%arg0, %dma_wait3A_182, %get3A_27, %dma_wait3A_183] : memref<16x768x16x196xf32, #tpu.memory_space<hbm>> -> memref<1x768x1x196xf32, #tpu.memory_space<hbm>>
      %dma_wait3A_185 = tpu.memref_squeeze %dma_wait3A_184 : memref<1x768x1x196xf32, #tpu.memory_space<hbm>> -> memref<768x196xf32, #tpu.memory_space<hbm>>
      tpu.wait_dma2 semaphore(%arg8 : memref<!tpu.dma_semaphore, #tpu.memory_space<semaphore_mem>>) src(%dma_wait3A_185 : memref<768x196xf32, #tpu.memory_space<hbm>>) dst(%dma_wait3A_181 : memref<768x196xf32, #tpu.memory_space<hbm>>)
    } else {
    }
    %mul3A_38 = arith.constant 16 : i32
    %mul3A_39 = arith.muli %arg0, %mul3A_38 : i32
    %add3A_40 = arith.constant 2 : i32
    %add3A_41 = arith.addi %mul3A_39, %add3A_40 : i32
    %get3A_42 = arith.index_cast %add3A_41 : i32 to index
    %get3A_43 = memref.load %arg1[%get3A_42] : memref<256xi32, #tpu.memory_space<smem>>
    %mul3A_44 = arith.constant 16 : i32
    %mul3A_45 = arith.muli %arg0, %mul3A_44 : i32
    %add3A_46 = arith.constant 2 : i32
    %add3A_47 = arith.addi %mul3A_45, %add3A_46 : i32
    %get3A_48 = arith.index_cast %add3A_47 : i32 to index
    %get3A_49 = memref.load %arg2[%get3A_48] : memref<256xi32, #tpu.memory_space<smem>>
    %ne3A_50 = arith.constant 4 : i32
    %ne3A_51 = arith.cmpi ne, %get3A_43, %ne3A_50 : i32
    %convert_element_type3A_52 = arith.extui %ne3A_51 : i1 to i32
    %cond3A_53 = arith.constant 0 : i32
    %cond3A_54 = arith.cmpi ne, %convert_element_type3A_52, %cond3A_53 : i32
    scf.if %cond3A_54 {
      %dma_start3A = arith.constant 2 : i32
      %dma_start3A_170 = arith.constant 0 : i32
      %dma_start3A_171 = arith.constant 0 : i32
      %dma_start3A_172 = tpu.memref_slice %arg6[%arg0, %dma_start3A_170, %dma_start3A, %dma_start3A_171] : memref<16x768x8x196xf32, #tpu.memory_space<hbm>> -> memref<1x768x1x196xf32, #tpu.memory_space<hbm>>
      %dma_start3A_173 = tpu.memref_squeeze %dma_start3A_172 : memref<1x768x1x196xf32, #tpu.memory_space<hbm>> -> memref<768x196xf32, #tpu.memory_space<hbm>>
      %dma_start3A_174 = arith.constant 0 : i32
      %dma_start3A_175 = arith.constant 0 : i32
      %dma_start3A_176 = tpu.memref_slice %arg3[%arg0, %dma_start3A_174, %get3A_43, %dma_start3A_175] : memref<16x768x16x196xf32, #tpu.memory_space<hbm>> -> memref<1x768x1x196xf32, #tpu.memory_space<hbm>>
      %dma_start3A_177 = tpu.memref_squeeze %dma_start3A_176 : memref<1x768x1x196xf32, #tpu.memory_space<hbm>> -> memref<768x196xf32, #tpu.memory_space<hbm>>
      tpu.enqueue_dma source(%dma_start3A_177 : memref<768x196xf32, #tpu.memory_space<hbm>>) target(%dma_start3A_173 : memref<768x196xf32, #tpu.memory_space<hbm>>) target_semaphore(%arg8 : memref<!tpu.dma_semaphore, #tpu.memory_space<semaphore_mem>>)
      %dma_wait3A = arith.constant 2 : i32
      %dma_wait3A_178 = arith.constant 0 : i32
      %dma_wait3A_179 = arith.constant 0 : i32
      %dma_wait3A_180 = tpu.memref_slice %arg6[%arg0, %dma_wait3A_178, %dma_wait3A, %dma_wait3A_179] : memref<16x768x8x196xf32, #tpu.memory_space<hbm>> -> memref<1x768x1x196xf32, #tpu.memory_space<hbm>>
      %dma_wait3A_181 = tpu.memref_squeeze %dma_wait3A_180 : memref<1x768x1x196xf32, #tpu.memory_space<hbm>> -> memref<768x196xf32, #tpu.memory_space<hbm>>
      %dma_wait3A_182 = arith.constant 0 : i32
      %dma_wait3A_183 = arith.constant 0 : i32
      %dma_wait3A_184 = tpu.memref_slice %arg3[%arg0, %dma_wait3A_182, %get3A_43, %dma_wait3A_183] : memref<16x768x16x196xf32, #tpu.memory_space<hbm>> -> memref<1x768x1x196xf32, #tpu.memory_space<hbm>>
      %dma_wait3A_185 = tpu.memref_squeeze %dma_wait3A_184 : memref<1x768x1x196xf32, #tpu.memory_space<hbm>> -> memref<768x196xf32, #tpu.memory_space<hbm>>
      tpu.wait_dma2 semaphore(%arg8 : memref<!tpu.dma_semaphore, #tpu.memory_space<semaphore_mem>>) src(%dma_wait3A_185 : memref<768x196xf32, #tpu.memory_space<hbm>>) dst(%dma_wait3A_181 : memref<768x196xf32, #tpu.memory_space<hbm>>)
    } else {
    }
    %ne3A_55 = arith.constant 5 : i32
    %ne3A_56 = arith.cmpi ne, %get3A_49, %ne3A_55 : i32
    %convert_element_type3A_57 = arith.extui %ne3A_56 : i1 to i32
    %cond3A_58 = arith.constant 0 : i32
    %cond3A_59 = arith.cmpi ne, %convert_element_type3A_57, %cond3A_58 : i32
    scf.if %cond3A_59 {
      %dma_start3A = arith.constant 2 : i32
      %dma_start3A_170 = arith.constant 0 : i32
      %dma_start3A_171 = arith.constant 0 : i32
      %dma_start3A_172 = tpu.memref_slice %arg7[%arg0, %dma_start3A_170, %dma_start3A, %dma_start3A_171] : memref<16x768x8x196xf32, #tpu.memory_space<hbm>> -> memref<1x768x1x196xf32, #tpu.memory_space<hbm>>
      %dma_start3A_173 = tpu.memref_squeeze %dma_start3A_172 : memref<1x768x1x196xf32, #tpu.memory_space<hbm>> -> memref<768x196xf32, #tpu.memory_space<hbm>>
      %dma_start3A_174 = arith.constant 0 : i32
      %dma_start3A_175 = arith.constant 0 : i32
      %dma_start3A_176 = tpu.memref_slice %arg3[%arg0, %dma_start3A_174, %get3A_49, %dma_start3A_175] : memref<16x768x16x196xf32, #tpu.memory_space<hbm>> -> memref<1x768x1x196xf32, #tpu.memory_space<hbm>>
      %dma_start3A_177 = tpu.memref_squeeze %dma_start3A_176 : memref<1x768x1x196xf32, #tpu.memory_space<hbm>> -> memref<768x196xf32, #tpu.memory_space<hbm>>
      tpu.enqueue_dma source(%dma_start3A_177 : memref<768x196xf32, #tpu.memory_space<hbm>>) target(%dma_start3A_173 : memref<768x196xf32, #tpu.memory_space<hbm>>) target_semaphore(%arg8 : memref<!tpu.dma_semaphore, #tpu.memory_space<semaphore_mem>>)
      %dma_wait3A = arith.constant 2 : i32
      %dma_wait3A_178 = arith.constant 0 : i32
      %dma_wait3A_179 = arith.constant 0 : i32
      %dma_wait3A_180 = tpu.memref_slice %arg7[%arg0, %dma_wait3A_178, %dma_wait3A, %dma_wait3A_179] : memref<16x768x8x196xf32, #tpu.memory_space<hbm>> -> memref<1x768x1x196xf32, #tpu.memory_space<hbm>>
      %dma_wait3A_181 = tpu.memref_squeeze %dma_wait3A_180 : memref<1x768x1x196xf32, #tpu.memory_space<hbm>> -> memref<768x196xf32, #tpu.memory_space<hbm>>
      %dma_wait3A_182 = arith.constant 0 : i32
      %dma_wait3A_183 = arith.constant 0 : i32
      %dma_wait3A_184 = tpu.memref_slice %arg3[%arg0, %dma_wait3A_182, %get3A_49, %dma_wait3A_183] : memref<16x768x16x196xf32, #tpu.memory_space<hbm>> -> memref<1x768x1x196xf32, #tpu.memory_space<hbm>>
      %dma_wait3A_185 = tpu.memref_squeeze %dma_wait3A_184 : memref<1x768x1x196xf32, #tpu.memory_space<hbm>> -> memref<768x196xf32, #tpu.memory_space<hbm>>
      tpu.wait_dma2 semaphore(%arg8 : memref<!tpu.dma_semaphore, #tpu.memory_space<semaphore_mem>>) src(%dma_wait3A_185 : memref<768x196xf32, #tpu.memory_space<hbm>>) dst(%dma_wait3A_181 : memref<768x196xf32, #tpu.memory_space<hbm>>)
    } else {
    }
    %mul3A_60 = arith.constant 16 : i32
    %mul3A_61 = arith.muli %arg0, %mul3A_60 : i32
    %add3A_62 = arith.constant 3 : i32
    %add3A_63 = arith.addi %mul3A_61, %add3A_62 : i32
    %get3A_64 = arith.index_cast %add3A_63 : i32 to index
    %get3A_65 = memref.load %arg1[%get3A_64] : memref<256xi32, #tpu.memory_space<smem>>
    %mul3A_66 = arith.constant 16 : i32
    %mul3A_67 = arith.muli %arg0, %mul3A_66 : i32
    %add3A_68 = arith.constant 3 : i32
    %add3A_69 = arith.addi %mul3A_67, %add3A_68 : i32
    %get3A_70 = arith.index_cast %add3A_69 : i32 to index
    %get3A_71 = memref.load %arg2[%get3A_70] : memref<256xi32, #tpu.memory_space<smem>>
    %ne3A_72 = arith.constant 6 : i32
    %ne3A_73 = arith.cmpi ne, %get3A_65, %ne3A_72 : i32
    %convert_element_type3A_74 = arith.extui %ne3A_73 : i1 to i32
    %cond3A_75 = arith.constant 0 : i32
    %cond3A_76 = arith.cmpi ne, %convert_element_type3A_74, %cond3A_75 : i32
    scf.if %cond3A_76 {
      %dma_start3A = arith.constant 3 : i32
      %dma_start3A_170 = arith.constant 0 : i32
      %dma_start3A_171 = arith.constant 0 : i32
      %dma_start3A_172 = tpu.memref_slice %arg6[%arg0, %dma_start3A_170, %dma_start3A, %dma_start3A_171] : memref<16x768x8x196xf32, #tpu.memory_space<hbm>> -> memref<1x768x1x196xf32, #tpu.memory_space<hbm>>
      %dma_start3A_173 = tpu.memref_squeeze %dma_start3A_172 : memref<1x768x1x196xf32, #tpu.memory_space<hbm>> -> memref<768x196xf32, #tpu.memory_space<hbm>>
      %dma_start3A_174 = arith.constant 0 : i32
      %dma_start3A_175 = arith.constant 0 : i32
      %dma_start3A_176 = tpu.memref_slice %arg3[%arg0, %dma_start3A_174, %get3A_65, %dma_start3A_175] : memref<16x768x16x196xf32, #tpu.memory_space<hbm>> -> memref<1x768x1x196xf32, #tpu.memory_space<hbm>>
      %dma_start3A_177 = tpu.memref_squeeze %dma_start3A_176 : memref<1x768x1x196xf32, #tpu.memory_space<hbm>> -> memref<768x196xf32, #tpu.memory_space<hbm>>
      tpu.enqueue_dma source(%dma_start3A_177 : memref<768x196xf32, #tpu.memory_space<hbm>>) target(%dma_start3A_173 : memref<768x196xf32, #tpu.memory_space<hbm>>) target_semaphore(%arg8 : memref<!tpu.dma_semaphore, #tpu.memory_space<semaphore_mem>>)
      %dma_wait3A = arith.constant 3 : i32
      %dma_wait3A_178 = arith.constant 0 : i32
      %dma_wait3A_179 = arith.constant 0 : i32
      %dma_wait3A_180 = tpu.memref_slice %arg6[%arg0, %dma_wait3A_178, %dma_wait3A, %dma_wait3A_179] : memref<16x768x8x196xf32, #tpu.memory_space<hbm>> -> memref<1x768x1x196xf32, #tpu.memory_space<hbm>>
      %dma_wait3A_181 = tpu.memref_squeeze %dma_wait3A_180 : memref<1x768x1x196xf32, #tpu.memory_space<hbm>> -> memref<768x196xf32, #tpu.memory_space<hbm>>
      %dma_wait3A_182 = arith.constant 0 : i32
      %dma_wait3A_183 = arith.constant 0 : i32
      %dma_wait3A_184 = tpu.memref_slice %arg3[%arg0, %dma_wait3A_182, %get3A_65, %dma_wait3A_183] : memref<16x768x16x196xf32, #tpu.memory_space<hbm>> -> memref<1x768x1x196xf32, #tpu.memory_space<hbm>>
      %dma_wait3A_185 = tpu.memref_squeeze %dma_wait3A_184 : memref<1x768x1x196xf32, #tpu.memory_space<hbm>> -> memref<768x196xf32, #tpu.memory_space<hbm>>
      tpu.wait_dma2 semaphore(%arg8 : memref<!tpu.dma_semaphore, #tpu.memory_space<semaphore_mem>>) src(%dma_wait3A_185 : memref<768x196xf32, #tpu.memory_space<hbm>>) dst(%dma_wait3A_181 : memref<768x196xf32, #tpu.memory_space<hbm>>)
    } else {
    }
    %ne3A_77 = arith.constant 7 : i32
    %ne3A_78 = arith.cmpi ne, %get3A_71, %ne3A_77 : i32
    %convert_element_type3A_79 = arith.extui %ne3A_78 : i1 to i32
    %cond3A_80 = arith.constant 0 : i32
    %cond3A_81 = arith.cmpi ne, %convert_element_type3A_79, %cond3A_80 : i32
    scf.if %cond3A_81 {
      %dma_start3A = arith.constant 3 : i32
      %dma_start3A_170 = arith.constant 0 : i32
      %dma_start3A_171 = arith.constant 0 : i32
      %dma_start3A_172 = tpu.memref_slice %arg7[%arg0, %dma_start3A_170, %dma_start3A, %dma_start3A_171] : memref<16x768x8x196xf32, #tpu.memory_space<hbm>> -> memref<1x768x1x196xf32, #tpu.memory_space<hbm>>
      %dma_start3A_173 = tpu.memref_squeeze %dma_start3A_172 : memref<1x768x1x196xf32, #tpu.memory_space<hbm>> -> memref<768x196xf32, #tpu.memory_space<hbm>>
      %dma_start3A_174 = arith.constant 0 : i32
      %dma_start3A_175 = arith.constant 0 : i32
      %dma_start3A_176 = tpu.memref_slice %arg3[%arg0, %dma_start3A_174, %get3A_71, %dma_start3A_175] : memref<16x768x16x196xf32, #tpu.memory_space<hbm>> -> memref<1x768x1x196xf32, #tpu.memory_space<hbm>>
      %dma_start3A_177 = tpu.memref_squeeze %dma_start3A_176 : memref<1x768x1x196xf32, #tpu.memory_space<hbm>> -> memref<768x196xf32, #tpu.memory_space<hbm>>
      tpu.enqueue_dma source(%dma_start3A_177 : memref<768x196xf32, #tpu.memory_space<hbm>>) target(%dma_start3A_173 : memref<768x196xf32, #tpu.memory_space<hbm>>) target_semaphore(%arg8 : memref<!tpu.dma_semaphore, #tpu.memory_space<semaphore_mem>>)
      %dma_wait3A = arith.constant 3 : i32
      %dma_wait3A_178 = arith.constant 0 : i32
      %dma_wait3A_179 = arith.constant 0 : i32
      %dma_wait3A_180 = tpu.memref_slice %arg7[%arg0, %dma_wait3A_178, %dma_wait3A, %dma_wait3A_179] : memref<16x768x8x196xf32, #tpu.memory_space<hbm>> -> memref<1x768x1x196xf32, #tpu.memory_space<hbm>>
      %dma_wait3A_181 = tpu.memref_squeeze %dma_wait3A_180 : memref<1x768x1x196xf32, #tpu.memory_space<hbm>> -> memref<768x196xf32, #tpu.memory_space<hbm>>
      %dma_wait3A_182 = arith.constant 0 : i32
      %dma_wait3A_183 = arith.constant 0 : i32
      %dma_wait3A_184 = tpu.memref_slice %arg3[%arg0, %dma_wait3A_182, %get3A_71, %dma_wait3A_183] : memref<16x768x16x196xf32, #tpu.memory_space<hbm>> -> memref<1x768x1x196xf32, #tpu.memory_space<hbm>>
      %dma_wait3A_185 = tpu.memref_squeeze %dma_wait3A_184 : memref<1x768x1x196xf32, #tpu.memory_space<hbm>> -> memref<768x196xf32, #tpu.memory_space<hbm>>
      tpu.wait_dma2 semaphore(%arg8 : memref<!tpu.dma_semaphore, #tpu.memory_space<semaphore_mem>>) src(%dma_wait3A_185 : memref<768x196xf32, #tpu.memory_space<hbm>>) dst(%dma_wait3A_181 : memref<768x196xf32, #tpu.memory_space<hbm>>)
    } else {
    }
    %mul3A_82 = arith.constant 16 : i32
    %mul3A_83 = arith.muli %arg0, %mul3A_82 : i32
    %add3A_84 = arith.constant 4 : i32
    %add3A_85 = arith.addi %mul3A_83, %add3A_84 : i32
    %get3A_86 = arith.index_cast %add3A_85 : i32 to index
    %get3A_87 = memref.load %arg1[%get3A_86] : memref<256xi32, #tpu.memory_space<smem>>
    %mul3A_88 = arith.constant 16 : i32
    %mul3A_89 = arith.muli %arg0, %mul3A_88 : i32
    %add3A_90 = arith.constant 4 : i32
    %add3A_91 = arith.addi %mul3A_89, %add3A_90 : i32
    %get3A_92 = arith.index_cast %add3A_91 : i32 to index
    %get3A_93 = memref.load %arg2[%get3A_92] : memref<256xi32, #tpu.memory_space<smem>>
    %ne3A_94 = arith.constant 8 : i32
    %ne3A_95 = arith.cmpi ne, %get3A_87, %ne3A_94 : i32
    %convert_element_type3A_96 = arith.extui %ne3A_95 : i1 to i32
    %cond3A_97 = arith.constant 0 : i32
    %cond3A_98 = arith.cmpi ne, %convert_element_type3A_96, %cond3A_97 : i32
    scf.if %cond3A_98 {
      %dma_start3A = arith.constant 4 : i32
      %dma_start3A_170 = arith.constant 0 : i32
      %dma_start3A_171 = arith.constant 0 : i32
      %dma_start3A_172 = tpu.memref_slice %arg6[%arg0, %dma_start3A_170, %dma_start3A, %dma_start3A_171] : memref<16x768x8x196xf32, #tpu.memory_space<hbm>> -> memref<1x768x1x196xf32, #tpu.memory_space<hbm>>
      %dma_start3A_173 = tpu.memref_squeeze %dma_start3A_172 : memref<1x768x1x196xf32, #tpu.memory_space<hbm>> -> memref<768x196xf32, #tpu.memory_space<hbm>>
      %dma_start3A_174 = arith.constant 0 : i32
      %dma_start3A_175 = arith.constant 0 : i32
      %dma_start3A_176 = tpu.memref_slice %arg3[%arg0, %dma_start3A_174, %get3A_87, %dma_start3A_175] : memref<16x768x16x196xf32, #tpu.memory_space<hbm>> -> memref<1x768x1x196xf32, #tpu.memory_space<hbm>>
      %dma_start3A_177 = tpu.memref_squeeze %dma_start3A_176 : memref<1x768x1x196xf32, #tpu.memory_space<hbm>> -> memref<768x196xf32, #tpu.memory_space<hbm>>
      tpu.enqueue_dma source(%dma_start3A_177 : memref<768x196xf32, #tpu.memory_space<hbm>>) target(%dma_start3A_173 : memref<768x196xf32, #tpu.memory_space<hbm>>) target_semaphore(%arg8 : memref<!tpu.dma_semaphore, #tpu.memory_space<semaphore_mem>>)
      %dma_wait3A = arith.constant 4 : i32
      %dma_wait3A_178 = arith.constant 0 : i32
      %dma_wait3A_179 = arith.constant 0 : i32
      %dma_wait3A_180 = tpu.memref_slice %arg6[%arg0, %dma_wait3A_178, %dma_wait3A, %dma_wait3A_179] : memref<16x768x8x196xf32, #tpu.memory_space<hbm>> -> memref<1x768x1x196xf32, #tpu.memory_space<hbm>>
      %dma_wait3A_181 = tpu.memref_squeeze %dma_wait3A_180 : memref<1x768x1x196xf32, #tpu.memory_space<hbm>> -> memref<768x196xf32, #tpu.memory_space<hbm>>
      %dma_wait3A_182 = arith.constant 0 : i32
      %dma_wait3A_183 = arith.constant 0 : i32
      %dma_wait3A_184 = tpu.memref_slice %arg3[%arg0, %dma_wait3A_182, %get3A_87, %dma_wait3A_183] : memref<16x768x16x196xf32, #tpu.memory_space<hbm>> -> memref<1x768x1x196xf32, #tpu.memory_space<hbm>>
      %dma_wait3A_185 = tpu.memref_squeeze %dma_wait3A_184 : memref<1x768x1x196xf32, #tpu.memory_space<hbm>> -> memref<768x196xf32, #tpu.memory_space<hbm>>
      tpu.wait_dma2 semaphore(%arg8 : memref<!tpu.dma_semaphore, #tpu.memory_space<semaphore_mem>>) src(%dma_wait3A_185 : memref<768x196xf32, #tpu.memory_space<hbm>>) dst(%dma_wait3A_181 : memref<768x196xf32, #tpu.memory_space<hbm>>)
    } else {
    }
    %ne3A_99 = arith.constant 9 : i32
    %ne3A_100 = arith.cmpi ne, %get3A_93, %ne3A_99 : i32
    %convert_element_type3A_101 = arith.extui %ne3A_100 : i1 to i32
    %cond3A_102 = arith.constant 0 : i32
    %cond3A_103 = arith.cmpi ne, %convert_element_type3A_101, %cond3A_102 : i32
    scf.if %cond3A_103 {
      %dma_start3A = arith.constant 4 : i32
      %dma_start3A_170 = arith.constant 0 : i32
      %dma_start3A_171 = arith.constant 0 : i32
      %dma_start3A_172 = tpu.memref_slice %arg7[%arg0, %dma_start3A_170, %dma_start3A, %dma_start3A_171] : memref<16x768x8x196xf32, #tpu.memory_space<hbm>> -> memref<1x768x1x196xf32, #tpu.memory_space<hbm>>
      %dma_start3A_173 = tpu.memref_squeeze %dma_start3A_172 : memref<1x768x1x196xf32, #tpu.memory_space<hbm>> -> memref<768x196xf32, #tpu.memory_space<hbm>>
      %dma_start3A_174 = arith.constant 0 : i32
      %dma_start3A_175 = arith.constant 0 : i32
      %dma_start3A_176 = tpu.memref_slice %arg3[%arg0, %dma_start3A_174, %get3A_93, %dma_start3A_175] : memref<16x768x16x196xf32, #tpu.memory_space<hbm>> -> memref<1x768x1x196xf32, #tpu.memory_space<hbm>>
      %dma_start3A_177 = tpu.memref_squeeze %dma_start3A_176 : memref<1x768x1x196xf32, #tpu.memory_space<hbm>> -> memref<768x196xf32, #tpu.memory_space<hbm>>
      tpu.enqueue_dma source(%dma_start3A_177 : memref<768x196xf32, #tpu.memory_space<hbm>>) target(%dma_start3A_173 : memref<768x196xf32, #tpu.memory_space<hbm>>) target_semaphore(%arg8 : memref<!tpu.dma_semaphore, #tpu.memory_space<semaphore_mem>>)
      %dma_wait3A = arith.constant 4 : i32
      %dma_wait3A_178 = arith.constant 0 : i32
      %dma_wait3A_179 = arith.constant 0 : i32
      %dma_wait3A_180 = tpu.memref_slice %arg7[%arg0, %dma_wait3A_178, %dma_wait3A, %dma_wait3A_179] : memref<16x768x8x196xf32, #tpu.memory_space<hbm>> -> memref<1x768x1x196xf32, #tpu.memory_space<hbm>>
      %dma_wait3A_181 = tpu.memref_squeeze %dma_wait3A_180 : memref<1x768x1x196xf32, #tpu.memory_space<hbm>> -> memref<768x196xf32, #tpu.memory_space<hbm>>
      %dma_wait3A_182 = arith.constant 0 : i32
      %dma_wait3A_183 = arith.constant 0 : i32
      %dma_wait3A_184 = tpu.memref_slice %arg3[%arg0, %dma_wait3A_182, %get3A_93, %dma_wait3A_183] : memref<16x768x16x196xf32, #tpu.memory_space<hbm>> -> memref<1x768x1x196xf32, #tpu.memory_space<hbm>>
      %dma_wait3A_185 = tpu.memref_squeeze %dma_wait3A_184 : memref<1x768x1x196xf32, #tpu.memory_space<hbm>> -> memref<768x196xf32, #tpu.memory_space<hbm>>
      tpu.wait_dma2 semaphore(%arg8 : memref<!tpu.dma_semaphore, #tpu.memory_space<semaphore_mem>>) src(%dma_wait3A_185 : memref<768x196xf32, #tpu.memory_space<hbm>>) dst(%dma_wait3A_181 : memref<768x196xf32, #tpu.memory_space<hbm>>)
    } else {
    }
    %mul3A_104 = arith.constant 16 : i32
    %mul3A_105 = arith.muli %arg0, %mul3A_104 : i32
    %add3A_106 = arith.constant 5 : i32
    %add3A_107 = arith.addi %mul3A_105, %add3A_106 : i32
    %get3A_108 = arith.index_cast %add3A_107 : i32 to index
    %get3A_109 = memref.load %arg1[%get3A_108] : memref<256xi32, #tpu.memory_space<smem>>
    %mul3A_110 = arith.constant 16 : i32
    %mul3A_111 = arith.muli %arg0, %mul3A_110 : i32
    %add3A_112 = arith.constant 5 : i32
    %add3A_113 = arith.addi %mul3A_111, %add3A_112 : i32
    %get3A_114 = arith.index_cast %add3A_113 : i32 to index
    %get3A_115 = memref.load %arg2[%get3A_114] : memref<256xi32, #tpu.memory_space<smem>>
    %ne3A_116 = arith.constant 10 : i32
    %ne3A_117 = arith.cmpi ne, %get3A_109, %ne3A_116 : i32
    %convert_element_type3A_118 = arith.extui %ne3A_117 : i1 to i32
    %cond3A_119 = arith.constant 0 : i32
    %cond3A_120 = arith.cmpi ne, %convert_element_type3A_118, %cond3A_119 : i32
    scf.if %cond3A_120 {
      %dma_start3A = arith.constant 5 : i32
      %dma_start3A_170 = arith.constant 0 : i32
      %dma_start3A_171 = arith.constant 0 : i32
      %dma_start3A_172 = tpu.memref_slice %arg6[%arg0, %dma_start3A_170, %dma_start3A, %dma_start3A_171] : memref<16x768x8x196xf32, #tpu.memory_space<hbm>> -> memref<1x768x1x196xf32, #tpu.memory_space<hbm>>
      %dma_start3A_173 = tpu.memref_squeeze %dma_start3A_172 : memref<1x768x1x196xf32, #tpu.memory_space<hbm>> -> memref<768x196xf32, #tpu.memory_space<hbm>>
      %dma_start3A_174 = arith.constant 0 : i32
      %dma_start3A_175 = arith.constant 0 : i32
      %dma_start3A_176 = tpu.memref_slice %arg3[%arg0, %dma_start3A_174, %get3A_109, %dma_start3A_175] : memref<16x768x16x196xf32, #tpu.memory_space<hbm>> -> memref<1x768x1x196xf32, #tpu.memory_space<hbm>>
      %dma_start3A_177 = tpu.memref_squeeze %dma_start3A_176 : memref<1x768x1x196xf32, #tpu.memory_space<hbm>> -> memref<768x196xf32, #tpu.memory_space<hbm>>
      tpu.enqueue_dma source(%dma_start3A_177 : memref<768x196xf32, #tpu.memory_space<hbm>>) target(%dma_start3A_173 : memref<768x196xf32, #tpu.memory_space<hbm>>) target_semaphore(%arg8 : memref<!tpu.dma_semaphore, #tpu.memory_space<semaphore_mem>>)
      %dma_wait3A = arith.constant 5 : i32
      %dma_wait3A_178 = arith.constant 0 : i32
      %dma_wait3A_179 = arith.constant 0 : i32
      %dma_wait3A_180 = tpu.memref_slice %arg6[%arg0, %dma_wait3A_178, %dma_wait3A, %dma_wait3A_179] : memref<16x768x8x196xf32, #tpu.memory_space<hbm>> -> memref<1x768x1x196xf32, #tpu.memory_space<hbm>>
      %dma_wait3A_181 = tpu.memref_squeeze %dma_wait3A_180 : memref<1x768x1x196xf32, #tpu.memory_space<hbm>> -> memref<768x196xf32, #tpu.memory_space<hbm>>
      %dma_wait3A_182 = arith.constant 0 : i32
      %dma_wait3A_183 = arith.constant 0 : i32
      %dma_wait3A_184 = tpu.memref_slice %arg3[%arg0, %dma_wait3A_182, %get3A_109, %dma_wait3A_183] : memref<16x768x16x196xf32, #tpu.memory_space<hbm>> -> memref<1x768x1x196xf32, #tpu.memory_space<hbm>>
      %dma_wait3A_185 = tpu.memref_squeeze %dma_wait3A_184 : memref<1x768x1x196xf32, #tpu.memory_space<hbm>> -> memref<768x196xf32, #tpu.memory_space<hbm>>
      tpu.wait_dma2 semaphore(%arg8 : memref<!tpu.dma_semaphore, #tpu.memory_space<semaphore_mem>>) src(%dma_wait3A_185 : memref<768x196xf32, #tpu.memory_space<hbm>>) dst(%dma_wait3A_181 : memref<768x196xf32, #tpu.memory_space<hbm>>)
    } else {
    }
    %ne3A_121 = arith.constant 11 : i32
    %ne3A_122 = arith.cmpi ne, %get3A_115, %ne3A_121 : i32
    %convert_element_type3A_123 = arith.extui %ne3A_122 : i1 to i32
    %cond3A_124 = arith.constant 0 : i32
    %cond3A_125 = arith.cmpi ne, %convert_element_type3A_123, %cond3A_124 : i32
    scf.if %cond3A_125 {
      %dma_start3A = arith.constant 5 : i32
      %dma_start3A_170 = arith.constant 0 : i32
      %dma_start3A_171 = arith.constant 0 : i32
      %dma_start3A_172 = tpu.memref_slice %arg7[%arg0, %dma_start3A_170, %dma_start3A, %dma_start3A_171] : memref<16x768x8x196xf32, #tpu.memory_space<hbm>> -> memref<1x768x1x196xf32, #tpu.memory_space<hbm>>
      %dma_start3A_173 = tpu.memref_squeeze %dma_start3A_172 : memref<1x768x1x196xf32, #tpu.memory_space<hbm>> -> memref<768x196xf32, #tpu.memory_space<hbm>>
      %dma_start3A_174 = arith.constant 0 : i32
      %dma_start3A_175 = arith.constant 0 : i32
      %dma_start3A_176 = tpu.memref_slice %arg3[%arg0, %dma_start3A_174, %get3A_115, %dma_start3A_175] : memref<16x768x16x196xf32, #tpu.memory_space<hbm>> -> memref<1x768x1x196xf32, #tpu.memory_space<hbm>>
      %dma_start3A_177 = tpu.memref_squeeze %dma_start3A_176 : memref<1x768x1x196xf32, #tpu.memory_space<hbm>> -> memref<768x196xf32, #tpu.memory_space<hbm>>
      tpu.enqueue_dma source(%dma_start3A_177 : memref<768x196xf32, #tpu.memory_space<hbm>>) target(%dma_start3A_173 : memref<768x196xf32, #tpu.memory_space<hbm>>) target_semaphore(%arg8 : memref<!tpu.dma_semaphore, #tpu.memory_space<semaphore_mem>>)
      %dma_wait3A = arith.constant 5 : i32
      %dma_wait3A_178 = arith.constant 0 : i32
      %dma_wait3A_179 = arith.constant 0 : i32
      %dma_wait3A_180 = tpu.memref_slice %arg7[%arg0, %dma_wait3A_178, %dma_wait3A, %dma_wait3A_179] : memref<16x768x8x196xf32, #tpu.memory_space<hbm>> -> memref<1x768x1x196xf32, #tpu.memory_space<hbm>>
      %dma_wait3A_181 = tpu.memref_squeeze %dma_wait3A_180 : memref<1x768x1x196xf32, #tpu.memory_space<hbm>> -> memref<768x196xf32, #tpu.memory_space<hbm>>
      %dma_wait3A_182 = arith.constant 0 : i32
      %dma_wait3A_183 = arith.constant 0 : i32
      %dma_wait3A_184 = tpu.memref_slice %arg3[%arg0, %dma_wait3A_182, %get3A_115, %dma_wait3A_183] : memref<16x768x16x196xf32, #tpu.memory_space<hbm>> -> memref<1x768x1x196xf32, #tpu.memory_space<hbm>>
      %dma_wait3A_185 = tpu.memref_squeeze %dma_wait3A_184 : memref<1x768x1x196xf32, #tpu.memory_space<hbm>> -> memref<768x196xf32, #tpu.memory_space<hbm>>
      tpu.wait_dma2 semaphore(%arg8 : memref<!tpu.dma_semaphore, #tpu.memory_space<semaphore_mem>>) src(%dma_wait3A_185 : memref<768x196xf32, #tpu.memory_space<hbm>>) dst(%dma_wait3A_181 : memref<768x196xf32, #tpu.memory_space<hbm>>)
    } else {
    }
    %mul3A_126 = arith.constant 16 : i32
    %mul3A_127 = arith.muli %arg0, %mul3A_126 : i32
    %add3A_128 = arith.constant 6 : i32
    %add3A_129 = arith.addi %mul3A_127, %add3A_128 : i32
    %get3A_130 = arith.index_cast %add3A_129 : i32 to index
    %get3A_131 = memref.load %arg1[%get3A_130] : memref<256xi32, #tpu.memory_space<smem>>
    %mul3A_132 = arith.constant 16 : i32
    %mul3A_133 = arith.muli %arg0, %mul3A_132 : i32
    %add3A_134 = arith.constant 6 : i32
    %add3A_135 = arith.addi %mul3A_133, %add3A_134 : i32
    %get3A_136 = arith.index_cast %add3A_135 : i32 to index
    %get3A_137 = memref.load %arg2[%get3A_136] : memref<256xi32, #tpu.memory_space<smem>>
    %ne3A_138 = arith.constant 12 : i32
    %ne3A_139 = arith.cmpi ne, %get3A_131, %ne3A_138 : i32
    %convert_element_type3A_140 = arith.extui %ne3A_139 : i1 to i32
    %cond3A_141 = arith.constant 0 : i32
    %cond3A_142 = arith.cmpi ne, %convert_element_type3A_140, %cond3A_141 : i32
    scf.if %cond3A_142 {
      %dma_start3A = arith.constant 6 : i32
      %dma_start3A_170 = arith.constant 0 : i32
      %dma_start3A_171 = arith.constant 0 : i32
      %dma_start3A_172 = tpu.memref_slice %arg6[%arg0, %dma_start3A_170, %dma_start3A, %dma_start3A_171] : memref<16x768x8x196xf32, #tpu.memory_space<hbm>> -> memref<1x768x1x196xf32, #tpu.memory_space<hbm>>
      %dma_start3A_173 = tpu.memref_squeeze %dma_start3A_172 : memref<1x768x1x196xf32, #tpu.memory_space<hbm>> -> memref<768x196xf32, #tpu.memory_space<hbm>>
      %dma_start3A_174 = arith.constant 0 : i32
      %dma_start3A_175 = arith.constant 0 : i32
      %dma_start3A_176 = tpu.memref_slice %arg3[%arg0, %dma_start3A_174, %get3A_131, %dma_start3A_175] : memref<16x768x16x196xf32, #tpu.memory_space<hbm>> -> memref<1x768x1x196xf32, #tpu.memory_space<hbm>>
      %dma_start3A_177 = tpu.memref_squeeze %dma_start3A_176 : memref<1x768x1x196xf32, #tpu.memory_space<hbm>> -> memref<768x196xf32, #tpu.memory_space<hbm>>
      tpu.enqueue_dma source(%dma_start3A_177 : memref<768x196xf32, #tpu.memory_space<hbm>>) target(%dma_start3A_173 : memref<768x196xf32, #tpu.memory_space<hbm>>) target_semaphore(%arg8 : memref<!tpu.dma_semaphore, #tpu.memory_space<semaphore_mem>>)
      %dma_wait3A = arith.constant 6 : i32
      %dma_wait3A_178 = arith.constant 0 : i32
      %dma_wait3A_179 = arith.constant 0 : i32
      %dma_wait3A_180 = tpu.memref_slice %arg6[%arg0, %dma_wait3A_178, %dma_wait3A, %dma_wait3A_179] : memref<16x768x8x196xf32, #tpu.memory_space<hbm>> -> memref<1x768x1x196xf32, #tpu.memory_space<hbm>>
      %dma_wait3A_181 = tpu.memref_squeeze %dma_wait3A_180 : memref<1x768x1x196xf32, #tpu.memory_space<hbm>> -> memref<768x196xf32, #tpu.memory_space<hbm>>
      %dma_wait3A_182 = arith.constant 0 : i32
      %dma_wait3A_183 = arith.constant 0 : i32
      %dma_wait3A_184 = tpu.memref_slice %arg3[%arg0, %dma_wait3A_182, %get3A_131, %dma_wait3A_183] : memref<16x768x16x196xf32, #tpu.memory_space<hbm>> -> memref<1x768x1x196xf32, #tpu.memory_space<hbm>>
      %dma_wait3A_185 = tpu.memref_squeeze %dma_wait3A_184 : memref<1x768x1x196xf32, #tpu.memory_space<hbm>> -> memref<768x196xf32, #tpu.memory_space<hbm>>
      tpu.wait_dma2 semaphore(%arg8 : memref<!tpu.dma_semaphore, #tpu.memory_space<semaphore_mem>>) src(%dma_wait3A_185 : memref<768x196xf32, #tpu.memory_space<hbm>>) dst(%dma_wait3A_181 : memref<768x196xf32, #tpu.memory_space<hbm>>)
    } else {
    }
    %ne3A_143 = arith.constant 13 : i32
    %ne3A_144 = arith.cmpi ne, %get3A_137, %ne3A_143 : i32
    %convert_element_type3A_145 = arith.extui %ne3A_144 : i1 to i32
    %cond3A_146 = arith.constant 0 : i32
    %cond3A_147 = arith.cmpi ne, %convert_element_type3A_145, %cond3A_146 : i32
    scf.if %cond3A_147 {
      %dma_start3A = arith.constant 6 : i32
      %dma_start3A_170 = arith.constant 0 : i32
      %dma_start3A_171 = arith.constant 0 : i32
      %dma_start3A_172 = tpu.memref_slice %arg7[%arg0, %dma_start3A_170, %dma_start3A, %dma_start3A_171] : memref<16x768x8x196xf32, #tpu.memory_space<hbm>> -> memref<1x768x1x196xf32, #tpu.memory_space<hbm>>
      %dma_start3A_173 = tpu.memref_squeeze %dma_start3A_172 : memref<1x768x1x196xf32, #tpu.memory_space<hbm>> -> memref<768x196xf32, #tpu.memory_space<hbm>>
      %dma_start3A_174 = arith.constant 0 : i32
      %dma_start3A_175 = arith.constant 0 : i32
      %dma_start3A_176 = tpu.memref_slice %arg3[%arg0, %dma_start3A_174, %get3A_137, %dma_start3A_175] : memref<16x768x16x196xf32, #tpu.memory_space<hbm>> -> memref<1x768x1x196xf32, #tpu.memory_space<hbm>>
      %dma_start3A_177 = tpu.memref_squeeze %dma_start3A_176 : memref<1x768x1x196xf32, #tpu.memory_space<hbm>> -> memref<768x196xf32, #tpu.memory_space<hbm>>
      tpu.enqueue_dma source(%dma_start3A_177 : memref<768x196xf32, #tpu.memory_space<hbm>>) target(%dma_start3A_173 : memref<768x196xf32, #tpu.memory_space<hbm>>) target_semaphore(%arg8 : memref<!tpu.dma_semaphore, #tpu.memory_space<semaphore_mem>>)
      %dma_wait3A = arith.constant 6 : i32
      %dma_wait3A_178 = arith.constant 0 : i32
      %dma_wait3A_179 = arith.constant 0 : i32
      %dma_wait3A_180 = tpu.memref_slice %arg7[%arg0, %dma_wait3A_178, %dma_wait3A, %dma_wait3A_179] : memref<16x768x8x196xf32, #tpu.memory_space<hbm>> -> memref<1x768x1x196xf32, #tpu.memory_space<hbm>>
      %dma_wait3A_181 = tpu.memref_squeeze %dma_wait3A_180 : memref<1x768x1x196xf32, #tpu.memory_space<hbm>> -> memref<768x196xf32, #tpu.memory_space<hbm>>
      %dma_wait3A_182 = arith.constant 0 : i32
      %dma_wait3A_183 = arith.constant 0 : i32
      %dma_wait3A_184 = tpu.memref_slice %arg3[%arg0, %dma_wait3A_182, %get3A_137, %dma_wait3A_183] : memref<16x768x16x196xf32, #tpu.memory_space<hbm>> -> memref<1x768x1x196xf32, #tpu.memory_space<hbm>>
      %dma_wait3A_185 = tpu.memref_squeeze %dma_wait3A_184 : memref<1x768x1x196xf32, #tpu.memory_space<hbm>> -> memref<768x196xf32, #tpu.memory_space<hbm>>
      tpu.wait_dma2 semaphore(%arg8 : memref<!tpu.dma_semaphore, #tpu.memory_space<semaphore_mem>>) src(%dma_wait3A_185 : memref<768x196xf32, #tpu.memory_space<hbm>>) dst(%dma_wait3A_181 : memref<768x196xf32, #tpu.memory_space<hbm>>)
    } else {
    }
    %mul3A_148 = arith.constant 16 : i32
    %mul3A_149 = arith.muli %arg0, %mul3A_148 : i32
    %add3A_150 = arith.constant 7 : i32
    %add3A_151 = arith.addi %mul3A_149, %add3A_150 : i32
    %get3A_152 = arith.index_cast %add3A_151 : i32 to index
    %get3A_153 = memref.load %arg1[%get3A_152] : memref<256xi32, #tpu.memory_space<smem>>
    %mul3A_154 = arith.constant 16 : i32
    %mul3A_155 = arith.muli %arg0, %mul3A_154 : i32
    %add3A_156 = arith.constant 7 : i32
    %add3A_157 = arith.addi %mul3A_155, %add3A_156 : i32
    %get3A_158 = arith.index_cast %add3A_157 : i32 to index
    %get3A_159 = memref.load %arg2[%get3A_158] : memref<256xi32, #tpu.memory_space<smem>>
    %ne3A_160 = arith.constant 14 : i32
    %ne3A_161 = arith.cmpi ne, %get3A_153, %ne3A_160 : i32
    %convert_element_type3A_162 = arith.extui %ne3A_161 : i1 to i32
    %cond3A_163 = arith.constant 0 : i32
    %cond3A_164 = arith.cmpi ne, %convert_element_type3A_162, %cond3A_163 : i32
    scf.if %cond3A_164 {
      %dma_start3A = arith.constant 7 : i32
      %dma_start3A_170 = arith.constant 0 : i32
      %dma_start3A_171 = arith.constant 0 : i32
      %dma_start3A_172 = tpu.memref_slice %arg6[%arg0, %dma_start3A_170, %dma_start3A, %dma_start3A_171] : memref<16x768x8x196xf32, #tpu.memory_space<hbm>> -> memref<1x768x1x196xf32, #tpu.memory_space<hbm>>
      %dma_start3A_173 = tpu.memref_squeeze %dma_start3A_172 : memref<1x768x1x196xf32, #tpu.memory_space<hbm>> -> memref<768x196xf32, #tpu.memory_space<hbm>>
      %dma_start3A_174 = arith.constant 0 : i32
      %dma_start3A_175 = arith.constant 0 : i32
      %dma_start3A_176 = tpu.memref_slice %arg3[%arg0, %dma_start3A_174, %get3A_153, %dma_start3A_175] : memref<16x768x16x196xf32, #tpu.memory_space<hbm>> -> memref<1x768x1x196xf32, #tpu.memory_space<hbm>>
      %dma_start3A_177 = tpu.memref_squeeze %dma_start3A_176 : memref<1x768x1x196xf32, #tpu.memory_space<hbm>> -> memref<768x196xf32, #tpu.memory_space<hbm>>
      tpu.enqueue_dma source(%dma_start3A_177 : memref<768x196xf32, #tpu.memory_space<hbm>>) target(%dma_start3A_173 : memref<768x196xf32, #tpu.memory_space<hbm>>) target_semaphore(%arg8 : memref<!tpu.dma_semaphore, #tpu.memory_space<semaphore_mem>>)
      %dma_wait3A = arith.constant 7 : i32
      %dma_wait3A_178 = arith.constant 0 : i32
      %dma_wait3A_179 = arith.constant 0 : i32
      %dma_wait3A_180 = tpu.memref_slice %arg6[%arg0, %dma_wait3A_178, %dma_wait3A, %dma_wait3A_179] : memref<16x768x8x196xf32, #tpu.memory_space<hbm>> -> memref<1x768x1x196xf32, #tpu.memory_space<hbm>>
      %dma_wait3A_181 = tpu.memref_squeeze %dma_wait3A_180 : memref<1x768x1x196xf32, #tpu.memory_space<hbm>> -> memref<768x196xf32, #tpu.memory_space<hbm>>
      %dma_wait3A_182 = arith.constant 0 : i32
      %dma_wait3A_183 = arith.constant 0 : i32
      %dma_wait3A_184 = tpu.memref_slice %arg3[%arg0, %dma_wait3A_182, %get3A_153, %dma_wait3A_183] : memref<16x768x16x196xf32, #tpu.memory_space<hbm>> -> memref<1x768x1x196xf32, #tpu.memory_space<hbm>>
      %dma_wait3A_185 = tpu.memref_squeeze %dma_wait3A_184 : memref<1x768x1x196xf32, #tpu.memory_space<hbm>> -> memref<768x196xf32, #tpu.memory_space<hbm>>
      tpu.wait_dma2 semaphore(%arg8 : memref<!tpu.dma_semaphore, #tpu.memory_space<semaphore_mem>>) src(%dma_wait3A_185 : memref<768x196xf32, #tpu.memory_space<hbm>>) dst(%dma_wait3A_181 : memref<768x196xf32, #tpu.memory_space<hbm>>)
    } else {
    }
    %ne3A_165 = arith.constant 15 : i32
    %ne3A_166 = arith.cmpi ne, %get3A_159, %ne3A_165 : i32
    %convert_element_type3A_167 = arith.extui %ne3A_166 : i1 to i32
    %cond3A_168 = arith.constant 0 : i32
    %cond3A_169 = arith.cmpi ne, %convert_element_type3A_167, %cond3A_168 : i32
    scf.if %cond3A_169 {
      %dma_start3A = arith.constant 7 : i32
      %dma_start3A_170 = arith.constant 0 : i32
      %dma_start3A_171 = arith.constant 0 : i32
      %dma_start3A_172 = tpu.memref_slice %arg7[%arg0, %dma_start3A_170, %dma_start3A, %dma_start3A_171] : memref<16x768x8x196xf32, #tpu.memory_space<hbm>> -> memref<1x768x1x196xf32, #tpu.memory_space<hbm>>
      %dma_start3A_173 = tpu.memref_squeeze %dma_start3A_172 : memref<1x768x1x196xf32, #tpu.memory_space<hbm>> -> memref<768x196xf32, #tpu.memory_space<hbm>>
      %dma_start3A_174 = arith.constant 0 : i32
      %dma_start3A_175 = arith.constant 0 : i32
      %dma_start3A_176 = tpu.memref_slice %arg3[%arg0, %dma_start3A_174, %get3A_159, %dma_start3A_175] : memref<16x768x16x196xf32, #tpu.memory_space<hbm>> -> memref<1x768x1x196xf32, #tpu.memory_space<hbm>>
      %dma_start3A_177 = tpu.memref_squeeze %dma_start3A_176 : memref<1x768x1x196xf32, #tpu.memory_space<hbm>> -> memref<768x196xf32, #tpu.memory_space<hbm>>
      tpu.enqueue_dma source(%dma_start3A_177 : memref<768x196xf32, #tpu.memory_space<hbm>>) target(%dma_start3A_173 : memref<768x196xf32, #tpu.memory_space<hbm>>) target_semaphore(%arg8 : memref<!tpu.dma_semaphore, #tpu.memory_space<semaphore_mem>>)
      %dma_wait3A = arith.constant 7 : i32
      %dma_wait3A_178 = arith.constant 0 : i32
      %dma_wait3A_179 = arith.constant 0 : i32
      %dma_wait3A_180 = tpu.memref_slice %arg7[%arg0, %dma_wait3A_178, %dma_wait3A, %dma_wait3A_179] : memref<16x768x8x196xf32, #tpu.memory_space<hbm>> -> memref<1x768x1x196xf32, #tpu.memory_space<hbm>>
      %dma_wait3A_181 = tpu.memref_squeeze %dma_wait3A_180 : memref<1x768x1x196xf32, #tpu.memory_space<hbm>> -> memref<768x196xf32, #tpu.memory_space<hbm>>
      %dma_wait3A_182 = arith.constant 0 : i32
      %dma_wait3A_183 = arith.constant 0 : i32
      %dma_wait3A_184 = tpu.memref_slice %arg3[%arg0, %dma_wait3A_182, %get3A_159, %dma_wait3A_183] : memref<16x768x16x196xf32, #tpu.memory_space<hbm>> -> memref<1x768x1x196xf32, #tpu.memory_space<hbm>>
      %dma_wait3A_185 = tpu.memref_squeeze %dma_wait3A_184 : memref<1x768x1x196xf32, #tpu.memory_space<hbm>> -> memref<768x196xf32, #tpu.memory_space<hbm>>
      tpu.wait_dma2 semaphore(%arg8 : memref<!tpu.dma_semaphore, #tpu.memory_space<semaphore_mem>>) src(%dma_wait3A_185 : memref<768x196xf32, #tpu.memory_space<hbm>>) dst(%dma_wait3A_181 : memref<768x196xf32, #tpu.memory_space<hbm>>)
    } else {
    }
    return
  }
  func.func @transform_0(%arg0: i32) -> i32 {
    %c0_i32 = arith.constant 0 : i32
    %c0_i32_0 = arith.constant 0 : i32
    return %c0_i32 : i32
  }
  func.func @transform_1(%arg0: i32) -> i32 {
    %c0_i32 = arith.constant 0 : i32
    %c0_i32_0 = arith.constant 0 : i32
    return %c0_i32 : i32
  }
}

</mosaic_0001>

<sc_bundles>
// kernel: kernel.5.cloned.1.call-start
scs
__scs_entry_jumppad:
0x0: {  	(pc) =	sbr.rel $0x88, $3  }
0x1: {  	(tag) =	ssettag $0x0;
	lr =	simm.s32 $0x1  }
0x2: {  	[smem:$0x3FA0] =	sst lr;
	_ =	strace $0xD0000000  }
0x3: {  	_ = 	snop  }
0x4: {  	_ = 	snop  }
0x5: {  	_ = 	snop  }
0x6: {  	_ = 	snop  }
0x7: {  	_ = 	snop  }
__scs_overlays_trampoline_lowered:
0x8: {  	[smem:$0x3FAF] =	sst s0  }
0x9: {  	[smem:$0x3FB0] =	sst s1  }
0xa: {  	[smem:$0x3FB1] =	sst s2  }
0xb: {  	[smem:$0x3FB2] =	sst s3  }
0xc: {  	[smem:$0x3FB3] =	sst s4  }
0xd: {  	[smem:$0x3FB4] =	sst s5  }
0xe: {  	[smem:$0x3FB5] =	sst s6  }
0xf: {  	[smem:$0x3FB6] =	sst s7  }
0x10: {  	[smem:$0x3FB7] =	sst s8  }
0x11: {  	[smem:$0x3FB8] =	sst s9;
	s0 =	simm.s32 @!p0 $0x0  }
0x12: {  	s1 =	sld [smem:$0x3F9E];
	s0 =	simm.s32 @p0 $0x1  }
0x13: {  	[smem:$0x3FB9] =	sst s0;
	s0 =	simm.s32 @!p1 $0x0  }
0x14: {  	s2 =	sld [smem:$0x3F9D];
	s0 =	simm.s32 @p1 $0x1  }
0x15: {  	[smem:$0x3FBA] =	sst s0;
	s0 =	simm.s32 @!p2 $0x0  }
0x16: {  	s3 =	sld [smem:$0x3FDB];
	s0 =	simm.s32 @p2 $0x1  }
0x17: {  	s4 =	simm.s32 $0x1BF5;
	[smem:$0x3FBC] =	sst s0  }
0x18: {  	s0 =	sld [smem:$0x3F9F];
	_ =	swait.ge [sflag:s4], $0x0  }
0x19: {  	s7 =	sld [smem:$0x3FA0]  }
0x1a: {  	s8 =	sadd.s32 $0xFFFFE003, lr  }
0x1b: {  	s9 =	sadd.s32 $0xFFFFFEF7, lr;
	s5 =	simm.s32 $0xFFFFFFFF;
	p2 =	slt.u32 s8, $0xFFFFF086  }
0x1c: {  	p1 =	slt.u32 s9, $0xF7A;
	s5 =	simm.s32 @!p2 $0x0  }
0x1d: {  	s5 =	simm.s32 @p1 $0x1;
	p0 =	seq.s32 s7, s2  }
0x1e: {  	s7 =	smul.u32 @!p0 $0xF7A, s2;
	p2 =	seq.s32 @!p0 s5, $0x0  }
0x1f: {  	s9 =	smul.u32 $0xF7A, s1;
	s8 =	simm.s32 @!p0 $0x1BF5;
	p2 =	por !p2, p0  }
0x20: {  	[sflag:s8] =	ssyncset.s32 @!p0 $0xFFFFF086;
	s6 =	sadd.s32 @!p0 s3, s7;
	s7 =	simm.s32 @!p0 $0x108  }
0x21: {  	s3 =	sadd.s32 s3, s9;
	s6 =	sadd.s32 @!p0 $0x88, s6;
	s7 =	simm.s32 @p2 $0x1082  }
0x22: {  	[simem:s7], [sflag:s8] =	dma.local @!p0 [hbm:s6], $0xF7A  }
0x23: {  	s9 =	sor.u32 $0xD0000000, s2;
	s6 =	simm.s32 $0x108;
	_ =	swait.ge @!p0 [sflag:s8], $0x0  }
0x24: {  	s3 =	sadd.s32 $0x88, s3;
	s6 =	simm.s32 @!p1 $0x1082;
	[sflag:s4] =	ssyncset.s32 $0xFFFFF086  }
0x25: {  	[simem:s6], [sflag:s4] =	dma.local [hbm:s3], $0xF7A  }
0x26: {  	[smem:$0x3FA0] =	sst s1;
	(tag) =	ssettag s2;
	_ =	strace s9  }
0x27: {  	s1 =	sld [smem:$0x3FB0]  }
0x28: {  	s2 =	sld [smem:$0x3FB1]  }
0x29: {  	s4 =	sld [smem:$0x3FB3]  }
0x2a: {  	p0 =	seq.s32 s5, $0x0;
	s5 =	sld [smem:$0x3FB4]  }
0x2b: {  	s6 =	sld [smem:$0x3FB5]  }
0x2c: {  	s7 =	sld [smem:$0x3FB6]  }
0x2d: {  	s3 =	simm.s32 $0x108;
	s8 =	sld [smem:$0x3FB7]  }
0x2e: {  	s3 =	simm.s32 @!p0 $0x1082;
	s9 =	sld [smem:$0x3FB8]  }
0x2f: {  	lr =	sadd.s32 s0, s3;
	s0 =	sld [smem:$0x3FAF]  }
0x30: {  	s3 =	sld [smem:$0x3FB2]  }
0x31: {  	[smem:$0x3FBB] =	sst s10  }
0x32: {  	s10 =	sld [smem:$0x3FB9];
	_ =	sdelay $0x3  }
0x33: {  	p0 =	seq.s32 s10, $0x1;
	s10 =	sld [smem:$0x3FBB];
	_ =	sdelay $0x3  }
0x34: {  	[smem:$0x3FBB] =	sst s10  }
0x35: {  	s10 =	sld [smem:$0x3FBA];
	_ =	sdelay $0x3  }
0x36: {  	p1 =	seq.s32 s10, $0x1;
	s10 =	sld [smem:$0x3FBB];
	_ =	sdelay $0x3  }
0x37: {  	[smem:$0x3FBB] =	sst s10  }
0x38: {  	s10 =	sld [smem:$0x3FBC]  }
0x39: {  	_ = 	snop;
	(pc) =	sbr.ind lr, $3  }
0x3a: {  	_ = 	snop  }
0x3b: {  	_ = 	snop  }
0x3c: {  	p2 =	seq.s32 s10, $0x1;
	s10 =	sld [smem:$0x3FBB]  }
0x3d: {  	_ =	shalt  }
0x3e: {  	_ =	shalt  }
0x3f: {  	_ =	shalt  }
0x40: {  	_ =	shalt  }
0x41: {  	_ =	shalt  }
0x42: {  	_ =	shalt  }
0x43: {  	_ =	shalt  }
0x44: {  	_ =	shalt  }
0x45: {  	_ =	shalt  }
0x46: {  	_ =	shalt  }
0x47: {  	_ =	shalt  }
0x48: {  	_ =	shalt  }
0x49: {  	_ =	shalt  }
0x4a: {  	_ =	shalt  }
0x4b: {  	_ =	shalt  }
0x4c: {  	_ =	shalt  }
0x4d: {  	_ =	shalt  }
0x4e: {  	_ =	shalt  }
0x4f: {  	_ =	shalt  }
0x50: {  	_ =	shalt  }
0x51: {  	_ =	shalt  }
0x52: {  	_ =	shalt  }
0x53: {  	_ =	shalt  }
0x54: {  	_ =	shalt  }
0x55: {  	_ =	shalt  }
0x56: {  	_ =	shalt  }
0x57: {  	_ =	shalt  }
0x58: {  	_ =	shalt  }
0x59: {  	_ =	shalt  }
0x5a: {  	_ =	shalt  }
0x5b: {  	_ =	shalt  }
0x5c: {  	_ =	shalt  }
0x5d: {  	_ =	shalt  }
0x5e: {  	_ =	shalt  }
0x5f: {  	_ =	shalt  }
0x60: {  	_ =	shalt  }
0x61: {  	_ =	shalt  }
0x62: {  	_ =	shalt  }
0x63: {  	_ =	shalt  }
0x64: {  	_ =	shalt  }
0x65: {  	_ =	shalt  }
0x66: {  	_ =	shalt  }
0x67: {  	_ =	shalt  }
0x68: {  	_ =	shalt  }
0x69: {  	_ =	shalt  }
0x6a: {  	_ =	shalt  }
0x6b: {  	_ =	shalt  }
0x6c: {  	_ =	shalt  }
0x6d: {  	_ =	shalt  }
0x6e: {  	_ =	shalt  }
0x6f: {  	_ =	shalt  }
0x70: {  	_ =	shalt  }
0x71: {  	_ =	shalt  }
0x72: {  	_ =	shalt  }
0x73: {  	_ =	shalt  }
0x74: {  	_ =	shalt  }
0x75: {  	_ =	shalt  }
0x76: {  	_ =	shalt  }
0x77: {  	_ =	shalt  }
0x78: {  	_ =	shalt  }
0x79: {  	_ =	shalt  }
0x7a: {  	_ =	shalt  }
0x7b: {  	_ =	shalt  }
0x7c: {  	_ =	shalt  }
0x7d: {  	_ =	shalt  }
0x7e: {  	_ =	shalt  }
0x7f: {  	_ =	shalt  }
0x80: {  	_ =	shalt  }
0x81: {  	_ =	shalt  }
0x82: {  	_ =	shalt  }
0x83: {  	_ =	shalt  }
0x84: {  	_ =	shalt  }
0x85: {  	_ =	shalt  }
0x86: {  	_ =	shalt  }
0x87: {  	_ =	shalt  }
.Lfunc_end0:
.L_simem_size_0:
called_computation_lowered:
.L_overlay_start_0:
0x88: {  	s2 =	sld [smem:$0x3FD9]  }
0x89: {  	s3 =	sld [smem:$0x3FFE];
	_ =	sdelay $0x1  }
0x8a: {  	s1 =	srdreg.scid  }
0x8b: {  	s0 =	sand.u32 $0x1, s1  }
0x8c: {  	s16 =	sshll.u32 s0, $0xA;
	s2 =	sadd.s32 s3, s2  }
0x8d: {  	s2 =	sadd.s32 s2, s16  }
0x8e: {  	[smem:$0x3FC7] =	sst s2  }
0x8f: {  	_ = 	snop  }
0x90: {  	(tm) =	ssettm $0x1  }
0x91: {  	s17 =	sld [smem:$0x3FFB];
	_ =	sdelay $0x3  }
0x92: {  	_ =	strace s17  }
0x93: {  	s2 =	sld [smem:$0x3FFC];
	_ =	sdelay $0x3  }
0x94: {  	_ =	strace s2  }
0x95: {  	s2 =	sld [smem:$0x3FFD];
	_ =	sdelay $0x3  }
0x96: {  	_ =	strace s2  }
0x97: {  	_ =	strace $0x8FFFFFFF  }
0x98: {  	s18 =	sld [smem:$0x3FDB];
	_ =	sdelay $0x1  }
0x99: {  	s19 =	simm.s32 $_scs_section_size  }
0x9a: {  	s4 =	simm.s32 $_size__tile_overlayer_lowered;
	s5 =	simm.s32 $_tile_overlayer_lowered  }
0x9b: {  	s22 =	simm.s32 $0x1BFF;
	s21 =	sshll.u32 s5, $0x1;
	s2 =	sadd.s32 s19, s18  }
0x9c: {  	s6 =	simm.s32 $0x0;
	s20 =	sshll.u32 s4, $0x1;
	s4 =	sadd.s32 s21, s2  }
0x9d: {  	[timem:s6], [sflag:s22] =	dma.local [hbm:s4], s20  }
0x9e: {  	_ =	swait.ge [sflag:s22], s20  }
0x9f: {  	s3 =	ssub.s32 $0x0, s20;
	[sflag:s22] =	ssyncset.done $0x0  }
0xa0: {  	[sflag:s22] =	ssyncadd.s32 s3;
	_ =	sdelay $0x1  }
0xa1: {  	s23 =	simm.s32 $0x1B8B  }
0xa2: {  	_ =	swait.ge [sflag:s23], $0x1  }
0xa3: {  	[sflag:s23] =	ssyncset.done $0x0  }
0xa4: {  	s25 =	simm.s32 $0x1B8E;
	s24 =	sld [smem:$0x3FFE];
	[sflag:s23] =	ssyncadd.s32 $0xFFFFFFFF  }
0xa5: {  	s26 =	simm.s32 $execute0_lowered;
	[smem:$0x3FD2] =	sst s25  }
0xa6: {  	s4 =	sshll.u32 s26, $0x1;
	_ =	strace $0x80000046;
	[dreg:$0x1] =	wrdreg $0xFFFFFFFF  }
0xa7: {  	s28 =	simm.s32 $_size_execute0_lowered;
	s2 =	sadd.s32 s2, s4;
	[dreg:$0x0] =	wrdreg $0x0  }
0xa8: {  	s4 =	sshll.u32 s28, $0x1;
	[dreg:$0x2] =	wrdreg s2  }
0xa9: {  	[dreg:$0x3] =	wrdreg s4  }
0xaa: {  	[dreg:$0x4] =	wrdreg $0xC0  }
0xab: {  	_ =	task [dreg:s6], $0x5FFFF  }
0xac: {  	[dreg:$0x1] =	wrdreg $0xFFFFFFFF  }
0xad: {  	[dreg:$0x0] =	wrdreg $0x60  }
0xae: {  	[dreg:$0x2] =	wrdreg s24  }
0xaf: {  	[dreg:$0x3] =	wrdreg $0x9  }
0xb0: {  	_ =	task.clear_ibuf [dreg:s6], $0x4FFFF;
	_ =	strace $0x90000046  }
0xb1: {  	s29 =	simm.s32 $0x9;
	_ =	strace $0x80000048  }
0xb2: {  	_ =	swait.ge [sflag:s29], $0x1  }
0xb3: {  	[sflag:s29] =	ssyncadd.s32 $0xFFFFFFFF  }
0xb4: {  	_ =	strace $0x90000048  }
0xb5: {  	_ =	sfence  }
0xb6: {  	s30 =	sld [smem:$0x0];
	_ =	sdelay $0x2  }
0xb7: {  	s31 =	sshll.u32 s1, $0xD;
	s1 =	sshrl.u32 s1, $0x2  }
0xb8: {  	s3 =	sand.u32 $0x4000, s31;
	s1 =	sadd.s32 s1, s30  }
0xb9: {  	s0 =	sor.u32 s3, s0;
	s1 =	sshll.u32 s1, $0x11  }
0xba: {  	s0 =	sor.u32 s1, s0  }
0xbb: {  	s0 =	sadd.s32 $0x8F2B, s0  }
0xbc: {  	[sflag:s0] =	ssyncadd.remote.s32 $0x1  }
0xbd: {  	_ =	sfence.sel $0xFFFF  }
0xbe: {  	[dreg:$0x0] =	wrdreg $0xFFFFFFFF;
	(pc) =	sbr.abs _section_cstart, $3  }
0xbf: {  	[dreg:$0x1] =	wrdreg $0xFFFFFFFF  }
0xc0: {  	_ =	task.clear_ibuf [dreg:s6], $0x2FFFF;
	_ =	strace $0x9FFFFFFF  }
0xc1: {  	(tm) =	ssettm $0x7FFFFFFF  }
tec
execute0_lowered:
.L_overlay_start_1:
0x0: {  	(tag) =	ssettag $0x1  }
0x1: {  	s0 =	srdreg.scid  }
0x2: {  	s6 =	sand.u32 $0x1, s0  }
0x3: {  	s1 =	stileid.u32;
	s0 =	sshll.u32 s6, $0x4  }
0x4: {  	s0 =	sor.u32 s1, s0;
	s1 =	sand.u32 $0x1, s1  }
0x5: {  	p0 =	seq.s32 s0, $0x0;
	p1 =	seq.s32 s1, $0x1  }
0x6: {  	s3 =	simm.s32 $0x180;
	p0 =	por !p0, !p1  }
0x7: {  	s1 =	simm.s32 $0x1;
	s3 =	simm.s32 @!p1 $0x0;
	p0 =	por !p0, !p0  }
0x8: {  	s0 =	sshrl.u32 s0, $0x1;
	s5 =	smul.u32 $0xC80, s3;
	s1 =	simm.s32 @!p0 $0x0  }
0x9: {  	s2 =	simm.s32 $0x0;
	s7 =	smul.u32 $0x640, s3;
	s0 =	ssub.s32 s0, s1  }
0xa: {  	[smem:$0x7FF] =	sst s2;
	s4 =	smul.u32 $0x258000, s0  }
0xb: {  	s1 =	rddreg [dreg:$0x0];
	_ =	strace $0x80000047;
	s0 =	smul.u32 $0x12C000, s0  }
0xc: {  	s10 =	sadd.s32 $0xC00200, s1;
	s12 =	sadd.s32 $0xC00219, s1;
	s8 =	sadd.s32 s5, s4  }
0xd: {  	s25 =	sadd.s32 $0xC00232, s1;
	s0 =	sadd.s32 s7, s0;
	s3 =	sshrl.u32 s8, $0x3  }
0xe: {  	s4 =	sadd.s32 $0x858200, s1;
	s7 =	sshrl.u32 s0, $0x3;
	s17 =	sadd.s32 s10, s3  }
0xf: {  	s9 =	sadd.s32 $0x64000, s8;
	s11 =	sadd.s32 s4, s7;
	[dreg:$0x2] =	wrdreg s17  }
0x10: {  	s8 =	sadd.s32 $0xC8000, s8;
	s19 =	sadd.s32 s3, s12;
	[dreg:$0x3] =	wrdreg s11  }
0x11: {  	s5 =	sshrl.u32 s9, $0x3;
	s26 =	sadd.s32 s3, s25;
	[dreg:$0x8] =	wrdreg s19  }
0x12: {  	s8 =	sshrl.u32 s8, $0x3;
	s9 =	sadd.s32 s10, s5;
	[dreg:$0xe] =	wrdreg s26  }
0x13: {  	s10 =	sadd.s32 s10, s8;
	[dreg:$0x4] =	wrdreg s9  }
0x14: {  	s21 =	sadd.s32 s5, s12;
	[dreg:$0x6] =	wrdreg s10  }
0x15: {  	s13 =	sor.u32 $0x19, s7;
	s23 =	sadd.s32 s8, s12;
	[dreg:$0xa] =	wrdreg s21  }
0x16: {  	s14 =	sadd.s32 s4, s13;
	[dreg:$0xc] =	wrdreg s23  }
0x17: {  	s18 =	sadd.s32 $0x32000, s0;
	s15 =	sadd.s32 s5, s25;
	[dreg:$0xf] =	wrdreg s14  }
0x18: {  	s17 =	sadd.s32 s8, s25;
	s9 =	sshrl.u32 s18, $0x3;
	[dreg:$0x10] =	wrdreg s15  }
0x19: {  	s10 =	sadd.s32 $0x600200, s1;
	[dreg:$0x12] =	wrdreg s17;
	s11 =	sadd.s32 s4, s9  }
0x1a: {  	s20 =	sadd.s32 s10, s7;
	[dreg:$0x5] =	wrdreg s11  }
0x1b: {  	s22 =	sadd.s32 s10, s9;
	[dreg:$0x9] =	wrdreg s20  }
0x1c: {  	s26 =	sadd.s32 $0xC00264, s1;
	s21 =	sadd.s32 s10, s13;
	[dreg:$0xb] =	wrdreg s22  }
0x1d: {  	s14 =	sor.u32 $0x19, s9;
	s13 =	sadd.s32 s3, s26;
	[dreg:$0x15] =	wrdreg s21  }
0x1e: {  	s15 =	sadd.s32 $0xC0024B, s1;
	s16 =	sadd.s32 s4, s14;
	[dreg:$0x1a] =	wrdreg s13  }
0x1f: {  	s20 =	sadd.s32 s3, s15;
	[dreg:$0x11] =	wrdreg s16  }
0x20: {  	s0 =	sadd.s32 $0x64000, s0;
	s22 =	sadd.s32 s5, s15;
	[dreg:$0x14] =	wrdreg s20  }
0x21: {  	s11 =	sshrl.u32 s0, $0x3;
	s23 =	sadd.s32 s10, s14;
	[dreg:$0x16] =	wrdreg s22  }
0x22: {  	s0 =	sadd.s32 s4, s11;
	[dreg:$0x17] =	wrdreg s23  }
0x23: {  	s24 =	sadd.s32 s10, s11;
	[dreg:$0x7] =	wrdreg s0  }
0x24: {  	s16 =	sadd.s32 s5, s26;
	[dreg:$0xd] =	wrdreg s24  }
0x25: {  	s18 =	sor.u32 $0x19, s11;
	[dreg:$0x1c] =	wrdreg s16  }
0x26: {  	s19 =	sadd.s32 s4, s18;
	s0 =	rddreg [dreg:$0x2]  }
0x27: {  	s24 =	sadd.s32 s8, s15;
	[dreg:$0x13] =	wrdreg s19  }
0x28: {  	s14 =	sor.u32 $0x32, s7;
	s25 =	sadd.s32 s10, s18;
	[dreg:$0x18] =	wrdreg s24  }
0x29: {  	s17 =	sor.u32 $0x32, s9;
	s15 =	sadd.s32 s4, s14;
	[dreg:$0x19] =	wrdreg s25  }
0x2a: {  	s20 =	sor.u32 $0x32, s11;
	s18 =	sadd.s32 s4, s17;
	[dreg:$0x1b] =	wrdreg s15  }
0x2b: {  	s22 =	sadd.s32 $0xC0027D, s1;
	s21 =	sadd.s32 s4, s20;
	[dreg:$0x1d] =	wrdreg s18  }
0x2c: {  	s23 =	sadd.s32 s3, s22;
	[dreg:$0x1f] =	wrdreg s21  }
0x2d: {  	s13 =	sadd.s32 s8, s22;
	[smem:$0x7D1] =	sst s23  }
0x2e: {  	s19 =	sadd.s32 s8, s26;
	[smem:$0x7D5] =	sst s13  }
0x2f: {  	s24 =	sadd.s32 s10, s14;
	[dreg:$0x1e] =	wrdreg s19  }
0x30: {  	s25 =	sadd.s32 s5, s22;
	[smem:$0x7D2] =	sst s24  }
0x31: {  	s26 =	sadd.s32 s10, s17;
	[smem:$0x7D3] =	sst s25  }
0x32: {  	s14 =	sadd.s32 s10, s20;
	s15 =	sadd.s32 $0xC00296, s1;
	[smem:$0x7D4] =	sst s26  }
0x33: {  	s17 =	sor.u32 $0x4B, s7;
	[smem:$0x7D6] =	sst s14;
	s16 =	sadd.s32 s3, s15  }
0x34: {  	s18 =	sadd.s32 s4, s17;
	[smem:$0x7D7] =	sst s16  }
0x35: {  	s20 =	sor.u32 $0x4B, s9;
	s19 =	sadd.s32 s5, s15;
	[smem:$0x7D8] =	sst s18  }
0x36: {  	s21 =	sadd.s32 s4, s20;
	[smem:$0x7D9] =	sst s19  }
0x37: {  	s23 =	sor.u32 $0x4B, s11;
	s22 =	sadd.s32 s8, s15;
	[smem:$0x7DA] =	sst s21  }
0x38: {  	s24 =	sadd.s32 s4, s23;
	s25 =	sadd.s32 $0xC002AF, s1;
	[smem:$0x7DB] =	sst s22  }
0x39: {  	[smem:$0x7DC] =	sst s24;
	s26 =	sadd.s32 s3, s25  }
0x3a: {  	s16 =	sadd.s32 s10, s17;
	[smem:$0x7DD] =	sst s26  }
0x3b: {  	s17 =	sadd.s32 s5, s25;
	[smem:$0x7DE] =	sst s16  }
0x3c: {  	s18 =	sadd.s32 s10, s20;
	[smem:$0x7DF] =	sst s17  }
0x3d: {  	s19 =	sadd.s32 s8, s25;
	[smem:$0x7E0] =	sst s18  }
0x3e: {  	s20 =	sadd.s32 s10, s23;
	s21 =	sadd.s32 $0xC002C8, s1;
	[smem:$0x7E1] =	sst s19  }
0x3f: {  	s23 =	sor.u32 $0x64, s7;
	[smem:$0x7E2] =	sst s20;
	s22 =	sadd.s32 s3, s21  }
0x40: {  	s24 =	sadd.s32 s4, s23;
	[smem:$0x7E3] =	sst s22  }
0x41: {  	s25 =	sadd.s32 s5, s21;
	[smem:$0x7E4] =	sst s24  }
0x42: {  	s16 =	sadd.s32 s8, s21;
	[smem:$0x7E5] =	sst s25  }
0x43: {  	s26 =	sor.u32 $0x64, s9;
	s21 =	sadd.s32 s10, s23;
	[smem:$0x7E7] =	sst s16  }
0x44: {  	s17 =	sor.u32 $0x64, s11;
	s15 =	sadd.s32 s4, s26;
	[smem:$0x7EA] =	sst s21  }
0x45: {  	s19 =	sadd.s32 $0xC002E1, s1;
	s18 =	sadd.s32 s4, s17;
	[smem:$0x7E6] =	sst s15  }
0x46: {  	s20 =	sadd.s32 s3, s19;
	[smem:$0x7E8] =	sst s18  }
0x47: {  	s22 =	sadd.s32 s5, s19;
	[smem:$0x7E9] =	sst s20  }
0x48: {  	s23 =	sadd.s32 s10, s26;
	[smem:$0x7EB] =	sst s22  }
0x49: {  	s24 =	sadd.s32 s8, s19;
	[smem:$0x7EC] =	sst s23  }
0x4a: {  	s25 =	sadd.s32 s10, s17;
	s26 =	sadd.s32 $0xC002FA, s1;
	[smem:$0x7ED] =	sst s24  }
0x4b: {  	s14 =	sor.u32 $0x7D, s7;
	[smem:$0x7EE] =	sst s25;
	s13 =	sadd.s32 s3, s26  }
0x4c: {  	s6 =	ssub.s32 $0x2, s6;
	s15 =	sadd.s32 s4, s14;
	[smem:$0x7EF] =	sst s13  }
0x4d: {  	s17 =	sor.u32 $0x7D, s9;
	s16 =	sadd.s32 s5, s26;
	[smem:$0x7F0] =	sst s15  }
0x4e: {  	p0 =	por $0x0, $0x0;
	s18 =	sadd.s32 s4, s17;
	[smem:$0x7F1] =	sst s16  }
0x4f: {  	s12 =	simm.s32 $0x6400;
	s19 =	sadd.s32 s8, s26;
	[smem:$0x7F2] =	sst s18  }
0x50: {  	s20 =	sor.u32 $0x7D, s11;
	s24 =	sadd.s32 s10, s14;
	[smem:$0x7F3] =	sst s19  }
0x51: {  	s22 =	sadd.s32 $0xC00313, s1;
	s26 =	sadd.s32 s10, s17;
	[smem:$0x7F6] =	sst s24  }
0x52: {  	s17 =	sor.u32 $0x96, s7;
	s21 =	sadd.s32 s4, s20;
	[smem:$0x7F8] =	sst s26  }
0x53: {  	s23 =	sadd.s32 s3, s22;
	s25 =	sadd.s32 s5, s22;
	[smem:$0x7F4] =	sst s21  }
0x54: {  	s13 =	sadd.s32 s8, s22;
	s14 =	sadd.s32 s10, s20;
	[smem:$0x7F5] =	sst s23  }
0x55: {  	s15 =	sadd.s32 $0xC0032C, s1;
	s18 =	sshrl.u32 s6, $0x1;
	[smem:$0x7F7] =	sst s25  }
0x56: {  	s19 =	sadd.s32 s4, s17;
	s22 =	sor.u32 $0x96, s11;
	[smem:$0x7F9] =	sst s13  }
0x57: {  	s26 =	sadd.s32 s10, s17;
	s11 =	sor.u32 $0xAF, s11;
	[smem:$0x7FA] =	sst s14  }
0x58: {  	s16 =	sadd.s32 s3, s15;
	[smem:$0x7FC] =	sst s19;
	s20 =	sadd.s32 s5, s15  }
0x59: {  	s21 =	sor.u32 $0x96, s9;
	s6 =	ssub.s32 s6, s18;
	s30 =	sadd.s32 s8, s15  }
0x5a: {  	s23 =	sadd.s32 $0xC00345, s1;
	s29 =	sadd.s32 s4, s22;
	s22 =	sadd.s32 s10, s22  }
0x5b: {  	s14 =	sadd.s32 $0xC0035E, s1;
	s15 =	sor.u32 $0xAF, s7;
	s9 =	sor.u32 $0xAF, s9  }
0x5c: {  	s1 =	sadd.s32 $0xC00377, s1;
	s17 =	sadd.s32 s4, s11;
	[smem:$0x7FB] =	sst s16  }
0x5d: {  	[smem:$0x7FD] =	sst s20;
	s31 =	sadd.s32 s4, s21;
	s28 =	sadd.s32 s3, s23  }
0x5e: {  	s25 =	sadd.s32 s5, s23;
	s24 =	sadd.s32 s10, s21;
	s23 =	sadd.s32 s8, s23  }
0x5f: {  	s21 =	sadd.s32 s3, s14;
	s19 =	sadd.s32 s4, s15;
	s13 =	smax.u32 s6, $0x1  }
0x60: {  	s18 =	sadd.s32 s5, s14;
	s16 =	sadd.s32 s8, s14;
	p1 =	sne.s32 s13, $0x1  }
.Ltmp0:
0x61: {  	s14 =	sadd.s32 s3, s1;
	s7 =	sadd.s32 s5, s1;
	(pc) =	sbr.rel @!p1 .LBB2_3-.Ltmp0, $4  }
0x62: {  	s3 =	sadd.s32 s8, s1;
	s20 =	sadd.s32 s4, s9;
	s15 =	sadd.s32 s10, s15  }
0x63: {  	s9 =	sadd.s32 s10, s9;
	s4 =	sadd.s32 s10, s11;
	s5 =	simm.s32 $0x1  }
0x64: {  	s8 =	simm.s32 $0xC8;
	s11 =	simm.s32 $0x640;
	s10 =	simm.s32 $0x2  }
0x65: {  	s6 =	simm.s32 $0x3;
	s1 =	sadd.s32 $0xFFFFFFFF, s13;
	s13 =	simm.s32 $0xC80  }
0x66: {  	[tilespmem:s2], [sflag:$0x1] =	stream.strided.gather [hbm4b:s0+s8], $0x6400, s13, s8, $0x38;
	[tilespmem:$0xC800] =	vst v63  }
0x67: {  	_ =	swait.ge [sflag:s5], $0x6400  }
0x68: {  	s0 =	rddreg [dreg:$0x3];
	[sflag:s5] =	ssyncset.done $0x0  }
0x69: {  	[smem:$0x7D0] =	sst s1;
	[sflag:s5] =	ssyncadd.s32 $0xFFFF9C00  }
0x6a: {  	[hbm4b:s0+s8] =	stream.strided.scatter [tilespmem:s2], [sflag:$0x2], $0x6400, s11, s8, $0x38;
	[tilespmem:$0xC800] =	vst v63  }
0x6b: {  	s1 =	rddreg [dreg:$0x4]  }
0x6c: {  	[tilespmem:s12], [sflag:$0x1] =	stream.strided.gather [hbm4b:s1+s8], $0x6400, s13, s8, $0x38;
	[tilespmem:$0xC800] =	vst v63  }
0x6d: {  	_ =	swait.ge [sflag:s5], $0x6400  }
0x6e: {  	[sflag:s5] =	ssyncset.done $0x0  }
0x6f: {  	s1 =	rddreg [dreg:$0x5];
	[sflag:s5] =	ssyncadd.s32 $0xFFFF9C00  }
0x70: {  	[hbm4b:s1+s8] =	stream.strided.scatter [tilespmem:s12], [sflag:$0x3], $0x6400, s11, s8, $0x38;
	[tilespmem:$0xC800] =	vst v63  }
0x71: {  	_ =	swait.ge [sflag:s10], $0x6400  }
0x72: {  	[sflag:s10] =	ssyncset.done $0x0  }
0x73: {  	s1 =	rddreg [dreg:$0x6];
	[sflag:s10] =	ssyncadd.s32 $0xFFFF9C00  }
0x74: {  	[tilespmem:s2], [sflag:$0x1] =	stream.strided.gather [hbm4b:s1+s8], $0x6400, s13, s8, $0x38;
	[tilespmem:$0xC800] =	vst v63  }
0x75: {  	_ =	swait.ge [sflag:s5], $0x6400  }
0x76: {  	[sflag:s5] =	ssyncset.done $0x0  }
0x77: {  	s1 =	rddreg [dreg:$0x7];
	[sflag:s5] =	ssyncadd.s32 $0xFFFF9C00  }
0x78: {  	[hbm4b:s1+s8] =	stream.strided.scatter [tilespmem:s2], [sflag:$0x2], $0x6400, s11, s8, $0x38;
	[tilespmem:$0xC800] =	vst v63  }
0x79: {  	_ =	swait.ge [sflag:s6], $0x6400  }
0x7a: {  	[sflag:s6] =	ssyncset.done $0x0  }
0x7b: {  	s1 =	rddreg [dreg:$0x8];
	[sflag:s6] =	ssyncadd.s32 $0xFFFF9C00  }
0x7c: {  	[tilespmem:s12], [sflag:$0x1] =	stream.strided.gather [hbm4b:s1+s8], $0x6400, s13, s8, $0x38;
	[tilespmem:$0xC800] =	vst v63  }
0x7d: {  	_ =	swait.ge [sflag:s5], $0x6400  }
0x7e: {  	[sflag:s5] =	ssyncset.done $0x0  }
0x7f: {  	s1 =	rddreg [dreg:$0x9];
	[sflag:s5] =	ssyncadd.s32 $0xFFFF9C00  }
0x80: {  	[hbm4b:s1+s8] =	stream.strided.scatter [tilespmem:s12], [sflag:$0x3], $0x6400, s11, s8, $0x38;
	[tilespmem:$0xC800] =	vst v63  }
0x81: {  	_ =	swait.ge [sflag:s10], $0x6400  }
0x82: {  	[sflag:s10] =	ssyncset.done $0x0  }
0x83: {  	s1 =	rddreg [dreg:$0xa];
	[sflag:s10] =	ssyncadd.s32 $0xFFFF9C00  }
0x84: {  	[tilespmem:s2], [sflag:$0x1] =	stream.strided.gather [hbm4b:s1+s8], $0x6400, s13, s8, $0x38;
	[tilespmem:$0xC800] =	vst v63  }
0x85: {  	_ =	swait.ge [sflag:s5], $0x6400  }
0x86: {  	[sflag:s5] =	ssyncset.done $0x0  }
0x87: {  	s1 =	rddreg [dreg:$0xb];
	[sflag:s5] =	ssyncadd.s32 $0xFFFF9C00  }
0x88: {  	[hbm4b:s1+s8] =	stream.strided.scatter [tilespmem:s2], [sflag:$0x2], $0x6400, s11, s8, $0x38;
	[tilespmem:$0xC800] =	vst v63  }
0x89: {  	_ =	swait.ge [sflag:s6], $0x6400  }
0x8a: {  	[sflag:s6] =	ssyncset.done $0x0  }
0x8b: {  	s1 =	rddreg [dreg:$0xc];
	[sflag:s6] =	ssyncadd.s32 $0xFFFF9C00  }
0x8c: {  	[tilespmem:s12], [sflag:$0x1] =	stream.strided.gather [hbm4b:s1+s8], $0x6400, s13, s8, $0x38;
	[tilespmem:$0xC800] =	vst v63  }
0x8d: {  	_ =	swait.ge [sflag:s5], $0x6400  }
0x8e: {  	[sflag:s5] =	ssyncset.done $0x0  }
0x8f: {  	s1 =	rddreg [dreg:$0xd];
	[sflag:s5] =	ssyncadd.s32 $0xFFFF9C00  }
0x90: {  	[hbm4b:s1+s8] =	stream.strided.scatter [tilespmem:s12], [sflag:$0x3], $0x6400, s11, s8, $0x38;
	[tilespmem:$0xC800] =	vst v63  }
0x91: {  	_ =	swait.ge [sflag:s10], $0x6400  }
0x92: {  	[sflag:s10] =	ssyncset.done $0x0  }
0x93: {  	s1 =	rddreg [dreg:$0xe];
	[sflag:s10] =	ssyncadd.s32 $0xFFFF9C00  }
0x94: {  	[tilespmem:s2], [sflag:$0x1] =	stream.strided.gather [hbm4b:s1+s8], $0x6400, s13, s8, $0x38;
	[tilespmem:$0xC800] =	vst v63  }
0x95: {  	_ =	swait.ge [sflag:s5], $0x6400  }
0x96: {  	[sflag:s5] =	ssyncset.done $0x0  }
0x97: {  	s1 =	rddreg [dreg:$0xf];
	[sflag:s5] =	ssyncadd.s32 $0xFFFF9C00  }
0x98: {  	[hbm4b:s1+s8] =	stream.strided.scatter [tilespmem:s2], [sflag:$0x2], $0x6400, s11, s8, $0x38;
	[tilespmem:$0xC800] =	vst v63  }
0x99: {  	_ =	swait.ge [sflag:s6], $0x6400  }
0x9a: {  	[sflag:s6] =	ssyncset.done $0x0  }
0x9b: {  	s1 =	rddreg [dreg:$0x10];
	[sflag:s6] =	ssyncadd.s32 $0xFFFF9C00  }
0x9c: {  	[tilespmem:s12], [sflag:$0x1] =	stream.strided.gather [hbm4b:s1+s8], $0x6400, s13, s8, $0x38;
	[tilespmem:$0xC800] =	vst v63  }
0x9d: {  	_ =	swait.ge [sflag:s5], $0x6400  }
0x9e: {  	[sflag:s5] =	ssyncset.done $0x0  }
0x9f: {  	s1 =	rddreg [dreg:$0x11];
	[sflag:s5] =	ssyncadd.s32 $0xFFFF9C00  }
0xa0: {  	[hbm4b:s1+s8] =	stream.strided.scatter [tilespmem:s12], [sflag:$0x3], $0x6400, s11, s8, $0x38;
	[tilespmem:$0xC800] =	vst v63  }
0xa1: {  	_ =	swait.ge [sflag:s10], $0x6400  }
0xa2: {  	[sflag:s10] =	ssyncset.done $0x0  }
0xa3: {  	s1 =	rddreg [dreg:$0x12];
	[sflag:s10] =	ssyncadd.s32 $0xFFFF9C00  }
0xa4: {  	[tilespmem:s2], [sflag:$0x1] =	stream.strided.gather [hbm4b:s1+s8], $0x6400, s13, s8, $0x38;
	[tilespmem:$0xC800] =	vst v63  }
0xa5: {  	_ =	swait.ge [sflag:s5], $0x6400  }
0xa6: {  	[sflag:s5] =	ssyncset.done $0x0  }
0xa7: {  	s1 =	rddreg [dreg:$0x13];
	[sflag:s5] =	ssyncadd.s32 $0xFFFF9C00  }
0xa8: {  	[hbm4b:s1+s8] =	stream.strided.scatter [tilespmem:s2], [sflag:$0x2], $0x6400, s11, s8, $0x38;
	[tilespmem:$0xC800] =	vst v63  }
0xa9: {  	_ =	swait.ge [sflag:s6], $0x6400  }
0xaa: {  	[sflag:s6] =	ssyncset.done $0x0  }
0xab: {  	s1 =	rddreg [dreg:$0x14];
	[sflag:s6] =	ssyncadd.s32 $0xFFFF9C00  }
0xac: {  	[tilespmem:s12], [sflag:$0x1] =	stream.strided.gather [hbm4b:s1+s8], $0x6400, s13, s8, $0x38;
	[tilespmem:$0xC800] =	vst v63  }
0xad: {  	_ =	swait.ge [sflag:s5], $0x6400  }
0xae: {  	[sflag:s5] =	ssyncset.done $0x0  }
0xaf: {  	s1 =	rddreg [dreg:$0x15];
	[sflag:s5] =	ssyncadd.s32 $0xFFFF9C00  }
0xb0: {  	[hbm4b:s1+s8] =	stream.strided.scatter [tilespmem:s12], [sflag:$0x3], $0x6400, s11, s8, $0x38;
	[tilespmem:$0xC800] =	vst v63  }
0xb1: {  	_ =	swait.ge [sflag:s10], $0x6400  }
0xb2: {  	[sflag:s10] =	ssyncset.done $0x0  }
0xb3: {  	s1 =	rddreg [dreg:$0x16];
	[sflag:s10] =	ssyncadd.s32 $0xFFFF9C00  }
0xb4: {  	[tilespmem:s2], [sflag:$0x1] =	stream.strided.gather [hbm4b:s1+s8], $0x6400, s13, s8, $0x38;
	[tilespmem:$0xC800] =	vst v63  }
0xb5: {  	_ =	swait.ge [sflag:s5], $0x6400  }
0xb6: {  	[sflag:s5] =	ssyncset.done $0x0  }
0xb7: {  	s1 =	rddreg [dreg:$0x17];
	[sflag:s5] =	ssyncadd.s32 $0xFFFF9C00  }
0xb8: {  	[hbm4b:s1+s8] =	stream.strided.scatter [tilespmem:s2], [sflag:$0x2], $0x6400, s11, s8, $0x38;
	[tilespmem:$0xC800] =	vst v63  }
0xb9: {  	_ =	swait.ge [sflag:s6], $0x6400  }
0xba: {  	[sflag:s6] =	ssyncset.done $0x0  }
0xbb: {  	s1 =	rddreg [dreg:$0x18];
	[sflag:s6] =	ssyncadd.s32 $0xFFFF9C00  }
0xbc: {  	[tilespmem:s12], [sflag:$0x1] =	stream.strided.gather [hbm4b:s1+s8], $0x6400, s13, s8, $0x38;
	[tilespmem:$0xC800] =	vst v63  }
0xbd: {  	_ =	swait.ge [sflag:s5], $0x6400  }
0xbe: {  	[sflag:s5] =	ssyncset.done $0x0  }
0xbf: {  	s1 =	rddreg [dreg:$0x19];
	[sflag:s5] =	ssyncadd.s32 $0xFFFF9C00  }
0xc0: {  	[hbm4b:s1+s8] =	stream.strided.scatter [tilespmem:s12], [sflag:$0x3], $0x6400, s11, s8, $0x38;
	[tilespmem:$0xC800] =	vst v63  }
0xc1: {  	_ =	swait.ge [sflag:s10], $0x6400  }
0xc2: {  	[sflag:s10] =	ssyncset.done $0x0  }
0xc3: {  	s1 =	rddreg [dreg:$0x1a];
	[sflag:s10] =	ssyncadd.s32 $0xFFFF9C00  }
0xc4: {  	[tilespmem:s2], [sflag:$0x1] =	stream.strided.gather [hbm4b:s1+s8], $0x6400, s13, s8, $0x38;
	[tilespmem:$0xC800] =	vst v63  }
0xc5: {  	_ =	swait.ge [sflag:s5], $0x6400  }
0xc6: {  	[sflag:s5] =	ssyncset.done $0x0  }
0xc7: {  	s1 =	rddreg [dreg:$0x1b];
	[sflag:s5] =	ssyncadd.s32 $0xFFFF9C00  }
0xc8: {  	[hbm4b:s1+s8] =	stream.strided.scatter [tilespmem:s2], [sflag:$0x2], $0x6400, s11, s8, $0x38;
	[tilespmem:$0xC800] =	vst v63  }
0xc9: {  	_ =	swait.ge [sflag:s6], $0x6400  }
0xca: {  	[sflag:s6] =	ssyncset.done $0x0  }
0xcb: {  	s1 =	rddreg [dreg:$0x1c];
	[sflag:s6] =	ssyncadd.s32 $0xFFFF9C00  }
0xcc: {  	[tilespmem:s12], [sflag:$0x1] =	stream.strided.gather [hbm4b:s1+s8], $0x6400, s13, s8, $0x38;
	[tilespmem:$0xC800] =	vst v63  }
0xcd: {  	_ =	swait.ge [sflag:s5], $0x6400  }
0xce: {  	[sflag:s5] =	ssyncset.done $0x0  }
0xcf: {  	s1 =	rddreg [dreg:$0x1d];
	[sflag:s5] =	ssyncadd.s32 $0xFFFF9C00  }
0xd0: {  	[hbm4b:s1+s8] =	stream.strided.scatter [tilespmem:s12], [sflag:$0x3], $0x6400, s11, s8, $0x38;
	[tilespmem:$0xC800] =	vst v63  }
0xd1: {  	_ =	swait.ge [sflag:s10], $0x6400  }
0xd2: {  	[sflag:s10] =	ssyncset.done $0x0  }
0xd3: {  	s1 =	rddreg [dreg:$0x1e];
	[sflag:s10] =	ssyncadd.s32 $0xFFFF9C00  }
0xd4: {  	[tilespmem:s2], [sflag:$0x1] =	stream.strided.gather [hbm4b:s1+s8], $0x6400, s13, s8, $0x38;
	[tilespmem:$0xC800] =	vst v63  }
0xd5: {  	_ =	swait.ge [sflag:s5], $0x6400  }
0xd6: {  	[sflag:s5] =	ssyncset.done $0x0  }
0xd7: {  	s1 =	rddreg [dreg:$0x1f];
	[sflag:s5] =	ssyncadd.s32 $0xFFFF9C00  }
0xd8: {  	[hbm4b:s1+s8] =	stream.strided.scatter [tilespmem:s2], [sflag:$0x2], $0x6400, s11, s8, $0x38;
	[tilespmem:$0xC800] =	vst v63  }
0xd9: {  	_ =	swait.ge [sflag:s6], $0x6400  }
0xda: {  	s1 =	sld [smem:$0x7D1]  }
0xdb: {  	[sflag:s6] =	ssyncset.done $0x0  }
0xdc: {  	[sflag:s6] =	ssyncadd.s32 $0xFFFF9C00  }
0xdd: {  	[tilespmem:s12], [sflag:$0x1] =	stream.strided.gather [hbm4b:s1+s8], $0x6400, s13, s8, $0x38;
	[tilespmem:$0xC800] =	vst v63  }
0xde: {  	_ =	swait.ge [sflag:s5], $0x6400  }
0xdf: {  	s1 =	sld [smem:$0x7D2]  }
0xe0: {  	[sflag:s5] =	ssyncset.done $0x0  }
0xe1: {  	[sflag:s5] =	ssyncadd.s32 $0xFFFF9C00  }
0xe2: {  	[hbm4b:s1+s8] =	stream.strided.scatter [tilespmem:s12], [sflag:$0x3], $0x6400, s11, s8, $0x38;
	[tilespmem:$0xC800] =	vst v63  }
0xe3: {  	_ =	swait.ge [sflag:s10], $0x6400  }
0xe4: {  	s1 =	sld [smem:$0x7D3]  }
0xe5: {  	[sflag:s10] =	ssyncset.done $0x0  }
0xe6: {  	[sflag:s10] =	ssyncadd.s32 $0xFFFF9C00  }
0xe7: {  	[tilespmem:s2], [sflag:$0x1] =	stream.strided.gather [hbm4b:s1+s8], $0x6400, s13, s8, $0x38;
	[tilespmem:$0xC800] =	vst v63  }
0xe8: {  	_ =	swait.ge [sflag:s5], $0x6400  }
0xe9: {  	s1 =	sld [smem:$0x7D4]  }
0xea: {  	[sflag:s5] =	ssyncset.done $0x0  }
0xeb: {  	[sflag:s5] =	ssyncadd.s32 $0xFFFF9C00  }
0xec: {  	[hbm4b:s1+s8] =	stream.strided.scatter [tilespmem:s2], [sflag:$0x2], $0x6400, s11, s8, $0x38;
	[tilespmem:$0xC800] =	vst v63  }
0xed: {  	_ =	swait.ge [sflag:s6], $0x6400  }
0xee: {  	s1 =	sld [smem:$0x7D5]  }
0xef: {  	[sflag:s6] =	ssyncset.done $0x0  }
0xf0: {  	[sflag:s6] =	ssyncadd.s32 $0xFFFF9C00  }
0xf1: {  	[tilespmem:s12], [sflag:$0x1] =	stream.strided.gather [hbm4b:s1+s8], $0x6400, s13, s8, $0x38;
	[tilespmem:$0xC800] =	vst v63  }
0xf2: {  	_ =	swait.ge [sflag:s5], $0x6400  }
0xf3: {  	s1 =	sld [smem:$0x7D6]  }
0xf4: {  	[sflag:s5] =	ssyncset.done $0x0  }
0xf5: {  	[sflag:s5] =	ssyncadd.s32 $0xFFFF9C00  }
0xf6: {  	[hbm4b:s1+s8] =	stream.strided.scatter [tilespmem:s12], [sflag:$0x3], $0x6400, s11, s8, $0x38;
	[tilespmem:$0xC800] =	vst v63  }
0xf7: {  	_ =	swait.ge [sflag:s10], $0x6400  }
0xf8: {  	s1 =	sld [smem:$0x7D7]  }
0xf9: {  	[sflag:s10] =	ssyncset.done $0x0  }
0xfa: {  	[sflag:s10] =	ssyncadd.s32 $0xFFFF9C00  }
0xfb: {  	[tilespmem:s2], [sflag:$0x1] =	stream.strided.gather [hbm4b:s1+s8], $0x6400, s13, s8, $0x38;
	[tilespmem:$0xC800] =	vst v63  }
0xfc: {  	_ =	swait.ge [sflag:s5], $0x6400  }
0xfd: {  	s1 =	sld [smem:$0x7D8]  }
0xfe: {  	[sflag:s5] =	ssyncset.done $0x0  }
0xff: {  	[sflag:s5] =	ssyncadd.s32 $0xFFFF9C00  }
0x100: {  	[hbm4b:s1+s8] =	stream.strided.scatter [tilespmem:s2], [sflag:$0x2], $0x6400, s11, s8, $0x38;
	[tilespmem:$0xC800] =	vst v63  }
0x101: {  	_ =	swait.ge [sflag:s6], $0x6400  }
0x102: {  	s1 =	sld [smem:$0x7D9]  }
0x103: {  	[sflag:s6] =	ssyncset.done $0x0  }
0x104: {  	[sflag:s6] =	ssyncadd.s32 $0xFFFF9C00  }
0x105: {  	[tilespmem:s12], [sflag:$0x1] =	stream.strided.gather [hbm4b:s1+s8], $0x6400, s13, s8, $0x38;
	[tilespmem:$0xC800] =	vst v63  }
0x106: {  	_ =	swait.ge [sflag:s5], $0x6400  }
0x107: {  	s1 =	sld [smem:$0x7DA]  }
0x108: {  	[sflag:s5] =	ssyncset.done $0x0  }
0x109: {  	[sflag:s5] =	ssyncadd.s32 $0xFFFF9C00  }
0x10a: {  	[hbm4b:s1+s8] =	stream.strided.scatter [tilespmem:s12], [sflag:$0x3], $0x6400, s11, s8, $0x38;
	[tilespmem:$0xC800] =	vst v63  }
0x10b: {  	_ =	swait.ge [sflag:s10], $0x6400  }
0x10c: {  	s1 =	sld [smem:$0x7DB]  }
0x10d: {  	[sflag:s10] =	ssyncset.done $0x0  }
0x10e: {  	[sflag:s10] =	ssyncadd.s32 $0xFFFF9C00  }
0x10f: {  	[tilespmem:s2], [sflag:$0x1] =	stream.strided.gather [hbm4b:s1+s8], $0x6400, s13, s8, $0x38;
	[tilespmem:$0xC800] =	vst v63  }
0x110: {  	_ =	swait.ge [sflag:s5], $0x6400  }
0x111: {  	s1 =	sld [smem:$0x7DC]  }
0x112: {  	[sflag:s5] =	ssyncset.done $0x0  }
0x113: {  	[sflag:s5] =	ssyncadd.s32 $0xFFFF9C00  }
0x114: {  	[hbm4b:s1+s8] =	stream.strided.scatter [tilespmem:s2], [sflag:$0x2], $0x6400, s11, s8, $0x38;
	[tilespmem:$0xC800] =	vst v63  }
0x115: {  	_ =	swait.ge [sflag:s6], $0x6400  }
0x116: {  	s1 =	sld [smem:$0x7DD]  }
0x117: {  	[sflag:s6] =	ssyncset.done $0x0  }
0x118: {  	[sflag:s6] =	ssyncadd.s32 $0xFFFF9C00  }
0x119: {  	[tilespmem:s12], [sflag:$0x1] =	stream.strided.gather [hbm4b:s1+s8], $0x6400, s13, s8, $0x38;
	[tilespmem:$0xC800] =	vst v63  }
0x11a: {  	_ =	swait.ge [sflag:s5], $0x6400  }
0x11b: {  	s1 =	sld [smem:$0x7DE]  }
0x11c: {  	[sflag:s5] =	ssyncset.done $0x0  }
0x11d: {  	[sflag:s5] =	ssyncadd.s32 $0xFFFF9C00  }
0x11e: {  	[hbm4b:s1+s8] =	stream.strided.scatter [tilespmem:s12], [sflag:$0x3], $0x6400, s11, s8, $0x38;
	[tilespmem:$0xC800] =	vst v63  }
0x11f: {  	_ =	swait.ge [sflag:s10], $0x6400  }
0x120: {  	s1 =	sld [smem:$0x7DF]  }
0x121: {  	[sflag:s10] =	ssyncset.done $0x0  }
0x122: {  	[sflag:s10] =	ssyncadd.s32 $0xFFFF9C00  }
0x123: {  	[tilespmem:s2], [sflag:$0x1] =	stream.strided.gather [hbm4b:s1+s8], $0x6400, s13, s8, $0x38;
	[tilespmem:$0xC800] =	vst v63  }
0x124: {  	_ =	swait.ge [sflag:s5], $0x6400  }
0x125: {  	s1 =	sld [smem:$0x7E0]  }
0x126: {  	[sflag:s5] =	ssyncset.done $0x0  }
0x127: {  	[sflag:s5] =	ssyncadd.s32 $0xFFFF9C00  }
0x128: {  	[hbm4b:s1+s8] =	stream.strided.scatter [tilespmem:s2], [sflag:$0x2], $0x6400, s11, s8, $0x38;
	[tilespmem:$0xC800] =	vst v63  }
0x129: {  	_ =	swait.ge [sflag:s6], $0x6400  }
0x12a: {  	s1 =	sld [smem:$0x7E1]  }
0x12b: {  	[sflag:s6] =	ssyncset.done $0x0  }
0x12c: {  	[sflag:s6] =	ssyncadd.s32 $0xFFFF9C00  }
0x12d: {  	[tilespmem:s12], [sflag:$0x1] =	stream.strided.gather [hbm4b:s1+s8], $0x6400, s13, s8, $0x38;
	[tilespmem:$0xC800] =	vst v63  }
0x12e: {  	_ =	swait.ge [sflag:s5], $0x6400  }
0x12f: {  	s1 =	sld [smem:$0x7E2]  }
0x130: {  	[sflag:s5] =	ssyncset.done $0x0  }
0x131: {  	[sflag:s5] =	ssyncadd.s32 $0xFFFF9C00  }
0x132: {  	[hbm4b:s1+s8] =	stream.strided.scatter [tilespmem:s12], [sflag:$0x3], $0x6400, s11, s8, $0x38;
	[tilespmem:$0xC800] =	vst v63  }
0x133: {  	_ =	swait.ge [sflag:s10], $0x6400  }
0x134: {  	s1 =	sld [smem:$0x7E3]  }
0x135: {  	[sflag:s10] =	ssyncset.done $0x0  }
0x136: {  	[sflag:s10] =	ssyncadd.s32 $0xFFFF9C00  }
0x137: {  	[tilespmem:s2], [sflag:$0x1] =	stream.strided.gather [hbm4b:s1+s8], $0x6400, s13, s8, $0x38;
	[tilespmem:$0xC800] =	vst v63  }
0x138: {  	_ =	swait.ge [sflag:s5], $0x6400  }
0x139: {  	s1 =	sld [smem:$0x7E4]  }
0x13a: {  	[sflag:s5] =	ssyncset.done $0x0  }
0x13b: {  	[sflag:s5] =	ssyncadd.s32 $0xFFFF9C00  }
0x13c: {  	[hbm4b:s1+s8] =	stream.strided.scatter [tilespmem:s2], [sflag:$0x2], $0x6400, s11, s8, $0x38;
	[tilespmem:$0xC800] =	vst v63  }
0x13d: {  	_ =	swait.ge [sflag:s6], $0x6400  }
0x13e: {  	s1 =	sld [smem:$0x7E5]  }
0x13f: {  	[sflag:s6] =	ssyncset.done $0x0  }
0x140: {  	[sflag:s6] =	ssyncadd.s32 $0xFFFF9C00  }
0x141: {  	[tilespmem:s12], [sflag:$0x1] =	stream.strided.gather [hbm4b:s1+s8], $0x6400, s13, s8, $0x38;
	[tilespmem:$0xC800] =	vst v63  }
0x142: {  	_ =	swait.ge [sflag:s5], $0x6400  }
0x143: {  	s1 =	sld [smem:$0x7E6]  }
0x144: {  	[sflag:s5] =	ssyncset.done $0x0  }
0x145: {  	[sflag:s5] =	ssyncadd.s32 $0xFFFF9C00  }
0x146: {  	[hbm4b:s1+s8] =	stream.strided.scatter [tilespmem:s12], [sflag:$0x3], $0x6400, s11, s8, $0x38;
	[tilespmem:$0xC800] =	vst v63  }
0x147: {  	_ =	swait.ge [sflag:s10], $0x6400  }
0x148: {  	s1 =	sld [smem:$0x7E7]  }
0x149: {  	[sflag:s10] =	ssyncset.done $0x0  }
0x14a: {  	[sflag:s10] =	ssyncadd.s32 $0xFFFF9C00  }
0x14b: {  	[tilespmem:s2], [sflag:$0x1] =	stream.strided.gather [hbm4b:s1+s8], $0x6400, s13, s8, $0x38;
	[tilespmem:$0xC800] =	vst v63  }
0x14c: {  	_ =	swait.ge [sflag:s5], $0x6400  }
0x14d: {  	s1 =	sld [smem:$0x7E8]  }
0x14e: {  	[sflag:s5] =	ssyncset.done $0x0  }
0x14f: {  	[sflag:s5] =	ssyncadd.s32 $0xFFFF9C00  }
0x150: {  	[hbm4b:s1+s8] =	stream.strided.scatter [tilespmem:s2], [sflag:$0x2], $0x6400, s11, s8, $0x38;
	[tilespmem:$0xC800] =	vst v63  }
0x151: {  	_ =	swait.ge [sflag:s6], $0x6400  }
0x152: {  	s1 =	sld [smem:$0x7E9]  }
0x153: {  	[sflag:s6] =	ssyncset.done $0x0  }
0x154: {  	[sflag:s6] =	ssyncadd.s32 $0xFFFF9C00  }
0x155: {  	[tilespmem:s12], [sflag:$0x1] =	stream.strided.gather [hbm4b:s1+s8], $0x6400, s13, s8, $0x38;
	[tilespmem:$0xC800] =	vst v63  }
0x156: {  	_ =	swait.ge [sflag:s5], $0x6400  }
0x157: {  	s1 =	sld [smem:$0x7EA]  }
0x158: {  	[sflag:s5] =	ssyncset.done $0x0  }
0x159: {  	[sflag:s5] =	ssyncadd.s32 $0xFFFF9C00  }
0x15a: {  	[hbm4b:s1+s8] =	stream.strided.scatter [tilespmem:s12], [sflag:$0x3], $0x6400, s11, s8, $0x38;
	[tilespmem:$0xC800] =	vst v63  }
0x15b: {  	_ =	swait.ge [sflag:s10], $0x6400  }
0x15c: {  	s1 =	sld [smem:$0x7EB]  }
0x15d: {  	[sflag:s10] =	ssyncset.done $0x0  }
0x15e: {  	[sflag:s10] =	ssyncadd.s32 $0xFFFF9C00  }
0x15f: {  	[tilespmem:s2], [sflag:$0x1] =	stream.strided.gather [hbm4b:s1+s8], $0x6400, s13, s8, $0x38;
	[tilespmem:$0xC800] =	vst v63  }
0x160: {  	_ =	swait.ge [sflag:s5], $0x6400  }
0x161: {  	s1 =	sld [smem:$0x7EC]  }
0x162: {  	[sflag:s5] =	ssyncset.done $0x0  }
0x163: {  	[sflag:s5] =	ssyncadd.s32 $0xFFFF9C00  }
0x164: {  	[hbm4b:s1+s8] =	stream.strided.scatter [tilespmem:s2], [sflag:$0x2], $0x6400, s11, s8, $0x38;
	[tilespmem:$0xC800] =	vst v63  }
0x165: {  	_ =	swait.ge [sflag:s6], $0x6400  }
0x166: {  	s1 =	sld [smem:$0x7ED]  }
0x167: {  	[sflag:s6] =	ssyncset.done $0x0  }
0x168: {  	[sflag:s6] =	ssyncadd.s32 $0xFFFF9C00  }
0x169: {  	[tilespmem:s12], [sflag:$0x1] =	stream.strided.gather [hbm4b:s1+s8], $0x6400, s13, s8, $0x38;
	[tilespmem:$0xC800] =	vst v63  }
0x16a: {  	_ =	swait.ge [sflag:s5], $0x6400  }
0x16b: {  	s1 =	sld [smem:$0x7EE]  }
0x16c: {  	[sflag:s5] =	ssyncset.done $0x0  }
0x16d: {  	[sflag:s5] =	ssyncadd.s32 $0xFFFF9C00  }
0x16e: {  	[hbm4b:s1+s8] =	stream.strided.scatter [tilespmem:s12], [sflag:$0x3], $0x6400, s11, s8, $0x38;
	[tilespmem:$0xC800] =	vst v63  }
0x16f: {  	_ =	swait.ge [sflag:s10], $0x6400  }
0x170: {  	s1 =	sld [smem:$0x7EF]  }
0x171: {  	[sflag:s10] =	ssyncset.done $0x0  }
0x172: {  	[sflag:s10] =	ssyncadd.s32 $0xFFFF9C00  }
0x173: {  	[tilespmem:s2], [sflag:$0x1] =	stream.strided.gather [hbm4b:s1+s8], $0x6400, s13, s8, $0x38;
	[tilespmem:$0xC800] =	vst v63  }
0x174: {  	_ =	swait.ge [sflag:s5], $0x6400  }
0x175: {  	s1 =	sld [smem:$0x7F0]  }
0x176: {  	[sflag:s5] =	ssyncset.done $0x0  }
0x177: {  	[sflag:s5] =	ssyncadd.s32 $0xFFFF9C00  }
0x178: {  	[hbm4b:s1+s8] =	stream.strided.scatter [tilespmem:s2], [sflag:$0x2], $0x6400, s11, s8, $0x38;
	[tilespmem:$0xC800] =	vst v63  }
0x179: {  	_ =	swait.ge [sflag:s6], $0x6400  }
0x17a: {  	s1 =	sld [smem:$0x7F1]  }
0x17b: {  	[sflag:s6] =	ssyncset.done $0x0  }
0x17c: {  	[sflag:s6] =	ssyncadd.s32 $0xFFFF9C00  }
0x17d: {  	[tilespmem:s12], [sflag:$0x1] =	stream.strided.gather [hbm4b:s1+s8], $0x6400, s13, s8, $0x38;
	[tilespmem:$0xC800] =	vst v63  }
0x17e: {  	_ =	swait.ge [sflag:s5], $0x6400  }
0x17f: {  	s1 =	sld [smem:$0x7F2]  }
0x180: {  	[sflag:s5] =	ssyncset.done $0x0  }
0x181: {  	[sflag:s5] =	ssyncadd.s32 $0xFFFF9C00  }
0x182: {  	[hbm4b:s1+s8] =	stream.strided.scatter [tilespmem:s12], [sflag:$0x3], $0x6400, s11, s8, $0x38;
	[tilespmem:$0xC800] =	vst v63  }
0x183: {  	_ =	swait.ge [sflag:s10], $0x6400  }
0x184: {  	s1 =	sld [smem:$0x7F3]  }
0x185: {  	[sflag:s10] =	ssyncset.done $0x0  }
0x186: {  	[sflag:s10] =	ssyncadd.s32 $0xFFFF9C00  }
0x187: {  	[tilespmem:s2], [sflag:$0x1] =	stream.strided.gather [hbm4b:s1+s8], $0x6400, s13, s8, $0x38;
	[tilespmem:$0xC800] =	vst v63  }
0x188: {  	_ =	swait.ge [sflag:s5], $0x6400  }
0x189: {  	s1 =	sld [smem:$0x7F4]  }
0x18a: {  	[sflag:s5] =	ssyncset.done $0x0  }
0x18b: {  	[sflag:s5] =	ssyncadd.s32 $0xFFFF9C00  }
0x18c: {  	[hbm4b:s1+s8] =	stream.strided.scatter [tilespmem:s2], [sflag:$0x2], $0x6400, s11, s8, $0x38;
	[tilespmem:$0xC800] =	vst v63  }
0x18d: {  	_ =	swait.ge [sflag:s6], $0x6400  }
0x18e: {  	s1 =	sld [smem:$0x7F5]  }
0x18f: {  	[sflag:s6] =	ssyncset.done $0x0  }
0x190: {  	[sflag:s6] =	ssyncadd.s32 $0xFFFF9C00  }
0x191: {  	[tilespmem:s12], [sflag:$0x1] =	stream.strided.gather [hbm4b:s1+s8], $0x6400, s13, s8, $0x38;
	[tilespmem:$0xC800] =	vst v63  }
0x192: {  	_ =	swait.ge [sflag:s5], $0x6400  }
0x193: {  	s1 =	sld [smem:$0x7F6]  }
0x194: {  	[sflag:s5] =	ssyncset.done $0x0  }
0x195: {  	[sflag:s5] =	ssyncadd.s32 $0xFFFF9C00  }
0x196: {  	[hbm4b:s1+s8] =	stream.strided.scatter [tilespmem:s12], [sflag:$0x3], $0x6400, s11, s8, $0x38;
	[tilespmem:$0xC800] =	vst v63  }
0x197: {  	_ =	swait.ge [sflag:s10], $0x6400  }
0x198: {  	s1 =	sld [smem:$0x7F7]  }
0x199: {  	[sflag:s10] =	ssyncset.done $0x0  }
0x19a: {  	[sflag:s10] =	ssyncadd.s32 $0xFFFF9C00  }
0x19b: {  	[tilespmem:s2], [sflag:$0x1] =	stream.strided.gather [hbm4b:s1+s8], $0x6400, s13, s8, $0x38;
	[tilespmem:$0xC800] =	vst v63  }
0x19c: {  	_ =	swait.ge [sflag:s5], $0x6400  }
0x19d: {  	s1 =	sld [smem:$0x7F8]  }
0x19e: {  	[sflag:s5] =	ssyncset.done $0x0  }
0x19f: {  	[sflag:s5] =	ssyncadd.s32 $0xFFFF9C00  }
0x1a0: {  	[hbm4b:s1+s8] =	stream.strided.scatter [tilespmem:s2], [sflag:$0x2], $0x6400, s11, s8, $0x38;
	[tilespmem:$0xC800] =	vst v63  }
0x1a1: {  	_ =	swait.ge [sflag:s6], $0x6400  }
0x1a2: {  	s1 =	sld [smem:$0x7F9]  }
0x1a3: {  	[sflag:s6] =	ssyncset.done $0x0  }
0x1a4: {  	[sflag:s6] =	ssyncadd.s32 $0xFFFF9C00  }
0x1a5: {  	[tilespmem:s12], [sflag:$0x1] =	stream.strided.gather [hbm4b:s1+s8], $0x6400, s13, s8, $0x38;
	[tilespmem:$0xC800] =	vst v63  }
0x1a6: {  	_ =	swait.ge [sflag:s5], $0x6400  }
0x1a7: {  	s1 =	sld [smem:$0x7FA]  }
0x1a8: {  	[sflag:s5] =	ssyncset.done $0x0  }
0x1a9: {  	[sflag:s5] =	ssyncadd.s32 $0xFFFF9C00  }
0x1aa: {  	[hbm4b:s1+s8] =	stream.strided.scatter [tilespmem:s12], [sflag:$0x3], $0x6400, s11, s8, $0x38;
	[tilespmem:$0xC800] =	vst v63  }
0x1ab: {  	_ =	swait.ge [sflag:s10], $0x6400  }
0x1ac: {  	s1 =	sld [smem:$0x7FB]  }
0x1ad: {  	[sflag:s10] =	ssyncset.done $0x0  }
0x1ae: {  	[sflag:s10] =	ssyncadd.s32 $0xFFFF9C00  }
0x1af: {  	[tilespmem:s2], [sflag:$0x1] =	stream.strided.gather [hbm4b:s1+s8], $0x6400, s13, s8, $0x38;
	[tilespmem:$0xC800] =	vst v63  }
0x1b0: {  	_ =	swait.ge [sflag:s5], $0x6400  }
0x1b1: {  	s1 =	sld [smem:$0x7FC]  }
0x1b2: {  	[sflag:s5] =	ssyncset.done $0x0  }
0x1b3: {  	[sflag:s5] =	ssyncadd.s32 $0xFFFF9C00  }
0x1b4: {  	[hbm4b:s1+s8] =	stream.strided.scatter [tilespmem:s2], [sflag:$0x2], $0x6400, s11, s8, $0x38;
	[tilespmem:$0xC800] =	vst v63  }
0x1b5: {  	_ =	swait.ge [sflag:s6], $0x6400  }
0x1b6: {  	s1 =	sld [smem:$0x7FD]  }
0x1b7: {  	[sflag:s6] =	ssyncset.done $0x0  }
0x1b8: {  	[sflag:s6] =	ssyncadd.s32 $0xFFFF9C00  }
0x1b9: {  	[tilespmem:s12], [sflag:$0x1] =	stream.strided.gather [hbm4b:s1+s8], $0x6400, s13, s8, $0x38;
	[tilespmem:$0xC800] =	vst v63  }
0x1ba: {  	_ =	swait.ge [sflag:s5], $0x6400  }
0x1bb: {  	[sflag:s5] =	ssyncset.done $0x0  }
0x1bc: {  	[sflag:s5] =	ssyncadd.s32 $0xFFFF9C00  }
0x1bd: {  	[hbm4b:s31+s8] =	stream.strided.scatter [tilespmem:s12], [sflag:$0x3], $0x6400, s11, s8, $0x38;
	[tilespmem:$0xC800] =	vst v63  }
0x1be: {  	_ =	swait.ge [sflag:s10], $0x6400  }
0x1bf: {  	[sflag:s10] =	ssyncset.done $0x0  }
0x1c0: {  	[sflag:s10] =	ssyncadd.s32 $0xFFFF9C00  }
0x1c1: {  	[tilespmem:s2], [sflag:$0x1] =	stream.strided.gather [hbm4b:s30+s8], $0x6400, s13, s8, $0x38;
	[tilespmem:$0xC800] =	vst v63  }
0x1c2: {  	_ =	swait.ge [sflag:s5], $0x6400  }
0x1c3: {  	[sflag:s5] =	ssyncset.done $0x0  }
0x1c4: {  	[sflag:s5] =	ssyncadd.s32 $0xFFFF9C00  }
0x1c5: {  	[hbm4b:s29+s8] =	stream.strided.scatter [tilespmem:s2], [sflag:$0x2], $0x6400, s11, s8, $0x38;
	[tilespmem:$0xC800] =	vst v63  }
0x1c6: {  	_ =	swait.ge [sflag:s6], $0x6400  }
0x1c7: {  	[sflag:s6] =	ssyncset.done $0x0  }
0x1c8: {  	[sflag:s6] =	ssyncadd.s32 $0xFFFF9C00  }
0x1c9: {  	[tilespmem:s12], [sflag:$0x1] =	stream.strided.gather [hbm4b:s28+s8], $0x6400, s13, s8, $0x38;
	[tilespmem:$0xC800] =	vst v63  }
0x1ca: {  	_ =	swait.ge [sflag:s5], $0x6400  }
0x1cb: {  	[sflag:s5] =	ssyncset.done $0x0  }
0x1cc: {  	[sflag:s5] =	ssyncadd.s32 $0xFFFF9C00  }
0x1cd: {  	[hbm4b:s26+s8] =	stream.strided.scatter [tilespmem:s12], [sflag:$0x3], $0x6400, s11, s8, $0x38;
	[tilespmem:$0xC800] =	vst v63  }
0x1ce: {  	_ =	swait.ge [sflag:s10], $0x6400  }
0x1cf: {  	[sflag:s10] =	ssyncset.done $0x0  }
0x1d0: {  	[sflag:s10] =	ssyncadd.s32 $0xFFFF9C00  }
0x1d1: {  	[tilespmem:s2], [sflag:$0x1] =	stream.strided.gather [hbm4b:s25+s8], $0x6400, s13, s8, $0x38;
	[tilespmem:$0xC800] =	vst v63  }
0x1d2: {  	_ =	swait.ge [sflag:s5], $0x6400  }
0x1d3: {  	[sflag:s5] =	ssyncset.done $0x0  }
0x1d4: {  	[sflag:s5] =	ssyncadd.s32 $0xFFFF9C00  }
0x1d5: {  	[hbm4b:s24+s8] =	stream.strided.scatter [tilespmem:s2], [sflag:$0x2], $0x6400, s11, s8, $0x38;
	[tilespmem:$0xC800] =	vst v63  }
0x1d6: {  	_ =	swait.ge [sflag:s6], $0x6400  }
0x1d7: {  	[sflag:s6] =	ssyncset.done $0x0  }
0x1d8: {  	[sflag:s6] =	ssyncadd.s32 $0xFFFF9C00  }
0x1d9: {  	[tilespmem:s12], [sflag:$0x1] =	stream.strided.gather [hbm4b:s23+s8], $0x6400, s13, s8, $0x38;
	[tilespmem:$0xC800] =	vst v63  }
0x1da: {  	_ =	swait.ge [sflag:s5], $0x6400  }
0x1db: {  	[sflag:s5] =	ssyncset.done $0x0  }
0x1dc: {  	[sflag:s5] =	ssyncadd.s32 $0xFFFF9C00  }
0x1dd: {  	[hbm4b:s22+s8] =	stream.strided.scatter [tilespmem:s12], [sflag:$0x3], $0x6400, s11, s8, $0x38;
	[tilespmem:$0xC800] =	vst v63  }
0x1de: {  	_ =	swait.ge [sflag:s10], $0x6400  }
0x1df: {  	[sflag:s10] =	ssyncset.done $0x0  }
0x1e0: {  	[sflag:s10] =	ssyncadd.s32 $0xFFFF9C00  }
0x1e1: {  	[tilespmem:s2], [sflag:$0x1] =	stream.strided.gather [hbm4b:s21+s8], $0x6400, s13, s8, $0x38;
	[tilespmem:$0xC800] =	vst v63  }
0x1e2: {  	_ =	swait.ge [sflag:s5], $0x6400  }
0x1e3: {  	[sflag:s5] =	ssyncset.done $0x0  }
0x1e4: {  	[sflag:s5] =	ssyncadd.s32 $0xFFFF9C00  }
0x1e5: {  	[hbm4b:s19+s8] =	stream.strided.scatter [tilespmem:s2], [sflag:$0x2], $0x6400, s11, s8, $0x38;
	[tilespmem:$0xC800] =	vst v63  }
0x1e6: {  	_ =	swait.ge [sflag:s6], $0x6400  }
0x1e7: {  	[sflag:s6] =	ssyncset.done $0x0  }
0x1e8: {  	[sflag:s6] =	ssyncadd.s32 $0xFFFF9C00  }
0x1e9: {  	[tilespmem:s12], [sflag:$0x1] =	stream.strided.gather [hbm4b:s18+s8], $0x6400, s13, s8, $0x38;
	[tilespmem:$0xC800] =	vst v63  }
0x1ea: {  	_ =	swait.ge [sflag:s5], $0x6400  }
0x1eb: {  	[sflag:s5] =	ssyncset.done $0x0  }
0x1ec: {  	[sflag:s5] =	ssyncadd.s32 $0xFFFF9C00  }
0x1ed: {  	[hbm4b:s20+s8] =	stream.strided.scatter [tilespmem:s12], [sflag:$0x3], $0x6400, s11, s8, $0x38;
	[tilespmem:$0xC800] =	vst v63  }
0x1ee: {  	_ =	swait.ge [sflag:s10], $0x6400  }
0x1ef: {  	[sflag:s10] =	ssyncset.done $0x0  }
0x1f0: {  	[sflag:s10] =	ssyncadd.s32 $0xFFFF9C00  }
0x1f1: {  	[tilespmem:s2], [sflag:$0x1] =	stream.strided.gather [hbm4b:s16+s8], $0x6400, s13, s8, $0x38;
	[tilespmem:$0xC800] =	vst v63  }
0x1f2: {  	_ =	swait.ge [sflag:s5], $0x6400  }
0x1f3: {  	[sflag:s5] =	ssyncset.done $0x0  }
0x1f4: {  	[sflag:s5] =	ssyncadd.s32 $0xFFFF9C00  }
0x1f5: {  	[hbm4b:s17+s8] =	stream.strided.scatter [tilespmem:s2], [sflag:$0x2], $0x6400, s11, s8, $0x38;
	[tilespmem:$0xC800] =	vst v63  }
0x1f6: {  	_ =	swait.ge [sflag:s6], $0x6400  }
0x1f7: {  	[sflag:s6] =	ssyncset.done $0x0  }
0x1f8: {  	[sflag:s6] =	ssyncadd.s32 $0xFFFF9C00  }
0x1f9: {  	[tilespmem:s12], [sflag:$0x1] =	stream.strided.gather [hbm4b:s14+s8], $0x6400, s13, s8, $0x38;
	[tilespmem:$0xC800] =	vst v63  }
0x1fa: {  	_ =	swait.ge [sflag:s5], $0x6400  }
0x1fb: {  	[sflag:s5] =	ssyncset.done $0x0  }
0x1fc: {  	[sflag:s5] =	ssyncadd.s32 $0xFFFF9C00  }
0x1fd: {  	[hbm4b:s15+s8] =	stream.strided.scatter [tilespmem:s12], [sflag:$0x3], $0x6400, s11, s8, $0x38;
	[tilespmem:$0xC800] =	vst v63  }
0x1fe: {  	_ =	swait.ge [sflag:s10], $0x6400  }
0x1ff: {  	[sflag:s10] =	ssyncset.done $0x0  }
0x200: {  	[sflag:s10] =	ssyncadd.s32 $0xFFFF9C00  }
0x201: {  	[tilespmem:s2], [sflag:$0x1] =	stream.strided.gather [hbm4b:s7+s8], $0x6400, s13, s8, $0x38;
	[tilespmem:$0xC800] =	vst v63  }
0x202: {  	_ =	swait.ge [sflag:s5], $0x6400  }
0x203: {  	[sflag:s5] =	ssyncset.done $0x0  }
0x204: {  	[sflag:s5] =	ssyncadd.s32 $0xFFFF9C00  }
0x205: {  	[hbm4b:s9+s8] =	stream.strided.scatter [tilespmem:s2], [sflag:$0x2], $0x6400, s11, s8, $0x38;
	[tilespmem:$0xC800] =	vst v63  }
0x206: {  	_ =	swait.ge [sflag:s6], $0x6400  }
0x207: {  	[sflag:s6] =	ssyncset.done $0x0  }
0x208: {  	[sflag:s6] =	ssyncadd.s32 $0xFFFF9C00  }
0x209: {  	[tilespmem:s12], [sflag:$0x1] =	stream.strided.gather [hbm4b:s3+s8], $0x6400, s13, s8, $0x38;
	[tilespmem:$0xC800] =	vst v63  }
0x20a: {  	_ =	swait.ge [sflag:s5], $0x6400  }
0x20b: {  	[sflag:s5] =	ssyncset.done $0x0  }
0x20c: {  	[sflag:s5] =	ssyncadd.s32 $0xFFFF9C00  }
0x20d: {  	[hbm4b:s4+s8] =	stream.strided.scatter [tilespmem:s12], [sflag:$0x3], $0x6400, s11, s8, $0x38;
	[tilespmem:$0xC800] =	vst v63  }
0x20e: {  	_ =	swait.ge [sflag:s10], $0x6400  }
0x20f: {  	s1 =	sld [smem:$0x7D0];
	_ =	sdelay $0x2  }
0x210: {  	p1 =	sne.s32 s1, $0x1  }
.Ltmp1:
0x211: {  	_ = 	snop;
	(pc) =	sbr.rel @!p1 .LBB2_3-.Ltmp1, $4  }
0x212: {  	[sflag:s10] =	ssyncset.done $0x0  }
0x213: {  	[sflag:s10] =	ssyncadd.s32 $0xFFFF9C00  }
0x214: {  	p0 =	por $0x1, $0x1;
	_ =	swait.ge [sflag:s6], $0x6400  }
0x215: {  	s1 =	sadd.s32 $0xFFFFFFFF, s1;
	s0 =	rddreg [dreg:$0x2];
	[sflag:s6] =	ssyncset.done $0x0  }
.LBB2_2:
0x216: {  	p1 =	sne.s32 s1, $0x1;
	s1 =	sadd.s32 $0xFFFFFFFF, s1;
	[sflag:s6] =	ssyncadd.s32 $0xFFFF9C00  }
0x217: {  	[tilespmem:s2], [sflag:$0x1] =	stream.strided.gather [hbm4b:s0+s8], $0x6400, s13, s8, $0x38;
	[tilespmem:$0xC800] =	vst v63  }
0x218: {  	s12 =	simm.s32 $0x640;
	s11 =	simm.s32 $0x0;
	s2 =	smov.u32 s1  }
0x219: {  	s1 =	smov.u32 s31;
	s31 =	smov.u32 s30;
	s30 =	smov.u32 s29  }
0x21a: {  	s29 =	smov.u32 s28;
	s28 =	smov.u32 s26;
	s26 =	smov.u32 s25  }
0x21b: {  	s25 =	smov.u32 s24;
	s24 =	smov.u32 s23;
	s23 =	smov.u32 s22  }
0x21c: {  	s22 =	smov.u32 s21;
	s21 =	smov.u32 s20;
	s20 =	smov.u32 s19  }
0x21d: {  	s19 =	smov.u32 s18;
	s18 =	smov.u32 s17;
	s17 =	smov.u32 s16  }
0x21e: {  	s16 =	smov.u32 s15;
	s15 =	smov.u32 s14;
	_ =	swait.ge [sflag:s5], $0x6400  }
0x21f: {  	s14 =	smov.u32 s9;
	s9 =	smov.u32 s7;
	[sflag:s5] =	ssyncset.done $0x0  }
0x220: {  	s7 =	smov.u32 s4;
	s0 =	rddreg [dreg:$0x3];
	[sflag:s5] =	ssyncadd.s32 $0xFFFF9C00  }
0x221: {  	[hbm4b:s0+s8] =	stream.strided.scatter [tilespmem:s11], [sflag:$0x2], $0x6400, s12, s8, $0x38;
	[tilespmem:$0xC800] =	vst v63  }
0x222: {  	s4 =	smov.u32 s3;
	s3 =	rddreg [dreg:$0x4];
	s12 =	simm.s32 $0x6400  }
0x223: {  	[tilespmem:s12], [sflag:$0x1] =	stream.strided.gather [hbm4b:s3+s8], $0x6400, s13, s8, $0x38;
	[tilespmem:$0xC800] =	vst v63  }
0x224: {  	s11 =	simm.s32 $0x640;
	s3 =	smov.u32 s4  }
0x225: {  	s4 =	smov.u32 s7;
	s7 =	smov.u32 s9;
	s9 =	smov.u32 s14  }
0x226: {  	s14 =	smov.u32 s15;
	s15 =	smov.u32 s16;
	s16 =	smov.u32 s17  }
0x227: {  	s17 =	smov.u32 s18;
	s18 =	smov.u32 s19;
	s19 =	smov.u32 s20  }
0x228: {  	s20 =	smov.u32 s21;
	s21 =	smov.u32 s22;
	s22 =	smov.u32 s23  }
0x229: {  	s23 =	smov.u32 s24;
	s24 =	smov.u32 s25;
	_ =	swait.ge [sflag:s5], $0x6400  }
0x22a: {  	s25 =	smov.u32 s26;
	s26 =	smov.u32 s28;
	[sflag:s5] =	ssyncset.done $0x0  }
0x22b: {  	s28 =	smov.u32 s29;
	s0 =	rddreg [dreg:$0x5];
	[sflag:s5] =	ssyncadd.s32 $0xFFFF9C00  }
0x22c: {  	[hbm4b:s0+s8] =	stream.strided.scatter [tilespmem:s12], [sflag:$0x3], $0x6400, s11, s8, $0x38;
	[tilespmem:$0xC800] =	vst v63  }
0x22d: {  	s29 =	smov.u32 s30;
	s30 =	smov.u32 s31;
	_ =	swait.ge [sflag:s10], $0x6400  }
0x22e: {  	s31 =	smov.u32 s1;
	s1 =	smov.u32 s2;
	[sflag:s10] =	ssyncset.done $0x0  }
0x22f: {  	s2 =	simm.s32 $0x0;
	s0 =	rddreg [dreg:$0x6];
	[sflag:s10] =	ssyncadd.s32 $0xFFFF9C00  }
0x230: {  	[tilespmem:s2], [sflag:$0x1] =	stream.strided.gather [hbm4b:s0+s8], $0x6400, s13, s8, $0x38;
	[tilespmem:$0xC800] =	vst v63  }
0x231: {  	_ =	swait.ge [sflag:s5], $0x6400  }
0x232: {  	[sflag:s5] =	ssyncset.done $0x0  }
0x233: {  	s0 =	rddreg [dreg:$0x7];
	[sflag:s5] =	ssyncadd.s32 $0xFFFF9C00  }
0x234: {  	[hbm4b:s0+s8] =	stream.strided.scatter [tilespmem:s2], [sflag:$0x2], $0x6400, s11, s8, $0x38;
	[tilespmem:$0xC800] =	vst v63  }
0x235: {  	_ =	swait.ge [sflag:s6], $0x6400  }
0x236: {  	[sflag:s6] =	ssyncset.done $0x0  }
0x237: {  	s0 =	rddreg [dreg:$0x8];
	[sflag:s6] =	ssyncadd.s32 $0xFFFF9C00  }
0x238: {  	[tilespmem:s12], [sflag:$0x1] =	stream.strided.gather [hbm4b:s0+s8], $0x6400, s13, s8, $0x38;
	[tilespmem:$0xC800] =	vst v63  }
0x239: {  	_ =	swait.ge [sflag:s5], $0x6400  }
0x23a: {  	[sflag:s5] =	ssyncset.done $0x0  }
0x23b: {  	s0 =	rddreg [dreg:$0x9];
	[sflag:s5] =	ssyncadd.s32 $0xFFFF9C00  }
0x23c: {  	[hbm4b:s0+s8] =	stream.strided.scatter [tilespmem:s12], [sflag:$0x3], $0x6400, s11, s8, $0x38;
	[tilespmem:$0xC800] =	vst v63  }
0x23d: {  	_ =	swait.ge [sflag:s10], $0x6400  }
0x23e: {  	[sflag:s10] =	ssyncset.done $0x0  }
0x23f: {  	s0 =	rddreg [dreg:$0xa];
	[sflag:s10] =	ssyncadd.s32 $0xFFFF9C00  }
0x240: {  	[tilespmem:s2], [sflag:$0x1] =	stream.strided.gather [hbm4b:s0+s8], $0x6400, s13, s8, $0x38;
	[tilespmem:$0xC800] =	vst v63  }
0x241: {  	_ =	swait.ge [sflag:s5], $0x6400  }
0x242: {  	[sflag:s5] =	ssyncset.done $0x0  }
0x243: {  	s0 =	rddreg [dreg:$0xb];
	[sflag:s5] =	ssyncadd.s32 $0xFFFF9C00  }
0x244: {  	[hbm4b:s0+s8] =	stream.strided.scatter [tilespmem:s2], [sflag:$0x2], $0x6400, s11, s8, $0x38;
	[tilespmem:$0xC800] =	vst v63  }
0x245: {  	_ =	swait.ge [sflag:s6], $0x6400  }
0x246: {  	[sflag:s6] =	ssyncset.done $0x0  }
0x247: {  	s0 =	rddreg [dreg:$0xc];
	[sflag:s6] =	ssyncadd.s32 $0xFFFF9C00  }
0x248: {  	[tilespmem:s12], [sflag:$0x1] =	stream.strided.gather [hbm4b:s0+s8], $0x6400, s13, s8, $0x38;
	[tilespmem:$0xC800] =	vst v63  }
0x249: {  	_ =	swait.ge [sflag:s5], $0x6400  }
0x24a: {  	[sflag:s5] =	ssyncset.done $0x0  }
0x24b: {  	s0 =	rddreg [dreg:$0xd];
	[sflag:s5] =	ssyncadd.s32 $0xFFFF9C00  }
0x24c: {  	[hbm4b:s0+s8] =	stream.strided.scatter [tilespmem:s12], [sflag:$0x3], $0x6400, s11, s8, $0x38;
	[tilespmem:$0xC800] =	vst v63  }
0x24d: {  	_ =	swait.ge [sflag:s10], $0x6400  }
0x24e: {  	[sflag:s10] =	ssyncset.done $0x0  }
0x24f: {  	s0 =	rddreg [dreg:$0xe];
	[sflag:s10] =	ssyncadd.s32 $0xFFFF9C00  }
0x250: {  	[tilespmem:s2], [sflag:$0x1] =	stream.strided.gather [hbm4b:s0+s8], $0x6400, s13, s8, $0x38;
	[tilespmem:$0xC800] =	vst v63  }
0x251: {  	_ =	swait.ge [sflag:s5], $0x6400  }
0x252: {  	[sflag:s5] =	ssyncset.done $0x0  }
0x253: {  	s0 =	rddreg [dreg:$0xf];
	[sflag:s5] =	ssyncadd.s32 $0xFFFF9C00  }
0x254: {  	[hbm4b:s0+s8] =	stream.strided.scatter [tilespmem:s2], [sflag:$0x2], $0x6400, s11, s8, $0x38;
	[tilespmem:$0xC800] =	vst v63  }
0x255: {  	_ =	swait.ge [sflag:s6], $0x6400  }
0x256: {  	[sflag:s6] =	ssyncset.done $0x0  }
0x257: {  	s0 =	rddreg [dreg:$0x10];
	[sflag:s6] =	ssyncadd.s32 $0xFFFF9C00  }
0x258: {  	[tilespmem:s12], [sflag:$0x1] =	stream.strided.gather [hbm4b:s0+s8], $0x6400, s13, s8, $0x38;
	[tilespmem:$0xC800] =	vst v63  }
0x259: {  	_ =	swait.ge [sflag:s5], $0x6400  }
0x25a: {  	[sflag:s5] =	ssyncset.done $0x0  }
0x25b: {  	s0 =	rddreg [dreg:$0x11];
	[sflag:s5] =	ssyncadd.s32 $0xFFFF9C00  }
0x25c: {  	[hbm4b:s0+s8] =	stream.strided.scatter [tilespmem:s12], [sflag:$0x3], $0x6400, s11, s8, $0x38;
	[tilespmem:$0xC800] =	vst v63  }
0x25d: {  	_ =	swait.ge [sflag:s10], $0x6400  }
0x25e: {  	[sflag:s10] =	ssyncset.done $0x0  }
0x25f: {  	s0 =	rddreg [dreg:$0x12];
	[sflag:s10] =	ssyncadd.s32 $0xFFFF9C00  }
0x260: {  	[tilespmem:s2], [sflag:$0x1] =	stream.strided.gather [hbm4b:s0+s8], $0x6400, s13, s8, $0x38;
	[tilespmem:$0xC800] =	vst v63  }
0x261: {  	_ =	swait.ge [sflag:s5], $0x6400  }
0x262: {  	[sflag:s5] =	ssyncset.done $0x0  }
0x263: {  	s0 =	rddreg [dreg:$0x13];
	[sflag:s5] =	ssyncadd.s32 $0xFFFF9C00  }
0x264: {  	[hbm4b:s0+s8] =	stream.strided.scatter [tilespmem:s2], [sflag:$0x2], $0x6400, s11, s8, $0x38;
	[tilespmem:$0xC800] =	vst v63  }
0x265: {  	_ =	swait.ge [sflag:s6], $0x6400  }
0x266: {  	[sflag:s6] =	ssyncset.done $0x0  }
0x267: {  	s0 =	rddreg [dreg:$0x14];
	[sflag:s6] =	ssyncadd.s32 $0xFFFF9C00  }
0x268: {  	[tilespmem:s12], [sflag:$0x1] =	stream.strided.gather [hbm4b:s0+s8], $0x6400, s13, s8, $0x38;
	[tilespmem:$0xC800] =	vst v63  }
0x269: {  	_ =	swait.ge [sflag:s5], $0x6400  }
0x26a: {  	[sflag:s5] =	ssyncset.done $0x0  }
0x26b: {  	s0 =	rddreg [dreg:$0x15];
	[sflag:s5] =	ssyncadd.s32 $0xFFFF9C00  }
0x26c: {  	[hbm4b:s0+s8] =	stream.strided.scatter [tilespmem:s12], [sflag:$0x3], $0x6400, s11, s8, $0x38;
	[tilespmem:$0xC800] =	vst v63  }
0x26d: {  	_ =	swait.ge [sflag:s10], $0x6400  }
0x26e: {  	[sflag:s10] =	ssyncset.done $0x0  }
0x26f: {  	s0 =	rddreg [dreg:$0x16];
	[sflag:s10] =	ssyncadd.s32 $0xFFFF9C00  }
0x270: {  	[tilespmem:s2], [sflag:$0x1] =	stream.strided.gather [hbm4b:s0+s8], $0x6400, s13, s8, $0x38;
	[tilespmem:$0xC800] =	vst v63  }
0x271: {  	_ =	swait.ge [sflag:s5], $0x6400  }
0x272: {  	[sflag:s5] =	ssyncset.done $0x0  }
0x273: {  	s0 =	rddreg [dreg:$0x17];
	[sflag:s5] =	ssyncadd.s32 $0xFFFF9C00  }
0x274: {  	[hbm4b:s0+s8] =	stream.strided.scatter [tilespmem:s2], [sflag:$0x2], $0x6400, s11, s8, $0x38;
	[tilespmem:$0xC800] =	vst v63  }
0x275: {  	_ =	swait.ge [sflag:s6], $0x6400  }
0x276: {  	[sflag:s6] =	ssyncset.done $0x0  }
0x277: {  	s0 =	rddreg [dreg:$0x18];
	[sflag:s6] =	ssyncadd.s32 $0xFFFF9C00  }
0x278: {  	[tilespmem:s12], [sflag:$0x1] =	stream.strided.gather [hbm4b:s0+s8], $0x6400, s13, s8, $0x38;
	[tilespmem:$0xC800] =	vst v63  }
0x279: {  	_ =	swait.ge [sflag:s5], $0x6400  }
0x27a: {  	[sflag:s5] =	ssyncset.done $0x0  }
0x27b: {  	s0 =	rddreg [dreg:$0x19];
	[sflag:s5] =	ssyncadd.s32 $0xFFFF9C00  }
0x27c: {  	[hbm4b:s0+s8] =	stream.strided.scatter [tilespmem:s12], [sflag:$0x3], $0x6400, s11, s8, $0x38;
	[tilespmem:$0xC800] =	vst v63  }
0x27d: {  	_ =	swait.ge [sflag:s10], $0x6400  }
0x27e: {  	[sflag:s10] =	ssyncset.done $0x0  }
0x27f: {  	s0 =	rddreg [dreg:$0x1a];
	[sflag:s10] =	ssyncadd.s32 $0xFFFF9C00  }
0x280: {  	[tilespmem:s2], [sflag:$0x1] =	stream.strided.gather [hbm4b:s0+s8], $0x6400, s13, s8, $0x38;
	[tilespmem:$0xC800] =	vst v63  }
0x281: {  	_ =	swait.ge [sflag:s5], $0x6400  }
0x282: {  	[sflag:s5] =	ssyncset.done $0x0  }
0x283: {  	s0 =	rddreg [dreg:$0x1b];
	[sflag:s5] =	ssyncadd.s32 $0xFFFF9C00  }
0x284: {  	[hbm4b:s0+s8] =	stream.strided.scatter [tilespmem:s2], [sflag:$0x2], $0x6400, s11, s8, $0x38;
	[tilespmem:$0xC800] =	vst v63  }
0x285: {  	_ =	swait.ge [sflag:s6], $0x6400  }
0x286: {  	[sflag:s6] =	ssyncset.done $0x0  }
0x287: {  	s0 =	rddreg [dreg:$0x1c];
	[sflag:s6] =	ssyncadd.s32 $0xFFFF9C00  }
0x288: {  	[tilespmem:s12], [sflag:$0x1] =	stream.strided.gather [hbm4b:s0+s8], $0x6400, s13, s8, $0x38;
	[tilespmem:$0xC800] =	vst v63  }
0x289: {  	_ =	swait.ge [sflag:s5], $0x6400  }
0x28a: {  	[sflag:s5] =	ssyncset.done $0x0  }
0x28b: {  	s0 =	rddreg [dreg:$0x1d];
	[sflag:s5] =	ssyncadd.s32 $0xFFFF9C00  }
0x28c: {  	[hbm4b:s0+s8] =	stream.strided.scatter [tilespmem:s12], [sflag:$0x3], $0x6400, s11, s8, $0x38;
	[tilespmem:$0xC800] =	vst v63  }
0x28d: {  	_ =	swait.ge [sflag:s10], $0x6400  }
0x28e: {  	[sflag:s10] =	ssyncset.done $0x0  }
0x28f: {  	s0 =	rddreg [dreg:$0x1e];
	[sflag:s10] =	ssyncadd.s32 $0xFFFF9C00  }
0x290: {  	[tilespmem:s2], [sflag:$0x1] =	stream.strided.gather [hbm4b:s0+s8], $0x6400, s13, s8, $0x38;
	[tilespmem:$0xC800] =	vst v63  }
0x291: {  	_ =	swait.ge [sflag:s5], $0x6400  }
0x292: {  	[sflag:s5] =	ssyncset.done $0x0  }
0x293: {  	s0 =	rddreg [dreg:$0x1f];
	[sflag:s5] =	ssyncadd.s32 $0xFFFF9C00  }
0x294: {  	[hbm4b:s0+s8] =	stream.strided.scatter [tilespmem:s2], [sflag:$0x2], $0x6400, s11, s8, $0x38;
	[tilespmem:$0xC800] =	vst v63  }
0x295: {  	_ =	swait.ge [sflag:s6], $0x6400  }
0x296: {  	s0 =	sld [smem:$0x7D1]  }
0x297: {  	[sflag:s6] =	ssyncset.done $0x0  }
0x298: {  	[sflag:s6] =	ssyncadd.s32 $0xFFFF9C00  }
0x299: {  	[tilespmem:s12], [sflag:$0x1] =	stream.strided.gather [hbm4b:s0+s8], $0x6400, s13, s8, $0x38;
	[tilespmem:$0xC800] =	vst v63  }
0x29a: {  	_ =	swait.ge [sflag:s5], $0x6400  }
0x29b: {  	s0 =	sld [smem:$0x7D2]  }
0x29c: {  	[sflag:s5] =	ssyncset.done $0x0  }
0x29d: {  	[sflag:s5] =	ssyncadd.s32 $0xFFFF9C00  }
0x29e: {  	[hbm4b:s0+s8] =	stream.strided.scatter [tilespmem:s12], [sflag:$0x3], $0x6400, s11, s8, $0x38;
	[tilespmem:$0xC800] =	vst v63  }
0x29f: {  	_ =	swait.ge [sflag:s10], $0x6400  }
0x2a0: {  	s0 =	sld [smem:$0x7D3]  }
0x2a1: {  	[sflag:s10] =	ssyncset.done $0x0  }
0x2a2: {  	[sflag:s10] =	ssyncadd.s32 $0xFFFF9C00  }
0x2a3: {  	[tilespmem:s2], [sflag:$0x1] =	stream.strided.gather [hbm4b:s0+s8], $0x6400, s13, s8, $0x38;
	[tilespmem:$0xC800] =	vst v63  }
0x2a4: {  	_ =	swait.ge [sflag:s5], $0x6400  }
0x2a5: {  	s0 =	sld [smem:$0x7D4]  }
0x2a6: {  	[sflag:s5] =	ssyncset.done $0x0  }
0x2a7: {  	[sflag:s5] =	ssyncadd.s32 $0xFFFF9C00  }
0x2a8: {  	[hbm4b:s0+s8] =	stream.strided.scatter [tilespmem:s2], [sflag:$0x2], $0x6400, s11, s8, $0x38;
	[tilespmem:$0xC800] =	vst v63  }
0x2a9: {  	_ =	swait.ge [sflag:s6], $0x6400  }
0x2aa: {  	s0 =	sld [smem:$0x7D5]  }
0x2ab: {  	[sflag:s6] =	ssyncset.done $0x0  }
0x2ac: {  	[sflag:s6] =	ssyncadd.s32 $0xFFFF9C00  }
0x2ad: {  	[tilespmem:s12], [sflag:$0x1] =	stream.strided.gather [hbm4b:s0+s8], $0x6400, s13, s8, $0x38;
	[tilespmem:$0xC800] =	vst v63  }
0x2ae: {  	_ =	swait.ge [sflag:s5], $0x6400  }
0x2af: {  	s0 =	sld [smem:$0x7D6]  }
0x2b0: {  	[sflag:s5] =	ssyncset.done $0x0  }
0x2b1: {  	[sflag:s5] =	ssyncadd.s32 $0xFFFF9C00  }
0x2b2: {  	[hbm4b:s0+s8] =	stream.strided.scatter [tilespmem:s12], [sflag:$0x3], $0x6400, s11, s8, $0x38;
	[tilespmem:$0xC800] =	vst v63  }
0x2b3: {  	_ =	swait.ge [sflag:s10], $0x6400  }
0x2b4: {  	s0 =	sld [smem:$0x7D7]  }
0x2b5: {  	[sflag:s10] =	ssyncset.done $0x0  }
0x2b6: {  	[sflag:s10] =	ssyncadd.s32 $0xFFFF9C00  }
0x2b7: {  	[tilespmem:s2], [sflag:$0x1] =	stream.strided.gather [hbm4b:s0+s8], $0x6400, s13, s8, $0x38;
	[tilespmem:$0xC800] =	vst v63  }
0x2b8: {  	_ =	swait.ge [sflag:s5], $0x6400  }
0x2b9: {  	s0 =	sld [smem:$0x7D8]  }
0x2ba: {  	[sflag:s5] =	ssyncset.done $0x0  }
0x2bb: {  	[sflag:s5] =	ssyncadd.s32 $0xFFFF9C00  }
0x2bc: {  	[hbm4b:s0+s8] =	stream.strided.scatter [tilespmem:s2], [sflag:$0x2], $0x6400, s11, s8, $0x38;
	[tilespmem:$0xC800] =	vst v63  }
0x2bd: {  	_ =	swait.ge [sflag:s6], $0x6400  }
0x2be: {  	s0 =	sld [smem:$0x7D9]  }
0x2bf: {  	[sflag:s6] =	ssyncset.done $0x0  }
0x2c0: {  	[sflag:s6] =	ssyncadd.s32 $0xFFFF9C00  }
0x2c1: {  	[tilespmem:s12], [sflag:$0x1] =	stream.strided.gather [hbm4b:s0+s8], $0x6400, s13, s8, $0x38;
	[tilespmem:$0xC800] =	vst v63  }
0x2c2: {  	_ =	swait.ge [sflag:s5], $0x6400  }
0x2c3: {  	s0 =	sld [smem:$0x7DA]  }
0x2c4: {  	[sflag:s5] =	ssyncset.done $0x0  }
0x2c5: {  	[sflag:s5] =	ssyncadd.s32 $0xFFFF9C00  }
0x2c6: {  	[hbm4b:s0+s8] =	stream.strided.scatter [tilespmem:s12], [sflag:$0x3], $0x6400, s11, s8, $0x38;
	[tilespmem:$0xC800] =	vst v63  }
0x2c7: {  	_ =	swait.ge [sflag:s10], $0x6400  }
0x2c8: {  	s0 =	sld [smem:$0x7DB]  }
0x2c9: {  	[sflag:s10] =	ssyncset.done $0x0  }
0x2ca: {  	[sflag:s10] =	ssyncadd.s32 $0xFFFF9C00  }
0x2cb: {  	[tilespmem:s2], [sflag:$0x1] =	stream.strided.gather [hbm4b:s0+s8], $0x6400, s13, s8, $0x38;
	[tilespmem:$0xC800] =	vst v63  }
0x2cc: {  	_ =	swait.ge [sflag:s5], $0x6400  }
0x2cd: {  	s0 =	sld [smem:$0x7DC]  }
0x2ce: {  	[sflag:s5] =	ssyncset.done $0x0  }
0x2cf: {  	[sflag:s5] =	ssyncadd.s32 $0xFFFF9C00  }
0x2d0: {  	[hbm4b:s0+s8] =	stream.strided.scatter [tilespmem:s2], [sflag:$0x2], $0x6400, s11, s8, $0x38;
	[tilespmem:$0xC800] =	vst v63  }
0x2d1: {  	_ =	swait.ge [sflag:s6], $0x6400  }
0x2d2: {  	s0 =	sld [smem:$0x7DD]  }
0x2d3: {  	[sflag:s6] =	ssyncset.done $0x0  }
0x2d4: {  	[sflag:s6] =	ssyncadd.s32 $0xFFFF9C00  }
0x2d5: {  	[tilespmem:s12], [sflag:$0x1] =	stream.strided.gather [hbm4b:s0+s8], $0x6400, s13, s8, $0x38;
	[tilespmem:$0xC800] =	vst v63  }
0x2d6: {  	_ =	swait.ge [sflag:s5], $0x6400  }
0x2d7: {  	s0 =	sld [smem:$0x7DE]  }
0x2d8: {  	[sflag:s5] =	ssyncset.done $0x0  }
0x2d9: {  	[sflag:s5] =	ssyncadd.s32 $0xFFFF9C00  }
0x2da: {  	[hbm4b:s0+s8] =	stream.strided.scatter [tilespmem:s12], [sflag:$0x3], $0x6400, s11, s8, $0x38;
	[tilespmem:$0xC800] =	vst v63  }
0x2db: {  	_ =	swait.ge [sflag:s10], $0x6400  }
0x2dc: {  	s0 =	sld [smem:$0x7DF]  }
0x2dd: {  	[sflag:s10] =	ssyncset.done $0x0  }
0x2de: {  	[sflag:s10] =	ssyncadd.s32 $0xFFFF9C00  }
0x2df: {  	[tilespmem:s2], [sflag:$0x1] =	stream.strided.gather [hbm4b:s0+s8], $0x6400, s13, s8, $0x38;
	[tilespmem:$0xC800] =	vst v63  }
0x2e0: {  	_ =	swait.ge [sflag:s5], $0x6400  }
0x2e1: {  	s0 =	sld [smem:$0x7E0]  }
0x2e2: {  	[sflag:s5] =	ssyncset.done $0x0  }
0x2e3: {  	[sflag:s5] =	ssyncadd.s32 $0xFFFF9C00  }
0x2e4: {  	[hbm4b:s0+s8] =	stream.strided.scatter [tilespmem:s2], [sflag:$0x2], $0x6400, s11, s8, $0x38;
	[tilespmem:$0xC800] =	vst v63  }
0x2e5: {  	_ =	swait.ge [sflag:s6], $0x6400  }
0x2e6: {  	s0 =	sld [smem:$0x7E1]  }
0x2e7: {  	[sflag:s6] =	ssyncset.done $0x0  }
0x2e8: {  	[sflag:s6] =	ssyncadd.s32 $0xFFFF9C00  }
0x2e9: {  	[tilespmem:s12], [sflag:$0x1] =	stream.strided.gather [hbm4b:s0+s8], $0x6400, s13, s8, $0x38;
	[tilespmem:$0xC800] =	vst v63  }
0x2ea: {  	_ =	swait.ge [sflag:s5], $0x6400  }
0x2eb: {  	s0 =	sld [smem:$0x7E2]  }
0x2ec: {  	[sflag:s5] =	ssyncset.done $0x0  }
0x2ed: {  	[sflag:s5] =	ssyncadd.s32 $0xFFFF9C00  }
0x2ee: {  	[hbm4b:s0+s8] =	stream.strided.scatter [tilespmem:s12], [sflag:$0x3], $0x6400, s11, s8, $0x38;
	[tilespmem:$0xC800] =	vst v63  }
0x2ef: {  	_ =	swait.ge [sflag:s10], $0x6400  }
0x2f0: {  	s0 =	sld [smem:$0x7E3]  }
0x2f1: {  	[sflag:s10] =	ssyncset.done $0x0  }
0x2f2: {  	[sflag:s10] =	ssyncadd.s32 $0xFFFF9C00  }
0x2f3: {  	[tilespmem:s2], [sflag:$0x1] =	stream.strided.gather [hbm4b:s0+s8], $0x6400, s13, s8, $0x38;
	[tilespmem:$0xC800] =	vst v63  }
0x2f4: {  	_ =	swait.ge [sflag:s5], $0x6400  }
0x2f5: {  	s0 =	sld [smem:$0x7E4]  }
0x2f6: {  	[sflag:s5] =	ssyncset.done $0x0  }
0x2f7: {  	[sflag:s5] =	ssyncadd.s32 $0xFFFF9C00  }
0x2f8: {  	[hbm4b:s0+s8] =	stream.strided.scatter [tilespmem:s2], [sflag:$0x2], $0x6400, s11, s8, $0x38;
	[tilespmem:$0xC800] =	vst v63  }
0x2f9: {  	_ =	swait.ge [sflag:s6], $0x6400  }
0x2fa: {  	s0 =	sld [smem:$0x7E5]  }
0x2fb: {  	[sflag:s6] =	ssyncset.done $0x0  }
0x2fc: {  	[sflag:s6] =	ssyncadd.s32 $0xFFFF9C00  }
0x2fd: {  	[tilespmem:s12], [sflag:$0x1] =	stream.strided.gather [hbm4b:s0+s8], $0x6400, s13, s8, $0x38;
	[tilespmem:$0xC800] =	vst v63  }
0x2fe: {  	_ =	swait.ge [sflag:s5], $0x6400  }
0x2ff: {  	s0 =	sld [smem:$0x7E6]  }
0x300: {  	[sflag:s5] =	ssyncset.done $0x0  }
0x301: {  	[sflag:s5] =	ssyncadd.s32 $0xFFFF9C00  }
0x302: {  	[hbm4b:s0+s8] =	stream.strided.scatter [tilespmem:s12], [sflag:$0x3], $0x6400, s11, s8, $0x38;
	[tilespmem:$0xC800] =	vst v63  }
0x303: {  	_ =	swait.ge [sflag:s10], $0x6400  }
0x304: {  	s0 =	sld [smem:$0x7E7]  }
0x305: {  	[sflag:s10] =	ssyncset.done $0x0  }
0x306: {  	[sflag:s10] =	ssyncadd.s32 $0xFFFF9C00  }
0x307: {  	[tilespmem:s2], [sflag:$0x1] =	stream.strided.gather [hbm4b:s0+s8], $0x6400, s13, s8, $0x38;
	[tilespmem:$0xC800] =	vst v63  }
0x308: {  	_ =	swait.ge [sflag:s5], $0x6400  }
0x309: {  	s0 =	sld [smem:$0x7E8]  }
0x30a: {  	[sflag:s5] =	ssyncset.done $0x0  }
0x30b: {  	[sflag:s5] =	ssyncadd.s32 $0xFFFF9C00  }
0x30c: {  	[hbm4b:s0+s8] =	stream.strided.scatter [tilespmem:s2], [sflag:$0x2], $0x6400, s11, s8, $0x38;
	[tilespmem:$0xC800] =	vst v63  }
0x30d: {  	_ =	swait.ge [sflag:s6], $0x6400  }
0x30e: {  	s0 =	sld [smem:$0x7E9]  }
0x30f: {  	[sflag:s6] =	ssyncset.done $0x0  }
0x310: {  	[sflag:s6] =	ssyncadd.s32 $0xFFFF9C00  }
0x311: {  	[tilespmem:s12], [sflag:$0x1] =	stream.strided.gather [hbm4b:s0+s8], $0x6400, s13, s8, $0x38;
	[tilespmem:$0xC800] =	vst v63  }
0x312: {  	_ =	swait.ge [sflag:s5], $0x6400  }
0x313: {  	s0 =	sld [smem:$0x7EA]  }
0x314: {  	[sflag:s5] =	ssyncset.done $0x0  }
0x315: {  	[sflag:s5] =	ssyncadd.s32 $0xFFFF9C00  }
0x316: {  	[hbm4b:s0+s8] =	stream.strided.scatter [tilespmem:s12], [sflag:$0x3], $0x6400, s11, s8, $0x38;
	[tilespmem:$0xC800] =	vst v63  }
0x317: {  	_ =	swait.ge [sflag:s10], $0x6400  }
0x318: {  	s0 =	sld [smem:$0x7EB]  }
0x319: {  	[sflag:s10] =	ssyncset.done $0x0  }
0x31a: {  	[sflag:s10] =	ssyncadd.s32 $0xFFFF9C00  }
0x31b: {  	[tilespmem:s2], [sflag:$0x1] =	stream.strided.gather [hbm4b:s0+s8], $0x6400, s13, s8, $0x38;
	[tilespmem:$0xC800] =	vst v63  }
0x31c: {  	_ =	swait.ge [sflag:s5], $0x6400  }
0x31d: {  	s0 =	sld [smem:$0x7EC]  }
0x31e: {  	[sflag:s5] =	ssyncset.done $0x0  }
0x31f: {  	[sflag:s5] =	ssyncadd.s32 $0xFFFF9C00  }
0x320: {  	[hbm4b:s0+s8] =	stream.strided.scatter [tilespmem:s2], [sflag:$0x2], $0x6400, s11, s8, $0x38;
	[tilespmem:$0xC800] =	vst v63  }
0x321: {  	_ =	swait.ge [sflag:s6], $0x6400  }
0x322: {  	s0 =	sld [smem:$0x7ED]  }
0x323: {  	[sflag:s6] =	ssyncset.done $0x0  }
0x324: {  	[sflag:s6] =	ssyncadd.s32 $0xFFFF9C00  }
0x325: {  	[tilespmem:s12], [sflag:$0x1] =	stream.strided.gather [hbm4b:s0+s8], $0x6400, s13, s8, $0x38;
	[tilespmem:$0xC800] =	vst v63  }
0x326: {  	_ =	swait.ge [sflag:s5], $0x6400  }
0x327: {  	s0 =	sld [smem:$0x7EE]  }
0x328: {  	[sflag:s5] =	ssyncset.done $0x0  }
0x329: {  	[sflag:s5] =	ssyncadd.s32 $0xFFFF9C00  }
0x32a: {  	[hbm4b:s0+s8] =	stream.strided.scatter [tilespmem:s12], [sflag:$0x3], $0x6400, s11, s8, $0x38;
	[tilespmem:$0xC800] =	vst v63  }
0x32b: {  	_ =	swait.ge [sflag:s10], $0x6400  }
0x32c: {  	s0 =	sld [smem:$0x7EF]  }
0x32d: {  	[sflag:s10] =	ssyncset.done $0x0  }
0x32e: {  	[sflag:s10] =	ssyncadd.s32 $0xFFFF9C00  }
0x32f: {  	[tilespmem:s2], [sflag:$0x1] =	stream.strided.gather [hbm4b:s0+s8], $0x6400, s13, s8, $0x38;
	[tilespmem:$0xC800] =	vst v63  }
0x330: {  	_ =	swait.ge [sflag:s5], $0x6400  }
0x331: {  	s0 =	sld [smem:$0x7F0]  }
0x332: {  	[sflag:s5] =	ssyncset.done $0x0  }
0x333: {  	[sflag:s5] =	ssyncadd.s32 $0xFFFF9C00  }
0x334: {  	[hbm4b:s0+s8] =	stream.strided.scatter [tilespmem:s2], [sflag:$0x2], $0x6400, s11, s8, $0x38;
	[tilespmem:$0xC800] =	vst v63  }
0x335: {  	_ =	swait.ge [sflag:s6], $0x6400  }
0x336: {  	s0 =	sld [smem:$0x7F1]  }
0x337: {  	[sflag:s6] =	ssyncset.done $0x0  }
0x338: {  	[sflag:s6] =	ssyncadd.s32 $0xFFFF9C00  }
0x339: {  	[tilespmem:s12], [sflag:$0x1] =	stream.strided.gather [hbm4b:s0+s8], $0x6400, s13, s8, $0x38;
	[tilespmem:$0xC800] =	vst v63  }
0x33a: {  	_ =	swait.ge [sflag:s5], $0x6400  }
0x33b: {  	s0 =	sld [smem:$0x7F2]  }
0x33c: {  	[sflag:s5] =	ssyncset.done $0x0  }
0x33d: {  	[sflag:s5] =	ssyncadd.s32 $0xFFFF9C00  }
0x33e: {  	[hbm4b:s0+s8] =	stream.strided.scatter [tilespmem:s12], [sflag:$0x3], $0x6400, s11, s8, $0x38;
	[tilespmem:$0xC800] =	vst v63  }
0x33f: {  	_ =	swait.ge [sflag:s10], $0x6400  }
0x340: {  	s0 =	sld [smem:$0x7F3]  }
0x341: {  	[sflag:s10] =	ssyncset.done $0x0  }
0x342: {  	[sflag:s10] =	ssyncadd.s32 $0xFFFF9C00  }
0x343: {  	[tilespmem:s2], [sflag:$0x1] =	stream.strided.gather [hbm4b:s0+s8], $0x6400, s13, s8, $0x38;
	[tilespmem:$0xC800] =	vst v63  }
0x344: {  	_ =	swait.ge [sflag:s5], $0x6400  }
0x345: {  	s0 =	sld [smem:$0x7F4]  }
0x346: {  	[sflag:s5] =	ssyncset.done $0x0  }
0x347: {  	[sflag:s5] =	ssyncadd.s32 $0xFFFF9C00  }
0x348: {  	[hbm4b:s0+s8] =	stream.strided.scatter [tilespmem:s2], [sflag:$0x2], $0x6400, s11, s8, $0x38;
	[tilespmem:$0xC800] =	vst v63  }
0x349: {  	_ =	swait.ge [sflag:s6], $0x6400  }
0x34a: {  	s0 =	sld [smem:$0x7F5]  }
0x34b: {  	[sflag:s6] =	ssyncset.done $0x0  }
0x34c: {  	[sflag:s6] =	ssyncadd.s32 $0xFFFF9C00  }
0x34d: {  	[tilespmem:s12], [sflag:$0x1] =	stream.strided.gather [hbm4b:s0+s8], $0x6400, s13, s8, $0x38;
	[tilespmem:$0xC800] =	vst v63  }
0x34e: {  	_ =	swait.ge [sflag:s5], $0x6400  }
0x34f: {  	s0 =	sld [smem:$0x7F6]  }
0x350: {  	[sflag:s5] =	ssyncset.done $0x0  }
0x351: {  	[sflag:s5] =	ssyncadd.s32 $0xFFFF9C00  }
0x352: {  	[hbm4b:s0+s8] =	stream.strided.scatter [tilespmem:s12], [sflag:$0x3], $0x6400, s11, s8, $0x38;
	[tilespmem:$0xC800] =	vst v63  }
0x353: {  	_ =	swait.ge [sflag:s10], $0x6400  }
0x354: {  	s0 =	sld [smem:$0x7F7]  }
0x355: {  	[sflag:s10] =	ssyncset.done $0x0  }
0x356: {  	[sflag:s10] =	ssyncadd.s32 $0xFFFF9C00  }
0x357: {  	[tilespmem:s2], [sflag:$0x1] =	stream.strided.gather [hbm4b:s0+s8], $0x6400, s13, s8, $0x38;
	[tilespmem:$0xC800] =	vst v63  }
0x358: {  	_ =	swait.ge [sflag:s5], $0x6400  }
0x359: {  	s0 =	sld [smem:$0x7F8]  }
0x35a: {  	[sflag:s5] =	ssyncset.done $0x0  }
0x35b: {  	[sflag:s5] =	ssyncadd.s32 $0xFFFF9C00  }
0x35c: {  	[hbm4b:s0+s8] =	stream.strided.scatter [tilespmem:s2], [sflag:$0x2], $0x6400, s11, s8, $0x38;
	[tilespmem:$0xC800] =	vst v63  }
0x35d: {  	_ =	swait.ge [sflag:s6], $0x6400  }
0x35e: {  	s0 =	sld [smem:$0x7F9]  }
0x35f: {  	[sflag:s6] =	ssyncset.done $0x0  }
0x360: {  	[sflag:s6] =	ssyncadd.s32 $0xFFFF9C00  }
0x361: {  	[tilespmem:s12], [sflag:$0x1] =	stream.strided.gather [hbm4b:s0+s8], $0x6400, s13, s8, $0x38;
	[tilespmem:$0xC800] =	vst v63  }
0x362: {  	_ =	swait.ge [sflag:s5], $0x6400  }
0x363: {  	s0 =	sld [smem:$0x7FA]  }
0x364: {  	[sflag:s5] =	ssyncset.done $0x0  }
0x365: {  	[sflag:s5] =	ssyncadd.s32 $0xFFFF9C00  }
0x366: {  	[hbm4b:s0+s8] =	stream.strided.scatter [tilespmem:s12], [sflag:$0x3], $0x6400, s11, s8, $0x38;
	[tilespmem:$0xC800] =	vst v63  }
0x367: {  	_ =	swait.ge [sflag:s10], $0x6400  }
0x368: {  	s0 =	sld [smem:$0x7FB]  }
0x369: {  	[sflag:s10] =	ssyncset.done $0x0  }
0x36a: {  	[sflag:s10] =	ssyncadd.s32 $0xFFFF9C00  }
0x36b: {  	[tilespmem:s2], [sflag:$0x1] =	stream.strided.gather [hbm4b:s0+s8], $0x6400, s13, s8, $0x38;
	[tilespmem:$0xC800] =	vst v63  }
0x36c: {  	_ =	swait.ge [sflag:s5], $0x6400  }
0x36d: {  	s0 =	sld [smem:$0x7FC]  }
0x36e: {  	[sflag:s5] =	ssyncset.done $0x0  }
0x36f: {  	[sflag:s5] =	ssyncadd.s32 $0xFFFF9C00  }
0x370: {  	[hbm4b:s0+s8] =	stream.strided.scatter [tilespmem:s2], [sflag:$0x2], $0x6400, s11, s8, $0x38;
	[tilespmem:$0xC800] =	vst v63  }
0x371: {  	_ =	swait.ge [sflag:s6], $0x6400  }
0x372: {  	s0 =	sld [smem:$0x7FD]  }
0x373: {  	[sflag:s6] =	ssyncset.done $0x0  }
0x374: {  	[sflag:s6] =	ssyncadd.s32 $0xFFFF9C00  }
0x375: {  	[tilespmem:s12], [sflag:$0x1] =	stream.strided.gather [hbm4b:s0+s8], $0x6400, s13, s8, $0x38;
	[tilespmem:$0xC800] =	vst v63  }
0x376: {  	_ =	swait.ge [sflag:s5], $0x6400  }
0x377: {  	[sflag:s5] =	ssyncset.done $0x0  }
0x378: {  	[sflag:s5] =	ssyncadd.s32 $0xFFFF9C00  }
0x379: {  	[hbm4b:s31+s8] =	stream.strided.scatter [tilespmem:s12], [sflag:$0x3], $0x6400, s11, s8, $0x38;
	[tilespmem:$0xC800] =	vst v63  }
0x37a: {  	_ =	swait.ge [sflag:s10], $0x6400  }
0x37b: {  	[sflag:s10] =	ssyncset.done $0x0  }
0x37c: {  	[sflag:s10] =	ssyncadd.s32 $0xFFFF9C00  }
0x37d: {  	[tilespmem:s2], [sflag:$0x1] =	stream.strided.gather [hbm4b:s30+s8], $0x6400, s13, s8, $0x38;
	[tilespmem:$0xC800] =	vst v63  }
0x37e: {  	_ =	swait.ge [sflag:s5], $0x6400  }
0x37f: {  	[sflag:s5] =	ssyncset.done $0x0  }
0x380: {  	[sflag:s5] =	ssyncadd.s32 $0xFFFF9C00  }
0x381: {  	[hbm4b:s29+s8] =	stream.strided.scatter [tilespmem:s2], [sflag:$0x2], $0x6400, s11, s8, $0x38;
	[tilespmem:$0xC800] =	vst v63  }
0x382: {  	_ =	swait.ge [sflag:s6], $0x6400  }
0x383: {  	[sflag:s6] =	ssyncset.done $0x0  }
0x384: {  	[sflag:s6] =	ssyncadd.s32 $0xFFFF9C00  }
0x385: {  	[tilespmem:s12], [sflag:$0x1] =	stream.strided.gather [hbm4b:s28+s8], $0x6400, s13, s8, $0x38;
	[tilespmem:$0xC800] =	vst v63  }
0x386: {  	_ =	swait.ge [sflag:s5], $0x6400  }
0x387: {  	[sflag:s5] =	ssyncset.done $0x0  }
0x388: {  	[sflag:s5] =	ssyncadd.s32 $0xFFFF9C00  }
0x389: {  	[hbm4b:s26+s8] =	stream.strided.scatter [tilespmem:s12], [sflag:$0x3], $0x6400, s11, s8, $0x38;
	[tilespmem:$0xC800] =	vst v63  }
0x38a: {  	_ =	swait.ge [sflag:s10], $0x6400  }
0x38b: {  	[sflag:s10] =	ssyncset.done $0x0  }
0x38c: {  	[sflag:s10] =	ssyncadd.s32 $0xFFFF9C00  }
0x38d: {  	[tilespmem:s2], [sflag:$0x1] =	stream.strided.gather [hbm4b:s25+s8], $0x6400, s13, s8, $0x38;
	[tilespmem:$0xC800] =	vst v63  }
0x38e: {  	_ =	swait.ge [sflag:s5], $0x6400  }
0x38f: {  	[sflag:s5] =	ssyncset.done $0x0  }
0x390: {  	[sflag:s5] =	ssyncadd.s32 $0xFFFF9C00  }
0x391: {  	[hbm4b:s24+s8] =	stream.strided.scatter [tilespmem:s2], [sflag:$0x2], $0x6400, s11, s8, $0x38;
	[tilespmem:$0xC800] =	vst v63  }
0x392: {  	_ =	swait.ge [sflag:s6], $0x6400  }
0x393: {  	[sflag:s6] =	ssyncset.done $0x0  }
0x394: {  	[sflag:s6] =	ssyncadd.s32 $0xFFFF9C00  }
0x395: {  	[tilespmem:s12], [sflag:$0x1] =	stream.strided.gather [hbm4b:s23+s8], $0x6400, s13, s8, $0x38;
	[tilespmem:$0xC800] =	vst v63  }
0x396: {  	_ =	swait.ge [sflag:s5], $0x6400  }
0x397: {  	[sflag:s5] =	ssyncset.done $0x0  }
0x398: {  	[sflag:s5] =	ssyncadd.s32 $0xFFFF9C00  }
0x399: {  	[hbm4b:s22+s8] =	stream.strided.scatter [tilespmem:s12], [sflag:$0x3], $0x6400, s11, s8, $0x38;
	[tilespmem:$0xC800] =	vst v63  }
0x39a: {  	_ =	swait.ge [sflag:s10], $0x6400  }
0x39b: {  	[sflag:s10] =	ssyncset.done $0x0  }
0x39c: {  	[sflag:s10] =	ssyncadd.s32 $0xFFFF9C00  }
0x39d: {  	[tilespmem:s2], [sflag:$0x1] =	stream.strided.gather [hbm4b:s21+s8], $0x6400, s13, s8, $0x38;
	[tilespmem:$0xC800] =	vst v63  }
0x39e: {  	_ =	swait.ge [sflag:s5], $0x6400  }
0x39f: {  	[sflag:s5] =	ssyncset.done $0x0  }
0x3a0: {  	[sflag:s5] =	ssyncadd.s32 $0xFFFF9C00  }
0x3a1: {  	[hbm4b:s19+s8] =	stream.strided.scatter [tilespmem:s2], [sflag:$0x2], $0x6400, s11, s8, $0x38;
	[tilespmem:$0xC800] =	vst v63  }
0x3a2: {  	_ =	swait.ge [sflag:s6], $0x6400  }
0x3a3: {  	[sflag:s6] =	ssyncset.done $0x0  }
0x3a4: {  	[sflag:s6] =	ssyncadd.s32 $0xFFFF9C00  }
0x3a5: {  	[tilespmem:s12], [sflag:$0x1] =	stream.strided.gather [hbm4b:s18+s8], $0x6400, s13, s8, $0x38;
	[tilespmem:$0xC800] =	vst v63  }
0x3a6: {  	_ =	swait.ge [sflag:s5], $0x6400  }
0x3a7: {  	[sflag:s5] =	ssyncset.done $0x0  }
0x3a8: {  	[sflag:s5] =	ssyncadd.s32 $0xFFFF9C00  }
0x3a9: {  	[hbm4b:s20+s8] =	stream.strided.scatter [tilespmem:s12], [sflag:$0x3], $0x6400, s11, s8, $0x38;
	[tilespmem:$0xC800] =	vst v63  }
0x3aa: {  	_ =	swait.ge [sflag:s10], $0x6400  }
0x3ab: {  	[sflag:s10] =	ssyncset.done $0x0  }
0x3ac: {  	[sflag:s10] =	ssyncadd.s32 $0xFFFF9C00  }
0x3ad: {  	[tilespmem:s2], [sflag:$0x1] =	stream.strided.gather [hbm4b:s16+s8], $0x6400, s13, s8, $0x38;
	[tilespmem:$0xC800] =	vst v63  }
0x3ae: {  	_ =	swait.ge [sflag:s5], $0x6400  }
0x3af: {  	[sflag:s5] =	ssyncset.done $0x0  }
0x3b0: {  	[sflag:s5] =	ssyncadd.s32 $0xFFFF9C00  }
0x3b1: {  	[hbm4b:s17+s8] =	stream.strided.scatter [tilespmem:s2], [sflag:$0x2], $0x6400, s11, s8, $0x38;
	[tilespmem:$0xC800] =	vst v63  }
0x3b2: {  	_ =	swait.ge [sflag:s6], $0x6400  }
0x3b3: {  	[sflag:s6] =	ssyncset.done $0x0  }
0x3b4: {  	[sflag:s6] =	ssyncadd.s32 $0xFFFF9C00  }
0x3b5: {  	[tilespmem:s12], [sflag:$0x1] =	stream.strided.gather [hbm4b:s14+s8], $0x6400, s13, s8, $0x38;
	[tilespmem:$0xC800] =	vst v63  }
0x3b6: {  	_ =	swait.ge [sflag:s5], $0x6400  }
0x3b7: {  	[sflag:s5] =	ssyncset.done $0x0  }
0x3b8: {  	[sflag:s5] =	ssyncadd.s32 $0xFFFF9C00  }
0x3b9: {  	[hbm4b:s15+s8] =	stream.strided.scatter [tilespmem:s12], [sflag:$0x3], $0x6400, s11, s8, $0x38;
	[tilespmem:$0xC800] =	vst v63  }
0x3ba: {  	_ =	swait.ge [sflag:s10], $0x6400  }
0x3bb: {  	[sflag:s10] =	ssyncset.done $0x0  }
0x3bc: {  	[sflag:s10] =	ssyncadd.s32 $0xFFFF9C00  }
0x3bd: {  	[tilespmem:s2], [sflag:$0x1] =	stream.strided.gather [hbm4b:s7+s8], $0x6400, s13, s8, $0x38;
	[tilespmem:$0xC800] =	vst v63  }
0x3be: {  	_ =	swait.ge [sflag:s5], $0x6400  }
0x3bf: {  	[sflag:s5] =	ssyncset.done $0x0  }
0x3c0: {  	[sflag:s5] =	ssyncadd.s32 $0xFFFF9C00  }
0x3c1: {  	[hbm4b:s9+s8] =	stream.strided.scatter [tilespmem:s2], [sflag:$0x2], $0x6400, s11, s8, $0x38;
	[tilespmem:$0xC800] =	vst v63  }
0x3c2: {  	_ =	swait.ge [sflag:s6], $0x6400  }
0x3c3: {  	[sflag:s6] =	ssyncset.done $0x0  }
0x3c4: {  	[sflag:s6] =	ssyncadd.s32 $0xFFFF9C00  }
0x3c5: {  	[tilespmem:s12], [sflag:$0x1] =	stream.strided.gather [hbm4b:s3+s8], $0x6400, s13, s8, $0x38;
	[tilespmem:$0xC800] =	vst v63  }
0x3c6: {  	_ =	swait.ge [sflag:s5], $0x6400  }
0x3c7: {  	[sflag:s5] =	ssyncset.done $0x0  }
0x3c8: {  	[sflag:s5] =	ssyncadd.s32 $0xFFFF9C00  }
0x3c9: {  	[hbm4b:s4+s8] =	stream.strided.scatter [tilespmem:s12], [sflag:$0x3], $0x6400, s11, s8, $0x38;
	[tilespmem:$0xC800] =	vst v63  }
.Ltmp2:
0x3ca: {  	_ =	swait.ge [sflag:s10], $0x6400;
	(pc) =	sbr.rel @p1 .LBB2_2-.Ltmp2, $4  }
0x3cb: {  	[sflag:s10] =	ssyncset.done $0x0  }
0x3cc: {  	[sflag:s10] =	ssyncadd.s32 $0xFFFF9C00  }
0x3cd: {  	_ =	swait.ge [sflag:s6], $0x6400  }
0x3ce: {  	s0 =	rddreg [dreg:$0x2];
	[sflag:s6] =	ssyncset.done $0x0  }
.LBB2_3:
0x3cf: {  	[sflag:s6] =	ssyncadd.s32 @p0 $0xFFFF9C00  }
0x3d0: {  	[tilespmem:s2], [sflag:$0x1] =	stream.strided.gather [hbm4b:s0+s8], $0x6400, s13, s8, $0x38;
	[tilespmem:$0xC800] =	vst v63  }
0x3d1: {  	_ =	swait.ge [sflag:s5], $0x6400  }
0x3d2: {  	[sflag:s5] =	ssyncset.done $0x0  }
0x3d3: {  	s0 =	rddreg [dreg:$0x3];
	[sflag:s5] =	ssyncadd.s32 $0xFFFF9C00  }
0x3d4: {  	[hbm4b:s0+s8] =	stream.strided.scatter [tilespmem:s2], [sflag:$0x2], $0x6400, s11, s8, $0x38;
	[tilespmem:$0xC800] =	vst v63  }
0x3d5: {  	s1 =	rddreg [dreg:$0x4]  }
0x3d6: {  	[tilespmem:s12], [sflag:$0x1] =	stream.strided.gather [hbm4b:s1+s8], $0x6400, s13, s8, $0x38;
	[tilespmem:$0xC800] =	vst v63  }
0x3d7: {  	_ =	swait.ge [sflag:s5], $0x6400  }
0x3d8: {  	[sflag:s5] =	ssyncset.done $0x0  }
0x3d9: {  	s1 =	rddreg [dreg:$0x5];
	[sflag:s5] =	ssyncadd.s32 $0xFFFF9C00  }
0x3da: {  	[hbm4b:s1+s8] =	stream.strided.scatter [tilespmem:s12], [sflag:$0x3], $0x6400, s11, s8, $0x38;
	[tilespmem:$0xC800] =	vst v63  }
0x3db: {  	_ =	swait.ge [sflag:s10], $0x6400  }
0x3dc: {  	[sflag:s10] =	ssyncset.done $0x0  }
0x3dd: {  	s1 =	rddreg [dreg:$0x6];
	[sflag:s10] =	ssyncadd.s32 $0xFFFF9C00  }
0x3de: {  	[tilespmem:s2], [sflag:$0x1] =	stream.strided.gather [hbm4b:s1+s8], $0x6400, s13, s8, $0x38;
	[tilespmem:$0xC800] =	vst v63  }
0x3df: {  	_ =	swait.ge [sflag:s5], $0x6400  }
0x3e0: {  	[sflag:s5] =	ssyncset.done $0x0  }
0x3e1: {  	s1 =	rddreg [dreg:$0x7];
	[sflag:s5] =	ssyncadd.s32 $0xFFFF9C00  }
0x3e2: {  	[hbm4b:s1+s8] =	stream.strided.scatter [tilespmem:s2], [sflag:$0x2], $0x6400, s11, s8, $0x38;
	[tilespmem:$0xC800] =	vst v63  }
0x3e3: {  	_ =	swait.ge [sflag:s6], $0x6400  }
0x3e4: {  	[sflag:s6] =	ssyncset.done $0x0  }
0x3e5: {  	s1 =	rddreg [dreg:$0x8];
	[sflag:s6] =	ssyncadd.s32 $0xFFFF9C00  }
0x3e6: {  	[tilespmem:s12], [sflag:$0x1] =	stream.strided.gather [hbm4b:s1+s8], $0x6400, s13, s8, $0x38;
	[tilespmem:$0xC800] =	vst v63  }
0x3e7: {  	_ =	swait.ge [sflag:s5], $0x6400  }
0x3e8: {  	[sflag:s5] =	ssyncset.done $0x0  }
0x3e9: {  	s1 =	rddreg [dreg:$0x9];
	[sflag:s5] =	ssyncadd.s32 $0xFFFF9C00  }
0x3ea: {  	[hbm4b:s1+s8] =	stream.strided.scatter [tilespmem:s12], [sflag:$0x3], $0x6400, s11, s8, $0x38;
	[tilespmem:$0xC800] =	vst v63  }
0x3eb: {  	_ =	swait.ge [sflag:s10], $0x6400  }
0x3ec: {  	[sflag:s10] =	ssyncset.done $0x0  }
0x3ed: {  	s1 =	rddreg [dreg:$0xa];
	[sflag:s10] =	ssyncadd.s32 $0xFFFF9C00  }
0x3ee: {  	[tilespmem:s2], [sflag:$0x1] =	stream.strided.gather [hbm4b:s1+s8], $0x6400, s13, s8, $0x38;
	[tilespmem:$0xC800] =	vst v63  }
0x3ef: {  	_ =	swait.ge [sflag:s5], $0x6400  }
0x3f0: {  	[sflag:s5] =	ssyncset.done $0x0  }
0x3f1: {  	s1 =	rddreg [dreg:$0xb];
	[sflag:s5] =	ssyncadd.s32 $0xFFFF9C00  }
0x3f2: {  	[hbm4b:s1+s8] =	stream.strided.scatter [tilespmem:s2], [sflag:$0x2], $0x6400, s11, s8, $0x38;
	[tilespmem:$0xC800] =	vst v63  }
0x3f3: {  	_ =	swait.ge [sflag:s6], $0x6400  }
0x3f4: {  	[sflag:s6] =	ssyncset.done $0x0  }
0x3f5: {  	s1 =	rddreg [dreg:$0xc];
	[sflag:s6] =	ssyncadd.s32 $0xFFFF9C00  }
0x3f6: {  	[tilespmem:s12], [sflag:$0x1] =	stream.strided.gather [hbm4b:s1+s8], $0x6400, s13, s8, $0x38;
	[tilespmem:$0xC800] =	vst v63  }
0x3f7: {  	_ =	swait.ge [sflag:s5], $0x6400  }
0x3f8: {  	[sflag:s5] =	ssyncset.done $0x0  }
0x3f9: {  	s1 =	rddreg [dreg:$0xd];
	[sflag:s5] =	ssyncadd.s32 $0xFFFF9C00  }
0x3fa: {  	[hbm4b:s1+s8] =	stream.strided.scatter [tilespmem:s12], [sflag:$0x3], $0x6400, s11, s8, $0x38;
	[tilespmem:$0xC800] =	vst v63  }
0x3fb: {  	_ =	swait.ge [sflag:s10], $0x6400  }
0x3fc: {  	[sflag:s10] =	ssyncset.done $0x0  }
0x3fd: {  	s1 =	rddreg [dreg:$0xe];
	[sflag:s10] =	ssyncadd.s32 $0xFFFF9C00  }
0x3fe: {  	[tilespmem:s2], [sflag:$0x1] =	stream.strided.gather [hbm4b:s1+s8], $0x6400, s13, s8, $0x38;
	[tilespmem:$0xC800] =	vst v63  }
0x3ff: {  	_ =	swait.ge [sflag:s5], $0x6400  }
0x400: {  	[sflag:s5] =	ssyncset.done $0x0  }
0x401: {  	s1 =	rddreg [dreg:$0xf];
	[sflag:s5] =	ssyncadd.s32 $0xFFFF9C00  }
0x402: {  	[hbm4b:s1+s8] =	stream.strided.scatter [tilespmem:s2], [sflag:$0x2], $0x6400, s11, s8, $0x38;
	[tilespmem:$0xC800] =	vst v63  }
0x403: {  	_ =	swait.ge [sflag:s6], $0x6400  }
0x404: {  	[sflag:s6] =	ssyncset.done $0x0  }
0x405: {  	s1 =	rddreg [dreg:$0x10];
	[sflag:s6] =	ssyncadd.s32 $0xFFFF9C00  }
0x406: {  	[tilespmem:s12], [sflag:$0x1] =	stream.strided.gather [hbm4b:s1+s8], $0x6400, s13, s8, $0x38;
	[tilespmem:$0xC800] =	vst v63  }
0x407: {  	_ =	swait.ge [sflag:s5], $0x6400  }
0x408: {  	[sflag:s5] =	ssyncset.done $0x0  }
0x409: {  	s1 =	rddreg [dreg:$0x11];
	[sflag:s5] =	ssyncadd.s32 $0xFFFF9C00  }
0x40a: {  	[hbm4b:s1+s8] =	stream.strided.scatter [tilespmem:s12], [sflag:$0x3], $0x6400, s11, s8, $0x38;
	[tilespmem:$0xC800] =	vst v63  }
0x40b: {  	_ =	swait.ge [sflag:s10], $0x6400  }
0x40c: {  	[sflag:s10] =	ssyncset.done $0x0  }
0x40d: {  	s1 =	rddreg [dreg:$0x12];
	[sflag:s10] =	ssyncadd.s32 $0xFFFF9C00  }
0x40e: {  	[tilespmem:s2], [sflag:$0x1] =	stream.strided.gather [hbm4b:s1+s8], $0x6400, s13, s8, $0x38;
	[tilespmem:$0xC800] =	vst v63  }
0x40f: {  	_ =	swait.ge [sflag:s5], $0x6400  }
0x410: {  	[sflag:s5] =	ssyncset.done $0x0  }
0x411: {  	s1 =	rddreg [dreg:$0x13];
	[sflag:s5] =	ssyncadd.s32 $0xFFFF9C00  }
0x412: {  	[hbm4b:s1+s8] =	stream.strided.scatter [tilespmem:s2], [sflag:$0x2], $0x6400, s11, s8, $0x38;
	[tilespmem:$0xC800] =	vst v63  }
0x413: {  	_ =	swait.ge [sflag:s6], $0x6400  }
0x414: {  	[sflag:s6] =	ssyncset.done $0x0  }
0x415: {  	s1 =	rddreg [dreg:$0x14];
	[sflag:s6] =	ssyncadd.s32 $0xFFFF9C00  }
0x416: {  	[tilespmem:s12], [sflag:$0x1] =	stream.strided.gather [hbm4b:s1+s8], $0x6400, s13, s8, $0x38;
	[tilespmem:$0xC800] =	vst v63  }
0x417: {  	_ =	swait.ge [sflag:s5], $0x6400  }
0x418: {  	[sflag:s5] =	ssyncset.done $0x0  }
0x419: {  	s1 =	rddreg [dreg:$0x15];
	[sflag:s5] =	ssyncadd.s32 $0xFFFF9C00  }
0x41a: {  	[hbm4b:s1+s8] =	stream.strided.scatter [tilespmem:s12], [sflag:$0x3], $0x6400, s11, s8, $0x38;
	[tilespmem:$0xC800] =	vst v63  }
0x41b: {  	_ =	swait.ge [sflag:s10], $0x6400  }
0x41c: {  	[sflag:s10] =	ssyncset.done $0x0  }
0x41d: {  	s1 =	rddreg [dreg:$0x16];
	[sflag:s10] =	ssyncadd.s32 $0xFFFF9C00  }
0x41e: {  	[tilespmem:s2], [sflag:$0x1] =	stream.strided.gather [hbm4b:s1+s8], $0x6400, s13, s8, $0x38;
	[tilespmem:$0xC800] =	vst v63  }
0x41f: {  	_ =	swait.ge [sflag:s5], $0x6400  }
0x420: {  	[sflag:s5] =	ssyncset.done $0x0  }
0x421: {  	s1 =	rddreg [dreg:$0x17];
	[sflag:s5] =	ssyncadd.s32 $0xFFFF9C00  }
0x422: {  	[hbm4b:s1+s8] =	stream.strided.scatter [tilespmem:s2], [sflag:$0x2], $0x6400, s11, s8, $0x38;
	[tilespmem:$0xC800] =	vst v63  }
0x423: {  	_ =	swait.ge [sflag:s6], $0x6400  }
0x424: {  	[sflag:s6] =	ssyncset.done $0x0  }
0x425: {  	s1 =	rddreg [dreg:$0x18];
	[sflag:s6] =	ssyncadd.s32 $0xFFFF9C00  }
0x426: {  	[tilespmem:s12], [sflag:$0x1] =	stream.strided.gather [hbm4b:s1+s8], $0x6400, s13, s8, $0x38;
	[tilespmem:$0xC800] =	vst v63  }
0x427: {  	_ =	swait.ge [sflag:s5], $0x6400  }
0x428: {  	[sflag:s5] =	ssyncset.done $0x0  }
0x429: {  	s1 =	rddreg [dreg:$0x19];
	[sflag:s5] =	ssyncadd.s32 $0xFFFF9C00  }
0x42a: {  	[hbm4b:s1+s8] =	stream.strided.scatter [tilespmem:s12], [sflag:$0x3], $0x6400, s11, s8, $0x38;
	[tilespmem:$0xC800] =	vst v63  }
0x42b: {  	_ =	swait.ge [sflag:s10], $0x6400  }
0x42c: {  	[sflag:s10] =	ssyncset.done $0x0  }
0x42d: {  	s1 =	rddreg [dreg:$0x1a];
	[sflag:s10] =	ssyncadd.s32 $0xFFFF9C00  }
0x42e: {  	[tilespmem:s2], [sflag:$0x1] =	stream.strided.gather [hbm4b:s1+s8], $0x6400, s13, s8, $0x38;
	[tilespmem:$0xC800] =	vst v63  }
0x42f: {  	_ =	swait.ge [sflag:s5], $0x6400  }
0x430: {  	[sflag:s5] =	ssyncset.done $0x0  }
0x431: {  	s1 =	rddreg [dreg:$0x1b];
	[sflag:s5] =	ssyncadd.s32 $0xFFFF9C00  }
0x432: {  	[hbm4b:s1+s8] =	stream.strided.scatter [tilespmem:s2], [sflag:$0x2], $0x6400, s11, s8, $0x38;
	[tilespmem:$0xC800] =	vst v63  }
0x433: {  	_ =	swait.ge [sflag:s6], $0x6400  }
0x434: {  	[sflag:s6] =	ssyncset.done $0x0  }
0x435: {  	s1 =	rddreg [dreg:$0x1c];
	[sflag:s6] =	ssyncadd.s32 $0xFFFF9C00  }
0x436: {  	[tilespmem:s12], [sflag:$0x1] =	stream.strided.gather [hbm4b:s1+s8], $0x6400, s13, s8, $0x38;
	[tilespmem:$0xC800] =	vst v63  }
0x437: {  	_ =	swait.ge [sflag:s5], $0x6400  }
0x438: {  	[sflag:s5] =	ssyncset.done $0x0  }
0x439: {  	s1 =	rddreg [dreg:$0x1d];
	[sflag:s5] =	ssyncadd.s32 $0xFFFF9C00  }
0x43a: {  	[hbm4b:s1+s8] =	stream.strided.scatter [tilespmem:s12], [sflag:$0x3], $0x6400, s11, s8, $0x38;
	[tilespmem:$0xC800] =	vst v63  }
0x43b: {  	_ =	swait.ge [sflag:s10], $0x6400  }
0x43c: {  	[sflag:s10] =	ssyncset.done $0x0  }
0x43d: {  	s1 =	rddreg [dreg:$0x1e];
	[sflag:s10] =	ssyncadd.s32 $0xFFFF9C00  }
0x43e: {  	[tilespmem:s2], [sflag:$0x1] =	stream.strided.gather [hbm4b:s1+s8], $0x6400, s13, s8, $0x38;
	[tilespmem:$0xC800] =	vst v63  }
0x43f: {  	_ =	swait.ge [sflag:s5], $0x6400  }
0x440: {  	[sflag:s5] =	ssyncset.done $0x0  }
0x441: {  	s1 =	rddreg [dreg:$0x1f];
	[sflag:s5] =	ssyncadd.s32 $0xFFFF9C00  }
0x442: {  	[hbm4b:s1+s8] =	stream.strided.scatter [tilespmem:s2], [sflag:$0x2], $0x6400, s11, s8, $0x38;
	[tilespmem:$0xC800] =	vst v63  }
0x443: {  	_ =	swait.ge [sflag:s6], $0x6400  }
0x444: {  	s1 =	sld [smem:$0x7D1]  }
0x445: {  	[sflag:s6] =	ssyncset.done $0x0  }
0x446: {  	[sflag:s6] =	ssyncadd.s32 $0xFFFF9C00  }
0x447: {  	[tilespmem:s12], [sflag:$0x1] =	stream.strided.gather [hbm4b:s1+s8], $0x6400, s13, s8, $0x38;
	[tilespmem:$0xC800] =	vst v63  }
0x448: {  	_ =	swait.ge [sflag:s5], $0x6400  }
0x449: {  	s1 =	sld [smem:$0x7D2]  }
0x44a: {  	[sflag:s5] =	ssyncset.done $0x0  }
0x44b: {  	[sflag:s5] =	ssyncadd.s32 $0xFFFF9C00  }
0x44c: {  	[hbm4b:s1+s8] =	stream.strided.scatter [tilespmem:s12], [sflag:$0x3], $0x6400, s11, s8, $0x38;
	[tilespmem:$0xC800] =	vst v63  }
0x44d: {  	_ =	swait.ge [sflag:s10], $0x6400  }
0x44e: {  	s1 =	sld [smem:$0x7D3]  }
0x44f: {  	[sflag:s10] =	ssyncset.done $0x0  }
0x450: {  	[sflag:s10] =	ssyncadd.s32 $0xFFFF9C00  }
0x451: {  	[tilespmem:s2], [sflag:$0x1] =	stream.strided.gather [hbm4b:s1+s8], $0x6400, s13, s8, $0x38;
	[tilespmem:$0xC800] =	vst v63  }
0x452: {  	_ =	swait.ge [sflag:s5], $0x6400  }
0x453: {  	s1 =	sld [smem:$0x7D4]  }
0x454: {  	[sflag:s5] =	ssyncset.done $0x0  }
0x455: {  	[sflag:s5] =	ssyncadd.s32 $0xFFFF9C00  }
0x456: {  	[hbm4b:s1+s8] =	stream.strided.scatter [tilespmem:s2], [sflag:$0x2], $0x6400, s11, s8, $0x38;
	[tilespmem:$0xC800] =	vst v63  }
0x457: {  	_ =	swait.ge [sflag:s6], $0x6400  }
0x458: {  	s1 =	sld [smem:$0x7D5]  }
0x459: {  	[sflag:s6] =	ssyncset.done $0x0  }
0x45a: {  	[sflag:s6] =	ssyncadd.s32 $0xFFFF9C00  }
0x45b: {  	[tilespmem:s12], [sflag:$0x1] =	stream.strided.gather [hbm4b:s1+s8], $0x6400, s13, s8, $0x38;
	[tilespmem:$0xC800] =	vst v63  }
0x45c: {  	_ =	swait.ge [sflag:s5], $0x6400  }
0x45d: {  	s1 =	sld [smem:$0x7D6]  }
0x45e: {  	[sflag:s5] =	ssyncset.done $0x0  }
0x45f: {  	[sflag:s5] =	ssyncadd.s32 $0xFFFF9C00  }
0x460: {  	[hbm4b:s1+s8] =	stream.strided.scatter [tilespmem:s12], [sflag:$0x3], $0x6400, s11, s8, $0x38;
	[tilespmem:$0xC800] =	vst v63  }
0x461: {  	_ =	swait.ge [sflag:s10], $0x6400  }
0x462: {  	s1 =	sld [smem:$0x7D7]  }
0x463: {  	[sflag:s10] =	ssyncset.done $0x0  }
0x464: {  	[sflag:s10] =	ssyncadd.s32 $0xFFFF9C00  }
0x465: {  	[tilespmem:s2], [sflag:$0x1] =	stream.strided.gather [hbm4b:s1+s8], $0x6400, s13, s8, $0x38;
	[tilespmem:$0xC800] =	vst v63  }
0x466: {  	_ =	swait.ge [sflag:s5], $0x6400  }
0x467: {  	s1 =	sld [smem:$0x7D8]  }
0x468: {  	[sflag:s5] =	ssyncset.done $0x0  }
0x469: {  	[sflag:s5] =	ssyncadd.s32 $0xFFFF9C00  }
0x46a: {  	[hbm4b:s1+s8] =	stream.strided.scatter [tilespmem:s2], [sflag:$0x2], $0x6400, s11, s8, $0x38;
	[tilespmem:$0xC800] =	vst v63  }
0x46b: {  	_ =	swait.ge [sflag:s6], $0x6400  }
0x46c: {  	s1 =	sld [smem:$0x7D9]  }
0x46d: {  	[sflag:s6] =	ssyncset.done $0x0  }
0x46e: {  	[sflag:s6] =	ssyncadd.s32 $0xFFFF9C00  }
0x46f: {  	[tilespmem:s12], [sflag:$0x1] =	stream.strided.gather [hbm4b:s1+s8], $0x6400, s13, s8, $0x38;
	[tilespmem:$0xC800] =	vst v63  }
0x470: {  	_ =	swait.ge [sflag:s5], $0x6400  }
0x471: {  	s1 =	sld [smem:$0x7DA]  }
0x472: {  	[sflag:s5] =	ssyncset.done $0x0  }
0x473: {  	[sflag:s5] =	ssyncadd.s32 $0xFFFF9C00  }
0x474: {  	[hbm4b:s1+s8] =	stream.strided.scatter [tilespmem:s12], [sflag:$0x3], $0x6400, s11, s8, $0x38;
	[tilespmem:$0xC800] =	vst v63  }
0x475: {  	_ =	swait.ge [sflag:s10], $0x6400  }
0x476: {  	s1 =	sld [smem:$0x7DB]  }
0x477: {  	[sflag:s10] =	ssyncset.done $0x0  }
0x478: {  	[sflag:s10] =	ssyncadd.s32 $0xFFFF9C00  }
0x479: {  	[tilespmem:s2], [sflag:$0x1] =	stream.strided.gather [hbm4b:s1+s8], $0x6400, s13, s8, $0x38;
	[tilespmem:$0xC800] =	vst v63  }
0x47a: {  	_ =	swait.ge [sflag:s5], $0x6400  }
0x47b: {  	s1 =	sld [smem:$0x7DC]  }
0x47c: {  	[sflag:s5] =	ssyncset.done $0x0  }
0x47d: {  	[sflag:s5] =	ssyncadd.s32 $0xFFFF9C00  }
0x47e: {  	[hbm4b:s1+s8] =	stream.strided.scatter [tilespmem:s2], [sflag:$0x2], $0x6400, s11, s8, $0x38;
	[tilespmem:$0xC800] =	vst v63  }
0x47f: {  	_ =	swait.ge [sflag:s6], $0x6400  }
0x480: {  	s1 =	sld [smem:$0x7DD]  }
0x481: {  	[sflag:s6] =	ssyncset.done $0x0  }
0x482: {  	[sflag:s6] =	ssyncadd.s32 $0xFFFF9C00  }
0x483: {  	[tilespmem:s12], [sflag:$0x1] =	stream.strided.gather [hbm4b:s1+s8], $0x6400, s13, s8, $0x38;
	[tilespmem:$0xC800] =	vst v63  }
0x484: {  	_ =	swait.ge [sflag:s5], $0x6400  }
0x485: {  	s1 =	sld [smem:$0x7DE]  }
0x486: {  	[sflag:s5] =	ssyncset.done $0x0  }
0x487: {  	[sflag:s5] =	ssyncadd.s32 $0xFFFF9C00  }
0x488: {  	[hbm4b:s1+s8] =	stream.strided.scatter [tilespmem:s12], [sflag:$0x3], $0x6400, s11, s8, $0x38;
	[tilespmem:$0xC800] =	vst v63  }
0x489: {  	_ =	swait.ge [sflag:s10], $0x6400  }
0x48a: {  	s1 =	sld [smem:$0x7DF]  }
0x48b: {  	[sflag:s10] =	ssyncset.done $0x0  }
0x48c: {  	[sflag:s10] =	ssyncadd.s32 $0xFFFF9C00  }
0x48d: {  	[tilespmem:s2], [sflag:$0x1] =	stream.strided.gather [hbm4b:s1+s8], $0x6400, s13, s8, $0x38;
	[tilespmem:$0xC800] =	vst v63  }
0x48e: {  	_ =	swait.ge [sflag:s5], $0x6400  }
0x48f: {  	s1 =	sld [smem:$0x7E0]  }
0x490: {  	[sflag:s5] =	ssyncset.done $0x0  }
0x491: {  	[sflag:s5] =	ssyncadd.s32 $0xFFFF9C00  }
0x492: {  	[hbm4b:s1+s8] =	stream.strided.scatter [tilespmem:s2], [sflag:$0x2], $0x6400, s11, s8, $0x38;
	[tilespmem:$0xC800] =	vst v63  }
0x493: {  	_ =	swait.ge [sflag:s6], $0x6400  }
0x494: {  	s1 =	sld [smem:$0x7E1]  }
0x495: {  	[sflag:s6] =	ssyncset.done $0x0  }
0x496: {  	[sflag:s6] =	ssyncadd.s32 $0xFFFF9C00  }
0x497: {  	[tilespmem:s12], [sflag:$0x1] =	stream.strided.gather [hbm4b:s1+s8], $0x6400, s13, s8, $0x38;
	[tilespmem:$0xC800] =	vst v63  }
0x498: {  	_ =	swait.ge [sflag:s5], $0x6400  }
0x499: {  	s1 =	sld [smem:$0x7E2]  }
0x49a: {  	[sflag:s5] =	ssyncset.done $0x0  }
0x49b: {  	[sflag:s5] =	ssyncadd.s32 $0xFFFF9C00  }
0x49c: {  	[hbm4b:s1+s8] =	stream.strided.scatter [tilespmem:s12], [sflag:$0x3], $0x6400, s11, s8, $0x38;
	[tilespmem:$0xC800] =	vst v63  }
0x49d: {  	_ =	swait.ge [sflag:s10], $0x6400  }
0x49e: {  	s1 =	sld [smem:$0x7E3]  }
0x49f: {  	[sflag:s10] =	ssyncset.done $0x0  }
0x4a0: {  	[sflag:s10] =	ssyncadd.s32 $0xFFFF9C00  }
0x4a1: {  	[tilespmem:s2], [sflag:$0x1] =	stream.strided.gather [hbm4b:s1+s8], $0x6400, s13, s8, $0x38;
	[tilespmem:$0xC800] =	vst v63  }
0x4a2: {  	_ =	swait.ge [sflag:s5], $0x6400  }
0x4a3: {  	s1 =	sld [smem:$0x7E4]  }
0x4a4: {  	[sflag:s5] =	ssyncset.done $0x0  }
0x4a5: {  	[sflag:s5] =	ssyncadd.s32 $0xFFFF9C00  }
0x4a6: {  	[hbm4b:s1+s8] =	stream.strided.scatter [tilespmem:s2], [sflag:$0x2], $0x6400, s11, s8, $0x38;
	[tilespmem:$0xC800] =	vst v63  }
0x4a7: {  	_ =	swait.ge [sflag:s6], $0x6400  }
0x4a8: {  	s1 =	sld [smem:$0x7E5]  }
0x4a9: {  	[sflag:s6] =	ssyncset.done $0x0  }
0x4aa: {  	[sflag:s6] =	ssyncadd.s32 $0xFFFF9C00  }
0x4ab: {  	[tilespmem:s12], [sflag:$0x1] =	stream.strided.gather [hbm4b:s1+s8], $0x6400, s13, s8, $0x38;
	[tilespmem:$0xC800] =	vst v63  }
0x4ac: {  	_ =	swait.ge [sflag:s5], $0x6400  }
0x4ad: {  	s1 =	sld [smem:$0x7E6]  }
0x4ae: {  	[sflag:s5] =	ssyncset.done $0x0  }
0x4af: {  	[sflag:s5] =	ssyncadd.s32 $0xFFFF9C00  }
0x4b0: {  	[hbm4b:s1+s8] =	stream.strided.scatter [tilespmem:s12], [sflag:$0x3], $0x6400, s11, s8, $0x38;
	[tilespmem:$0xC800] =	vst v63  }
0x4b1: {  	_ =	swait.ge [sflag:s10], $0x6400  }
0x4b2: {  	s1 =	sld [smem:$0x7E7]  }
0x4b3: {  	[sflag:s10] =	ssyncset.done $0x0  }
0x4b4: {  	[sflag:s10] =	ssyncadd.s32 $0xFFFF9C00  }
0x4b5: {  	[tilespmem:s2], [sflag:$0x1] =	stream.strided.gather [hbm4b:s1+s8], $0x6400, s13, s8, $0x38;
	[tilespmem:$0xC800] =	vst v63  }
0x4b6: {  	_ =	swait.ge [sflag:s5], $0x6400  }
0x4b7: {  	s1 =	sld [smem:$0x7E8]  }
0x4b8: {  	[sflag:s5] =	ssyncset.done $0x0  }
0x4b9: {  	[sflag:s5] =	ssyncadd.s32 $0xFFFF9C00  }
0x4ba: {  	[hbm4b:s1+s8] =	stream.strided.scatter [tilespmem:s2], [sflag:$0x2], $0x6400, s11, s8, $0x38;
	[tilespmem:$0xC800] =	vst v63  }
0x4bb: {  	_ =	swait.ge [sflag:s6], $0x6400  }
0x4bc: {  	s1 =	sld [smem:$0x7E9]  }
0x4bd: {  	[sflag:s6] =	ssyncset.done $0x0  }
0x4be: {  	[sflag:s6] =	ssyncadd.s32 $0xFFFF9C00  }
0x4bf: {  	[tilespmem:s12], [sflag:$0x1] =	stream.strided.gather [hbm4b:s1+s8], $0x6400, s13, s8, $0x38;
	[tilespmem:$0xC800] =	vst v63  }
0x4c0: {  	_ =	swait.ge [sflag:s5], $0x6400  }
0x4c1: {  	s1 =	sld [smem:$0x7EA]  }
0x4c2: {  	[sflag:s5] =	ssyncset.done $0x0  }
0x4c3: {  	[sflag:s5] =	ssyncadd.s32 $0xFFFF9C00  }
0x4c4: {  	[hbm4b:s1+s8] =	stream.strided.scatter [tilespmem:s12], [sflag:$0x3], $0x6400, s11, s8, $0x38;
	[tilespmem:$0xC800] =	vst v63  }
0x4c5: {  	_ =	swait.ge [sflag:s10], $0x6400  }
0x4c6: {  	s1 =	sld [smem:$0x7EB]  }
0x4c7: {  	[sflag:s10] =	ssyncset.done $0x0  }
0x4c8: {  	[sflag:s10] =	ssyncadd.s32 $0xFFFF9C00  }
0x4c9: {  	[tilespmem:s2], [sflag:$0x1] =	stream.strided.gather [hbm4b:s1+s8], $0x6400, s13, s8, $0x38;
	[tilespmem:$0xC800] =	vst v63  }
0x4ca: {  	_ =	swait.ge [sflag:s5], $0x6400  }
0x4cb: {  	s1 =	sld [smem:$0x7EC]  }
0x4cc: {  	[sflag:s5] =	ssyncset.done $0x0  }
0x4cd: {  	[sflag:s5] =	ssyncadd.s32 $0xFFFF9C00  }
0x4ce: {  	[hbm4b:s1+s8] =	stream.strided.scatter [tilespmem:s2], [sflag:$0x2], $0x6400, s11, s8, $0x38;
	[tilespmem:$0xC800] =	vst v63  }
0x4cf: {  	_ =	swait.ge [sflag:s6], $0x6400  }
0x4d0: {  	s1 =	sld [smem:$0x7ED]  }
0x4d1: {  	[sflag:s6] =	ssyncset.done $0x0  }
0x4d2: {  	[sflag:s6] =	ssyncadd.s32 $0xFFFF9C00  }
0x4d3: {  	[tilespmem:s12], [sflag:$0x1] =	stream.strided.gather [hbm4b:s1+s8], $0x6400, s13, s8, $0x38;
	[tilespmem:$0xC800] =	vst v63  }
0x4d4: {  	_ =	swait.ge [sflag:s5], $0x6400  }
0x4d5: {  	s1 =	sld [smem:$0x7EE]  }
0x4d6: {  	[sflag:s5] =	ssyncset.done $0x0  }
0x4d7: {  	[sflag:s5] =	ssyncadd.s32 $0xFFFF9C00  }
0x4d8: {  	[hbm4b:s1+s8] =	stream.strided.scatter [tilespmem:s12], [sflag:$0x3], $0x6400, s11, s8, $0x38;
	[tilespmem:$0xC800] =	vst v63  }
0x4d9: {  	_ =	swait.ge [sflag:s10], $0x6400  }
0x4da: {  	s1 =	sld [smem:$0x7EF]  }
0x4db: {  	[sflag:s10] =	ssyncset.done $0x0  }
0x4dc: {  	[sflag:s10] =	ssyncadd.s32 $0xFFFF9C00  }
0x4dd: {  	[tilespmem:s2], [sflag:$0x1] =	stream.strided.gather [hbm4b:s1+s8], $0x6400, s13, s8, $0x38;
	[tilespmem:$0xC800] =	vst v63  }
0x4de: {  	_ =	swait.ge [sflag:s5], $0x6400  }
0x4df: {  	s1 =	sld [smem:$0x7F0]  }
0x4e0: {  	[sflag:s5] =	ssyncset.done $0x0  }
0x4e1: {  	[sflag:s5] =	ssyncadd.s32 $0xFFFF9C00  }
0x4e2: {  	[hbm4b:s1+s8] =	stream.strided.scatter [tilespmem:s2], [sflag:$0x2], $0x6400, s11, s8, $0x38;
	[tilespmem:$0xC800] =	vst v63  }
0x4e3: {  	_ =	swait.ge [sflag:s6], $0x6400  }
0x4e4: {  	s1 =	sld [smem:$0x7F1]  }
0x4e5: {  	[sflag:s6] =	ssyncset.done $0x0  }
0x4e6: {  	[sflag:s6] =	ssyncadd.s32 $0xFFFF9C00  }
0x4e7: {  	[tilespmem:s12], [sflag:$0x1] =	stream.strided.gather [hbm4b:s1+s8], $0x6400, s13, s8, $0x38;
	[tilespmem:$0xC800] =	vst v63  }
0x4e8: {  	_ =	swait.ge [sflag:s5], $0x6400  }
0x4e9: {  	s1 =	sld [smem:$0x7F2]  }
0x4ea: {  	[sflag:s5] =	ssyncset.done $0x0  }
0x4eb: {  	[sflag:s5] =	ssyncadd.s32 $0xFFFF9C00  }
0x4ec: {  	[hbm4b:s1+s8] =	stream.strided.scatter [tilespmem:s12], [sflag:$0x3], $0x6400, s11, s8, $0x38;
	[tilespmem:$0xC800] =	vst v63  }
0x4ed: {  	_ =	swait.ge [sflag:s10], $0x6400  }
0x4ee: {  	s1 =	sld [smem:$0x7F3]  }
0x4ef: {  	[sflag:s10] =	ssyncset.done $0x0  }
0x4f0: {  	[sflag:s10] =	ssyncadd.s32 $0xFFFF9C00  }
0x4f1: {  	[tilespmem:s2], [sflag:$0x1] =	stream.strided.gather [hbm4b:s1+s8], $0x6400, s13, s8, $0x38;
	[tilespmem:$0xC800] =	vst v63  }
0x4f2: {  	_ =	swait.ge [sflag:s5], $0x6400  }
0x4f3: {  	s1 =	sld [smem:$0x7F4]  }
0x4f4: {  	[sflag:s5] =	ssyncset.done $0x0  }
0x4f5: {  	[sflag:s5] =	ssyncadd.s32 $0xFFFF9C00  }
0x4f6: {  	[hbm4b:s1+s8] =	stream.strided.scatter [tilespmem:s2], [sflag:$0x2], $0x6400, s11, s8, $0x38;
	[tilespmem:$0xC800] =	vst v63  }
0x4f7: {  	_ =	swait.ge [sflag:s6], $0x6400  }
0x4f8: {  	s1 =	sld [smem:$0x7F5]  }
0x4f9: {  	[sflag:s6] =	ssyncset.done $0x0  }
0x4fa: {  	[sflag:s6] =	ssyncadd.s32 $0xFFFF9C00  }
0x4fb: {  	[tilespmem:s12], [sflag:$0x1] =	stream.strided.gather [hbm4b:s1+s8], $0x6400, s13, s8, $0x38;
	[tilespmem:$0xC800] =	vst v63  }
0x4fc: {  	_ =	swait.ge [sflag:s5], $0x6400  }
0x4fd: {  	s1 =	sld [smem:$0x7F6]  }
0x4fe: {  	[sflag:s5] =	ssyncset.done $0x0  }
0x4ff: {  	[sflag:s5] =	ssyncadd.s32 $0xFFFF9C00  }
0x500: {  	[hbm4b:s1+s8] =	stream.strided.scatter [tilespmem:s12], [sflag:$0x3], $0x6400, s11, s8, $0x38;
	[tilespmem:$0xC800] =	vst v63  }
0x501: {  	_ =	swait.ge [sflag:s10], $0x6400  }
0x502: {  	s1 =	sld [smem:$0x7F7]  }
0x503: {  	[sflag:s10] =	ssyncset.done $0x0  }
0x504: {  	[sflag:s10] =	ssyncadd.s32 $0xFFFF9C00  }
0x505: {  	[tilespmem:s2], [sflag:$0x1] =	stream.strided.gather [hbm4b:s1+s8], $0x6400, s13, s8, $0x38;
	[tilespmem:$0xC800] =	vst v63  }
0x506: {  	_ =	swait.ge [sflag:s5], $0x6400  }
0x507: {  	s1 =	sld [smem:$0x7F8]  }
0x508: {  	[sflag:s5] =	ssyncset.done $0x0  }
0x509: {  	[sflag:s5] =	ssyncadd.s32 $0xFFFF9C00  }
0x50a: {  	[hbm4b:s1+s8] =	stream.strided.scatter [tilespmem:s2], [sflag:$0x2], $0x6400, s11, s8, $0x38;
	[tilespmem:$0xC800] =	vst v63  }
0x50b: {  	_ =	swait.ge [sflag:s6], $0x6400  }
0x50c: {  	s1 =	sld [smem:$0x7F9]  }
0x50d: {  	[sflag:s6] =	ssyncset.done $0x0  }
0x50e: {  	[sflag:s6] =	ssyncadd.s32 $0xFFFF9C00  }
0x50f: {  	[tilespmem:s12], [sflag:$0x1] =	stream.strided.gather [hbm4b:s1+s8], $0x6400, s13, s8, $0x38;
	[tilespmem:$0xC800] =	vst v63  }
0x510: {  	_ =	swait.ge [sflag:s5], $0x6400  }
0x511: {  	s1 =	sld [smem:$0x7FA]  }
0x512: {  	[sflag:s5] =	ssyncset.done $0x0  }
0x513: {  	[sflag:s5] =	ssyncadd.s32 $0xFFFF9C00  }
0x514: {  	[hbm4b:s1+s8] =	stream.strided.scatter [tilespmem:s12], [sflag:$0x3], $0x6400, s11, s8, $0x38;
	[tilespmem:$0xC800] =	vst v63  }
0x515: {  	_ =	swait.ge [sflag:s10], $0x6400  }
0x516: {  	s1 =	sld [smem:$0x7FB]  }
0x517: {  	[sflag:s10] =	ssyncset.done $0x0  }
0x518: {  	[sflag:s10] =	ssyncadd.s32 $0xFFFF9C00  }
0x519: {  	[tilespmem:s2], [sflag:$0x1] =	stream.strided.gather [hbm4b:s1+s8], $0x6400, s13, s8, $0x38;
	[tilespmem:$0xC800] =	vst v63  }
0x51a: {  	_ =	swait.ge [sflag:s5], $0x6400  }
0x51b: {  	s1 =	sld [smem:$0x7FC]  }
0x51c: {  	[sflag:s5] =	ssyncset.done $0x0  }
0x51d: {  	[sflag:s5] =	ssyncadd.s32 $0xFFFF9C00  }
0x51e: {  	[hbm4b:s1+s8] =	stream.strided.scatter [tilespmem:s2], [sflag:$0x2], $0x6400, s11, s8, $0x38;
	[tilespmem:$0xC800] =	vst v63  }
0x51f: {  	_ =	swait.ge [sflag:s6], $0x6400  }
0x520: {  	s1 =	sld [smem:$0x7FD]  }
0x521: {  	[sflag:s6] =	ssyncset.done $0x0  }
0x522: {  	[sflag:s6] =	ssyncadd.s32 $0xFFFF9C00  }
0x523: {  	[tilespmem:s12], [sflag:$0x1] =	stream.strided.gather [hbm4b:s1+s8], $0x6400, s13, s8, $0x38;
	[tilespmem:$0xC800] =	vst v63  }
0x524: {  	_ =	swait.ge [sflag:s5], $0x6400  }
0x525: {  	[sflag:s5] =	ssyncset.done $0x0  }
0x526: {  	[sflag:s5] =	ssyncadd.s32 $0xFFFF9C00  }
0x527: {  	[hbm4b:s31+s8] =	stream.strided.scatter [tilespmem:s12], [sflag:$0x3], $0x6400, s11, s8, $0x38;
	[tilespmem:$0xC800] =	vst v63  }
0x528: {  	_ =	swait.ge [sflag:s10], $0x6400  }
0x529: {  	[sflag:s10] =	ssyncset.done $0x0  }
0x52a: {  	[sflag:s10] =	ssyncadd.s32 $0xFFFF9C00  }
0x52b: {  	[tilespmem:s2], [sflag:$0x1] =	stream.strided.gather [hbm4b:s30+s8], $0x6400, s13, s8, $0x38;
	[tilespmem:$0xC800] =	vst v63  }
0x52c: {  	_ =	swait.ge [sflag:s5], $0x6400  }
0x52d: {  	[sflag:s5] =	ssyncset.done $0x0  }
0x52e: {  	[sflag:s5] =	ssyncadd.s32 $0xFFFF9C00  }
0x52f: {  	[hbm4b:s29+s8] =	stream.strided.scatter [tilespmem:s2], [sflag:$0x2], $0x6400, s11, s8, $0x38;
	[tilespmem:$0xC800] =	vst v63  }
0x530: {  	_ =	swait.ge [sflag:s6], $0x6400  }
0x531: {  	[sflag:s6] =	ssyncset.done $0x0  }
0x532: {  	[sflag:s6] =	ssyncadd.s32 $0xFFFF9C00  }
0x533: {  	[tilespmem:s12], [sflag:$0x1] =	stream.strided.gather [hbm4b:s28+s8], $0x6400, s13, s8, $0x38;
	[tilespmem:$0xC800] =	vst v63  }
0x534: {  	_ =	swait.ge [sflag:s5], $0x6400  }
0x535: {  	[sflag:s5] =	ssyncset.done $0x0  }
0x536: {  	[sflag:s5] =	ssyncadd.s32 $0xFFFF9C00  }
0x537: {  	[hbm4b:s26+s8] =	stream.strided.scatter [tilespmem:s12], [sflag:$0x3], $0x6400, s11, s8, $0x38;
	[tilespmem:$0xC800] =	vst v63  }
0x538: {  	_ =	swait.ge [sflag:s10], $0x6400  }
0x539: {  	[sflag:s10] =	ssyncset.done $0x0  }
0x53a: {  	[sflag:s10] =	ssyncadd.s32 $0xFFFF9C00  }
0x53b: {  	[tilespmem:s2], [sflag:$0x1] =	stream.strided.gather [hbm4b:s25+s8], $0x6400, s13, s8, $0x38;
	[tilespmem:$0xC800] =	vst v63  }
0x53c: {  	_ =	swait.ge [sflag:s5], $0x6400  }
0x53d: {  	[sflag:s5] =	ssyncset.done $0x0  }
0x53e: {  	[sflag:s5] =	ssyncadd.s32 $0xFFFF9C00  }
0x53f: {  	[hbm4b:s24+s8] =	stream.strided.scatter [tilespmem:s2], [sflag:$0x2], $0x6400, s11, s8, $0x38;
	[tilespmem:$0xC800] =	vst v63  }
0x540: {  	_ =	swait.ge [sflag:s6], $0x6400  }
0x541: {  	[sflag:s6] =	ssyncset.done $0x0  }
0x542: {  	[sflag:s6] =	ssyncadd.s32 $0xFFFF9C00  }
0x543: {  	[tilespmem:s12], [sflag:$0x1] =	stream.strided.gather [hbm4b:s23+s8], $0x6400, s13, s8, $0x38;
	[tilespmem:$0xC800] =	vst v63  }
0x544: {  	_ =	swait.ge [sflag:s5], $0x6400  }
0x545: {  	[sflag:s5] =	ssyncset.done $0x0  }
0x546: {  	[sflag:s5] =	ssyncadd.s32 $0xFFFF9C00  }
0x547: {  	[hbm4b:s22+s8] =	stream.strided.scatter [tilespmem:s12], [sflag:$0x3], $0x6400, s11, s8, $0x38;
	[tilespmem:$0xC800] =	vst v63  }
0x548: {  	_ =	swait.ge [sflag:s10], $0x6400  }
0x549: {  	[sflag:s10] =	ssyncset.done $0x0  }
0x54a: {  	[sflag:s10] =	ssyncadd.s32 $0xFFFF9C00  }
0x54b: {  	[tilespmem:s2], [sflag:$0x1] =	stream.strided.gather [hbm4b:s21+s8], $0x6400, s13, s8, $0x38;
	[tilespmem:$0xC800] =	vst v63  }
0x54c: {  	_ =	swait.ge [sflag:s5], $0x6400  }
0x54d: {  	[sflag:s5] =	ssyncset.done $0x0  }
0x54e: {  	[sflag:s5] =	ssyncadd.s32 $0xFFFF9C00  }
0x54f: {  	[hbm4b:s19+s8] =	stream.strided.scatter [tilespmem:s2], [sflag:$0x2], $0x6400, s11, s8, $0x38;
	[tilespmem:$0xC800] =	vst v63  }
0x550: {  	_ =	swait.ge [sflag:s6], $0x6400  }
0x551: {  	[sflag:s6] =	ssyncset.done $0x0  }
0x552: {  	[sflag:s6] =	ssyncadd.s32 $0xFFFF9C00  }
0x553: {  	[tilespmem:s12], [sflag:$0x1] =	stream.strided.gather [hbm4b:s18+s8], $0x6400, s13, s8, $0x38;
	[tilespmem:$0xC800] =	vst v63  }
0x554: {  	_ =	swait.ge [sflag:s5], $0x6400  }
0x555: {  	[sflag:s5] =	ssyncset.done $0x0  }
0x556: {  	[sflag:s5] =	ssyncadd.s32 $0xFFFF9C00  }
0x557: {  	[hbm4b:s20+s8] =	stream.strided.scatter [tilespmem:s12], [sflag:$0x3], $0x6400, s11, s8, $0x38;
	[tilespmem:$0xC800] =	vst v63  }
0x558: {  	_ =	swait.ge [sflag:s10], $0x6400  }
0x559: {  	[sflag:s10] =	ssyncset.done $0x0  }
0x55a: {  	[sflag:s10] =	ssyncadd.s32 $0xFFFF9C00  }
0x55b: {  	[tilespmem:s2], [sflag:$0x1] =	stream.strided.gather [hbm4b:s16+s8], $0x6400, s13, s8, $0x38;
	[tilespmem:$0xC800] =	vst v63  }
0x55c: {  	_ =	swait.ge [sflag:s5], $0x6400  }
0x55d: {  	[sflag:s5] =	ssyncset.done $0x0  }
0x55e: {  	[sflag:s5] =	ssyncadd.s32 $0xFFFF9C00  }
0x55f: {  	[hbm4b:s17+s8] =	stream.strided.scatter [tilespmem:s2], [sflag:$0x2], $0x6400, s11, s8, $0x38;
	[tilespmem:$0xC800] =	vst v63  }
0x560: {  	_ =	swait.ge [sflag:s6], $0x6400  }
0x561: {  	[sflag:s6] =	ssyncset.done $0x0  }
0x562: {  	[sflag:s6] =	ssyncadd.s32 $0xFFFF9C00  }
0x563: {  	[tilespmem:s12], [sflag:$0x1] =	stream.strided.gather [hbm4b:s14+s8], $0x6400, s13, s8, $0x38;
	[tilespmem:$0xC800] =	vst v63  }
0x564: {  	_ =	swait.ge [sflag:s5], $0x6400  }
0x565: {  	[sflag:s5] =	ssyncset.done $0x0  }
0x566: {  	[sflag:s5] =	ssyncadd.s32 $0xFFFF9C00  }
0x567: {  	[hbm4b:s15+s8] =	stream.strided.scatter [tilespmem:s12], [sflag:$0x3], $0x6400, s11, s8, $0x38;
	[tilespmem:$0xC800] =	vst v63  }
0x568: {  	_ =	swait.ge [sflag:s10], $0x6400  }
0x569: {  	[sflag:s10] =	ssyncset.done $0x0  }
0x56a: {  	[sflag:s10] =	ssyncadd.s32 $0xFFFF9C00  }
0x56b: {  	[tilespmem:s2], [sflag:$0x1] =	stream.strided.gather [hbm4b:s7+s8], $0x6400, s13, s8, $0x38;
	[tilespmem:$0xC800] =	vst v63  }
0x56c: {  	_ =	swait.ge [sflag:s5], $0x6400  }
0x56d: {  	[sflag:s5] =	ssyncset.done $0x0  }
0x56e: {  	[sflag:s5] =	ssyncadd.s32 $0xFFFF9C00  }
0x56f: {  	[hbm4b:s9+s8] =	stream.strided.scatter [tilespmem:s2], [sflag:$0x2], $0x6400, s11, s8, $0x38;
	[tilespmem:$0xC800] =	vst v63  }
0x570: {  	_ =	swait.ge [sflag:s6], $0x6400  }
0x571: {  	[sflag:s6] =	ssyncset.done $0x0  }
0x572: {  	[sflag:s6] =	ssyncadd.s32 $0xFFFF9C00  }
0x573: {  	[tilespmem:s12], [sflag:$0x1] =	stream.strided.gather [hbm4b:s3+s8], $0x6400, s13, s8, $0x38;
	[tilespmem:$0xC800] =	vst v63  }
0x574: {  	_ =	swait.ge [sflag:s5], $0x6400  }
0x575: {  	[sflag:s5] =	ssyncset.done $0x0  }
0x576: {  	[sflag:s5] =	ssyncadd.s32 $0xFFFF9C00  }
0x577: {  	[hbm4b:s4+s8] =	stream.strided.scatter [tilespmem:s12], [sflag:$0x3], $0x6400, s11, s8, $0x38;
	[tilespmem:$0xC800] =	vst v63  }
0x578: {  	_ =	swait.ge [sflag:s10], $0x6400  }
0x579: {  	[sflag:s10] =	ssyncset.done $0x0  }
0x57a: {  	[sflag:s10] =	ssyncadd.s32 $0xFFFF9C00  }
0x57b: {  	_ =	swait.ge [sflag:s6], $0x6400  }
0x57c: {  	[sflag:s6] =	ssyncset.done $0x0  }
0x57d: {  	[sflag:s6] =	ssyncadd.s32 $0xFFFF9C00  }
0x57e: {  	_ =	sfence.sel $0x180000  }
0x57f: {  	[bflag:$0x0] =	sbarrier.arrive $0xFFFF  }
0x580: {  	_ =	strace $0x90000047  }
0x581: {  	s31 =	stileid.u32;
	[bflag:$0x2] =	sbarrier.arrive $0xFFFF  }
0x582: {  	p0 =	sne.s32 s31, $0x0;
	s0 =	rddreg [dreg:$0x1]  }
0x583: {  	s0 =	sadd.s32 @!p0 $0x100000, s0  }
0x584: {  	[sflag:s0] =	ssyncadd.tile.s32 @!p0 $0x1;
	_ =	shalt  }
.Lfunc_end2:
_tile_overlayer_lowered:
.L_overlay_start_2:
0x585: {  	(tag) =	ssettag $0x2  }
0x586: {  	s0 =	rddreg [dreg:$0x0];
	s2 =	stileid.u32  }
0x587: {  	s1 =	rddreg [dreg:$0x1];
	p0 =	sne.s32 s2, $0x0  }
0x588: {  	s3 =	rddreg [dreg:$0x2];
	[bflag:$0x3] =	sbarrier.arrive $0xFFFF;
	s2 =	simm.s32 @!p0 $0x1C04  }
0x589: {  	[timem:s3], [sflag:s2] =	dma.local @!p0 [hbm:s0], s1  }
0x58a: {  	s0 =	simm.s32 @!p0 $0x4  }
0x58b: {  	_ =	swait.ge @!p0 [sflag:s0], s1  }
0x58c: {  	s1 =	ssub.s32 @!p0 $0x0, s1;
	[sflag:s0] =	ssyncset.done @!p0 $0x0  }
0x58d: {  	[sflag:s0] =	ssyncadd.s32 @!p0 s1  }
0x58e: {  	[bflag:$0x3] =	sbarrier.arrive $0xFFFF  }
0x58f: {  	_ =	shalt  }

</sc_bundles>
